<compile_context>
chip_gen: v7x
topology: tpu7x:2x2x1
jax: 0.10.2.dev20260603
libtpu: 0.0.44.dev20260713+nightly
codegen_flags: <defaults>
</compile_context>

<pallas_src>
import jax
import jax.numpy as jnp
from jax import lax
from jax.experimental import pallas as pl
from jax.experimental.pallas import tpu as pltpu
from jax.experimental.pallas import tpu_sc as plsc

NUM_CORES = 2
NUM_SUBCORES = 16
NUM_WORKERS = NUM_CORES * NUM_SUBCORES

B = 16384 * 50
D = 32
SUP = 128
N_SUP = 250000
B_PER_W = B // NUM_WORKERS
CHUNK = 256
N_CHUNKS = B_PER_W // CHUNK
G = CHUNK // 16
K = 4
SUBC = CHUNK // K


def _body(table_hbm, ids_hbm, out_hbm,
          ids_a, ids_b, sup_a, sup_b, rows_a, rows_b, out_v,
          sem_a, sem_b):
    wid = lax.axis_index("s") * NUM_CORES + lax.axis_index("c")
    base = wid * B_PER_W
    iota = lax.iota(jnp.int32, 16)

    def stage_and_fire(j, ids_v, sup_v, rows_v, sem):
        pltpu.sync_copy(ids_hbm.at[pl.ds(base + j * CHUNK, CHUNK)], ids_v)

        @pl.loop(0, G)
        def _(g):
            ids16 = ids_v[pl.ds(g * 16, 16)]
            sup_v[pl.ds(g * 16, 16)] = lax.shift_right_logical(ids16, 2)

        for k in range(K):
            pltpu.async_copy(
                table_hbm.at[sup_v.at[pl.ds(k * SUBC, SUBC)]],
                rows_v.at[pl.ds(k * SUBC, SUBC)], sem)

    def drain_one(sup_v, rows_v, sem, k):
        pltpu.make_async_copy(
            table_hbm.at[sup_v.at[pl.ds(k * SUBC, SUBC)]],
            rows_v.at[pl.ds(k * SUBC, SUBC)], sem).wait()

    GK = G // K

    def extract_and_store(j, ids_v, sup_v, rows_v, sem):
        for k in range(K):
            drain_one(sup_v, rows_v, sem, k)

            @pl.loop(k * GK, (k + 1) * GK)
            def _(g):
                ids16 = ids_v[pl.ds(g * 16, 16)]
                col0 = lax.shift_left(lax.bitwise_and(ids16, 3), 5)
                row16 = g * 16 + iota
                vs = [plsc.load_gather(rows_v, [row16, col0 + d]) for d in range(D)]
                for d in range(D):
                    plsc.store_scatter(out_v, [row16, jnp.full((16,), d, jnp.int32)], vs[d])

        pltpu.sync_copy(out_v, out_hbm.at[pl.ds(base + j * CHUNK, CHUNK)])

    stage_and_fire(0, ids_a, sup_a, rows_a, sem_a)

    @pl.loop(0, N_CHUNKS // 2)
    def _(i):
        j0 = 2 * i
        stage_and_fire(j0 + 1, ids_b, sup_b, rows_b, sem_b)
        extract_and_store(j0, ids_a, sup_a, rows_a, sem_a)

        @pl.when(j0 + 2 < N_CHUNKS)
        def _():
            stage_and_fire(j0 + 2, ids_a, sup_a, rows_a, sem_a)

        extract_and_store(j0 + 1, ids_b, sup_b, rows_b, sem_b)


def kernel(token_ids, embedding_matrix):
    flat_ids = token_ids.reshape(B).astype(jnp.int32)
    table_sup = embedding_matrix.reshape(N_SUP, SUP)

    mesh = plsc.VectorSubcoreMesh(core_axis_name="c", subcore_axis_name="s")
    lookup = pl.kernel(
        _body,
        mesh=mesh,
        out_type=jax.ShapeDtypeStruct((B, D), jnp.float32),
        scratch_types=[
            pltpu.VMEM((CHUNK,), jnp.int32),
            pltpu.VMEM((CHUNK,), jnp.int32),
            pltpu.VMEM((CHUNK,), jnp.int32),
            pltpu.VMEM((CHUNK,), jnp.int32),
            pltpu.VMEM((CHUNK, SUP), jnp.float32),
            pltpu.VMEM((CHUNK, SUP), jnp.float32),
            pltpu.VMEM((CHUNK, D), jnp.float32),
            pltpu.SemaphoreType.DMA,
            pltpu.SemaphoreType.DMA,
        ],
        compiler_params=pltpu.CompilerParams(needs_layout_passes=False),
    )
    out = lookup(table_sup, flat_ids)
    return out.reshape(token_ids.shape + (D,))

# --- scband reference (transcript-rebuilt; emitter-appended) ---
"""Pipeline reference for scband-embedding-89867895702066 (READ-ONLY COPY).

The authoritative reference and input builder live on the scoring server;
editing this copy changes nothing except your own understanding.
"""

import jax, jax.numpy as jnp
import numpy as np

NUM_EMBEDDINGS = 1000000
EMBEDDING_DIM = 32

def setup_inputs(seed: int = 0) -> dict:
    key = jax.random.key(seed)
    k1, k2 = jax.random.split(key)
    token_ids = jax.random.randint(k1, (16384, 50), 0, NUM_EMBEDDINGS, dtype=jnp.int64 if jax.config.jax_enable_x64 else jnp.int32)
    # trunc_normal init (mean=0, std=1, clipped to [-3, 3])
    embedding_matrix = jnp.clip(jax.random.normal(k2, (NUM_EMBEDDINGS, EMBEDDING_DIM), dtype=jnp.float32), -3.0, 3.0)
    return {"token_ids": token_ids, "embedding_matrix": embedding_matrix}

def reference(token_ids, embedding_matrix):
    # Faithful translation of: self.embedding_matrix[token_ids]
    return jnp.take(embedding_matrix, token_ids, axis=0)

if __name__ == "__main__":
    import jax
    _d = setup_inputs()
    print(jax.jit(kernel)(*tuple(_d.values())))

</pallas_src>

<mosaic_0001>
#map = affine_map<(d0, d1) -> (0, 0)>
#map1 = affine_map<(d0, d1) -> (0)>
module attributes {stable_mosaic.version = 14 : i64} {
  func.func @_body(%arg0: i32, %arg1: i32, %arg2: memref<250000x128xf32, #tpu.memory_space<hbm>>, %arg3: memref<819200xi32, #tpu.memory_space<hbm>>, %arg4: memref<819200x32xf32, #tpu.memory_space<hbm>>, %arg5: memref<256xi32, #tpu.memory_space<vmem>>, %arg6: memref<256xi32, #tpu.memory_space<vmem>>, %arg7: memref<256xi32, #tpu.memory_space<vmem>>, %arg8: memref<256xi32, #tpu.memory_space<vmem>>, %arg9: memref<256x128xf32, #tpu.memory_space<vmem>>, %arg10: memref<256x128xf32, #tpu.memory_space<vmem>>, %arg11: memref<256x32xf32, #tpu.memory_space<vmem>>, %arg12: memref<!tpu.dma_semaphore, #tpu.memory_space<semaphore_mem>>, %arg13: memref<!tpu.dma_semaphore, #tpu.memory_space<semaphore_mem>>) attributes {dimension_semantics = [#tpu.dimension_semantics<core_parallel>, #tpu.dimension_semantics<subcore_parallel>], iteration_bounds = array<i64: 2, 16>, scalar_prefetch = 0 : i64, scratch_operands = 9 : i64, tpu.core_type = #tpu.core_type<sc_vector_subcore>, window_params = [{transform_indices = #map}, {transform_indices = #map1}, {transform_indices = #map}]} {
    %mul3A = arith.constant 2 : i32
    %mul3A_0 = arith.muli %arg1, %mul3A : i32
    %add3A = arith.addi %mul3A_0, %arg0 : i32
    %mul3A_1 = arith.constant 25600 : i32
    %mul3A_2 = arith.muli %add3A, %mul3A_1 : i32
    %iota3A = tpu.iota {dimensions = array<i32: 0>} : vector<16xi32>
    %add3A_3 = arith.constant 0 : i32
    %add3A_4 = arith.addi %mul3A_2, %add3A_3 : i32
    "tpu.region"() ({
      %run_scoped3A = tpu.sem_alloc : memref<!tpu.dma_semaphore, #tpu.memory_space<semaphore_mem>>
      %dma_start3A_45 = tpu.memref_slice %arg3[%add3A_4] : memref<819200xi32, #tpu.memory_space<hbm>> -> memref<256xi32, #tpu.memory_space<hbm>>
      %dma_start3A_46 = tpu.memref_slice %arg3[%add3A_4] : memref<819200xi32, #tpu.memory_space<hbm>> -> memref<256xi32, #tpu.memory_space<hbm>>
      tpu.enqueue_dma source(%dma_start3A_46 : memref<256xi32, #tpu.memory_space<hbm>>) target(%arg5 : memref<256xi32, #tpu.memory_space<vmem>>) target_semaphore(%run_scoped3A : memref<!tpu.dma_semaphore, #tpu.memory_space<semaphore_mem>>)
      %dma_wait3A = tpu.memref_slice %arg3[%add3A_4] : memref<819200xi32, #tpu.memory_space<hbm>> -> memref<256xi32, #tpu.memory_space<hbm>>
      %dma_wait3A_47 = tpu.memref_slice %arg3[%add3A_4] : memref<819200xi32, #tpu.memory_space<hbm>> -> memref<256xi32, #tpu.memory_space<hbm>>
      tpu.wait_dma2 semaphore(%run_scoped3A : memref<!tpu.dma_semaphore, #tpu.memory_space<semaphore_mem>>) src(%dma_wait3A_47 : memref<256xi32, #tpu.memory_space<hbm>>) dst(%arg5 : memref<256xi32, #tpu.memory_space<vmem>>)
      tpu.yield
    }) : () -> ()
    %scan3A = arith.constant 0 : i32
    %scan3A_5 = arith.constant 16 : i32
    %scan3A_6 = arith.addi %scan3A, %scan3A_5 : i32
    %scan3A_7 = arith.constant 1 : i32
    scf.for %scan3A_45 = %scan3A to %scan3A_6 step %scan3A_7  : i32 {
      %mul3A_46 = arith.constant 1 : i32
      %mul3A_47 = arith.muli %scan3A_45, %mul3A_46 : i32
      %add3A_48 = arith.constant 0 : i32
      %add3A_49 = arith.addi %add3A_48, %mul3A_47 : i32
      %mul3A_50 = arith.constant 16 : i32
      %mul3A_51 = arith.muli %add3A_49, %mul3A_50 : i32
      %get3A = arith.index_cast %mul3A_51 : i32 to index
      %get3A_52 = tpu.vector_load %arg5[%get3A] {strides = array<i32>} : memref<256xi32, #tpu.memory_space<vmem>>, vector<16xi32>,
      %shift_right_logical3A = arith.constant 2 : i32
      %shift_right_logical3A_53 = vector.broadcast %shift_right_logical3A : i32 to vector<16xi32>
      %shift_right_logical3A_54 = arith.shrui %get3A_52, %shift_right_logical3A_53 : vector<16xi32>
      %mul3A_55 = arith.constant 16 : i32
      %mul3A_56 = arith.muli %add3A_49, %mul3A_55 : i32
      %swap3A = arith.index_cast %mul3A_56 : i32 to index
      %swap3A_57 = tpu.vector_load %arg7[%swap3A] {strides = array<i32>} : memref<256xi32, #tpu.memory_space<vmem>>, vector<16xi32>,
      tpu.vector_store %arg7[%swap3A], %shift_right_logical3A_54 {strides = array<i32>} : memref<256xi32, #tpu.memory_space<vmem>>, vector<16xi32>,
    }
    %scan3A_8 = arith.constant 16 : i32
    %dma_start3A = arith.constant 0 : i32
    %dma_start3A_9 = arith.constant 0 : i32
    %dma_start3A_10 = tpu.memref_slice %arg9[%dma_start3A, %dma_start3A_9] : memref<256x128xf32, #tpu.memory_space<vmem>> -> memref<64x128xf32, #tpu.memory_space<vmem>>
    %dma_start3A_11 = arith.constant 0 : i32
    %dma_start3A_12 = tpu.memref_slice %arg7[%dma_start3A_11] : memref<256xi32, #tpu.memory_space<vmem>> -> memref<64xi32, #tpu.memory_space<vmem>>
    %dma_start3A_13 = arith.constant 0 : i32
    %dma_start3A_14 = arith.constant 0 : i32
    %dma_start3A_15 = tpu.memref_slice %arg2[%dma_start3A_13, %dma_start3A_14] : memref<250000x128xf32, #tpu.memory_space<hbm>> -> memref<250000x128xf32, #tpu.memory_space<hbm>>
    tpu.enqueue_indirect_dma source(%dma_start3A_15 : memref<250000x128xf32, #tpu.memory_space<hbm>>) target(%dma_start3A_10 : memref<64x128xf32, #tpu.memory_space<vmem>>) offsets(%dma_start3A_12 : memref<64xi32, #tpu.memory_space<vmem>>) semaphore(%arg12 : memref<!tpu.dma_semaphore, #tpu.memory_space<semaphore_mem>>)
    %dma_start3A_16 = arith.constant 64 : i32
    %dma_start3A_17 = arith.constant 0 : i32
    %dma_start3A_18 = tpu.memref_slice %arg9[%dma_start3A_16, %dma_start3A_17] : memref<256x128xf32, #tpu.memory_space<vmem>> -> memref<64x128xf32, #tpu.memory_space<vmem>>
    %dma_start3A_19 = arith.constant 64 : i32
    %dma_start3A_20 = tpu.memref_slice %arg7[%dma_start3A_19] : memref<256xi32, #tpu.memory_space<vmem>> -> memref<64xi32, #tpu.memory_space<vmem>>
    %dma_start3A_21 = arith.constant 0 : i32
    %dma_start3A_22 = arith.constant 0 : i32
    %dma_start3A_23 = tpu.memref_slice %arg2[%dma_start3A_21, %dma_start3A_22] : memref<250000x128xf32, #tpu.memory_space<hbm>> -> memref<250000x128xf32, #tpu.memory_space<hbm>>
    tpu.enqueue_indirect_dma source(%dma_start3A_23 : memref<250000x128xf32, #tpu.memory_space<hbm>>) target(%dma_start3A_18 : memref<64x128xf32, #tpu.memory_space<vmem>>) offsets(%dma_start3A_20 : memref<64xi32, #tpu.memory_space<vmem>>) semaphore(%arg12 : memref<!tpu.dma_semaphore, #tpu.memory_space<semaphore_mem>>)
    %dma_start3A_24 = arith.constant 128 : i32
    %dma_start3A_25 = arith.constant 0 : i32
    %dma_start3A_26 = tpu.memref_slice %arg9[%dma_start3A_24, %dma_start3A_25] : memref<256x128xf32, #tpu.memory_space<vmem>> -> memref<64x128xf32, #tpu.memory_space<vmem>>
    %dma_start3A_27 = arith.constant 128 : i32
    %dma_start3A_28 = tpu.memref_slice %arg7[%dma_start3A_27] : memref<256xi32, #tpu.memory_space<vmem>> -> memref<64xi32, #tpu.memory_space<vmem>>
    %dma_start3A_29 = arith.constant 0 : i32
    %dma_start3A_30 = arith.constant 0 : i32
    %dma_start3A_31 = tpu.memref_slice %arg2[%dma_start3A_29, %dma_start3A_30] : memref<250000x128xf32, #tpu.memory_space<hbm>> -> memref<250000x128xf32, #tpu.memory_space<hbm>>
    tpu.enqueue_indirect_dma source(%dma_start3A_31 : memref<250000x128xf32, #tpu.memory_space<hbm>>) target(%dma_start3A_26 : memref<64x128xf32, #tpu.memory_space<vmem>>) offsets(%dma_start3A_28 : memref<64xi32, #tpu.memory_space<vmem>>) semaphore(%arg12 : memref<!tpu.dma_semaphore, #tpu.memory_space<semaphore_mem>>)
    %dma_start3A_32 = arith.constant 192 : i32
    %dma_start3A_33 = arith.constant 0 : i32
    %dma_start3A_34 = tpu.memref_slice %arg9[%dma_start3A_32, %dma_start3A_33] : memref<256x128xf32, #tpu.memory_space<vmem>> -> memref<64x128xf32, #tpu.memory_space<vmem>>
    %dma_start3A_35 = arith.constant 192 : i32
    %dma_start3A_36 = tpu.memref_slice %arg7[%dma_start3A_35] : memref<256xi32, #tpu.memory_space<vmem>> -> memref<64xi32, #tpu.memory_space<vmem>>
    %dma_start3A_37 = arith.constant 0 : i32
    %dma_start3A_38 = arith.constant 0 : i32
    %dma_start3A_39 = tpu.memref_slice %arg2[%dma_start3A_37, %dma_start3A_38] : memref<250000x128xf32, #tpu.memory_space<hbm>> -> memref<250000x128xf32, #tpu.memory_space<hbm>>
    tpu.enqueue_indirect_dma source(%dma_start3A_39 : memref<250000x128xf32, #tpu.memory_space<hbm>>) target(%dma_start3A_34 : memref<64x128xf32, #tpu.memory_space<vmem>>) offsets(%dma_start3A_36 : memref<64xi32, #tpu.memory_space<vmem>>) semaphore(%arg12 : memref<!tpu.dma_semaphore, #tpu.memory_space<semaphore_mem>>)
    %scan3A_40 = arith.constant 0 : i32
    %scan3A_41 = arith.constant 50 : i32
    %scan3A_42 = arith.addi %scan3A_40, %scan3A_41 : i32
    %scan3A_43 = arith.constant 1 : i32
    scf.for %scan3A_45 = %scan3A_40 to %scan3A_42 step %scan3A_43  : i32 {
      %mul3A_46 = arith.constant 1 : i32
      %mul3A_47 = arith.muli %scan3A_45, %mul3A_46 : i32
      %add3A_48 = arith.constant 0 : i32
      %add3A_49 = arith.addi %add3A_48, %mul3A_47 : i32
      %mul3A_50 = arith.constant 2 : i32
      %mul3A_51 = arith.muli %mul3A_50, %add3A_49 : i32
      %add3A_52 = arith.constant 1 : i32
      %add3A_53 = arith.addi %mul3A_51, %add3A_52 : i32
      %mul3A_54 = arith.constant 256 : i32
      %mul3A_55 = arith.muli %add3A_53, %mul3A_54 : i32
      %add3A_56 = arith.addi %mul3A_2, %mul3A_55 : i32
      "tpu.region"() ({
        %run_scoped3A = tpu.sem_alloc : memref<!tpu.dma_semaphore, #tpu.memory_space<semaphore_mem>>
        %dma_start3A_209 = tpu.memref_slice %arg3[%add3A_56] : memref<819200xi32, #tpu.memory_space<hbm>> -> memref<256xi32, #tpu.memory_space<hbm>>
        %dma_start3A_210 = tpu.memref_slice %arg3[%add3A_56] : memref<819200xi32, #tpu.memory_space<hbm>> -> memref<256xi32, #tpu.memory_space<hbm>>
        tpu.enqueue_dma source(%dma_start3A_210 : memref<256xi32, #tpu.memory_space<hbm>>) target(%arg6 : memref<256xi32, #tpu.memory_space<vmem>>) target_semaphore(%run_scoped3A : memref<!tpu.dma_semaphore, #tpu.memory_space<semaphore_mem>>)
        %dma_wait3A_211 = tpu.memref_slice %arg3[%add3A_56] : memref<819200xi32, #tpu.memory_space<hbm>> -> memref<256xi32, #tpu.memory_space<hbm>>
        %dma_wait3A_212 = tpu.memref_slice %arg3[%add3A_56] : memref<819200xi32, #tpu.memory_space<hbm>> -> memref<256xi32, #tpu.memory_space<hbm>>
        tpu.wait_dma2 semaphore(%run_scoped3A : memref<!tpu.dma_semaphore, #tpu.memory_space<semaphore_mem>>) src(%dma_wait3A_212 : memref<256xi32, #tpu.memory_space<hbm>>) dst(%arg6 : memref<256xi32, #tpu.memory_space<vmem>>)
        tpu.yield
      }) : () -> ()
      %scan3A_57 = arith.constant 0 : i32
      %scan3A_58 = arith.constant 16 : i32
      %scan3A_59 = arith.addi %scan3A_57, %scan3A_58 : i32
      %scan3A_60 = arith.constant 1 : i32
      scf.for %scan3A_209 = %scan3A_57 to %scan3A_59 step %scan3A_60  : i32 {
        %mul3A_210 = arith.constant 1 : i32
        %mul3A_211 = arith.muli %scan3A_209, %mul3A_210 : i32
        %add3A_212 = arith.constant 0 : i32
        %add3A_213 = arith.addi %add3A_212, %mul3A_211 : i32
        %mul3A_214 = arith.constant 16 : i32
        %mul3A_215 = arith.muli %add3A_213, %mul3A_214 : i32
        %get3A = arith.index_cast %mul3A_215 : i32 to index
        %get3A_216 = tpu.vector_load %arg6[%get3A] {strides = array<i32>} : memref<256xi32, #tpu.memory_space<vmem>>, vector<16xi32>,
        %shift_right_logical3A = arith.constant 2 : i32
        %shift_right_logical3A_217 = vector.broadcast %shift_right_logical3A : i32 to vector<16xi32>
        %shift_right_logical3A_218 = arith.shrui %get3A_216, %shift_right_logical3A_217 : vector<16xi32>
        %mul3A_219 = arith.constant 16 : i32
        %mul3A_220 = arith.muli %add3A_213, %mul3A_219 : i32
        %swap3A = arith.index_cast %mul3A_220 : i32 to index
        %swap3A_221 = tpu.vector_load %arg8[%swap3A] {strides = array<i32>} : memref<256xi32, #tpu.memory_space<vmem>>, vector<16xi32>,
        tpu.vector_store %arg8[%swap3A], %shift_right_logical3A_218 {strides = array<i32>} : memref<256xi32, #tpu.memory_space<vmem>>, vector<16xi32>,
      }
      %scan3A_61 = arith.constant 16 : i32
      %dma_start3A_62 = arith.constant 0 : i32
      %dma_start3A_63 = arith.constant 0 : i32
      %dma_start3A_64 = tpu.memref_slice %arg10[%dma_start3A_62, %dma_start3A_63] : memref<256x128xf32, #tpu.memory_space<vmem>> -> memref<64x128xf32, #tpu.memory_space<vmem>>
      %dma_start3A_65 = arith.constant 0 : i32
      %dma_start3A_66 = tpu.memref_slice %arg8[%dma_start3A_65] : memref<256xi32, #tpu.memory_space<vmem>> -> memref<64xi32, #tpu.memory_space<vmem>>
      %dma_start3A_67 = arith.constant 0 : i32
      %dma_start3A_68 = arith.constant 0 : i32
      %dma_start3A_69 = tpu.memref_slice %arg2[%dma_start3A_67, %dma_start3A_68] : memref<250000x128xf32, #tpu.memory_space<hbm>> -> memref<250000x128xf32, #tpu.memory_space<hbm>>
      tpu.enqueue_indirect_dma source(%dma_start3A_69 : memref<250000x128xf32, #tpu.memory_space<hbm>>) target(%dma_start3A_64 : memref<64x128xf32, #tpu.memory_space<vmem>>) offsets(%dma_start3A_66 : memref<64xi32, #tpu.memory_space<vmem>>) semaphore(%arg13 : memref<!tpu.dma_semaphore, #tpu.memory_space<semaphore_mem>>)
      %dma_start3A_70 = arith.constant 64 : i32
      %dma_start3A_71 = arith.constant 0 : i32
      %dma_start3A_72 = tpu.memref_slice %arg10[%dma_start3A_70, %dma_start3A_71] : memref<256x128xf32, #tpu.memory_space<vmem>> -> memref<64x128xf32, #tpu.memory_space<vmem>>
      %dma_start3A_73 = arith.constant 64 : i32
      %dma_start3A_74 = tpu.memref_slice %arg8[%dma_start3A_73] : memref<256xi32, #tpu.memory_space<vmem>> -> memref<64xi32, #tpu.memory_space<vmem>>
      %dma_start3A_75 = arith.constant 0 : i32
      %dma_start3A_76 = arith.constant 0 : i32
      %dma_start3A_77 = tpu.memref_slice %arg2[%dma_start3A_75, %dma_start3A_76] : memref<250000x128xf32, #tpu.memory_space<hbm>> -> memref<250000x128xf32, #tpu.memory_space<hbm>>
      tpu.enqueue_indirect_dma source(%dma_start3A_77 : memref<250000x128xf32, #tpu.memory_space<hbm>>) target(%dma_start3A_72 : memref<64x128xf32, #tpu.memory_space<vmem>>) offsets(%dma_start3A_74 : memref<64xi32, #tpu.memory_space<vmem>>) semaphore(%arg13 : memref<!tpu.dma_semaphore, #tpu.memory_space<semaphore_mem>>)
      %dma_start3A_78 = arith.constant 128 : i32
      %dma_start3A_79 = arith.constant 0 : i32
      %dma_start3A_80 = tpu.memref_slice %arg10[%dma_start3A_78, %dma_start3A_79] : memref<256x128xf32, #tpu.memory_space<vmem>> -> memref<64x128xf32, #tpu.memory_space<vmem>>
      %dma_start3A_81 = arith.constant 128 : i32
      %dma_start3A_82 = tpu.memref_slice %arg8[%dma_start3A_81] : memref<256xi32, #tpu.memory_space<vmem>> -> memref<64xi32, #tpu.memory_space<vmem>>
      %dma_start3A_83 = arith.constant 0 : i32
      %dma_start3A_84 = arith.constant 0 : i32
      %dma_start3A_85 = tpu.memref_slice %arg2[%dma_start3A_83, %dma_start3A_84] : memref<250000x128xf32, #tpu.memory_space<hbm>> -> memref<250000x128xf32, #tpu.memory_space<hbm>>
      tpu.enqueue_indirect_dma source(%dma_start3A_85 : memref<250000x128xf32, #tpu.memory_space<hbm>>) target(%dma_start3A_80 : memref<64x128xf32, #tpu.memory_space<vmem>>) offsets(%dma_start3A_82 : memref<64xi32, #tpu.memory_space<vmem>>) semaphore(%arg13 : memref<!tpu.dma_semaphore, #tpu.memory_space<semaphore_mem>>)
      %dma_start3A_86 = arith.constant 192 : i32
      %dma_start3A_87 = arith.constant 0 : i32
      %dma_start3A_88 = tpu.memref_slice %arg10[%dma_start3A_86, %dma_start3A_87] : memref<256x128xf32, #tpu.memory_space<vmem>> -> memref<64x128xf32, #tpu.memory_space<vmem>>
      %dma_start3A_89 = arith.constant 192 : i32
      %dma_start3A_90 = tpu.memref_slice %arg8[%dma_start3A_89] : memref<256xi32, #tpu.memory_space<vmem>> -> memref<64xi32, #tpu.memory_space<vmem>>
      %dma_start3A_91 = arith.constant 0 : i32
      %dma_start3A_92 = arith.constant 0 : i32
      %dma_start3A_93 = tpu.memref_slice %arg2[%dma_start3A_91, %dma_start3A_92] : memref<250000x128xf32, #tpu.memory_space<hbm>> -> memref<250000x128xf32, #tpu.memory_space<hbm>>
      tpu.enqueue_indirect_dma source(%dma_start3A_93 : memref<250000x128xf32, #tpu.memory_space<hbm>>) target(%dma_start3A_88 : memref<64x128xf32, #tpu.memory_space<vmem>>) offsets(%dma_start3A_90 : memref<64xi32, #tpu.memory_space<vmem>>) semaphore(%arg13 : memref<!tpu.dma_semaphore, #tpu.memory_space<semaphore_mem>>)
      %dma_wait3A = arith.constant 0 : i32
      %dma_wait3A_94 = arith.constant 0 : i32
      %dma_wait3A_95 = tpu.memref_slice %arg9[%dma_wait3A, %dma_wait3A_94] : memref<256x128xf32, #tpu.memory_space<vmem>> -> memref<64x128xf32, #tpu.memory_space<vmem>>
      %dma_wait3A_96 = arith.constant 0 : i32
      %dma_wait3A_97 = tpu.memref_slice %arg7[%dma_wait3A_96] : memref<256xi32, #tpu.memory_space<vmem>> -> memref<64xi32, #tpu.memory_space<vmem>>
      %dma_wait3A_98 = arith.constant 0 : i32
      %dma_wait3A_99 = arith.constant 0 : i32
      %dma_wait3A_100 = tpu.memref_slice %arg2[%dma_wait3A_98, %dma_wait3A_99] : memref<250000x128xf32, #tpu.memory_space<hbm>> -> memref<250000x128xf32, #tpu.memory_space<hbm>>
      tpu.wait_indirect_dma semaphore(%arg12 : memref<!tpu.dma_semaphore, #tpu.memory_space<semaphore_mem>>) src(%dma_wait3A_100 : memref<250000x128xf32, #tpu.memory_space<hbm>>) dst(%dma_wait3A_95 : memref<64x128xf32, #tpu.memory_space<vmem>>)
      %scan3A_101 = arith.constant 0 : i32
      %scan3A_102 = arith.constant 4 : i32
      %scan3A_103 = arith.addi %scan3A_101, %scan3A_102 : i32
      %scan3A_104 = arith.constant 1 : i32
      scf.for %scan3A_209 = %scan3A_101 to %scan3A_103 step %scan3A_104  : i32 {
        %mul3A_210 = arith.constant 1 : i32
        %mul3A_211 = arith.muli %scan3A_209, %mul3A_210 : i32
        %add3A_212 = arith.constant 0 : i32
        %add3A_213 = arith.addi %add3A_212, %mul3A_211 : i32
        %mul3A_214 = arith.constant 16 : i32
        %mul3A_215 = arith.muli %add3A_213, %mul3A_214 : i32
        %get3A = arith.index_cast %mul3A_215 : i32 to index
        %get3A_216 = tpu.vector_load %arg5[%get3A] {strides = array<i32>} : memref<256xi32, #tpu.memory_space<vmem>>, vector<16xi32>,
        %and3A = arith.constant 3 : i32
        %and3A_217 = vector.broadcast %and3A : i32 to vector<16xi32>
        %and3A_218 = arith.andi %get3A_216, %and3A_217 : vector<16xi32>
        %shift_left3A = arith.constant 5 : i32
        %shift_left3A_219 = vector.broadcast %shift_left3A : i32 to vector<16xi32>
        %shift_left3A_220 = arith.shli %and3A_218, %shift_left3A_219 : vector<16xi32>
        %mul3A_221 = arith.constant 16 : i32
        %mul3A_222 = arith.muli %add3A_213, %mul3A_221 : i32
        %add3A_223 = vector.broadcast %mul3A_222 : i32 to vector<16xi32>
        %add3A_224 = arith.addi %add3A_223, %iota3A : vector<16xi32>
        %add3A_225 = arith.constant 0 : i32
        %add3A_226 = vector.broadcast %add3A_225 : i32 to vector<16xi32>
        %add3A_227 = arith.addi %shift_left3A_220, %add3A_226 : vector<16xi32>
        %gather3A = tpu.vector_load_idx %arg9[%add3A_224, %add3A_227] : memref<256x128xf32, #tpu.memory_space<vmem>>[vector<16xi32>, vector<16xi32>], vector<16xf32>,
        %add3A_228 = arith.constant 1 : i32
        %add3A_229 = vector.broadcast %add3A_228 : i32 to vector<16xi32>
        %add3A_230 = arith.addi %shift_left3A_220, %add3A_229 : vector<16xi32>
        %gather3A_231 = tpu.vector_load_idx %arg9[%add3A_224, %add3A_230] : memref<256x128xf32, #tpu.memory_space<vmem>>[vector<16xi32>, vector<16xi32>], vector<16xf32>,
        %add3A_232 = arith.constant 2 : i32
        %add3A_233 = vector.broadcast %add3A_232 : i32 to vector<16xi32>
        %add3A_234 = arith.addi %shift_left3A_220, %add3A_233 : vector<16xi32>
        %gather3A_235 = tpu.vector_load_idx %arg9[%add3A_224, %add3A_234] : memref<256x128xf32, #tpu.memory_space<vmem>>[vector<16xi32>, vector<16xi32>], vector<16xf32>,
        %add3A_236 = arith.constant 3 : i32
        %add3A_237 = vector.broadcast %add3A_236 : i32 to vector<16xi32>
        %add3A_238 = arith.addi %shift_left3A_220, %add3A_237 : vector<16xi32>
        %gather3A_239 = tpu.vector_load_idx %arg9[%add3A_224, %add3A_238] : memref<256x128xf32, #tpu.memory_space<vmem>>[vector<16xi32>, vector<16xi32>], vector<16xf32>,
        %add3A_240 = arith.constant 4 : i32
        %add3A_241 = vector.broadcast %add3A_240 : i32 to vector<16xi32>
        %add3A_242 = arith.addi %shift_left3A_220, %add3A_241 : vector<16xi32>
        %gather3A_243 = tpu.vector_load_idx %arg9[%add3A_224, %add3A_242] : memref<256x128xf32, #tpu.memory_space<vmem>>[vector<16xi32>, vector<16xi32>], vector<16xf32>,
        %add3A_244 = arith.constant 5 : i32
        %add3A_245 = vector.broadcast %add3A_244 : i32 to vector<16xi32>
        %add3A_246 = arith.addi %shift_left3A_220, %add3A_245 : vector<16xi32>
        %gather3A_247 = tpu.vector_load_idx %arg9[%add3A_224, %add3A_246] : memref<256x128xf32, #tpu.memory_space<vmem>>[vector<16xi32>, vector<16xi32>], vector<16xf32>,
        %add3A_248 = arith.constant 6 : i32
        %add3A_249 = vector.broadcast %add3A_248 : i32 to vector<16xi32>
        %add3A_250 = arith.addi %shift_left3A_220, %add3A_249 : vector<16xi32>
        %gather3A_251 = tpu.vector_load_idx %arg9[%add3A_224, %add3A_250] : memref<256x128xf32, #tpu.memory_space<vmem>>[vector<16xi32>, vector<16xi32>], vector<16xf32>,
        %add3A_252 = arith.constant 7 : i32
        %add3A_253 = vector.broadcast %add3A_252 : i32 to vector<16xi32>
        %add3A_254 = arith.addi %shift_left3A_220, %add3A_253 : vector<16xi32>
        %gather3A_255 = tpu.vector_load_idx %arg9[%add3A_224, %add3A_254] : memref<256x128xf32, #tpu.memory_space<vmem>>[vector<16xi32>, vector<16xi32>], vector<16xf32>,
        %add3A_256 = arith.constant 8 : i32
        %add3A_257 = vector.broadcast %add3A_256 : i32 to vector<16xi32>
        %add3A_258 = arith.addi %shift_left3A_220, %add3A_257 : vector<16xi32>
        %gather3A_259 = tpu.vector_load_idx %arg9[%add3A_224, %add3A_258] : memref<256x128xf32, #tpu.memory_space<vmem>>[vector<16xi32>, vector<16xi32>], vector<16xf32>,
        %add3A_260 = arith.constant 9 : i32
        %add3A_261 = vector.broadcast %add3A_260 : i32 to vector<16xi32>
        %add3A_262 = arith.addi %shift_left3A_220, %add3A_261 : vector<16xi32>
        %gather3A_263 = tpu.vector_load_idx %arg9[%add3A_224, %add3A_262] : memref<256x128xf32, #tpu.memory_space<vmem>>[vector<16xi32>, vector<16xi32>], vector<16xf32>,
        %add3A_264 = arith.constant 10 : i32
        %add3A_265 = vector.broadcast %add3A_264 : i32 to vector<16xi32>
        %add3A_266 = arith.addi %shift_left3A_220, %add3A_265 : vector<16xi32>
        %gather3A_267 = tpu.vector_load_idx %arg9[%add3A_224, %add3A_266] : memref<256x128xf32, #tpu.memory_space<vmem>>[vector<16xi32>, vector<16xi32>], vector<16xf32>,
        %add3A_268 = arith.constant 11 : i32
        %add3A_269 = vector.broadcast %add3A_268 : i32 to vector<16xi32>
        %add3A_270 = arith.addi %shift_left3A_220, %add3A_269 : vector<16xi32>
        %gather3A_271 = tpu.vector_load_idx %arg9[%add3A_224, %add3A_270] : memref<256x128xf32, #tpu.memory_space<vmem>>[vector<16xi32>, vector<16xi32>], vector<16xf32>,
        %add3A_272 = arith.constant 12 : i32
        %add3A_273 = vector.broadcast %add3A_272 : i32 to vector<16xi32>
        %add3A_274 = arith.addi %shift_left3A_220, %add3A_273 : vector<16xi32>
        %gather3A_275 = tpu.vector_load_idx %arg9[%add3A_224, %add3A_274] : memref<256x128xf32, #tpu.memory_space<vmem>>[vector<16xi32>, vector<16xi32>], vector<16xf32>,
        %add3A_276 = arith.constant 13 : i32
        %add3A_277 = vector.broadcast %add3A_276 : i32 to vector<16xi32>
        %add3A_278 = arith.addi %shift_left3A_220, %add3A_277 : vector<16xi32>
        %gather3A_279 = tpu.vector_load_idx %arg9[%add3A_224, %add3A_278] : memref<256x128xf32, #tpu.memory_space<vmem>>[vector<16xi32>, vector<16xi32>], vector<16xf32>,
        %add3A_280 = arith.constant 14 : i32
        %add3A_281 = vector.broadcast %add3A_280 : i32 to vector<16xi32>
        %add3A_282 = arith.addi %shift_left3A_220, %add3A_281 : vector<16xi32>
        %gather3A_283 = tpu.vector_load_idx %arg9[%add3A_224, %add3A_282] : memref<256x128xf32, #tpu.memory_space<vmem>>[vector<16xi32>, vector<16xi32>], vector<16xf32>,
        %add3A_284 = arith.constant 15 : i32
        %add3A_285 = vector.broadcast %add3A_284 : i32 to vector<16xi32>
        %add3A_286 = arith.addi %shift_left3A_220, %add3A_285 : vector<16xi32>
        %gather3A_287 = tpu.vector_load_idx %arg9[%add3A_224, %add3A_286] : memref<256x128xf32, #tpu.memory_space<vmem>>[vector<16xi32>, vector<16xi32>], vector<16xf32>,
        %add3A_288 = arith.constant 16 : i32
        %add3A_289 = vector.broadcast %add3A_288 : i32 to vector<16xi32>
        %add3A_290 = arith.addi %shift_left3A_220, %add3A_289 : vector<16xi32>
        %gather3A_291 = tpu.vector_load_idx %arg9[%add3A_224, %add3A_290] : memref<256x128xf32, #tpu.memory_space<vmem>>[vector<16xi32>, vector<16xi32>], vector<16xf32>,
        %add3A_292 = arith.constant 17 : i32
        %add3A_293 = vector.broadcast %add3A_292 : i32 to vector<16xi32>
        %add3A_294 = arith.addi %shift_left3A_220, %add3A_293 : vector<16xi32>
        %gather3A_295 = tpu.vector_load_idx %arg9[%add3A_224, %add3A_294] : memref<256x128xf32, #tpu.memory_space<vmem>>[vector<16xi32>, vector<16xi32>], vector<16xf32>,
        %add3A_296 = arith.constant 18 : i32
        %add3A_297 = vector.broadcast %add3A_296 : i32 to vector<16xi32>
        %add3A_298 = arith.addi %shift_left3A_220, %add3A_297 : vector<16xi32>
        %gather3A_299 = tpu.vector_load_idx %arg9[%add3A_224, %add3A_298] : memref<256x128xf32, #tpu.memory_space<vmem>>[vector<16xi32>, vector<16xi32>], vector<16xf32>,
        %add3A_300 = arith.constant 19 : i32
        %add3A_301 = vector.broadcast %add3A_300 : i32 to vector<16xi32>
        %add3A_302 = arith.addi %shift_left3A_220, %add3A_301 : vector<16xi32>
        %gather3A_303 = tpu.vector_load_idx %arg9[%add3A_224, %add3A_302] : memref<256x128xf32, #tpu.memory_space<vmem>>[vector<16xi32>, vector<16xi32>], vector<16xf32>,
        %add3A_304 = arith.constant 20 : i32
        %add3A_305 = vector.broadcast %add3A_304 : i32 to vector<16xi32>
        %add3A_306 = arith.addi %shift_left3A_220, %add3A_305 : vector<16xi32>
        %gather3A_307 = tpu.vector_load_idx %arg9[%add3A_224, %add3A_306] : memref<256x128xf32, #tpu.memory_space<vmem>>[vector<16xi32>, vector<16xi32>], vector<16xf32>,
        %add3A_308 = arith.constant 21 : i32
        %add3A_309 = vector.broadcast %add3A_308 : i32 to vector<16xi32>
        %add3A_310 = arith.addi %shift_left3A_220, %add3A_309 : vector<16xi32>
        %gather3A_311 = tpu.vector_load_idx %arg9[%add3A_224, %add3A_310] : memref<256x128xf32, #tpu.memory_space<vmem>>[vector<16xi32>, vector<16xi32>], vector<16xf32>,
        %add3A_312 = arith.constant 22 : i32
        %add3A_313 = vector.broadcast %add3A_312 : i32 to vector<16xi32>
        %add3A_314 = arith.addi %shift_left3A_220, %add3A_313 : vector<16xi32>
        %gather3A_315 = tpu.vector_load_idx %arg9[%add3A_224, %add3A_314] : memref<256x128xf32, #tpu.memory_space<vmem>>[vector<16xi32>, vector<16xi32>], vector<16xf32>,
        %add3A_316 = arith.constant 23 : i32
        %add3A_317 = vector.broadcast %add3A_316 : i32 to vector<16xi32>
        %add3A_318 = arith.addi %shift_left3A_220, %add3A_317 : vector<16xi32>
        %gather3A_319 = tpu.vector_load_idx %arg9[%add3A_224, %add3A_318] : memref<256x128xf32, #tpu.memory_space<vmem>>[vector<16xi32>, vector<16xi32>], vector<16xf32>,
        %add3A_320 = arith.constant 24 : i32
        %add3A_321 = vector.broadcast %add3A_320 : i32 to vector<16xi32>
        %add3A_322 = arith.addi %shift_left3A_220, %add3A_321 : vector<16xi32>
        %gather3A_323 = tpu.vector_load_idx %arg9[%add3A_224, %add3A_322] : memref<256x128xf32, #tpu.memory_space<vmem>>[vector<16xi32>, vector<16xi32>], vector<16xf32>,
        %add3A_324 = arith.constant 25 : i32
        %add3A_325 = vector.broadcast %add3A_324 : i32 to vector<16xi32>
        %add3A_326 = arith.addi %shift_left3A_220, %add3A_325 : vector<16xi32>
        %gather3A_327 = tpu.vector_load_idx %arg9[%add3A_224, %add3A_326] : memref<256x128xf32, #tpu.memory_space<vmem>>[vector<16xi32>, vector<16xi32>], vector<16xf32>,
        %add3A_328 = arith.constant 26 : i32
        %add3A_329 = vector.broadcast %add3A_328 : i32 to vector<16xi32>
        %add3A_330 = arith.addi %shift_left3A_220, %add3A_329 : vector<16xi32>
        %gather3A_331 = tpu.vector_load_idx %arg9[%add3A_224, %add3A_330] : memref<256x128xf32, #tpu.memory_space<vmem>>[vector<16xi32>, vector<16xi32>], vector<16xf32>,
        %add3A_332 = arith.constant 27 : i32
        %add3A_333 = vector.broadcast %add3A_332 : i32 to vector<16xi32>
        %add3A_334 = arith.addi %shift_left3A_220, %add3A_333 : vector<16xi32>
        %gather3A_335 = tpu.vector_load_idx %arg9[%add3A_224, %add3A_334] : memref<256x128xf32, #tpu.memory_space<vmem>>[vector<16xi32>, vector<16xi32>], vector<16xf32>,
        %add3A_336 = arith.constant 28 : i32
        %add3A_337 = vector.broadcast %add3A_336 : i32 to vector<16xi32>
        %add3A_338 = arith.addi %shift_left3A_220, %add3A_337 : vector<16xi32>
        %gather3A_339 = tpu.vector_load_idx %arg9[%add3A_224, %add3A_338] : memref<256x128xf32, #tpu.memory_space<vmem>>[vector<16xi32>, vector<16xi32>], vector<16xf32>,
        %add3A_340 = arith.constant 29 : i32
        %add3A_341 = vector.broadcast %add3A_340 : i32 to vector<16xi32>
        %add3A_342 = arith.addi %shift_left3A_220, %add3A_341 : vector<16xi32>
        %gather3A_343 = tpu.vector_load_idx %arg9[%add3A_224, %add3A_342] : memref<256x128xf32, #tpu.memory_space<vmem>>[vector<16xi32>, vector<16xi32>], vector<16xf32>,
        %add3A_344 = arith.constant 30 : i32
        %add3A_345 = vector.broadcast %add3A_344 : i32 to vector<16xi32>
        %add3A_346 = arith.addi %shift_left3A_220, %add3A_345 : vector<16xi32>
        %gather3A_347 = tpu.vector_load_idx %arg9[%add3A_224, %add3A_346] : memref<256x128xf32, #tpu.memory_space<vmem>>[vector<16xi32>, vector<16xi32>], vector<16xf32>,
        %add3A_348 = arith.constant 31 : i32
        %add3A_349 = vector.broadcast %add3A_348 : i32 to vector<16xi32>
        %add3A_350 = arith.addi %shift_left3A_220, %add3A_349 : vector<16xi32>
        %gather3A_351 = tpu.vector_load_idx %arg9[%add3A_224, %add3A_350] : memref<256x128xf32, #tpu.memory_space<vmem>>[vector<16xi32>, vector<16xi32>], vector<16xf32>,
        %broadcast_in_dim3A = arith.constant 0 : i32
        %broadcast_in_dim3A_352 = vector.broadcast %broadcast_in_dim3A : i32 to vector<16xi32>
        tpu.vector_store_idx %arg11[%add3A_224, %broadcast_in_dim3A_352], %gather3A : memref<256x32xf32, #tpu.memory_space<vmem>>[vector<16xi32>, vector<16xi32>], vector<16xf32>,
        %broadcast_in_dim3A_353 = arith.constant 1 : i32
        %broadcast_in_dim3A_354 = vector.broadcast %broadcast_in_dim3A_353 : i32 to vector<16xi32>
        tpu.vector_store_idx %arg11[%add3A_224, %broadcast_in_dim3A_354], %gather3A_231 : memref<256x32xf32, #tpu.memory_space<vmem>>[vector<16xi32>, vector<16xi32>], vector<16xf32>,
        %broadcast_in_dim3A_355 = arith.constant 2 : i32
        %broadcast_in_dim3A_356 = vector.broadcast %broadcast_in_dim3A_355 : i32 to vector<16xi32>
        tpu.vector_store_idx %arg11[%add3A_224, %broadcast_in_dim3A_356], %gather3A_235 : memref<256x32xf32, #tpu.memory_space<vmem>>[vector<16xi32>, vector<16xi32>], vector<16xf32>,
        %broadcast_in_dim3A_357 = arith.constant 3 : i32
        %broadcast_in_dim3A_358 = vector.broadcast %broadcast_in_dim3A_357 : i32 to vector<16xi32>
        tpu.vector_store_idx %arg11[%add3A_224, %broadcast_in_dim3A_358], %gather3A_239 : memref<256x32xf32, #tpu.memory_space<vmem>>[vector<16xi32>, vector<16xi32>], vector<16xf32>,
        %broadcast_in_dim3A_359 = arith.constant 4 : i32
        %broadcast_in_dim3A_360 = vector.broadcast %broadcast_in_dim3A_359 : i32 to vector<16xi32>
        tpu.vector_store_idx %arg11[%add3A_224, %broadcast_in_dim3A_360], %gather3A_243 : memref<256x32xf32, #tpu.memory_space<vmem>>[vector<16xi32>, vector<16xi32>], vector<16xf32>,
        %broadcast_in_dim3A_361 = arith.constant 5 : i32
        %broadcast_in_dim3A_362 = vector.broadcast %broadcast_in_dim3A_361 : i32 to vector<16xi32>
        tpu.vector_store_idx %arg11[%add3A_224, %broadcast_in_dim3A_362], %gather3A_247 : memref<256x32xf32, #tpu.memory_space<vmem>>[vector<16xi32>, vector<16xi32>], vector<16xf32>,
        %broadcast_in_dim3A_363 = arith.constant 6 : i32
        %broadcast_in_dim3A_364 = vector.broadcast %broadcast_in_dim3A_363 : i32 to vector<16xi32>
        tpu.vector_store_idx %arg11[%add3A_224, %broadcast_in_dim3A_364], %gather3A_251 : memref<256x32xf32, #tpu.memory_space<vmem>>[vector<16xi32>, vector<16xi32>], vector<16xf32>,
        %broadcast_in_dim3A_365 = arith.constant 7 : i32
        %broadcast_in_dim3A_366 = vector.broadcast %broadcast_in_dim3A_365 : i32 to vector<16xi32>
        tpu.vector_store_idx %arg11[%add3A_224, %broadcast_in_dim3A_366], %gather3A_255 : memref<256x32xf32, #tpu.memory_space<vmem>>[vector<16xi32>, vector<16xi32>], vector<16xf32>,
        %broadcast_in_dim3A_367 = arith.constant 8 : i32
        %broadcast_in_dim3A_368 = vector.broadcast %broadcast_in_dim3A_367 : i32 to vector<16xi32>
        tpu.vector_store_idx %arg11[%add3A_224, %broadcast_in_dim3A_368], %gather3A_259 : memref<256x32xf32, #tpu.memory_space<vmem>>[vector<16xi32>, vector<16xi32>], vector<16xf32>,
        %broadcast_in_dim3A_369 = arith.constant 9 : i32
        %broadcast_in_dim3A_370 = vector.broadcast %broadcast_in_dim3A_369 : i32 to vector<16xi32>
        tpu.vector_store_idx %arg11[%add3A_224, %broadcast_in_dim3A_370], %gather3A_263 : memref<256x32xf32, #tpu.memory_space<vmem>>[vector<16xi32>, vector<16xi32>], vector<16xf32>,
        %broadcast_in_dim3A_371 = arith.constant 10 : i32
        %broadcast_in_dim3A_372 = vector.broadcast %broadcast_in_dim3A_371 : i32 to vector<16xi32>
        tpu.vector_store_idx %arg11[%add3A_224, %broadcast_in_dim3A_372], %gather3A_267 : memref<256x32xf32, #tpu.memory_space<vmem>>[vector<16xi32>, vector<16xi32>], vector<16xf32>,
        %broadcast_in_dim3A_373 = arith.constant 11 : i32
        %broadcast_in_dim3A_374 = vector.broadcast %broadcast_in_dim3A_373 : i32 to vector<16xi32>
        tpu.vector_store_idx %arg11[%add3A_224, %broadcast_in_dim3A_374], %gather3A_271 : memref<256x32xf32, #tpu.memory_space<vmem>>[vector<16xi32>, vector<16xi32>], vector<16xf32>,
        %broadcast_in_dim3A_375 = arith.constant 12 : i32
        %broadcast_in_dim3A_376 = vector.broadcast %broadcast_in_dim3A_375 : i32 to vector<16xi32>
        tpu.vector_store_idx %arg11[%add3A_224, %broadcast_in_dim3A_376], %gather3A_275 : memref<256x32xf32, #tpu.memory_space<vmem>>[vector<16xi32>, vector<16xi32>], vector<16xf32>,
        %broadcast_in_dim3A_377 = arith.constant 13 : i32
        %broadcast_in_dim3A_378 = vector.broadcast %broadcast_in_dim3A_377 : i32 to vector<16xi32>
        tpu.vector_store_idx %arg11[%add3A_224, %broadcast_in_dim3A_378], %gather3A_279 : memref<256x32xf32, #tpu.memory_space<vmem>>[vector<16xi32>, vector<16xi32>], vector<16xf32>,
        %broadcast_in_dim3A_379 = arith.constant 14 : i32
        %broadcast_in_dim3A_380 = vector.broadcast %broadcast_in_dim3A_379 : i32 to vector<16xi32>
        tpu.vector_store_idx %arg11[%add3A_224, %broadcast_in_dim3A_380], %gather3A_283 : memref<256x32xf32, #tpu.memory_space<vmem>>[vector<16xi32>, vector<16xi32>], vector<16xf32>,
        %broadcast_in_dim3A_381 = arith.constant 15 : i32
        %broadcast_in_dim3A_382 = vector.broadcast %broadcast_in_dim3A_381 : i32 to vector<16xi32>
        tpu.vector_store_idx %arg11[%add3A_224, %broadcast_in_dim3A_382], %gather3A_287 : memref<256x32xf32, #tpu.memory_space<vmem>>[vector<16xi32>, vector<16xi32>], vector<16xf32>,
        %broadcast_in_dim3A_383 = arith.constant 16 : i32
        %broadcast_in_dim3A_384 = vector.broadcast %broadcast_in_dim3A_383 : i32 to vector<16xi32>
        tpu.vector_store_idx %arg11[%add3A_224, %broadcast_in_dim3A_384], %gather3A_291 : memref<256x32xf32, #tpu.memory_space<vmem>>[vector<16xi32>, vector<16xi32>], vector<16xf32>,
        %broadcast_in_dim3A_385 = arith.constant 17 : i32
        %broadcast_in_dim3A_386 = vector.broadcast %broadcast_in_dim3A_385 : i32 to vector<16xi32>
        tpu.vector_store_idx %arg11[%add3A_224, %broadcast_in_dim3A_386], %gather3A_295 : memref<256x32xf32, #tpu.memory_space<vmem>>[vector<16xi32>, vector<16xi32>], vector<16xf32>,
        %broadcast_in_dim3A_387 = arith.constant 18 : i32
        %broadcast_in_dim3A_388 = vector.broadcast %broadcast_in_dim3A_387 : i32 to vector<16xi32>
        tpu.vector_store_idx %arg11[%add3A_224, %broadcast_in_dim3A_388], %gather3A_299 : memref<256x32xf32, #tpu.memory_space<vmem>>[vector<16xi32>, vector<16xi32>], vector<16xf32>,
        %broadcast_in_dim3A_389 = arith.constant 19 : i32
        %broadcast_in_dim3A_390 = vector.broadcast %broadcast_in_dim3A_389 : i32 to vector<16xi32>
        tpu.vector_store_idx %arg11[%add3A_224, %broadcast_in_dim3A_390], %gather3A_303 : memref<256x32xf32, #tpu.memory_space<vmem>>[vector<16xi32>, vector<16xi32>], vector<16xf32>,
        %broadcast_in_dim3A_391 = arith.constant 20 : i32
        %broadcast_in_dim3A_392 = vector.broadcast %broadcast_in_dim3A_391 : i32 to vector<16xi32>
        tpu.vector_store_idx %arg11[%add3A_224, %broadcast_in_dim3A_392], %gather3A_307 : memref<256x32xf32, #tpu.memory_space<vmem>>[vector<16xi32>, vector<16xi32>], vector<16xf32>,
        %broadcast_in_dim3A_393 = arith.constant 21 : i32
        %broadcast_in_dim3A_394 = vector.broadcast %broadcast_in_dim3A_393 : i32 to vector<16xi32>
        tpu.vector_store_idx %arg11[%add3A_224, %broadcast_in_dim3A_394], %gather3A_311 : memref<256x32xf32, #tpu.memory_space<vmem>>[vector<16xi32>, vector<16xi32>], vector<16xf32>,
        %broadcast_in_dim3A_395 = arith.constant 22 : i32
        %broadcast_in_dim3A_396 = vector.broadcast %broadcast_in_dim3A_395 : i32 to vector<16xi32>
        tpu.vector_store_idx %arg11[%add3A_224, %broadcast_in_dim3A_396], %gather3A_315 : memref<256x32xf32, #tpu.memory_space<vmem>>[vector<16xi32>, vector<16xi32>], vector<16xf32>,
        %broadcast_in_dim3A_397 = arith.constant 23 : i32
        %broadcast_in_dim3A_398 = vector.broadcast %broadcast_in_dim3A_397 : i32 to vector<16xi32>
        tpu.vector_store_idx %arg11[%add3A_224, %broadcast_in_dim3A_398], %gather3A_319 : memref<256x32xf32, #tpu.memory_space<vmem>>[vector<16xi32>, vector<16xi32>], vector<16xf32>,
        %broadcast_in_dim3A_399 = arith.constant 24 : i32
        %broadcast_in_dim3A_400 = vector.broadcast %broadcast_in_dim3A_399 : i32 to vector<16xi32>
        tpu.vector_store_idx %arg11[%add3A_224, %broadcast_in_dim3A_400], %gather3A_323 : memref<256x32xf32, #tpu.memory_space<vmem>>[vector<16xi32>, vector<16xi32>], vector<16xf32>,
        %broadcast_in_dim3A_401 = arith.constant 25 : i32
        %broadcast_in_dim3A_402 = vector.broadcast %broadcast_in_dim3A_401 : i32 to vector<16xi32>
        tpu.vector_store_idx %arg11[%add3A_224, %broadcast_in_dim3A_402], %gather3A_327 : memref<256x32xf32, #tpu.memory_space<vmem>>[vector<16xi32>, vector<16xi32>], vector<16xf32>,
        %broadcast_in_dim3A_403 = arith.constant 26 : i32
        %broadcast_in_dim3A_404 = vector.broadcast %broadcast_in_dim3A_403 : i32 to vector<16xi32>
        tpu.vector_store_idx %arg11[%add3A_224, %broadcast_in_dim3A_404], %gather3A_331 : memref<256x32xf32, #tpu.memory_space<vmem>>[vector<16xi32>, vector<16xi32>], vector<16xf32>,
        %broadcast_in_dim3A_405 = arith.constant 27 : i32
        %broadcast_in_dim3A_406 = vector.broadcast %broadcast_in_dim3A_405 : i32 to vector<16xi32>
        tpu.vector_store_idx %arg11[%add3A_224, %broadcast_in_dim3A_406], %gather3A_335 : memref<256x32xf32, #tpu.memory_space<vmem>>[vector<16xi32>, vector<16xi32>], vector<16xf32>,
        %broadcast_in_dim3A_407 = arith.constant 28 : i32
        %broadcast_in_dim3A_408 = vector.broadcast %broadcast_in_dim3A_407 : i32 to vector<16xi32>
        tpu.vector_store_idx %arg11[%add3A_224, %broadcast_in_dim3A_408], %gather3A_339 : memref<256x32xf32, #tpu.memory_space<vmem>>[vector<16xi32>, vector<16xi32>], vector<16xf32>,
        %broadcast_in_dim3A_409 = arith.constant 29 : i32
        %broadcast_in_dim3A_410 = vector.broadcast %broadcast_in_dim3A_409 : i32 to vector<16xi32>
        tpu.vector_store_idx %arg11[%add3A_224, %broadcast_in_dim3A_410], %gather3A_343 : memref<256x32xf32, #tpu.memory_space<vmem>>[vector<16xi32>, vector<16xi32>], vector<16xf32>,
        %broadcast_in_dim3A_411 = arith.constant 30 : i32
        %broadcast_in_dim3A_412 = vector.broadcast %broadcast_in_dim3A_411 : i32 to vector<16xi32>
        tpu.vector_store_idx %arg11[%add3A_224, %broadcast_in_dim3A_412], %gather3A_347 : memref<256x32xf32, #tpu.memory_space<vmem>>[vector<16xi32>, vector<16xi32>], vector<16xf32>,
        %broadcast_in_dim3A_413 = arith.constant 31 : i32
        %broadcast_in_dim3A_414 = vector.broadcast %broadcast_in_dim3A_413 : i32 to vector<16xi32>
        tpu.vector_store_idx %arg11[%add3A_224, %broadcast_in_dim3A_414], %gather3A_351 : memref<256x32xf32, #tpu.memory_space<vmem>>[vector<16xi32>, vector<16xi32>], vector<16xf32>,
      }
      %scan3A_105 = arith.constant 4 : i32
      %dma_wait3A_106 = arith.constant 64 : i32
      %dma_wait3A_107 = arith.constant 0 : i32
      %dma_wait3A_108 = tpu.memref_slice %arg9[%dma_wait3A_106, %dma_wait3A_107] : memref<256x128xf32, #tpu.memory_space<vmem>> -> memref<64x128xf32, #tpu.memory_space<vmem>>
      %dma_wait3A_109 = arith.constant 64 : i32
      %dma_wait3A_110 = tpu.memref_slice %arg7[%dma_wait3A_109] : memref<256xi32, #tpu.memory_space<vmem>> -> memref<64xi32, #tpu.memory_space<vmem>>
      %dma_wait3A_111 = arith.constant 0 : i32
      %dma_wait3A_112 = arith.constant 0 : i32
      %dma_wait3A_113 = tpu.memref_slice %arg2[%dma_wait3A_111, %dma_wait3A_112] : memref<250000x128xf32, #tpu.memory_space<hbm>> -> memref<250000x128xf32, #tpu.memory_space<hbm>>
      tpu.wait_indirect_dma semaphore(%arg12 : memref<!tpu.dma_semaphore, #tpu.memory_space<semaphore_mem>>) src(%dma_wait3A_113 : memref<250000x128xf32, #tpu.memory_space<hbm>>) dst(%dma_wait3A_108 : memref<64x128xf32, #tpu.memory_space<vmem>>)
      %scan3A_114 = arith.constant 0 : i32
      %scan3A_115 = arith.constant 4 : i32
      %scan3A_116 = arith.addi %scan3A_114, %scan3A_115 : i32
      %scan3A_117 = arith.constant 1 : i32
      scf.for %scan3A_209 = %scan3A_114 to %scan3A_116 step %scan3A_117  : i32 {
        %mul3A_210 = arith.constant 1 : i32
        %mul3A_211 = arith.muli %scan3A_209, %mul3A_210 : i32
        %add3A_212 = arith.constant 4 : i32
        %add3A_213 = arith.addi %add3A_212, %mul3A_211 : i32
        %mul3A_214 = arith.constant 16 : i32
        %mul3A_215 = arith.muli %add3A_213, %mul3A_214 : i32
        %get3A = arith.index_cast %mul3A_215 : i32 to index
        %get3A_216 = tpu.vector_load %arg5[%get3A] {strides = array<i32>} : memref<256xi32, #tpu.memory_space<vmem>>, vector<16xi32>,
        %and3A = arith.constant 3 : i32
        %and3A_217 = vector.broadcast %and3A : i32 to vector<16xi32>
        %and3A_218 = arith.andi %get3A_216, %and3A_217 : vector<16xi32>
        %shift_left3A = arith.constant 5 : i32
        %shift_left3A_219 = vector.broadcast %shift_left3A : i32 to vector<16xi32>
        %shift_left3A_220 = arith.shli %and3A_218, %shift_left3A_219 : vector<16xi32>
        %mul3A_221 = arith.constant 16 : i32
        %mul3A_222 = arith.muli %add3A_213, %mul3A_221 : i32
        %add3A_223 = vector.broadcast %mul3A_222 : i32 to vector<16xi32>
        %add3A_224 = arith.addi %add3A_223, %iota3A : vector<16xi32>
        %add3A_225 = arith.constant 0 : i32
        %add3A_226 = vector.broadcast %add3A_225 : i32 to vector<16xi32>
        %add3A_227 = arith.addi %shift_left3A_220, %add3A_226 : vector<16xi32>
        %gather3A = tpu.vector_load_idx %arg9[%add3A_224, %add3A_227] : memref<256x128xf32, #tpu.memory_space<vmem>>[vector<16xi32>, vector<16xi32>], vector<16xf32>,
        %add3A_228 = arith.constant 1 : i32
        %add3A_229 = vector.broadcast %add3A_228 : i32 to vector<16xi32>
        %add3A_230 = arith.addi %shift_left3A_220, %add3A_229 : vector<16xi32>
        %gather3A_231 = tpu.vector_load_idx %arg9[%add3A_224, %add3A_230] : memref<256x128xf32, #tpu.memory_space<vmem>>[vector<16xi32>, vector<16xi32>], vector<16xf32>,
        %add3A_232 = arith.constant 2 : i32
        %add3A_233 = vector.broadcast %add3A_232 : i32 to vector<16xi32>
        %add3A_234 = arith.addi %shift_left3A_220, %add3A_233 : vector<16xi32>
        %gather3A_235 = tpu.vector_load_idx %arg9[%add3A_224, %add3A_234] : memref<256x128xf32, #tpu.memory_space<vmem>>[vector<16xi32>, vector<16xi32>], vector<16xf32>,
        %add3A_236 = arith.constant 3 : i32
        %add3A_237 = vector.broadcast %add3A_236 : i32 to vector<16xi32>
        %add3A_238 = arith.addi %shift_left3A_220, %add3A_237 : vector<16xi32>
        %gather3A_239 = tpu.vector_load_idx %arg9[%add3A_224, %add3A_238] : memref<256x128xf32, #tpu.memory_space<vmem>>[vector<16xi32>, vector<16xi32>], vector<16xf32>,
        %add3A_240 = arith.constant 4 : i32
        %add3A_241 = vector.broadcast %add3A_240 : i32 to vector<16xi32>
        %add3A_242 = arith.addi %shift_left3A_220, %add3A_241 : vector<16xi32>
        %gather3A_243 = tpu.vector_load_idx %arg9[%add3A_224, %add3A_242] : memref<256x128xf32, #tpu.memory_space<vmem>>[vector<16xi32>, vector<16xi32>], vector<16xf32>,
        %add3A_244 = arith.constant 5 : i32
        %add3A_245 = vector.broadcast %add3A_244 : i32 to vector<16xi32>
        %add3A_246 = arith.addi %shift_left3A_220, %add3A_245 : vector<16xi32>
        %gather3A_247 = tpu.vector_load_idx %arg9[%add3A_224, %add3A_246] : memref<256x128xf32, #tpu.memory_space<vmem>>[vector<16xi32>, vector<16xi32>], vector<16xf32>,
        %add3A_248 = arith.constant 6 : i32
        %add3A_249 = vector.broadcast %add3A_248 : i32 to vector<16xi32>
        %add3A_250 = arith.addi %shift_left3A_220, %add3A_249 : vector<16xi32>
        %gather3A_251 = tpu.vector_load_idx %arg9[%add3A_224, %add3A_250] : memref<256x128xf32, #tpu.memory_space<vmem>>[vector<16xi32>, vector<16xi32>], vector<16xf32>,
        %add3A_252 = arith.constant 7 : i32
        %add3A_253 = vector.broadcast %add3A_252 : i32 to vector<16xi32>
        %add3A_254 = arith.addi %shift_left3A_220, %add3A_253 : vector<16xi32>
        %gather3A_255 = tpu.vector_load_idx %arg9[%add3A_224, %add3A_254] : memref<256x128xf32, #tpu.memory_space<vmem>>[vector<16xi32>, vector<16xi32>], vector<16xf32>,
        %add3A_256 = arith.constant 8 : i32
        %add3A_257 = vector.broadcast %add3A_256 : i32 to vector<16xi32>
        %add3A_258 = arith.addi %shift_left3A_220, %add3A_257 : vector<16xi32>
        %gather3A_259 = tpu.vector_load_idx %arg9[%add3A_224, %add3A_258] : memref<256x128xf32, #tpu.memory_space<vmem>>[vector<16xi32>, vector<16xi32>], vector<16xf32>,
        %add3A_260 = arith.constant 9 : i32
        %add3A_261 = vector.broadcast %add3A_260 : i32 to vector<16xi32>
        %add3A_262 = arith.addi %shift_left3A_220, %add3A_261 : vector<16xi32>
        %gather3A_263 = tpu.vector_load_idx %arg9[%add3A_224, %add3A_262] : memref<256x128xf32, #tpu.memory_space<vmem>>[vector<16xi32>, vector<16xi32>], vector<16xf32>,
        %add3A_264 = arith.constant 10 : i32
        %add3A_265 = vector.broadcast %add3A_264 : i32 to vector<16xi32>
        %add3A_266 = arith.addi %shift_left3A_220, %add3A_265 : vector<16xi32>
        %gather3A_267 = tpu.vector_load_idx %arg9[%add3A_224, %add3A_266] : memref<256x128xf32, #tpu.memory_space<vmem>>[vector<16xi32>, vector<16xi32>], vector<16xf32>,
        %add3A_268 = arith.constant 11 : i32
        %add3A_269 = vector.broadcast %add3A_268 : i32 to vector<16xi32>
        %add3A_270 = arith.addi %shift_left3A_220, %add3A_269 : vector<16xi32>
        %gather3A_271 = tpu.vector_load_idx %arg9[%add3A_224, %add3A_270] : memref<256x128xf32, #tpu.memory_space<vmem>>[vector<16xi32>, vector<16xi32>], vector<16xf32>,
        %add3A_272 = arith.constant 12 : i32
        %add3A_273 = vector.broadcast %add3A_272 : i32 to vector<16xi32>
        %add3A_274 = arith.addi %shift_left3A_220, %add3A_273 : vector<16xi32>
        %gather3A_275 = tpu.vector_load_idx %arg9[%add3A_224, %add3A_274] : memref<256x128xf32, #tpu.memory_space<vmem>>[vector<16xi32>, vector<16xi32>], vector<16xf32>,
        %add3A_276 = arith.constant 13 : i32
        %add3A_277 = vector.broadcast %add3A_276 : i32 to vector<16xi32>
        %add3A_278 = arith.addi %shift_left3A_220, %add3A_277 : vector<16xi32>
        %gather3A_279 = tpu.vector_load_idx %arg9[%add3A_224, %add3A_278] : memref<256x128xf32, #tpu.memory_space<vmem>>[vector<16xi32>, vector<16xi32>], vector<16xf32>,
        %add3A_280 = arith.constant 14 : i32
        %add3A_281 = vector.broadcast %add3A_280 : i32 to vector<16xi32>
        %add3A_282 = arith.addi %shift_left3A_220, %add3A_281 : vector<16xi32>
        %gather3A_283 = tpu.vector_load_idx %arg9[%add3A_224, %add3A_282] : memref<256x128xf32, #tpu.memory_space<vmem>>[vector<16xi32>, vector<16xi32>], vector<16xf32>,
        %add3A_284 = arith.constant 15 : i32
        %add3A_285 = vector.broadcast %add3A_284 : i32 to vector<16xi32>
        %add3A_286 = arith.addi %shift_left3A_220, %add3A_285 : vector<16xi32>
        %gather3A_287 = tpu.vector_load_idx %arg9[%add3A_224, %add3A_286] : memref<256x128xf32, #tpu.memory_space<vmem>>[vector<16xi32>, vector<16xi32>], vector<16xf32>,
        %add3A_288 = arith.constant 16 : i32
        %add3A_289 = vector.broadcast %add3A_288 : i32 to vector<16xi32>
        %add3A_290 = arith.addi %shift_left3A_220, %add3A_289 : vector<16xi32>
        %gather3A_291 = tpu.vector_load_idx %arg9[%add3A_224, %add3A_290] : memref<256x128xf32, #tpu.memory_space<vmem>>[vector<16xi32>, vector<16xi32>], vector<16xf32>,
        %add3A_292 = arith.constant 17 : i32
        %add3A_293 = vector.broadcast %add3A_292 : i32 to vector<16xi32>
        %add3A_294 = arith.addi %shift_left3A_220, %add3A_293 : vector<16xi32>
        %gather3A_295 = tpu.vector_load_idx %arg9[%add3A_224, %add3A_294] : memref<256x128xf32, #tpu.memory_space<vmem>>[vector<16xi32>, vector<16xi32>], vector<16xf32>,
        %add3A_296 = arith.constant 18 : i32
        %add3A_297 = vector.broadcast %add3A_296 : i32 to vector<16xi32>
        %add3A_298 = arith.addi %shift_left3A_220, %add3A_297 : vector<16xi32>
        %gather3A_299 = tpu.vector_load_idx %arg9[%add3A_224, %add3A_298] : memref<256x128xf32, #tpu.memory_space<vmem>>[vector<16xi32>, vector<16xi32>], vector<16xf32>,
        %add3A_300 = arith.constant 19 : i32
        %add3A_301 = vector.broadcast %add3A_300 : i32 to vector<16xi32>
        %add3A_302 = arith.addi %shift_left3A_220, %add3A_301 : vector<16xi32>
        %gather3A_303 = tpu.vector_load_idx %arg9[%add3A_224, %add3A_302] : memref<256x128xf32, #tpu.memory_space<vmem>>[vector<16xi32>, vector<16xi32>], vector<16xf32>,
        %add3A_304 = arith.constant 20 : i32
        %add3A_305 = vector.broadcast %add3A_304 : i32 to vector<16xi32>
        %add3A_306 = arith.addi %shift_left3A_220, %add3A_305 : vector<16xi32>
        %gather3A_307 = tpu.vector_load_idx %arg9[%add3A_224, %add3A_306] : memref<256x128xf32, #tpu.memory_space<vmem>>[vector<16xi32>, vector<16xi32>], vector<16xf32>,
        %add3A_308 = arith.constant 21 : i32
        %add3A_309 = vector.broadcast %add3A_308 : i32 to vector<16xi32>
        %add3A_310 = arith.addi %shift_left3A_220, %add3A_309 : vector<16xi32>
        %gather3A_311 = tpu.vector_load_idx %arg9[%add3A_224, %add3A_310] : memref<256x128xf32, #tpu.memory_space<vmem>>[vector<16xi32>, vector<16xi32>], vector<16xf32>,
        %add3A_312 = arith.constant 22 : i32
        %add3A_313 = vector.broadcast %add3A_312 : i32 to vector<16xi32>
        %add3A_314 = arith.addi %shift_left3A_220, %add3A_313 : vector<16xi32>
        %gather3A_315 = tpu.vector_load_idx %arg9[%add3A_224, %add3A_314] : memref<256x128xf32, #tpu.memory_space<vmem>>[vector<16xi32>, vector<16xi32>], vector<16xf32>,
        %add3A_316 = arith.constant 23 : i32
        %add3A_317 = vector.broadcast %add3A_316 : i32 to vector<16xi32>
        %add3A_318 = arith.addi %shift_left3A_220, %add3A_317 : vector<16xi32>
        %gather3A_319 = tpu.vector_load_idx %arg9[%add3A_224, %add3A_318] : memref<256x128xf32, #tpu.memory_space<vmem>>[vector<16xi32>, vector<16xi32>], vector<16xf32>,
        %add3A_320 = arith.constant 24 : i32
        %add3A_321 = vector.broadcast %add3A_320 : i32 to vector<16xi32>
        %add3A_322 = arith.addi %shift_left3A_220, %add3A_321 : vector<16xi32>
        %gather3A_323 = tpu.vector_load_idx %arg9[%add3A_224, %add3A_322] : memref<256x128xf32, #tpu.memory_space<vmem>>[vector<16xi32>, vector<16xi32>], vector<16xf32>,
        %add3A_324 = arith.constant 25 : i32
        %add3A_325 = vector.broadcast %add3A_324 : i32 to vector<16xi32>
        %add3A_326 = arith.addi %shift_left3A_220, %add3A_325 : vector<16xi32>
        %gather3A_327 = tpu.vector_load_idx %arg9[%add3A_224, %add3A_326] : memref<256x128xf32, #tpu.memory_space<vmem>>[vector<16xi32>, vector<16xi32>], vector<16xf32>,
        %add3A_328 = arith.constant 26 : i32
        %add3A_329 = vector.broadcast %add3A_328 : i32 to vector<16xi32>
        %add3A_330 = arith.addi %shift_left3A_220, %add3A_329 : vector<16xi32>
        %gather3A_331 = tpu.vector_load_idx %arg9[%add3A_224, %add3A_330] : memref<256x128xf32, #tpu.memory_space<vmem>>[vector<16xi32>, vector<16xi32>], vector<16xf32>,
        %add3A_332 = arith.constant 27 : i32
        %add3A_333 = vector.broadcast %add3A_332 : i32 to vector<16xi32>
        %add3A_334 = arith.addi %shift_left3A_220, %add3A_333 : vector<16xi32>
        %gather3A_335 = tpu.vector_load_idx %arg9[%add3A_224, %add3A_334] : memref<256x128xf32, #tpu.memory_space<vmem>>[vector<16xi32>, vector<16xi32>], vector<16xf32>,
        %add3A_336 = arith.constant 28 : i32
        %add3A_337 = vector.broadcast %add3A_336 : i32 to vector<16xi32>
        %add3A_338 = arith.addi %shift_left3A_220, %add3A_337 : vector<16xi32>
        %gather3A_339 = tpu.vector_load_idx %arg9[%add3A_224, %add3A_338] : memref<256x128xf32, #tpu.memory_space<vmem>>[vector<16xi32>, vector<16xi32>], vector<16xf32>,
        %add3A_340 = arith.constant 29 : i32
        %add3A_341 = vector.broadcast %add3A_340 : i32 to vector<16xi32>
        %add3A_342 = arith.addi %shift_left3A_220, %add3A_341 : vector<16xi32>
        %gather3A_343 = tpu.vector_load_idx %arg9[%add3A_224, %add3A_342] : memref<256x128xf32, #tpu.memory_space<vmem>>[vector<16xi32>, vector<16xi32>], vector<16xf32>,
        %add3A_344 = arith.constant 30 : i32
        %add3A_345 = vector.broadcast %add3A_344 : i32 to vector<16xi32>
        %add3A_346 = arith.addi %shift_left3A_220, %add3A_345 : vector<16xi32>
        %gather3A_347 = tpu.vector_load_idx %arg9[%add3A_224, %add3A_346] : memref<256x128xf32, #tpu.memory_space<vmem>>[vector<16xi32>, vector<16xi32>], vector<16xf32>,
        %add3A_348 = arith.constant 31 : i32
        %add3A_349 = vector.broadcast %add3A_348 : i32 to vector<16xi32>
        %add3A_350 = arith.addi %shift_left3A_220, %add3A_349 : vector<16xi32>
        %gather3A_351 = tpu.vector_load_idx %arg9[%add3A_224, %add3A_350] : memref<256x128xf32, #tpu.memory_space<vmem>>[vector<16xi32>, vector<16xi32>], vector<16xf32>,
        %broadcast_in_dim3A = arith.constant 0 : i32
        %broadcast_in_dim3A_352 = vector.broadcast %broadcast_in_dim3A : i32 to vector<16xi32>
        tpu.vector_store_idx %arg11[%add3A_224, %broadcast_in_dim3A_352], %gather3A : memref<256x32xf32, #tpu.memory_space<vmem>>[vector<16xi32>, vector<16xi32>], vector<16xf32>,
        %broadcast_in_dim3A_353 = arith.constant 1 : i32
        %broadcast_in_dim3A_354 = vector.broadcast %broadcast_in_dim3A_353 : i32 to vector<16xi32>
        tpu.vector_store_idx %arg11[%add3A_224, %broadcast_in_dim3A_354], %gather3A_231 : memref<256x32xf32, #tpu.memory_space<vmem>>[vector<16xi32>, vector<16xi32>], vector<16xf32>,
        %broadcast_in_dim3A_355 = arith.constant 2 : i32
        %broadcast_in_dim3A_356 = vector.broadcast %broadcast_in_dim3A_355 : i32 to vector<16xi32>
        tpu.vector_store_idx %arg11[%add3A_224, %broadcast_in_dim3A_356], %gather3A_235 : memref<256x32xf32, #tpu.memory_space<vmem>>[vector<16xi32>, vector<16xi32>], vector<16xf32>,
        %broadcast_in_dim3A_357 = arith.constant 3 : i32
        %broadcast_in_dim3A_358 = vector.broadcast %broadcast_in_dim3A_357 : i32 to vector<16xi32>
        tpu.vector_store_idx %arg11[%add3A_224, %broadcast_in_dim3A_358], %gather3A_239 : memref<256x32xf32, #tpu.memory_space<vmem>>[vector<16xi32>, vector<16xi32>], vector<16xf32>,
        %broadcast_in_dim3A_359 = arith.constant 4 : i32
        %broadcast_in_dim3A_360 = vector.broadcast %broadcast_in_dim3A_359 : i32 to vector<16xi32>
        tpu.vector_store_idx %arg11[%add3A_224, %broadcast_in_dim3A_360], %gather3A_243 : memref<256x32xf32, #tpu.memory_space<vmem>>[vector<16xi32>, vector<16xi32>], vector<16xf32>,
        %broadcast_in_dim3A_361 = arith.constant 5 : i32
        %broadcast_in_dim3A_362 = vector.broadcast %broadcast_in_dim3A_361 : i32 to vector<16xi32>
        tpu.vector_store_idx %arg11[%add3A_224, %broadcast_in_dim3A_362], %gather3A_247 : memref<256x32xf32, #tpu.memory_space<vmem>>[vector<16xi32>, vector<16xi32>], vector<16xf32>,
        %broadcast_in_dim3A_363 = arith.constant 6 : i32
        %broadcast_in_dim3A_364 = vector.broadcast %broadcast_in_dim3A_363 : i32 to vector<16xi32>
        tpu.vector_store_idx %arg11[%add3A_224, %broadcast_in_dim3A_364], %gather3A_251 : memref<256x32xf32, #tpu.memory_space<vmem>>[vector<16xi32>, vector<16xi32>], vector<16xf32>,
        %broadcast_in_dim3A_365 = arith.constant 7 : i32
        %broadcast_in_dim3A_366 = vector.broadcast %broadcast_in_dim3A_365 : i32 to vector<16xi32>
        tpu.vector_store_idx %arg11[%add3A_224, %broadcast_in_dim3A_366], %gather3A_255 : memref<256x32xf32, #tpu.memory_space<vmem>>[vector<16xi32>, vector<16xi32>], vector<16xf32>,
        %broadcast_in_dim3A_367 = arith.constant 8 : i32
        %broadcast_in_dim3A_368 = vector.broadcast %broadcast_in_dim3A_367 : i32 to vector<16xi32>
        tpu.vector_store_idx %arg11[%add3A_224, %broadcast_in_dim3A_368], %gather3A_259 : memref<256x32xf32, #tpu.memory_space<vmem>>[vector<16xi32>, vector<16xi32>], vector<16xf32>,
        %broadcast_in_dim3A_369 = arith.constant 9 : i32
        %broadcast_in_dim3A_370 = vector.broadcast %broadcast_in_dim3A_369 : i32 to vector<16xi32>
        tpu.vector_store_idx %arg11[%add3A_224, %broadcast_in_dim3A_370], %gather3A_263 : memref<256x32xf32, #tpu.memory_space<vmem>>[vector<16xi32>, vector<16xi32>], vector<16xf32>,
        %broadcast_in_dim3A_371 = arith.constant 10 : i32
        %broadcast_in_dim3A_372 = vector.broadcast %broadcast_in_dim3A_371 : i32 to vector<16xi32>
        tpu.vector_store_idx %arg11[%add3A_224, %broadcast_in_dim3A_372], %gather3A_267 : memref<256x32xf32, #tpu.memory_space<vmem>>[vector<16xi32>, vector<16xi32>], vector<16xf32>,
        %broadcast_in_dim3A_373 = arith.constant 11 : i32
        %broadcast_in_dim3A_374 = vector.broadcast %broadcast_in_dim3A_373 : i32 to vector<16xi32>
        tpu.vector_store_idx %arg11[%add3A_224, %broadcast_in_dim3A_374], %gather3A_271 : memref<256x32xf32, #tpu.memory_space<vmem>>[vector<16xi32>, vector<16xi32>], vector<16xf32>,
        %broadcast_in_dim3A_375 = arith.constant 12 : i32
        %broadcast_in_dim3A_376 = vector.broadcast %broadcast_in_dim3A_375 : i32 to vector<16xi32>
        tpu.vector_store_idx %arg11[%add3A_224, %broadcast_in_dim3A_376], %gather3A_275 : memref<256x32xf32, #tpu.memory_space<vmem>>[vector<16xi32>, vector<16xi32>], vector<16xf32>,
        %broadcast_in_dim3A_377 = arith.constant 13 : i32
        %broadcast_in_dim3A_378 = vector.broadcast %broadcast_in_dim3A_377 : i32 to vector<16xi32>
        tpu.vector_store_idx %arg11[%add3A_224, %broadcast_in_dim3A_378], %gather3A_279 : memref<256x32xf32, #tpu.memory_space<vmem>>[vector<16xi32>, vector<16xi32>], vector<16xf32>,
        %broadcast_in_dim3A_379 = arith.constant 14 : i32
        %broadcast_in_dim3A_380 = vector.broadcast %broadcast_in_dim3A_379 : i32 to vector<16xi32>
        tpu.vector_store_idx %arg11[%add3A_224, %broadcast_in_dim3A_380], %gather3A_283 : memref<256x32xf32, #tpu.memory_space<vmem>>[vector<16xi32>, vector<16xi32>], vector<16xf32>,
        %broadcast_in_dim3A_381 = arith.constant 15 : i32
        %broadcast_in_dim3A_382 = vector.broadcast %broadcast_in_dim3A_381 : i32 to vector<16xi32>
        tpu.vector_store_idx %arg11[%add3A_224, %broadcast_in_dim3A_382], %gather3A_287 : memref<256x32xf32, #tpu.memory_space<vmem>>[vector<16xi32>, vector<16xi32>], vector<16xf32>,
        %broadcast_in_dim3A_383 = arith.constant 16 : i32
        %broadcast_in_dim3A_384 = vector.broadcast %broadcast_in_dim3A_383 : i32 to vector<16xi32>
        tpu.vector_store_idx %arg11[%add3A_224, %broadcast_in_dim3A_384], %gather3A_291 : memref<256x32xf32, #tpu.memory_space<vmem>>[vector<16xi32>, vector<16xi32>], vector<16xf32>,
        %broadcast_in_dim3A_385 = arith.constant 17 : i32
        %broadcast_in_dim3A_386 = vector.broadcast %broadcast_in_dim3A_385 : i32 to vector<16xi32>
        tpu.vector_store_idx %arg11[%add3A_224, %broadcast_in_dim3A_386], %gather3A_295 : memref<256x32xf32, #tpu.memory_space<vmem>>[vector<16xi32>, vector<16xi32>], vector<16xf32>,
        %broadcast_in_dim3A_387 = arith.constant 18 : i32
        %broadcast_in_dim3A_388 = vector.broadcast %broadcast_in_dim3A_387 : i32 to vector<16xi32>
        tpu.vector_store_idx %arg11[%add3A_224, %broadcast_in_dim3A_388], %gather3A_299 : memref<256x32xf32, #tpu.memory_space<vmem>>[vector<16xi32>, vector<16xi32>], vector<16xf32>,
        %broadcast_in_dim3A_389 = arith.constant 19 : i32
        %broadcast_in_dim3A_390 = vector.broadcast %broadcast_in_dim3A_389 : i32 to vector<16xi32>
        tpu.vector_store_idx %arg11[%add3A_224, %broadcast_in_dim3A_390], %gather3A_303 : memref<256x32xf32, #tpu.memory_space<vmem>>[vector<16xi32>, vector<16xi32>], vector<16xf32>,
        %broadcast_in_dim3A_391 = arith.constant 20 : i32
        %broadcast_in_dim3A_392 = vector.broadcast %broadcast_in_dim3A_391 : i32 to vector<16xi32>
        tpu.vector_store_idx %arg11[%add3A_224, %broadcast_in_dim3A_392], %gather3A_307 : memref<256x32xf32, #tpu.memory_space<vmem>>[vector<16xi32>, vector<16xi32>], vector<16xf32>,
        %broadcast_in_dim3A_393 = arith.constant 21 : i32
        %broadcast_in_dim3A_394 = vector.broadcast %broadcast_in_dim3A_393 : i32 to vector<16xi32>
        tpu.vector_store_idx %arg11[%add3A_224, %broadcast_in_dim3A_394], %gather3A_311 : memref<256x32xf32, #tpu.memory_space<vmem>>[vector<16xi32>, vector<16xi32>], vector<16xf32>,
        %broadcast_in_dim3A_395 = arith.constant 22 : i32
        %broadcast_in_dim3A_396 = vector.broadcast %broadcast_in_dim3A_395 : i32 to vector<16xi32>
        tpu.vector_store_idx %arg11[%add3A_224, %broadcast_in_dim3A_396], %gather3A_315 : memref<256x32xf32, #tpu.memory_space<vmem>>[vector<16xi32>, vector<16xi32>], vector<16xf32>,
        %broadcast_in_dim3A_397 = arith.constant 23 : i32
        %broadcast_in_dim3A_398 = vector.broadcast %broadcast_in_dim3A_397 : i32 to vector<16xi32>
        tpu.vector_store_idx %arg11[%add3A_224, %broadcast_in_dim3A_398], %gather3A_319 : memref<256x32xf32, #tpu.memory_space<vmem>>[vector<16xi32>, vector<16xi32>], vector<16xf32>,
        %broadcast_in_dim3A_399 = arith.constant 24 : i32
        %broadcast_in_dim3A_400 = vector.broadcast %broadcast_in_dim3A_399 : i32 to vector<16xi32>
        tpu.vector_store_idx %arg11[%add3A_224, %broadcast_in_dim3A_400], %gather3A_323 : memref<256x32xf32, #tpu.memory_space<vmem>>[vector<16xi32>, vector<16xi32>], vector<16xf32>,
        %broadcast_in_dim3A_401 = arith.constant 25 : i32
        %broadcast_in_dim3A_402 = vector.broadcast %broadcast_in_dim3A_401 : i32 to vector<16xi32>
        tpu.vector_store_idx %arg11[%add3A_224, %broadcast_in_dim3A_402], %gather3A_327 : memref<256x32xf32, #tpu.memory_space<vmem>>[vector<16xi32>, vector<16xi32>], vector<16xf32>,
        %broadcast_in_dim3A_403 = arith.constant 26 : i32
        %broadcast_in_dim3A_404 = vector.broadcast %broadcast_in_dim3A_403 : i32 to vector<16xi32>
        tpu.vector_store_idx %arg11[%add3A_224, %broadcast_in_dim3A_404], %gather3A_331 : memref<256x32xf32, #tpu.memory_space<vmem>>[vector<16xi32>, vector<16xi32>], vector<16xf32>,
        %broadcast_in_dim3A_405 = arith.constant 27 : i32
        %broadcast_in_dim3A_406 = vector.broadcast %broadcast_in_dim3A_405 : i32 to vector<16xi32>
        tpu.vector_store_idx %arg11[%add3A_224, %broadcast_in_dim3A_406], %gather3A_335 : memref<256x32xf32, #tpu.memory_space<vmem>>[vector<16xi32>, vector<16xi32>], vector<16xf32>,
        %broadcast_in_dim3A_407 = arith.constant 28 : i32
        %broadcast_in_dim3A_408 = vector.broadcast %broadcast_in_dim3A_407 : i32 to vector<16xi32>
        tpu.vector_store_idx %arg11[%add3A_224, %broadcast_in_dim3A_408], %gather3A_339 : memref<256x32xf32, #tpu.memory_space<vmem>>[vector<16xi32>, vector<16xi32>], vector<16xf32>,
        %broadcast_in_dim3A_409 = arith.constant 29 : i32
        %broadcast_in_dim3A_410 = vector.broadcast %broadcast_in_dim3A_409 : i32 to vector<16xi32>
        tpu.vector_store_idx %arg11[%add3A_224, %broadcast_in_dim3A_410], %gather3A_343 : memref<256x32xf32, #tpu.memory_space<vmem>>[vector<16xi32>, vector<16xi32>], vector<16xf32>,
        %broadcast_in_dim3A_411 = arith.constant 30 : i32
        %broadcast_in_dim3A_412 = vector.broadcast %broadcast_in_dim3A_411 : i32 to vector<16xi32>
        tpu.vector_store_idx %arg11[%add3A_224, %broadcast_in_dim3A_412], %gather3A_347 : memref<256x32xf32, #tpu.memory_space<vmem>>[vector<16xi32>, vector<16xi32>], vector<16xf32>,
        %broadcast_in_dim3A_413 = arith.constant 31 : i32
        %broadcast_in_dim3A_414 = vector.broadcast %broadcast_in_dim3A_413 : i32 to vector<16xi32>
        tpu.vector_store_idx %arg11[%add3A_224, %broadcast_in_dim3A_414], %gather3A_351 : memref<256x32xf32, #tpu.memory_space<vmem>>[vector<16xi32>, vector<16xi32>], vector<16xf32>,
      }
      %scan3A_118 = arith.constant 4 : i32
      %dma_wait3A_119 = arith.constant 128 : i32
      %dma_wait3A_120 = arith.constant 0 : i32
      %dma_wait3A_121 = tpu.memref_slice %arg9[%dma_wait3A_119, %dma_wait3A_120] : memref<256x128xf32, #tpu.memory_space<vmem>> -> memref<64x128xf32, #tpu.memory_space<vmem>>
      %dma_wait3A_122 = arith.constant 128 : i32
      %dma_wait3A_123 = tpu.memref_slice %arg7[%dma_wait3A_122] : memref<256xi32, #tpu.memory_space<vmem>> -> memref<64xi32, #tpu.memory_space<vmem>>
      %dma_wait3A_124 = arith.constant 0 : i32
      %dma_wait3A_125 = arith.constant 0 : i32
      %dma_wait3A_126 = tpu.memref_slice %arg2[%dma_wait3A_124, %dma_wait3A_125] : memref<250000x128xf32, #tpu.memory_space<hbm>> -> memref<250000x128xf32, #tpu.memory_space<hbm>>
      tpu.wait_indirect_dma semaphore(%arg12 : memref<!tpu.dma_semaphore, #tpu.memory_space<semaphore_mem>>) src(%dma_wait3A_126 : memref<250000x128xf32, #tpu.memory_space<hbm>>) dst(%dma_wait3A_121 : memref<64x128xf32, #tpu.memory_space<vmem>>)
      %scan3A_127 = arith.constant 0 : i32
      %scan3A_128 = arith.constant 4 : i32
      %scan3A_129 = arith.addi %scan3A_127, %scan3A_128 : i32
      %scan3A_130 = arith.constant 1 : i32
      scf.for %scan3A_209 = %scan3A_127 to %scan3A_129 step %scan3A_130  : i32 {
        %mul3A_210 = arith.constant 1 : i32
        %mul3A_211 = arith.muli %scan3A_209, %mul3A_210 : i32
        %add3A_212 = arith.constant 8 : i32
        %add3A_213 = arith.addi %add3A_212, %mul3A_211 : i32
        %mul3A_214 = arith.constant 16 : i32
        %mul3A_215 = arith.muli %add3A_213, %mul3A_214 : i32
        %get3A = arith.index_cast %mul3A_215 : i32 to index
        %get3A_216 = tpu.vector_load %arg5[%get3A] {strides = array<i32>} : memref<256xi32, #tpu.memory_space<vmem>>, vector<16xi32>,
        %and3A = arith.constant 3 : i32
        %and3A_217 = vector.broadcast %and3A : i32 to vector<16xi32>
        %and3A_218 = arith.andi %get3A_216, %and3A_217 : vector<16xi32>
        %shift_left3A = arith.constant 5 : i32
        %shift_left3A_219 = vector.broadcast %shift_left3A : i32 to vector<16xi32>
        %shift_left3A_220 = arith.shli %and3A_218, %shift_left3A_219 : vector<16xi32>
        %mul3A_221 = arith.constant 16 : i32
        %mul3A_222 = arith.muli %add3A_213, %mul3A_221 : i32
        %add3A_223 = vector.broadcast %mul3A_222 : i32 to vector<16xi32>
        %add3A_224 = arith.addi %add3A_223, %iota3A : vector<16xi32>
        %add3A_225 = arith.constant 0 : i32
        %add3A_226 = vector.broadcast %add3A_225 : i32 to vector<16xi32>
        %add3A_227 = arith.addi %shift_left3A_220, %add3A_226 : vector<16xi32>
        %gather3A = tpu.vector_load_idx %arg9[%add3A_224, %add3A_227] : memref<256x128xf32, #tpu.memory_space<vmem>>[vector<16xi32>, vector<16xi32>], vector<16xf32>,
        %add3A_228 = arith.constant 1 : i32
        %add3A_229 = vector.broadcast %add3A_228 : i32 to vector<16xi32>
        %add3A_230 = arith.addi %shift_left3A_220, %add3A_229 : vector<16xi32>
        %gather3A_231 = tpu.vector_load_idx %arg9[%add3A_224, %add3A_230] : memref<256x128xf32, #tpu.memory_space<vmem>>[vector<16xi32>, vector<16xi32>], vector<16xf32>,
        %add3A_232 = arith.constant 2 : i32
        %add3A_233 = vector.broadcast %add3A_232 : i32 to vector<16xi32>
        %add3A_234 = arith.addi %shift_left3A_220, %add3A_233 : vector<16xi32>
        %gather3A_235 = tpu.vector_load_idx %arg9[%add3A_224, %add3A_234] : memref<256x128xf32, #tpu.memory_space<vmem>>[vector<16xi32>, vector<16xi32>], vector<16xf32>,
        %add3A_236 = arith.constant 3 : i32
        %add3A_237 = vector.broadcast %add3A_236 : i32 to vector<16xi32>
        %add3A_238 = arith.addi %shift_left3A_220, %add3A_237 : vector<16xi32>
        %gather3A_239 = tpu.vector_load_idx %arg9[%add3A_224, %add3A_238] : memref<256x128xf32, #tpu.memory_space<vmem>>[vector<16xi32>, vector<16xi32>], vector<16xf32>,
        %add3A_240 = arith.constant 4 : i32
        %add3A_241 = vector.broadcast %add3A_240 : i32 to vector<16xi32>
        %add3A_242 = arith.addi %shift_left3A_220, %add3A_241 : vector<16xi32>
        %gather3A_243 = tpu.vector_load_idx %arg9[%add3A_224, %add3A_242] : memref<256x128xf32, #tpu.memory_space<vmem>>[vector<16xi32>, vector<16xi32>], vector<16xf32>,
        %add3A_244 = arith.constant 5 : i32
        %add3A_245 = vector.broadcast %add3A_244 : i32 to vector<16xi32>
        %add3A_246 = arith.addi %shift_left3A_220, %add3A_245 : vector<16xi32>
        %gather3A_247 = tpu.vector_load_idx %arg9[%add3A_224, %add3A_246] : memref<256x128xf32, #tpu.memory_space<vmem>>[vector<16xi32>, vector<16xi32>], vector<16xf32>,
        %add3A_248 = arith.constant 6 : i32
        %add3A_249 = vector.broadcast %add3A_248 : i32 to vector<16xi32>
        %add3A_250 = arith.addi %shift_left3A_220, %add3A_249 : vector<16xi32>
        %gather3A_251 = tpu.vector_load_idx %arg9[%add3A_224, %add3A_250] : memref<256x128xf32, #tpu.memory_space<vmem>>[vector<16xi32>, vector<16xi32>], vector<16xf32>,
        %add3A_252 = arith.constant 7 : i32
        %add3A_253 = vector.broadcast %add3A_252 : i32 to vector<16xi32>
        %add3A_254 = arith.addi %shift_left3A_220, %add3A_253 : vector<16xi32>
        %gather3A_255 = tpu.vector_load_idx %arg9[%add3A_224, %add3A_254] : memref<256x128xf32, #tpu.memory_space<vmem>>[vector<16xi32>, vector<16xi32>], vector<16xf32>,
        %add3A_256 = arith.constant 8 : i32
        %add3A_257 = vector.broadcast %add3A_256 : i32 to vector<16xi32>
        %add3A_258 = arith.addi %shift_left3A_220, %add3A_257 : vector<16xi32>
        %gather3A_259 = tpu.vector_load_idx %arg9[%add3A_224, %add3A_258] : memref<256x128xf32, #tpu.memory_space<vmem>>[vector<16xi32>, vector<16xi32>], vector<16xf32>,
        %add3A_260 = arith.constant 9 : i32
        %add3A_261 = vector.broadcast %add3A_260 : i32 to vector<16xi32>
        %add3A_262 = arith.addi %shift_left3A_220, %add3A_261 : vector<16xi32>
        %gather3A_263 = tpu.vector_load_idx %arg9[%add3A_224, %add3A_262] : memref<256x128xf32, #tpu.memory_space<vmem>>[vector<16xi32>, vector<16xi32>], vector<16xf32>,
        %add3A_264 = arith.constant 10 : i32
        %add3A_265 = vector.broadcast %add3A_264 : i32 to vector<16xi32>
        %add3A_266 = arith.addi %shift_left3A_220, %add3A_265 : vector<16xi32>
        %gather3A_267 = tpu.vector_load_idx %arg9[%add3A_224, %add3A_266] : memref<256x128xf32, #tpu.memory_space<vmem>>[vector<16xi32>, vector<16xi32>], vector<16xf32>,
        %add3A_268 = arith.constant 11 : i32
        %add3A_269 = vector.broadcast %add3A_268 : i32 to vector<16xi32>
        %add3A_270 = arith.addi %shift_left3A_220, %add3A_269 : vector<16xi32>
        %gather3A_271 = tpu.vector_load_idx %arg9[%add3A_224, %add3A_270] : memref<256x128xf32, #tpu.memory_space<vmem>>[vector<16xi32>, vector<16xi32>], vector<16xf32>,
        %add3A_272 = arith.constant 12 : i32
        %add3A_273 = vector.broadcast %add3A_272 : i32 to vector<16xi32>
        %add3A_274 = arith.addi %shift_left3A_220, %add3A_273 : vector<16xi32>
        %gather3A_275 = tpu.vector_load_idx %arg9[%add3A_224, %add3A_274] : memref<256x128xf32, #tpu.memory_space<vmem>>[vector<16xi32>, vector<16xi32>], vector<16xf32>,
        %add3A_276 = arith.constant 13 : i32
        %add3A_277 = vector.broadcast %add3A_276 : i32 to vector<16xi32>
        %add3A_278 = arith.addi %shift_left3A_220, %add3A_277 : vector<16xi32>
        %gather3A_279 = tpu.vector_load_idx %arg9[%add3A_224, %add3A_278] : memref<256x128xf32, #tpu.memory_space<vmem>>[vector<16xi32>, vector<16xi32>], vector<16xf32>,
        %add3A_280 = arith.constant 14 : i32
        %add3A_281 = vector.broadcast %add3A_280 : i32 to vector<16xi32>
        %add3A_282 = arith.addi %shift_left3A_220, %add3A_281 : vector<16xi32>
        %gather3A_283 = tpu.vector_load_idx %arg9[%add3A_224, %add3A_282] : memref<256x128xf32, #tpu.memory_space<vmem>>[vector<16xi32>, vector<16xi32>], vector<16xf32>,
        %add3A_284 = arith.constant 15 : i32
        %add3A_285 = vector.broadcast %add3A_284 : i32 to vector<16xi32>
        %add3A_286 = arith.addi %shift_left3A_220, %add3A_285 : vector<16xi32>
        %gather3A_287 = tpu.vector_load_idx %arg9[%add3A_224, %add3A_286] : memref<256x128xf32, #tpu.memory_space<vmem>>[vector<16xi32>, vector<16xi32>], vector<16xf32>,
        %add3A_288 = arith.constant 16 : i32
        %add3A_289 = vector.broadcast %add3A_288 : i32 to vector<16xi32>
        %add3A_290 = arith.addi %shift_left3A_220, %add3A_289 : vector<16xi32>
        %gather3A_291 = tpu.vector_load_idx %arg9[%add3A_224, %add3A_290] : memref<256x128xf32, #tpu.memory_space<vmem>>[vector<16xi32>, vector<16xi32>], vector<16xf32>,
        %add3A_292 = arith.constant 17 : i32
        %add3A_293 = vector.broadcast %add3A_292 : i32 to vector<16xi32>
        %add3A_294 = arith.addi %shift_left3A_220, %add3A_293 : vector<16xi32>
        %gather3A_295 = tpu.vector_load_idx %arg9[%add3A_224, %add3A_294] : memref<256x128xf32, #tpu.memory_space<vmem>>[vector<16xi32>, vector<16xi32>], vector<16xf32>,
        %add3A_296 = arith.constant 18 : i32
        %add3A_297 = vector.broadcast %add3A_296 : i32 to vector<16xi32>
        %add3A_298 = arith.addi %shift_left3A_220, %add3A_297 : vector<16xi32>
        %gather3A_299 = tpu.vector_load_idx %arg9[%add3A_224, %add3A_298] : memref<256x128xf32, #tpu.memory_space<vmem>>[vector<16xi32>, vector<16xi32>], vector<16xf32>,
        %add3A_300 = arith.constant 19 : i32
        %add3A_301 = vector.broadcast %add3A_300 : i32 to vector<16xi32>
        %add3A_302 = arith.addi %shift_left3A_220, %add3A_301 : vector<16xi32>
        %gather3A_303 = tpu.vector_load_idx %arg9[%add3A_224, %add3A_302] : memref<256x128xf32, #tpu.memory_space<vmem>>[vector<16xi32>, vector<16xi32>], vector<16xf32>,
        %add3A_304 = arith.constant 20 : i32
        %add3A_305 = vector.broadcast %add3A_304 : i32 to vector<16xi32>
        %add3A_306 = arith.addi %shift_left3A_220, %add3A_305 : vector<16xi32>
        %gather3A_307 = tpu.vector_load_idx %arg9[%add3A_224, %add3A_306] : memref<256x128xf32, #tpu.memory_space<vmem>>[vector<16xi32>, vector<16xi32>], vector<16xf32>,
        %add3A_308 = arith.constant 21 : i32
        %add3A_309 = vector.broadcast %add3A_308 : i32 to vector<16xi32>
        %add3A_310 = arith.addi %shift_left3A_220, %add3A_309 : vector<16xi32>
        %gather3A_311 = tpu.vector_load_idx %arg9[%add3A_224, %add3A_310] : memref<256x128xf32, #tpu.memory_space<vmem>>[vector<16xi32>, vector<16xi32>], vector<16xf32>,
        %add3A_312 = arith.constant 22 : i32
        %add3A_313 = vector.broadcast %add3A_312 : i32 to vector<16xi32>
        %add3A_314 = arith.addi %shift_left3A_220, %add3A_313 : vector<16xi32>
        %gather3A_315 = tpu.vector_load_idx %arg9[%add3A_224, %add3A_314] : memref<256x128xf32, #tpu.memory_space<vmem>>[vector<16xi32>, vector<16xi32>], vector<16xf32>,
        %add3A_316 = arith.constant 23 : i32
        %add3A_317 = vector.broadcast %add3A_316 : i32 to vector<16xi32>
        %add3A_318 = arith.addi %shift_left3A_220, %add3A_317 : vector<16xi32>
        %gather3A_319 = tpu.vector_load_idx %arg9[%add3A_224, %add3A_318] : memref<256x128xf32, #tpu.memory_space<vmem>>[vector<16xi32>, vector<16xi32>], vector<16xf32>,
        %add3A_320 = arith.constant 24 : i32
        %add3A_321 = vector.broadcast %add3A_320 : i32 to vector<16xi32>
        %add3A_322 = arith.addi %shift_left3A_220, %add3A_321 : vector<16xi32>
        %gather3A_323 = tpu.vector_load_idx %arg9[%add3A_224, %add3A_322] : memref<256x128xf32, #tpu.memory_space<vmem>>[vector<16xi32>, vector<16xi32>], vector<16xf32>,
        %add3A_324 = arith.constant 25 : i32
        %add3A_325 = vector.broadcast %add3A_324 : i32 to vector<16xi32>
        %add3A_326 = arith.addi %shift_left3A_220, %add3A_325 : vector<16xi32>
        %gather3A_327 = tpu.vector_load_idx %arg9[%add3A_224, %add3A_326] : memref<256x128xf32, #tpu.memory_space<vmem>>[vector<16xi32>, vector<16xi32>], vector<16xf32>,
        %add3A_328 = arith.constant 26 : i32
        %add3A_329 = vector.broadcast %add3A_328 : i32 to vector<16xi32>
        %add3A_330 = arith.addi %shift_left3A_220, %add3A_329 : vector<16xi32>
        %gather3A_331 = tpu.vector_load_idx %arg9[%add3A_224, %add3A_330] : memref<256x128xf32, #tpu.memory_space<vmem>>[vector<16xi32>, vector<16xi32>], vector<16xf32>,
        %add3A_332 = arith.constant 27 : i32
        %add3A_333 = vector.broadcast %add3A_332 : i32 to vector<16xi32>
        %add3A_334 = arith.addi %shift_left3A_220, %add3A_333 : vector<16xi32>
        %gather3A_335 = tpu.vector_load_idx %arg9[%add3A_224, %add3A_334] : memref<256x128xf32, #tpu.memory_space<vmem>>[vector<16xi32>, vector<16xi32>], vector<16xf32>,
        %add3A_336 = arith.constant 28 : i32
        %add3A_337 = vector.broadcast %add3A_336 : i32 to vector<16xi32>
        %add3A_338 = arith.addi %shift_left3A_220, %add3A_337 : vector<16xi32>
        %gather3A_339 = tpu.vector_load_idx %arg9[%add3A_224, %add3A_338] : memref<256x128xf32, #tpu.memory_space<vmem>>[vector<16xi32>, vector<16xi32>], vector<16xf32>,
        %add3A_340 = arith.constant 29 : i32
        %add3A_341 = vector.broadcast %add3A_340 : i32 to vector<16xi32>
        %add3A_342 = arith.addi %shift_left3A_220, %add3A_341 : vector<16xi32>
        %gather3A_343 = tpu.vector_load_idx %arg9[%add3A_224, %add3A_342] : memref<256x128xf32, #tpu.memory_space<vmem>>[vector<16xi32>, vector<16xi32>], vector<16xf32>,
        %add3A_344 = arith.constant 30 : i32
        %add3A_345 = vector.broadcast %add3A_344 : i32 to vector<16xi32>
        %add3A_346 = arith.addi %shift_left3A_220, %add3A_345 : vector<16xi32>
        %gather3A_347 = tpu.vector_load_idx %arg9[%add3A_224, %add3A_346] : memref<256x128xf32, #tpu.memory_space<vmem>>[vector<16xi32>, vector<16xi32>], vector<16xf32>,
        %add3A_348 = arith.constant 31 : i32
        %add3A_349 = vector.broadcast %add3A_348 : i32 to vector<16xi32>
        %add3A_350 = arith.addi %shift_left3A_220, %add3A_349 : vector<16xi32>
        %gather3A_351 = tpu.vector_load_idx %arg9[%add3A_224, %add3A_350] : memref<256x128xf32, #tpu.memory_space<vmem>>[vector<16xi32>, vector<16xi32>], vector<16xf32>,
        %broadcast_in_dim3A = arith.constant 0 : i32
        %broadcast_in_dim3A_352 = vector.broadcast %broadcast_in_dim3A : i32 to vector<16xi32>
        tpu.vector_store_idx %arg11[%add3A_224, %broadcast_in_dim3A_352], %gather3A : memref<256x32xf32, #tpu.memory_space<vmem>>[vector<16xi32>, vector<16xi32>], vector<16xf32>,
        %broadcast_in_dim3A_353 = arith.constant 1 : i32
        %broadcast_in_dim3A_354 = vector.broadcast %broadcast_in_dim3A_353 : i32 to vector<16xi32>
        tpu.vector_store_idx %arg11[%add3A_224, %broadcast_in_dim3A_354], %gather3A_231 : memref<256x32xf32, #tpu.memory_space<vmem>>[vector<16xi32>, vector<16xi32>], vector<16xf32>,
        %broadcast_in_dim3A_355 = arith.constant 2 : i32
        %broadcast_in_dim3A_356 = vector.broadcast %broadcast_in_dim3A_355 : i32 to vector<16xi32>
        tpu.vector_store_idx %arg11[%add3A_224, %broadcast_in_dim3A_356], %gather3A_235 : memref<256x32xf32, #tpu.memory_space<vmem>>[vector<16xi32>, vector<16xi32>], vector<16xf32>,
        %broadcast_in_dim3A_357 = arith.constant 3 : i32
        %broadcast_in_dim3A_358 = vector.broadcast %broadcast_in_dim3A_357 : i32 to vector<16xi32>
        tpu.vector_store_idx %arg11[%add3A_224, %broadcast_in_dim3A_358], %gather3A_239 : memref<256x32xf32, #tpu.memory_space<vmem>>[vector<16xi32>, vector<16xi32>], vector<16xf32>,
        %broadcast_in_dim3A_359 = arith.constant 4 : i32
        %broadcast_in_dim3A_360 = vector.broadcast %broadcast_in_dim3A_359 : i32 to vector<16xi32>
        tpu.vector_store_idx %arg11[%add3A_224, %broadcast_in_dim3A_360], %gather3A_243 : memref<256x32xf32, #tpu.memory_space<vmem>>[vector<16xi32>, vector<16xi32>], vector<16xf32>,
        %broadcast_in_dim3A_361 = arith.constant 5 : i32
        %broadcast_in_dim3A_362 = vector.broadcast %broadcast_in_dim3A_361 : i32 to vector<16xi32>
        tpu.vector_store_idx %arg11[%add3A_224, %broadcast_in_dim3A_362], %gather3A_247 : memref<256x32xf32, #tpu.memory_space<vmem>>[vector<16xi32>, vector<16xi32>], vector<16xf32>,
        %broadcast_in_dim3A_363 = arith.constant 6 : i32
        %broadcast_in_dim3A_364 = vector.broadcast %broadcast_in_dim3A_363 : i32 to vector<16xi32>
        tpu.vector_store_idx %arg11[%add3A_224, %broadcast_in_dim3A_364], %gather3A_251 : memref<256x32xf32, #tpu.memory_space<vmem>>[vector<16xi32>, vector<16xi32>], vector<16xf32>,
        %broadcast_in_dim3A_365 = arith.constant 7 : i32
        %broadcast_in_dim3A_366 = vector.broadcast %broadcast_in_dim3A_365 : i32 to vector<16xi32>
        tpu.vector_store_idx %arg11[%add3A_224, %broadcast_in_dim3A_366], %gather3A_255 : memref<256x32xf32, #tpu.memory_space<vmem>>[vector<16xi32>, vector<16xi32>], vector<16xf32>,
        %broadcast_in_dim3A_367 = arith.constant 8 : i32
        %broadcast_in_dim3A_368 = vector.broadcast %broadcast_in_dim3A_367 : i32 to vector<16xi32>
        tpu.vector_store_idx %arg11[%add3A_224, %broadcast_in_dim3A_368], %gather3A_259 : memref<256x32xf32, #tpu.memory_space<vmem>>[vector<16xi32>, vector<16xi32>], vector<16xf32>,
        %broadcast_in_dim3A_369 = arith.constant 9 : i32
        %broadcast_in_dim3A_370 = vector.broadcast %broadcast_in_dim3A_369 : i32 to vector<16xi32>
        tpu.vector_store_idx %arg11[%add3A_224, %broadcast_in_dim3A_370], %gather3A_263 : memref<256x32xf32, #tpu.memory_space<vmem>>[vector<16xi32>, vector<16xi32>], vector<16xf32>,
        %broadcast_in_dim3A_371 = arith.constant 10 : i32
        %broadcast_in_dim3A_372 = vector.broadcast %broadcast_in_dim3A_371 : i32 to vector<16xi32>
        tpu.vector_store_idx %arg11[%add3A_224, %broadcast_in_dim3A_372], %gather3A_267 : memref<256x32xf32, #tpu.memory_space<vmem>>[vector<16xi32>, vector<16xi32>], vector<16xf32>,
        %broadcast_in_dim3A_373 = arith.constant 11 : i32
        %broadcast_in_dim3A_374 = vector.broadcast %broadcast_in_dim3A_373 : i32 to vector<16xi32>
        tpu.vector_store_idx %arg11[%add3A_224, %broadcast_in_dim3A_374], %gather3A_271 : memref<256x32xf32, #tpu.memory_space<vmem>>[vector<16xi32>, vector<16xi32>], vector<16xf32>,
        %broadcast_in_dim3A_375 = arith.constant 12 : i32
        %broadcast_in_dim3A_376 = vector.broadcast %broadcast_in_dim3A_375 : i32 to vector<16xi32>
        tpu.vector_store_idx %arg11[%add3A_224, %broadcast_in_dim3A_376], %gather3A_275 : memref<256x32xf32, #tpu.memory_space<vmem>>[vector<16xi32>, vector<16xi32>], vector<16xf32>,
        %broadcast_in_dim3A_377 = arith.constant 13 : i32
        %broadcast_in_dim3A_378 = vector.broadcast %broadcast_in_dim3A_377 : i32 to vector<16xi32>
        tpu.vector_store_idx %arg11[%add3A_224, %broadcast_in_dim3A_378], %gather3A_279 : memref<256x32xf32, #tpu.memory_space<vmem>>[vector<16xi32>, vector<16xi32>], vector<16xf32>,
        %broadcast_in_dim3A_379 = arith.constant 14 : i32
        %broadcast_in_dim3A_380 = vector.broadcast %broadcast_in_dim3A_379 : i32 to vector<16xi32>
        tpu.vector_store_idx %arg11[%add3A_224, %broadcast_in_dim3A_380], %gather3A_283 : memref<256x32xf32, #tpu.memory_space<vmem>>[vector<16xi32>, vector<16xi32>], vector<16xf32>,
        %broadcast_in_dim3A_381 = arith.constant 15 : i32
        %broadcast_in_dim3A_382 = vector.broadcast %broadcast_in_dim3A_381 : i32 to vector<16xi32>
        tpu.vector_store_idx %arg11[%add3A_224, %broadcast_in_dim3A_382], %gather3A_287 : memref<256x32xf32, #tpu.memory_space<vmem>>[vector<16xi32>, vector<16xi32>], vector<16xf32>,
        %broadcast_in_dim3A_383 = arith.constant 16 : i32
        %broadcast_in_dim3A_384 = vector.broadcast %broadcast_in_dim3A_383 : i32 to vector<16xi32>
        tpu.vector_store_idx %arg11[%add3A_224, %broadcast_in_dim3A_384], %gather3A_291 : memref<256x32xf32, #tpu.memory_space<vmem>>[vector<16xi32>, vector<16xi32>], vector<16xf32>,
        %broadcast_in_dim3A_385 = arith.constant 17 : i32
        %broadcast_in_dim3A_386 = vector.broadcast %broadcast_in_dim3A_385 : i32 to vector<16xi32>
        tpu.vector_store_idx %arg11[%add3A_224, %broadcast_in_dim3A_386], %gather3A_295 : memref<256x32xf32, #tpu.memory_space<vmem>>[vector<16xi32>, vector<16xi32>], vector<16xf32>,
        %broadcast_in_dim3A_387 = arith.constant 18 : i32
        %broadcast_in_dim3A_388 = vector.broadcast %broadcast_in_dim3A_387 : i32 to vector<16xi32>
        tpu.vector_store_idx %arg11[%add3A_224, %broadcast_in_dim3A_388], %gather3A_299 : memref<256x32xf32, #tpu.memory_space<vmem>>[vector<16xi32>, vector<16xi32>], vector<16xf32>,
        %broadcast_in_dim3A_389 = arith.constant 19 : i32
        %broadcast_in_dim3A_390 = vector.broadcast %broadcast_in_dim3A_389 : i32 to vector<16xi32>
        tpu.vector_store_idx %arg11[%add3A_224, %broadcast_in_dim3A_390], %gather3A_303 : memref<256x32xf32, #tpu.memory_space<vmem>>[vector<16xi32>, vector<16xi32>], vector<16xf32>,
        %broadcast_in_dim3A_391 = arith.constant 20 : i32
        %broadcast_in_dim3A_392 = vector.broadcast %broadcast_in_dim3A_391 : i32 to vector<16xi32>
        tpu.vector_store_idx %arg11[%add3A_224, %broadcast_in_dim3A_392], %gather3A_307 : memref<256x32xf32, #tpu.memory_space<vmem>>[vector<16xi32>, vector<16xi32>], vector<16xf32>,
        %broadcast_in_dim3A_393 = arith.constant 21 : i32
        %broadcast_in_dim3A_394 = vector.broadcast %broadcast_in_dim3A_393 : i32 to vector<16xi32>
        tpu.vector_store_idx %arg11[%add3A_224, %broadcast_in_dim3A_394], %gather3A_311 : memref<256x32xf32, #tpu.memory_space<vmem>>[vector<16xi32>, vector<16xi32>], vector<16xf32>,
        %broadcast_in_dim3A_395 = arith.constant 22 : i32
        %broadcast_in_dim3A_396 = vector.broadcast %broadcast_in_dim3A_395 : i32 to vector<16xi32>
        tpu.vector_store_idx %arg11[%add3A_224, %broadcast_in_dim3A_396], %gather3A_315 : memref<256x32xf32, #tpu.memory_space<vmem>>[vector<16xi32>, vector<16xi32>], vector<16xf32>,
        %broadcast_in_dim3A_397 = arith.constant 23 : i32
        %broadcast_in_dim3A_398 = vector.broadcast %broadcast_in_dim3A_397 : i32 to vector<16xi32>
        tpu.vector_store_idx %arg11[%add3A_224, %broadcast_in_dim3A_398], %gather3A_319 : memref<256x32xf32, #tpu.memory_space<vmem>>[vector<16xi32>, vector<16xi32>], vector<16xf32>,
        %broadcast_in_dim3A_399 = arith.constant 24 : i32
        %broadcast_in_dim3A_400 = vector.broadcast %broadcast_in_dim3A_399 : i32 to vector<16xi32>
        tpu.vector_store_idx %arg11[%add3A_224, %broadcast_in_dim3A_400], %gather3A_323 : memref<256x32xf32, #tpu.memory_space<vmem>>[vector<16xi32>, vector<16xi32>], vector<16xf32>,
        %broadcast_in_dim3A_401 = arith.constant 25 : i32
        %broadcast_in_dim3A_402 = vector.broadcast %broadcast_in_dim3A_401 : i32 to vector<16xi32>
        tpu.vector_store_idx %arg11[%add3A_224, %broadcast_in_dim3A_402], %gather3A_327 : memref<256x32xf32, #tpu.memory_space<vmem>>[vector<16xi32>, vector<16xi32>], vector<16xf32>,
        %broadcast_in_dim3A_403 = arith.constant 26 : i32
        %broadcast_in_dim3A_404 = vector.broadcast %broadcast_in_dim3A_403 : i32 to vector<16xi32>
        tpu.vector_store_idx %arg11[%add3A_224, %broadcast_in_dim3A_404], %gather3A_331 : memref<256x32xf32, #tpu.memory_space<vmem>>[vector<16xi32>, vector<16xi32>], vector<16xf32>,
        %broadcast_in_dim3A_405 = arith.constant 27 : i32
        %broadcast_in_dim3A_406 = vector.broadcast %broadcast_in_dim3A_405 : i32 to vector<16xi32>
        tpu.vector_store_idx %arg11[%add3A_224, %broadcast_in_dim3A_406], %gather3A_335 : memref<256x32xf32, #tpu.memory_space<vmem>>[vector<16xi32>, vector<16xi32>], vector<16xf32>,
        %broadcast_in_dim3A_407 = arith.constant 28 : i32
        %broadcast_in_dim3A_408 = vector.broadcast %broadcast_in_dim3A_407 : i32 to vector<16xi32>
        tpu.vector_store_idx %arg11[%add3A_224, %broadcast_in_dim3A_408], %gather3A_339 : memref<256x32xf32, #tpu.memory_space<vmem>>[vector<16xi32>, vector<16xi32>], vector<16xf32>,
        %broadcast_in_dim3A_409 = arith.constant 29 : i32
        %broadcast_in_dim3A_410 = vector.broadcast %broadcast_in_dim3A_409 : i32 to vector<16xi32>
        tpu.vector_store_idx %arg11[%add3A_224, %broadcast_in_dim3A_410], %gather3A_343 : memref<256x32xf32, #tpu.memory_space<vmem>>[vector<16xi32>, vector<16xi32>], vector<16xf32>,
        %broadcast_in_dim3A_411 = arith.constant 30 : i32
        %broadcast_in_dim3A_412 = vector.broadcast %broadcast_in_dim3A_411 : i32 to vector<16xi32>
        tpu.vector_store_idx %arg11[%add3A_224, %broadcast_in_dim3A_412], %gather3A_347 : memref<256x32xf32, #tpu.memory_space<vmem>>[vector<16xi32>, vector<16xi32>], vector<16xf32>,
        %broadcast_in_dim3A_413 = arith.constant 31 : i32
        %broadcast_in_dim3A_414 = vector.broadcast %broadcast_in_dim3A_413 : i32 to vector<16xi32>
        tpu.vector_store_idx %arg11[%add3A_224, %broadcast_in_dim3A_414], %gather3A_351 : memref<256x32xf32, #tpu.memory_space<vmem>>[vector<16xi32>, vector<16xi32>], vector<16xf32>,
      }
      %scan3A_131 = arith.constant 4 : i32
      %dma_wait3A_132 = arith.constant 192 : i32
      %dma_wait3A_133 = arith.constant 0 : i32
      %dma_wait3A_134 = tpu.memref_slice %arg9[%dma_wait3A_132, %dma_wait3A_133] : memref<256x128xf32, #tpu.memory_space<vmem>> -> memref<64x128xf32, #tpu.memory_space<vmem>>
      %dma_wait3A_135 = arith.constant 192 : i32
      %dma_wait3A_136 = tpu.memref_slice %arg7[%dma_wait3A_135] : memref<256xi32, #tpu.memory_space<vmem>> -> memref<64xi32, #tpu.memory_space<vmem>>
      %dma_wait3A_137 = arith.constant 0 : i32
      %dma_wait3A_138 = arith.constant 0 : i32
      %dma_wait3A_139 = tpu.memref_slice %arg2[%dma_wait3A_137, %dma_wait3A_138] : memref<250000x128xf32, #tpu.memory_space<hbm>> -> memref<250000x128xf32, #tpu.memory_space<hbm>>
      tpu.wait_indirect_dma semaphore(%arg12 : memref<!tpu.dma_semaphore, #tpu.memory_space<semaphore_mem>>) src(%dma_wait3A_139 : memref<250000x128xf32, #tpu.memory_space<hbm>>) dst(%dma_wait3A_134 : memref<64x128xf32, #tpu.memory_space<vmem>>)
      %scan3A_140 = arith.constant 0 : i32
      %scan3A_141 = arith.constant 4 : i32
      %scan3A_142 = arith.addi %scan3A_140, %scan3A_141 : i32
      %scan3A_143 = arith.constant 1 : i32
      scf.for %scan3A_209 = %scan3A_140 to %scan3A_142 step %scan3A_143  : i32 {
        %mul3A_210 = arith.constant 1 : i32
        %mul3A_211 = arith.muli %scan3A_209, %mul3A_210 : i32
        %add3A_212 = arith.constant 12 : i32
        %add3A_213 = arith.addi %add3A_212, %mul3A_211 : i32
        %mul3A_214 = arith.constant 16 : i32
        %mul3A_215 = arith.muli %add3A_213, %mul3A_214 : i32
        %get3A = arith.index_cast %mul3A_215 : i32 to index
        %get3A_216 = tpu.vector_load %arg5[%get3A] {strides = array<i32>} : memref<256xi32, #tpu.memory_space<vmem>>, vector<16xi32>,
        %and3A = arith.constant 3 : i32
        %and3A_217 = vector.broadcast %and3A : i32 to vector<16xi32>
        %and3A_218 = arith.andi %get3A_216, %and3A_217 : vector<16xi32>
        %shift_left3A = arith.constant 5 : i32
        %shift_left3A_219 = vector.broadcast %shift_left3A : i32 to vector<16xi32>
        %shift_left3A_220 = arith.shli %and3A_218, %shift_left3A_219 : vector<16xi32>
        %mul3A_221 = arith.constant 16 : i32
        %mul3A_222 = arith.muli %add3A_213, %mul3A_221 : i32
        %add3A_223 = vector.broadcast %mul3A_222 : i32 to vector<16xi32>
        %add3A_224 = arith.addi %add3A_223, %iota3A : vector<16xi32>
        %add3A_225 = arith.constant 0 : i32
        %add3A_226 = vector.broadcast %add3A_225 : i32 to vector<16xi32>
        %add3A_227 = arith.addi %shift_left3A_220, %add3A_226 : vector<16xi32>
        %gather3A = tpu.vector_load_idx %arg9[%add3A_224, %add3A_227] : memref<256x128xf32, #tpu.memory_space<vmem>>[vector<16xi32>, vector<16xi32>], vector<16xf32>,
        %add3A_228 = arith.constant 1 : i32
        %add3A_229 = vector.broadcast %add3A_228 : i32 to vector<16xi32>
        %add3A_230 = arith.addi %shift_left3A_220, %add3A_229 : vector<16xi32>
        %gather3A_231 = tpu.vector_load_idx %arg9[%add3A_224, %add3A_230] : memref<256x128xf32, #tpu.memory_space<vmem>>[vector<16xi32>, vector<16xi32>], vector<16xf32>,
        %add3A_232 = arith.constant 2 : i32
        %add3A_233 = vector.broadcast %add3A_232 : i32 to vector<16xi32>
        %add3A_234 = arith.addi %shift_left3A_220, %add3A_233 : vector<16xi32>
        %gather3A_235 = tpu.vector_load_idx %arg9[%add3A_224, %add3A_234] : memref<256x128xf32, #tpu.memory_space<vmem>>[vector<16xi32>, vector<16xi32>], vector<16xf32>,
        %add3A_236 = arith.constant 3 : i32
        %add3A_237 = vector.broadcast %add3A_236 : i32 to vector<16xi32>
        %add3A_238 = arith.addi %shift_left3A_220, %add3A_237 : vector<16xi32>
        %gather3A_239 = tpu.vector_load_idx %arg9[%add3A_224, %add3A_238] : memref<256x128xf32, #tpu.memory_space<vmem>>[vector<16xi32>, vector<16xi32>], vector<16xf32>,
        %add3A_240 = arith.constant 4 : i32
        %add3A_241 = vector.broadcast %add3A_240 : i32 to vector<16xi32>
        %add3A_242 = arith.addi %shift_left3A_220, %add3A_241 : vector<16xi32>
        %gather3A_243 = tpu.vector_load_idx %arg9[%add3A_224, %add3A_242] : memref<256x128xf32, #tpu.memory_space<vmem>>[vector<16xi32>, vector<16xi32>], vector<16xf32>,
        %add3A_244 = arith.constant 5 : i32
        %add3A_245 = vector.broadcast %add3A_244 : i32 to vector<16xi32>
        %add3A_246 = arith.addi %shift_left3A_220, %add3A_245 : vector<16xi32>
        %gather3A_247 = tpu.vector_load_idx %arg9[%add3A_224, %add3A_246] : memref<256x128xf32, #tpu.memory_space<vmem>>[vector<16xi32>, vector<16xi32>], vector<16xf32>,
        %add3A_248 = arith.constant 6 : i32
        %add3A_249 = vector.broadcast %add3A_248 : i32 to vector<16xi32>
        %add3A_250 = arith.addi %shift_left3A_220, %add3A_249 : vector<16xi32>
        %gather3A_251 = tpu.vector_load_idx %arg9[%add3A_224, %add3A_250] : memref<256x128xf32, #tpu.memory_space<vmem>>[vector<16xi32>, vector<16xi32>], vector<16xf32>,
        %add3A_252 = arith.constant 7 : i32
        %add3A_253 = vector.broadcast %add3A_252 : i32 to vector<16xi32>
        %add3A_254 = arith.addi %shift_left3A_220, %add3A_253 : vector<16xi32>
        %gather3A_255 = tpu.vector_load_idx %arg9[%add3A_224, %add3A_254] : memref<256x128xf32, #tpu.memory_space<vmem>>[vector<16xi32>, vector<16xi32>], vector<16xf32>,
        %add3A_256 = arith.constant 8 : i32
        %add3A_257 = vector.broadcast %add3A_256 : i32 to vector<16xi32>
        %add3A_258 = arith.addi %shift_left3A_220, %add3A_257 : vector<16xi32>
        %gather3A_259 = tpu.vector_load_idx %arg9[%add3A_224, %add3A_258] : memref<256x128xf32, #tpu.memory_space<vmem>>[vector<16xi32>, vector<16xi32>], vector<16xf32>,
        %add3A_260 = arith.constant 9 : i32
        %add3A_261 = vector.broadcast %add3A_260 : i32 to vector<16xi32>
        %add3A_262 = arith.addi %shift_left3A_220, %add3A_261 : vector<16xi32>
        %gather3A_263 = tpu.vector_load_idx %arg9[%add3A_224, %add3A_262] : memref<256x128xf32, #tpu.memory_space<vmem>>[vector<16xi32>, vector<16xi32>], vector<16xf32>,
        %add3A_264 = arith.constant 10 : i32
        %add3A_265 = vector.broadcast %add3A_264 : i32 to vector<16xi32>
        %add3A_266 = arith.addi %shift_left3A_220, %add3A_265 : vector<16xi32>
        %gather3A_267 = tpu.vector_load_idx %arg9[%add3A_224, %add3A_266] : memref<256x128xf32, #tpu.memory_space<vmem>>[vector<16xi32>, vector<16xi32>], vector<16xf32>,
        %add3A_268 = arith.constant 11 : i32
        %add3A_269 = vector.broadcast %add3A_268 : i32 to vector<16xi32>
        %add3A_270 = arith.addi %shift_left3A_220, %add3A_269 : vector<16xi32>
        %gather3A_271 = tpu.vector_load_idx %arg9[%add3A_224, %add3A_270] : memref<256x128xf32, #tpu.memory_space<vmem>>[vector<16xi32>, vector<16xi32>], vector<16xf32>,
        %add3A_272 = arith.constant 12 : i32
        %add3A_273 = vector.broadcast %add3A_272 : i32 to vector<16xi32>
        %add3A_274 = arith.addi %shift_left3A_220, %add3A_273 : vector<16xi32>
        %gather3A_275 = tpu.vector_load_idx %arg9[%add3A_224, %add3A_274] : memref<256x128xf32, #tpu.memory_space<vmem>>[vector<16xi32>, vector<16xi32>], vector<16xf32>,
        %add3A_276 = arith.constant 13 : i32
        %add3A_277 = vector.broadcast %add3A_276 : i32 to vector<16xi32>
        %add3A_278 = arith.addi %shift_left3A_220, %add3A_277 : vector<16xi32>
        %gather3A_279 = tpu.vector_load_idx %arg9[%add3A_224, %add3A_278] : memref<256x128xf32, #tpu.memory_space<vmem>>[vector<16xi32>, vector<16xi32>], vector<16xf32>,
        %add3A_280 = arith.constant 14 : i32
        %add3A_281 = vector.broadcast %add3A_280 : i32 to vector<16xi32>
        %add3A_282 = arith.addi %shift_left3A_220, %add3A_281 : vector<16xi32>
        %gather3A_283 = tpu.vector_load_idx %arg9[%add3A_224, %add3A_282] : memref<256x128xf32, #tpu.memory_space<vmem>>[vector<16xi32>, vector<16xi32>], vector<16xf32>,
        %add3A_284 = arith.constant 15 : i32
        %add3A_285 = vector.broadcast %add3A_284 : i32 to vector<16xi32>
        %add3A_286 = arith.addi %shift_left3A_220, %add3A_285 : vector<16xi32>
        %gather3A_287 = tpu.vector_load_idx %arg9[%add3A_224, %add3A_286] : memref<256x128xf32, #tpu.memory_space<vmem>>[vector<16xi32>, vector<16xi32>], vector<16xf32>,
        %add3A_288 = arith.constant 16 : i32
        %add3A_289 = vector.broadcast %add3A_288 : i32 to vector<16xi32>
        %add3A_290 = arith.addi %shift_left3A_220, %add3A_289 : vector<16xi32>
        %gather3A_291 = tpu.vector_load_idx %arg9[%add3A_224, %add3A_290] : memref<256x128xf32, #tpu.memory_space<vmem>>[vector<16xi32>, vector<16xi32>], vector<16xf32>,
        %add3A_292 = arith.constant 17 : i32
        %add3A_293 = vector.broadcast %add3A_292 : i32 to vector<16xi32>
        %add3A_294 = arith.addi %shift_left3A_220, %add3A_293 : vector<16xi32>
        %gather3A_295 = tpu.vector_load_idx %arg9[%add3A_224, %add3A_294] : memref<256x128xf32, #tpu.memory_space<vmem>>[vector<16xi32>, vector<16xi32>], vector<16xf32>,
        %add3A_296 = arith.constant 18 : i32
        %add3A_297 = vector.broadcast %add3A_296 : i32 to vector<16xi32>
        %add3A_298 = arith.addi %shift_left3A_220, %add3A_297 : vector<16xi32>
        %gather3A_299 = tpu.vector_load_idx %arg9[%add3A_224, %add3A_298] : memref<256x128xf32, #tpu.memory_space<vmem>>[vector<16xi32>, vector<16xi32>], vector<16xf32>,
        %add3A_300 = arith.constant 19 : i32
        %add3A_301 = vector.broadcast %add3A_300 : i32 to vector<16xi32>
        %add3A_302 = arith.addi %shift_left3A_220, %add3A_301 : vector<16xi32>
        %gather3A_303 = tpu.vector_load_idx %arg9[%add3A_224, %add3A_302] : memref<256x128xf32, #tpu.memory_space<vmem>>[vector<16xi32>, vector<16xi32>], vector<16xf32>,
        %add3A_304 = arith.constant 20 : i32
        %add3A_305 = vector.broadcast %add3A_304 : i32 to vector<16xi32>
        %add3A_306 = arith.addi %shift_left3A_220, %add3A_305 : vector<16xi32>
        %gather3A_307 = tpu.vector_load_idx %arg9[%add3A_224, %add3A_306] : memref<256x128xf32, #tpu.memory_space<vmem>>[vector<16xi32>, vector<16xi32>], vector<16xf32>,
        %add3A_308 = arith.constant 21 : i32
        %add3A_309 = vector.broadcast %add3A_308 : i32 to vector<16xi32>
        %add3A_310 = arith.addi %shift_left3A_220, %add3A_309 : vector<16xi32>
        %gather3A_311 = tpu.vector_load_idx %arg9[%add3A_224, %add3A_310] : memref<256x128xf32, #tpu.memory_space<vmem>>[vector<16xi32>, vector<16xi32>], vector<16xf32>,
        %add3A_312 = arith.constant 22 : i32
        %add3A_313 = vector.broadcast %add3A_312 : i32 to vector<16xi32>
        %add3A_314 = arith.addi %shift_left3A_220, %add3A_313 : vector<16xi32>
        %gather3A_315 = tpu.vector_load_idx %arg9[%add3A_224, %add3A_314] : memref<256x128xf32, #tpu.memory_space<vmem>>[vector<16xi32>, vector<16xi32>], vector<16xf32>,
        %add3A_316 = arith.constant 23 : i32
        %add3A_317 = vector.broadcast %add3A_316 : i32 to vector<16xi32>
        %add3A_318 = arith.addi %shift_left3A_220, %add3A_317 : vector<16xi32>
        %gather3A_319 = tpu.vector_load_idx %arg9[%add3A_224, %add3A_318] : memref<256x128xf32, #tpu.memory_space<vmem>>[vector<16xi32>, vector<16xi32>], vector<16xf32>,
        %add3A_320 = arith.constant 24 : i32
        %add3A_321 = vector.broadcast %add3A_320 : i32 to vector<16xi32>
        %add3A_322 = arith.addi %shift_left3A_220, %add3A_321 : vector<16xi32>
        %gather3A_323 = tpu.vector_load_idx %arg9[%add3A_224, %add3A_322] : memref<256x128xf32, #tpu.memory_space<vmem>>[vector<16xi32>, vector<16xi32>], vector<16xf32>,
        %add3A_324 = arith.constant 25 : i32
        %add3A_325 = vector.broadcast %add3A_324 : i32 to vector<16xi32>
        %add3A_326 = arith.addi %shift_left3A_220, %add3A_325 : vector<16xi32>
        %gather3A_327 = tpu.vector_load_idx %arg9[%add3A_224, %add3A_326] : memref<256x128xf32, #tpu.memory_space<vmem>>[vector<16xi32>, vector<16xi32>], vector<16xf32>,
        %add3A_328 = arith.constant 26 : i32
        %add3A_329 = vector.broadcast %add3A_328 : i32 to vector<16xi32>
        %add3A_330 = arith.addi %shift_left3A_220, %add3A_329 : vector<16xi32>
        %gather3A_331 = tpu.vector_load_idx %arg9[%add3A_224, %add3A_330] : memref<256x128xf32, #tpu.memory_space<vmem>>[vector<16xi32>, vector<16xi32>], vector<16xf32>,
        %add3A_332 = arith.constant 27 : i32
        %add3A_333 = vector.broadcast %add3A_332 : i32 to vector<16xi32>
        %add3A_334 = arith.addi %shift_left3A_220, %add3A_333 : vector<16xi32>
        %gather3A_335 = tpu.vector_load_idx %arg9[%add3A_224, %add3A_334] : memref<256x128xf32, #tpu.memory_space<vmem>>[vector<16xi32>, vector<16xi32>], vector<16xf32>,
        %add3A_336 = arith.constant 28 : i32
        %add3A_337 = vector.broadcast %add3A_336 : i32 to vector<16xi32>
        %add3A_338 = arith.addi %shift_left3A_220, %add3A_337 : vector<16xi32>
        %gather3A_339 = tpu.vector_load_idx %arg9[%add3A_224, %add3A_338] : memref<256x128xf32, #tpu.memory_space<vmem>>[vector<16xi32>, vector<16xi32>], vector<16xf32>,
        %add3A_340 = arith.constant 29 : i32
        %add3A_341 = vector.broadcast %add3A_340 : i32 to vector<16xi32>
        %add3A_342 = arith.addi %shift_left3A_220, %add3A_341 : vector<16xi32>
        %gather3A_343 = tpu.vector_load_idx %arg9[%add3A_224, %add3A_342] : memref<256x128xf32, #tpu.memory_space<vmem>>[vector<16xi32>, vector<16xi32>], vector<16xf32>,
        %add3A_344 = arith.constant 30 : i32
        %add3A_345 = vector.broadcast %add3A_344 : i32 to vector<16xi32>
        %add3A_346 = arith.addi %shift_left3A_220, %add3A_345 : vector<16xi32>
        %gather3A_347 = tpu.vector_load_idx %arg9[%add3A_224, %add3A_346] : memref<256x128xf32, #tpu.memory_space<vmem>>[vector<16xi32>, vector<16xi32>], vector<16xf32>,
        %add3A_348 = arith.constant 31 : i32
        %add3A_349 = vector.broadcast %add3A_348 : i32 to vector<16xi32>
        %add3A_350 = arith.addi %shift_left3A_220, %add3A_349 : vector<16xi32>
        %gather3A_351 = tpu.vector_load_idx %arg9[%add3A_224, %add3A_350] : memref<256x128xf32, #tpu.memory_space<vmem>>[vector<16xi32>, vector<16xi32>], vector<16xf32>,
        %broadcast_in_dim3A = arith.constant 0 : i32
        %broadcast_in_dim3A_352 = vector.broadcast %broadcast_in_dim3A : i32 to vector<16xi32>
        tpu.vector_store_idx %arg11[%add3A_224, %broadcast_in_dim3A_352], %gather3A : memref<256x32xf32, #tpu.memory_space<vmem>>[vector<16xi32>, vector<16xi32>], vector<16xf32>,
        %broadcast_in_dim3A_353 = arith.constant 1 : i32
        %broadcast_in_dim3A_354 = vector.broadcast %broadcast_in_dim3A_353 : i32 to vector<16xi32>
        tpu.vector_store_idx %arg11[%add3A_224, %broadcast_in_dim3A_354], %gather3A_231 : memref<256x32xf32, #tpu.memory_space<vmem>>[vector<16xi32>, vector<16xi32>], vector<16xf32>,
        %broadcast_in_dim3A_355 = arith.constant 2 : i32
        %broadcast_in_dim3A_356 = vector.broadcast %broadcast_in_dim3A_355 : i32 to vector<16xi32>
        tpu.vector_store_idx %arg11[%add3A_224, %broadcast_in_dim3A_356], %gather3A_235 : memref<256x32xf32, #tpu.memory_space<vmem>>[vector<16xi32>, vector<16xi32>], vector<16xf32>,
        %broadcast_in_dim3A_357 = arith.constant 3 : i32
        %broadcast_in_dim3A_358 = vector.broadcast %broadcast_in_dim3A_357 : i32 to vector<16xi32>
        tpu.vector_store_idx %arg11[%add3A_224, %broadcast_in_dim3A_358], %gather3A_239 : memref<256x32xf32, #tpu.memory_space<vmem>>[vector<16xi32>, vector<16xi32>], vector<16xf32>,
        %broadcast_in_dim3A_359 = arith.constant 4 : i32
        %broadcast_in_dim3A_360 = vector.broadcast %broadcast_in_dim3A_359 : i32 to vector<16xi32>
        tpu.vector_store_idx %arg11[%add3A_224, %broadcast_in_dim3A_360], %gather3A_243 : memref<256x32xf32, #tpu.memory_space<vmem>>[vector<16xi32>, vector<16xi32>], vector<16xf32>,
        %broadcast_in_dim3A_361 = arith.constant 5 : i32
        %broadcast_in_dim3A_362 = vector.broadcast %broadcast_in_dim3A_361 : i32 to vector<16xi32>
        tpu.vector_store_idx %arg11[%add3A_224, %broadcast_in_dim3A_362], %gather3A_247 : memref<256x32xf32, #tpu.memory_space<vmem>>[vector<16xi32>, vector<16xi32>], vector<16xf32>,
        %broadcast_in_dim3A_363 = arith.constant 6 : i32
        %broadcast_in_dim3A_364 = vector.broadcast %broadcast_in_dim3A_363 : i32 to vector<16xi32>
        tpu.vector_store_idx %arg11[%add3A_224, %broadcast_in_dim3A_364], %gather3A_251 : memref<256x32xf32, #tpu.memory_space<vmem>>[vector<16xi32>, vector<16xi32>], vector<16xf32>,
        %broadcast_in_dim3A_365 = arith.constant 7 : i32
        %broadcast_in_dim3A_366 = vector.broadcast %broadcast_in_dim3A_365 : i32 to vector<16xi32>
        tpu.vector_store_idx %arg11[%add3A_224, %broadcast_in_dim3A_366], %gather3A_255 : memref<256x32xf32, #tpu.memory_space<vmem>>[vector<16xi32>, vector<16xi32>], vector<16xf32>,
        %broadcast_in_dim3A_367 = arith.constant 8 : i32
        %broadcast_in_dim3A_368 = vector.broadcast %broadcast_in_dim3A_367 : i32 to vector<16xi32>
        tpu.vector_store_idx %arg11[%add3A_224, %broadcast_in_dim3A_368], %gather3A_259 : memref<256x32xf32, #tpu.memory_space<vmem>>[vector<16xi32>, vector<16xi32>], vector<16xf32>,
        %broadcast_in_dim3A_369 = arith.constant 9 : i32
        %broadcast_in_dim3A_370 = vector.broadcast %broadcast_in_dim3A_369 : i32 to vector<16xi32>
        tpu.vector_store_idx %arg11[%add3A_224, %broadcast_in_dim3A_370], %gather3A_263 : memref<256x32xf32, #tpu.memory_space<vmem>>[vector<16xi32>, vector<16xi32>], vector<16xf32>,
        %broadcast_in_dim3A_371 = arith.constant 10 : i32
        %broadcast_in_dim3A_372 = vector.broadcast %broadcast_in_dim3A_371 : i32 to vector<16xi32>
        tpu.vector_store_idx %arg11[%add3A_224, %broadcast_in_dim3A_372], %gather3A_267 : memref<256x32xf32, #tpu.memory_space<vmem>>[vector<16xi32>, vector<16xi32>], vector<16xf32>,
        %broadcast_in_dim3A_373 = arith.constant 11 : i32
        %broadcast_in_dim3A_374 = vector.broadcast %broadcast_in_dim3A_373 : i32 to vector<16xi32>
        tpu.vector_store_idx %arg11[%add3A_224, %broadcast_in_dim3A_374], %gather3A_271 : memref<256x32xf32, #tpu.memory_space<vmem>>[vector<16xi32>, vector<16xi32>], vector<16xf32>,
        %broadcast_in_dim3A_375 = arith.constant 12 : i32
        %broadcast_in_dim3A_376 = vector.broadcast %broadcast_in_dim3A_375 : i32 to vector<16xi32>
        tpu.vector_store_idx %arg11[%add3A_224, %broadcast_in_dim3A_376], %gather3A_275 : memref<256x32xf32, #tpu.memory_space<vmem>>[vector<16xi32>, vector<16xi32>], vector<16xf32>,
        %broadcast_in_dim3A_377 = arith.constant 13 : i32
        %broadcast_in_dim3A_378 = vector.broadcast %broadcast_in_dim3A_377 : i32 to vector<16xi32>
        tpu.vector_store_idx %arg11[%add3A_224, %broadcast_in_dim3A_378], %gather3A_279 : memref<256x32xf32, #tpu.memory_space<vmem>>[vector<16xi32>, vector<16xi32>], vector<16xf32>,
        %broadcast_in_dim3A_379 = arith.constant 14 : i32
        %broadcast_in_dim3A_380 = vector.broadcast %broadcast_in_dim3A_379 : i32 to vector<16xi32>
        tpu.vector_store_idx %arg11[%add3A_224, %broadcast_in_dim3A_380], %gather3A_283 : memref<256x32xf32, #tpu.memory_space<vmem>>[vector<16xi32>, vector<16xi32>], vector<16xf32>,
        %broadcast_in_dim3A_381 = arith.constant 15 : i32
        %broadcast_in_dim3A_382 = vector.broadcast %broadcast_in_dim3A_381 : i32 to vector<16xi32>
        tpu.vector_store_idx %arg11[%add3A_224, %broadcast_in_dim3A_382], %gather3A_287 : memref<256x32xf32, #tpu.memory_space<vmem>>[vector<16xi32>, vector<16xi32>], vector<16xf32>,
        %broadcast_in_dim3A_383 = arith.constant 16 : i32
        %broadcast_in_dim3A_384 = vector.broadcast %broadcast_in_dim3A_383 : i32 to vector<16xi32>
        tpu.vector_store_idx %arg11[%add3A_224, %broadcast_in_dim3A_384], %gather3A_291 : memref<256x32xf32, #tpu.memory_space<vmem>>[vector<16xi32>, vector<16xi32>], vector<16xf32>,
        %broadcast_in_dim3A_385 = arith.constant 17 : i32
        %broadcast_in_dim3A_386 = vector.broadcast %broadcast_in_dim3A_385 : i32 to vector<16xi32>
        tpu.vector_store_idx %arg11[%add3A_224, %broadcast_in_dim3A_386], %gather3A_295 : memref<256x32xf32, #tpu.memory_space<vmem>>[vector<16xi32>, vector<16xi32>], vector<16xf32>,
        %broadcast_in_dim3A_387 = arith.constant 18 : i32
        %broadcast_in_dim3A_388 = vector.broadcast %broadcast_in_dim3A_387 : i32 to vector<16xi32>
        tpu.vector_store_idx %arg11[%add3A_224, %broadcast_in_dim3A_388], %gather3A_299 : memref<256x32xf32, #tpu.memory_space<vmem>>[vector<16xi32>, vector<16xi32>], vector<16xf32>,
        %broadcast_in_dim3A_389 = arith.constant 19 : i32
        %broadcast_in_dim3A_390 = vector.broadcast %broadcast_in_dim3A_389 : i32 to vector<16xi32>
        tpu.vector_store_idx %arg11[%add3A_224, %broadcast_in_dim3A_390], %gather3A_303 : memref<256x32xf32, #tpu.memory_space<vmem>>[vector<16xi32>, vector<16xi32>], vector<16xf32>,
        %broadcast_in_dim3A_391 = arith.constant 20 : i32
        %broadcast_in_dim3A_392 = vector.broadcast %broadcast_in_dim3A_391 : i32 to vector<16xi32>
        tpu.vector_store_idx %arg11[%add3A_224, %broadcast_in_dim3A_392], %gather3A_307 : memref<256x32xf32, #tpu.memory_space<vmem>>[vector<16xi32>, vector<16xi32>], vector<16xf32>,
        %broadcast_in_dim3A_393 = arith.constant 21 : i32
        %broadcast_in_dim3A_394 = vector.broadcast %broadcast_in_dim3A_393 : i32 to vector<16xi32>
        tpu.vector_store_idx %arg11[%add3A_224, %broadcast_in_dim3A_394], %gather3A_311 : memref<256x32xf32, #tpu.memory_space<vmem>>[vector<16xi32>, vector<16xi32>], vector<16xf32>,
        %broadcast_in_dim3A_395 = arith.constant 22 : i32
        %broadcast_in_dim3A_396 = vector.broadcast %broadcast_in_dim3A_395 : i32 to vector<16xi32>
        tpu.vector_store_idx %arg11[%add3A_224, %broadcast_in_dim3A_396], %gather3A_315 : memref<256x32xf32, #tpu.memory_space<vmem>>[vector<16xi32>, vector<16xi32>], vector<16xf32>,
        %broadcast_in_dim3A_397 = arith.constant 23 : i32
        %broadcast_in_dim3A_398 = vector.broadcast %broadcast_in_dim3A_397 : i32 to vector<16xi32>
        tpu.vector_store_idx %arg11[%add3A_224, %broadcast_in_dim3A_398], %gather3A_319 : memref<256x32xf32, #tpu.memory_space<vmem>>[vector<16xi32>, vector<16xi32>], vector<16xf32>,
        %broadcast_in_dim3A_399 = arith.constant 24 : i32
        %broadcast_in_dim3A_400 = vector.broadcast %broadcast_in_dim3A_399 : i32 to vector<16xi32>
        tpu.vector_store_idx %arg11[%add3A_224, %broadcast_in_dim3A_400], %gather3A_323 : memref<256x32xf32, #tpu.memory_space<vmem>>[vector<16xi32>, vector<16xi32>], vector<16xf32>,
        %broadcast_in_dim3A_401 = arith.constant 25 : i32
        %broadcast_in_dim3A_402 = vector.broadcast %broadcast_in_dim3A_401 : i32 to vector<16xi32>
        tpu.vector_store_idx %arg11[%add3A_224, %broadcast_in_dim3A_402], %gather3A_327 : memref<256x32xf32, #tpu.memory_space<vmem>>[vector<16xi32>, vector<16xi32>], vector<16xf32>,
        %broadcast_in_dim3A_403 = arith.constant 26 : i32
        %broadcast_in_dim3A_404 = vector.broadcast %broadcast_in_dim3A_403 : i32 to vector<16xi32>
        tpu.vector_store_idx %arg11[%add3A_224, %broadcast_in_dim3A_404], %gather3A_331 : memref<256x32xf32, #tpu.memory_space<vmem>>[vector<16xi32>, vector<16xi32>], vector<16xf32>,
        %broadcast_in_dim3A_405 = arith.constant 27 : i32
        %broadcast_in_dim3A_406 = vector.broadcast %broadcast_in_dim3A_405 : i32 to vector<16xi32>
        tpu.vector_store_idx %arg11[%add3A_224, %broadcast_in_dim3A_406], %gather3A_335 : memref<256x32xf32, #tpu.memory_space<vmem>>[vector<16xi32>, vector<16xi32>], vector<16xf32>,
        %broadcast_in_dim3A_407 = arith.constant 28 : i32
        %broadcast_in_dim3A_408 = vector.broadcast %broadcast_in_dim3A_407 : i32 to vector<16xi32>
        tpu.vector_store_idx %arg11[%add3A_224, %broadcast_in_dim3A_408], %gather3A_339 : memref<256x32xf32, #tpu.memory_space<vmem>>[vector<16xi32>, vector<16xi32>], vector<16xf32>,
        %broadcast_in_dim3A_409 = arith.constant 29 : i32
        %broadcast_in_dim3A_410 = vector.broadcast %broadcast_in_dim3A_409 : i32 to vector<16xi32>
        tpu.vector_store_idx %arg11[%add3A_224, %broadcast_in_dim3A_410], %gather3A_343 : memref<256x32xf32, #tpu.memory_space<vmem>>[vector<16xi32>, vector<16xi32>], vector<16xf32>,
        %broadcast_in_dim3A_411 = arith.constant 30 : i32
        %broadcast_in_dim3A_412 = vector.broadcast %broadcast_in_dim3A_411 : i32 to vector<16xi32>
        tpu.vector_store_idx %arg11[%add3A_224, %broadcast_in_dim3A_412], %gather3A_347 : memref<256x32xf32, #tpu.memory_space<vmem>>[vector<16xi32>, vector<16xi32>], vector<16xf32>,
        %broadcast_in_dim3A_413 = arith.constant 31 : i32
        %broadcast_in_dim3A_414 = vector.broadcast %broadcast_in_dim3A_413 : i32 to vector<16xi32>
        tpu.vector_store_idx %arg11[%add3A_224, %broadcast_in_dim3A_414], %gather3A_351 : memref<256x32xf32, #tpu.memory_space<vmem>>[vector<16xi32>, vector<16xi32>], vector<16xf32>,
      }
      %scan3A_144 = arith.constant 4 : i32
      %mul3A_145 = arith.constant 256 : i32
      %mul3A_146 = arith.muli %mul3A_51, %mul3A_145 : i32
      %add3A_147 = arith.addi %mul3A_2, %mul3A_146 : i32
      "tpu.region"() ({
        %run_scoped3A = tpu.sem_alloc : memref<!tpu.dma_semaphore, #tpu.memory_space<semaphore_mem>>
        %dma_start3A_209 = arith.constant 0 : i32
        %dma_start3A_210 = tpu.memref_slice %arg4[%add3A_147, %dma_start3A_209] : memref<819200x32xf32, #tpu.memory_space<hbm>> -> memref<256x32xf32, #tpu.memory_space<hbm>>
        %dma_start3A_211 = arith.constant 0 : i32
        %dma_start3A_212 = tpu.memref_slice %arg4[%add3A_147, %dma_start3A_211] : memref<819200x32xf32, #tpu.memory_space<hbm>> -> memref<256x32xf32, #tpu.memory_space<hbm>>
        tpu.enqueue_dma source(%arg11 : memref<256x32xf32, #tpu.memory_space<vmem>>) target(%dma_start3A_212 : memref<256x32xf32, #tpu.memory_space<hbm>>) target_semaphore(%run_scoped3A : memref<!tpu.dma_semaphore, #tpu.memory_space<semaphore_mem>>)
        %dma_wait3A_213 = arith.constant 0 : i32
        %dma_wait3A_214 = tpu.memref_slice %arg4[%add3A_147, %dma_wait3A_213] : memref<819200x32xf32, #tpu.memory_space<hbm>> -> memref<256x32xf32, #tpu.memory_space<hbm>>
        %dma_wait3A_215 = arith.constant 0 : i32
        %dma_wait3A_216 = tpu.memref_slice %arg4[%add3A_147, %dma_wait3A_215] : memref<819200x32xf32, #tpu.memory_space<hbm>> -> memref<256x32xf32, #tpu.memory_space<hbm>>
        tpu.wait_dma2 semaphore(%run_scoped3A : memref<!tpu.dma_semaphore, #tpu.memory_space<semaphore_mem>>) src(%arg11 : memref<256x32xf32, #tpu.memory_space<vmem>>) dst(%dma_wait3A_216 : memref<256x32xf32, #tpu.memory_space<hbm>>)
        tpu.yield
      }) : () -> ()
      %add3A_148 = arith.constant 2 : i32
      %add3A_149 = arith.addi %mul3A_51, %add3A_148 : i32
      %lt3A = arith.constant 100 : i32
      %lt3A_150 = arith.cmpi slt, %add3A_149, %lt3A : i32
      %convert_element_type3A = arith.extui %lt3A_150 : i1 to i32
      %cond3A = arith.constant 0 : i32
      %cond3A_151 = arith.cmpi ne, %convert_element_type3A, %cond3A : i32
      scf.if %cond3A_151 {
        %add3A_209 = arith.constant 2 : i32
        %add3A_210 = arith.addi %mul3A_51, %add3A_209 : i32
        %mul3A_211 = arith.constant 256 : i32
        %mul3A_212 = arith.muli %add3A_210, %mul3A_211 : i32
        %add3A_213 = arith.addi %mul3A_2, %mul3A_212 : i32
        "tpu.region"() ({
          %run_scoped3A = tpu.sem_alloc : memref<!tpu.dma_semaphore, #tpu.memory_space<semaphore_mem>>
          %dma_start3A_251 = tpu.memref_slice %arg3[%add3A_213] : memref<819200xi32, #tpu.memory_space<hbm>> -> memref<256xi32, #tpu.memory_space<hbm>>
          %dma_start3A_252 = tpu.memref_slice %arg3[%add3A_213] : memref<819200xi32, #tpu.memory_space<hbm>> -> memref<256xi32, #tpu.memory_space<hbm>>
          tpu.enqueue_dma source(%dma_start3A_252 : memref<256xi32, #tpu.memory_space<hbm>>) target(%arg5 : memref<256xi32, #tpu.memory_space<vmem>>) target_semaphore(%run_scoped3A : memref<!tpu.dma_semaphore, #tpu.memory_space<semaphore_mem>>)
          %dma_wait3A_253 = tpu.memref_slice %arg3[%add3A_213] : memref<819200xi32, #tpu.memory_space<hbm>> -> memref<256xi32, #tpu.memory_space<hbm>>
          %dma_wait3A_254 = tpu.memref_slice %arg3[%add3A_213] : memref<819200xi32, #tpu.memory_space<hbm>> -> memref<256xi32, #tpu.memory_space<hbm>>
          tpu.wait_dma2 semaphore(%run_scoped3A : memref<!tpu.dma_semaphore, #tpu.memory_space<semaphore_mem>>) src(%dma_wait3A_254 : memref<256xi32, #tpu.memory_space<hbm>>) dst(%arg5 : memref<256xi32, #tpu.memory_space<vmem>>)
          tpu.yield
        }) : () -> ()
        %scan3A_214 = arith.constant 0 : i32
        %scan3A_215 = arith.constant 16 : i32
        %scan3A_216 = arith.addi %scan3A_214, %scan3A_215 : i32
        %scan3A_217 = arith.constant 1 : i32
        scf.for %scan3A_251 = %scan3A_214 to %scan3A_216 step %scan3A_217  : i32 {
          %mul3A_252 = arith.constant 1 : i32
          %mul3A_253 = arith.muli %scan3A_251, %mul3A_252 : i32
          %add3A_254 = arith.constant 0 : i32
          %add3A_255 = arith.addi %add3A_254, %mul3A_253 : i32
          %mul3A_256 = arith.constant 16 : i32
          %mul3A_257 = arith.muli %add3A_255, %mul3A_256 : i32
          %get3A = arith.index_cast %mul3A_257 : i32 to index
          %get3A_258 = tpu.vector_load %arg5[%get3A] {strides = array<i32>} : memref<256xi32, #tpu.memory_space<vmem>>, vector<16xi32>,
          %shift_right_logical3A = arith.constant 2 : i32
          %shift_right_logical3A_259 = vector.broadcast %shift_right_logical3A : i32 to vector<16xi32>
          %shift_right_logical3A_260 = arith.shrui %get3A_258, %shift_right_logical3A_259 : vector<16xi32>
          %mul3A_261 = arith.constant 16 : i32
          %mul3A_262 = arith.muli %add3A_255, %mul3A_261 : i32
          %swap3A = arith.index_cast %mul3A_262 : i32 to index
          %swap3A_263 = tpu.vector_load %arg7[%swap3A] {strides = array<i32>} : memref<256xi32, #tpu.memory_space<vmem>>, vector<16xi32>,
          tpu.vector_store %arg7[%swap3A], %shift_right_logical3A_260 {strides = array<i32>} : memref<256xi32, #tpu.memory_space<vmem>>, vector<16xi32>,
        }
        %scan3A_218 = arith.constant 16 : i32
        %dma_start3A_219 = arith.constant 0 : i32
        %dma_start3A_220 = arith.constant 0 : i32
        %dma_start3A_221 = tpu.memref_slice %arg9[%dma_start3A_219, %dma_start3A_220] : memref<256x128xf32, #tpu.memory_space<vmem>> -> memref<64x128xf32, #tpu.memory_space<vmem>>
        %dma_start3A_222 = arith.constant 0 : i32
        %dma_start3A_223 = tpu.memref_slice %arg7[%dma_start3A_222] : memref<256xi32, #tpu.memory_space<vmem>> -> memref<64xi32, #tpu.memory_space<vmem>>
        %dma_start3A_224 = arith.constant 0 : i32
        %dma_start3A_225 = arith.constant 0 : i32
        %dma_start3A_226 = tpu.memref_slice %arg2[%dma_start3A_224, %dma_start3A_225] : memref<250000x128xf32, #tpu.memory_space<hbm>> -> memref<250000x128xf32, #tpu.memory_space<hbm>>
        tpu.enqueue_indirect_dma source(%dma_start3A_226 : memref<250000x128xf32, #tpu.memory_space<hbm>>) target(%dma_start3A_221 : memref<64x128xf32, #tpu.memory_space<vmem>>) offsets(%dma_start3A_223 : memref<64xi32, #tpu.memory_space<vmem>>) semaphore(%arg12 : memref<!tpu.dma_semaphore, #tpu.memory_space<semaphore_mem>>)
        %dma_start3A_227 = arith.constant 64 : i32
        %dma_start3A_228 = arith.constant 0 : i32
        %dma_start3A_229 = tpu.memref_slice %arg9[%dma_start3A_227, %dma_start3A_228] : memref<256x128xf32, #tpu.memory_space<vmem>> -> memref<64x128xf32, #tpu.memory_space<vmem>>
        %dma_start3A_230 = arith.constant 64 : i32
        %dma_start3A_231 = tpu.memref_slice %arg7[%dma_start3A_230] : memref<256xi32, #tpu.memory_space<vmem>> -> memref<64xi32, #tpu.memory_space<vmem>>
        %dma_start3A_232 = arith.constant 0 : i32
        %dma_start3A_233 = arith.constant 0 : i32
        %dma_start3A_234 = tpu.memref_slice %arg2[%dma_start3A_232, %dma_start3A_233] : memref<250000x128xf32, #tpu.memory_space<hbm>> -> memref<250000x128xf32, #tpu.memory_space<hbm>>
        tpu.enqueue_indirect_dma source(%dma_start3A_234 : memref<250000x128xf32, #tpu.memory_space<hbm>>) target(%dma_start3A_229 : memref<64x128xf32, #tpu.memory_space<vmem>>) offsets(%dma_start3A_231 : memref<64xi32, #tpu.memory_space<vmem>>) semaphore(%arg12 : memref<!tpu.dma_semaphore, #tpu.memory_space<semaphore_mem>>)
        %dma_start3A_235 = arith.constant 128 : i32
        %dma_start3A_236 = arith.constant 0 : i32
        %dma_start3A_237 = tpu.memref_slice %arg9[%dma_start3A_235, %dma_start3A_236] : memref<256x128xf32, #tpu.memory_space<vmem>> -> memref<64x128xf32, #tpu.memory_space<vmem>>
        %dma_start3A_238 = arith.constant 128 : i32
        %dma_start3A_239 = tpu.memref_slice %arg7[%dma_start3A_238] : memref<256xi32, #tpu.memory_space<vmem>> -> memref<64xi32, #tpu.memory_space<vmem>>
        %dma_start3A_240 = arith.constant 0 : i32
        %dma_start3A_241 = arith.constant 0 : i32
        %dma_start3A_242 = tpu.memref_slice %arg2[%dma_start3A_240, %dma_start3A_241] : memref<250000x128xf32, #tpu.memory_space<hbm>> -> memref<250000x128xf32, #tpu.memory_space<hbm>>
        tpu.enqueue_indirect_dma source(%dma_start3A_242 : memref<250000x128xf32, #tpu.memory_space<hbm>>) target(%dma_start3A_237 : memref<64x128xf32, #tpu.memory_space<vmem>>) offsets(%dma_start3A_239 : memref<64xi32, #tpu.memory_space<vmem>>) semaphore(%arg12 : memref<!tpu.dma_semaphore, #tpu.memory_space<semaphore_mem>>)
        %dma_start3A_243 = arith.constant 192 : i32
        %dma_start3A_244 = arith.constant 0 : i32
        %dma_start3A_245 = tpu.memref_slice %arg9[%dma_start3A_243, %dma_start3A_244] : memref<256x128xf32, #tpu.memory_space<vmem>> -> memref<64x128xf32, #tpu.memory_space<vmem>>
        %dma_start3A_246 = arith.constant 192 : i32
        %dma_start3A_247 = tpu.memref_slice %arg7[%dma_start3A_246] : memref<256xi32, #tpu.memory_space<vmem>> -> memref<64xi32, #tpu.memory_space<vmem>>
        %dma_start3A_248 = arith.constant 0 : i32
        %dma_start3A_249 = arith.constant 0 : i32
        %dma_start3A_250 = tpu.memref_slice %arg2[%dma_start3A_248, %dma_start3A_249] : memref<250000x128xf32, #tpu.memory_space<hbm>> -> memref<250000x128xf32, #tpu.memory_space<hbm>>
        tpu.enqueue_indirect_dma source(%dma_start3A_250 : memref<250000x128xf32, #tpu.memory_space<hbm>>) target(%dma_start3A_245 : memref<64x128xf32, #tpu.memory_space<vmem>>) offsets(%dma_start3A_247 : memref<64xi32, #tpu.memory_space<vmem>>) semaphore(%arg12 : memref<!tpu.dma_semaphore, #tpu.memory_space<semaphore_mem>>)
      } else {
      }
      %add3A_152 = arith.constant 1 : i32
      %add3A_153 = arith.addi %mul3A_51, %add3A_152 : i32
      %dma_wait3A_154 = arith.constant 0 : i32
      %dma_wait3A_155 = arith.constant 0 : i32
      %dma_wait3A_156 = tpu.memref_slice %arg10[%dma_wait3A_154, %dma_wait3A_155] : memref<256x128xf32, #tpu.memory_space<vmem>> -> memref<64x128xf32, #tpu.memory_space<vmem>>
      %dma_wait3A_157 = arith.constant 0 : i32
      %dma_wait3A_158 = tpu.memref_slice %arg8[%dma_wait3A_157] : memref<256xi32, #tpu.memory_space<vmem>> -> memref<64xi32, #tpu.memory_space<vmem>>
      %dma_wait3A_159 = arith.constant 0 : i32
      %dma_wait3A_160 = arith.constant 0 : i32
      %dma_wait3A_161 = tpu.memref_slice %arg2[%dma_wait3A_159, %dma_wait3A_160] : memref<250000x128xf32, #tpu.memory_space<hbm>> -> memref<250000x128xf32, #tpu.memory_space<hbm>>
      tpu.wait_indirect_dma semaphore(%arg13 : memref<!tpu.dma_semaphore, #tpu.memory_space<semaphore_mem>>) src(%dma_wait3A_161 : memref<250000x128xf32, #tpu.memory_space<hbm>>) dst(%dma_wait3A_156 : memref<64x128xf32, #tpu.memory_space<vmem>>)
      %scan3A_162 = arith.constant 0 : i32
      %scan3A_163 = arith.constant 4 : i32
      %scan3A_164 = arith.addi %scan3A_162, %scan3A_163 : i32
      %scan3A_165 = arith.constant 1 : i32
      scf.for %scan3A_209 = %scan3A_162 to %scan3A_164 step %scan3A_165  : i32 {
        %mul3A_210 = arith.constant 1 : i32
        %mul3A_211 = arith.muli %scan3A_209, %mul3A_210 : i32
        %add3A_212 = arith.constant 0 : i32
        %add3A_213 = arith.addi %add3A_212, %mul3A_211 : i32
        %mul3A_214 = arith.constant 16 : i32
        %mul3A_215 = arith.muli %add3A_213, %mul3A_214 : i32
        %get3A = arith.index_cast %mul3A_215 : i32 to index
        %get3A_216 = tpu.vector_load %arg6[%get3A] {strides = array<i32>} : memref<256xi32, #tpu.memory_space<vmem>>, vector<16xi32>,
        %and3A = arith.constant 3 : i32
        %and3A_217 = vector.broadcast %and3A : i32 to vector<16xi32>
        %and3A_218 = arith.andi %get3A_216, %and3A_217 : vector<16xi32>
        %shift_left3A = arith.constant 5 : i32
        %shift_left3A_219 = vector.broadcast %shift_left3A : i32 to vector<16xi32>
        %shift_left3A_220 = arith.shli %and3A_218, %shift_left3A_219 : vector<16xi32>
        %mul3A_221 = arith.constant 16 : i32
        %mul3A_222 = arith.muli %add3A_213, %mul3A_221 : i32
        %add3A_223 = vector.broadcast %mul3A_222 : i32 to vector<16xi32>
        %add3A_224 = arith.addi %add3A_223, %iota3A : vector<16xi32>
        %add3A_225 = arith.constant 0 : i32
        %add3A_226 = vector.broadcast %add3A_225 : i32 to vector<16xi32>
        %add3A_227 = arith.addi %shift_left3A_220, %add3A_226 : vector<16xi32>
        %gather3A = tpu.vector_load_idx %arg10[%add3A_224, %add3A_227] : memref<256x128xf32, #tpu.memory_space<vmem>>[vector<16xi32>, vector<16xi32>], vector<16xf32>,
        %add3A_228 = arith.constant 1 : i32
        %add3A_229 = vector.broadcast %add3A_228 : i32 to vector<16xi32>
        %add3A_230 = arith.addi %shift_left3A_220, %add3A_229 : vector<16xi32>
        %gather3A_231 = tpu.vector_load_idx %arg10[%add3A_224, %add3A_230] : memref<256x128xf32, #tpu.memory_space<vmem>>[vector<16xi32>, vector<16xi32>], vector<16xf32>,
        %add3A_232 = arith.constant 2 : i32
        %add3A_233 = vector.broadcast %add3A_232 : i32 to vector<16xi32>
        %add3A_234 = arith.addi %shift_left3A_220, %add3A_233 : vector<16xi32>
        %gather3A_235 = tpu.vector_load_idx %arg10[%add3A_224, %add3A_234] : memref<256x128xf32, #tpu.memory_space<vmem>>[vector<16xi32>, vector<16xi32>], vector<16xf32>,
        %add3A_236 = arith.constant 3 : i32
        %add3A_237 = vector.broadcast %add3A_236 : i32 to vector<16xi32>
        %add3A_238 = arith.addi %shift_left3A_220, %add3A_237 : vector<16xi32>
        %gather3A_239 = tpu.vector_load_idx %arg10[%add3A_224, %add3A_238] : memref<256x128xf32, #tpu.memory_space<vmem>>[vector<16xi32>, vector<16xi32>], vector<16xf32>,
        %add3A_240 = arith.constant 4 : i32
        %add3A_241 = vector.broadcast %add3A_240 : i32 to vector<16xi32>
        %add3A_242 = arith.addi %shift_left3A_220, %add3A_241 : vector<16xi32>
        %gather3A_243 = tpu.vector_load_idx %arg10[%add3A_224, %add3A_242] : memref<256x128xf32, #tpu.memory_space<vmem>>[vector<16xi32>, vector<16xi32>], vector<16xf32>,
        %add3A_244 = arith.constant 5 : i32
        %add3A_245 = vector.broadcast %add3A_244 : i32 to vector<16xi32>
        %add3A_246 = arith.addi %shift_left3A_220, %add3A_245 : vector<16xi32>
        %gather3A_247 = tpu.vector_load_idx %arg10[%add3A_224, %add3A_246] : memref<256x128xf32, #tpu.memory_space<vmem>>[vector<16xi32>, vector<16xi32>], vector<16xf32>,
        %add3A_248 = arith.constant 6 : i32
        %add3A_249 = vector.broadcast %add3A_248 : i32 to vector<16xi32>
        %add3A_250 = arith.addi %shift_left3A_220, %add3A_249 : vector<16xi32>
        %gather3A_251 = tpu.vector_load_idx %arg10[%add3A_224, %add3A_250] : memref<256x128xf32, #tpu.memory_space<vmem>>[vector<16xi32>, vector<16xi32>], vector<16xf32>,
        %add3A_252 = arith.constant 7 : i32
        %add3A_253 = vector.broadcast %add3A_252 : i32 to vector<16xi32>
        %add3A_254 = arith.addi %shift_left3A_220, %add3A_253 : vector<16xi32>
        %gather3A_255 = tpu.vector_load_idx %arg10[%add3A_224, %add3A_254] : memref<256x128xf32, #tpu.memory_space<vmem>>[vector<16xi32>, vector<16xi32>], vector<16xf32>,
        %add3A_256 = arith.constant 8 : i32
        %add3A_257 = vector.broadcast %add3A_256 : i32 to vector<16xi32>
        %add3A_258 = arith.addi %shift_left3A_220, %add3A_257 : vector<16xi32>
        %gather3A_259 = tpu.vector_load_idx %arg10[%add3A_224, %add3A_258] : memref<256x128xf32, #tpu.memory_space<vmem>>[vector<16xi32>, vector<16xi32>], vector<16xf32>,
        %add3A_260 = arith.constant 9 : i32
        %add3A_261 = vector.broadcast %add3A_260 : i32 to vector<16xi32>
        %add3A_262 = arith.addi %shift_left3A_220, %add3A_261 : vector<16xi32>
        %gather3A_263 = tpu.vector_load_idx %arg10[%add3A_224, %add3A_262] : memref<256x128xf32, #tpu.memory_space<vmem>>[vector<16xi32>, vector<16xi32>], vector<16xf32>,
        %add3A_264 = arith.constant 10 : i32
        %add3A_265 = vector.broadcast %add3A_264 : i32 to vector<16xi32>
        %add3A_266 = arith.addi %shift_left3A_220, %add3A_265 : vector<16xi32>
        %gather3A_267 = tpu.vector_load_idx %arg10[%add3A_224, %add3A_266] : memref<256x128xf32, #tpu.memory_space<vmem>>[vector<16xi32>, vector<16xi32>], vector<16xf32>,
        %add3A_268 = arith.constant 11 : i32
        %add3A_269 = vector.broadcast %add3A_268 : i32 to vector<16xi32>
        %add3A_270 = arith.addi %shift_left3A_220, %add3A_269 : vector<16xi32>
        %gather3A_271 = tpu.vector_load_idx %arg10[%add3A_224, %add3A_270] : memref<256x128xf32, #tpu.memory_space<vmem>>[vector<16xi32>, vector<16xi32>], vector<16xf32>,
        %add3A_272 = arith.constant 12 : i32
        %add3A_273 = vector.broadcast %add3A_272 : i32 to vector<16xi32>
        %add3A_274 = arith.addi %shift_left3A_220, %add3A_273 : vector<16xi32>
        %gather3A_275 = tpu.vector_load_idx %arg10[%add3A_224, %add3A_274] : memref<256x128xf32, #tpu.memory_space<vmem>>[vector<16xi32>, vector<16xi32>], vector<16xf32>,
        %add3A_276 = arith.constant 13 : i32
        %add3A_277 = vector.broadcast %add3A_276 : i32 to vector<16xi32>
        %add3A_278 = arith.addi %shift_left3A_220, %add3A_277 : vector<16xi32>
        %gather3A_279 = tpu.vector_load_idx %arg10[%add3A_224, %add3A_278] : memref<256x128xf32, #tpu.memory_space<vmem>>[vector<16xi32>, vector<16xi32>], vector<16xf32>,
        %add3A_280 = arith.constant 14 : i32
        %add3A_281 = vector.broadcast %add3A_280 : i32 to vector<16xi32>
        %add3A_282 = arith.addi %shift_left3A_220, %add3A_281 : vector<16xi32>
        %gather3A_283 = tpu.vector_load_idx %arg10[%add3A_224, %add3A_282] : memref<256x128xf32, #tpu.memory_space<vmem>>[vector<16xi32>, vector<16xi32>], vector<16xf32>,
        %add3A_284 = arith.constant 15 : i32
        %add3A_285 = vector.broadcast %add3A_284 : i32 to vector<16xi32>
        %add3A_286 = arith.addi %shift_left3A_220, %add3A_285 : vector<16xi32>
        %gather3A_287 = tpu.vector_load_idx %arg10[%add3A_224, %add3A_286] : memref<256x128xf32, #tpu.memory_space<vmem>>[vector<16xi32>, vector<16xi32>], vector<16xf32>,
        %add3A_288 = arith.constant 16 : i32
        %add3A_289 = vector.broadcast %add3A_288 : i32 to vector<16xi32>
        %add3A_290 = arith.addi %shift_left3A_220, %add3A_289 : vector<16xi32>
        %gather3A_291 = tpu.vector_load_idx %arg10[%add3A_224, %add3A_290] : memref<256x128xf32, #tpu.memory_space<vmem>>[vector<16xi32>, vector<16xi32>], vector<16xf32>,
        %add3A_292 = arith.constant 17 : i32
        %add3A_293 = vector.broadcast %add3A_292 : i32 to vector<16xi32>
        %add3A_294 = arith.addi %shift_left3A_220, %add3A_293 : vector<16xi32>
        %gather3A_295 = tpu.vector_load_idx %arg10[%add3A_224, %add3A_294] : memref<256x128xf32, #tpu.memory_space<vmem>>[vector<16xi32>, vector<16xi32>], vector<16xf32>,
        %add3A_296 = arith.constant 18 : i32
        %add3A_297 = vector.broadcast %add3A_296 : i32 to vector<16xi32>
        %add3A_298 = arith.addi %shift_left3A_220, %add3A_297 : vector<16xi32>
        %gather3A_299 = tpu.vector_load_idx %arg10[%add3A_224, %add3A_298] : memref<256x128xf32, #tpu.memory_space<vmem>>[vector<16xi32>, vector<16xi32>], vector<16xf32>,
        %add3A_300 = arith.constant 19 : i32
        %add3A_301 = vector.broadcast %add3A_300 : i32 to vector<16xi32>
        %add3A_302 = arith.addi %shift_left3A_220, %add3A_301 : vector<16xi32>
        %gather3A_303 = tpu.vector_load_idx %arg10[%add3A_224, %add3A_302] : memref<256x128xf32, #tpu.memory_space<vmem>>[vector<16xi32>, vector<16xi32>], vector<16xf32>,
        %add3A_304 = arith.constant 20 : i32
        %add3A_305 = vector.broadcast %add3A_304 : i32 to vector<16xi32>
        %add3A_306 = arith.addi %shift_left3A_220, %add3A_305 : vector<16xi32>
        %gather3A_307 = tpu.vector_load_idx %arg10[%add3A_224, %add3A_306] : memref<256x128xf32, #tpu.memory_space<vmem>>[vector<16xi32>, vector<16xi32>], vector<16xf32>,
        %add3A_308 = arith.constant 21 : i32
        %add3A_309 = vector.broadcast %add3A_308 : i32 to vector<16xi32>
        %add3A_310 = arith.addi %shift_left3A_220, %add3A_309 : vector<16xi32>
        %gather3A_311 = tpu.vector_load_idx %arg10[%add3A_224, %add3A_310] : memref<256x128xf32, #tpu.memory_space<vmem>>[vector<16xi32>, vector<16xi32>], vector<16xf32>,
        %add3A_312 = arith.constant 22 : i32
        %add3A_313 = vector.broadcast %add3A_312 : i32 to vector<16xi32>
        %add3A_314 = arith.addi %shift_left3A_220, %add3A_313 : vector<16xi32>
        %gather3A_315 = tpu.vector_load_idx %arg10[%add3A_224, %add3A_314] : memref<256x128xf32, #tpu.memory_space<vmem>>[vector<16xi32>, vector<16xi32>], vector<16xf32>,
        %add3A_316 = arith.constant 23 : i32
        %add3A_317 = vector.broadcast %add3A_316 : i32 to vector<16xi32>
        %add3A_318 = arith.addi %shift_left3A_220, %add3A_317 : vector<16xi32>
        %gather3A_319 = tpu.vector_load_idx %arg10[%add3A_224, %add3A_318] : memref<256x128xf32, #tpu.memory_space<vmem>>[vector<16xi32>, vector<16xi32>], vector<16xf32>,
        %add3A_320 = arith.constant 24 : i32
        %add3A_321 = vector.broadcast %add3A_320 : i32 to vector<16xi32>
        %add3A_322 = arith.addi %shift_left3A_220, %add3A_321 : vector<16xi32>
        %gather3A_323 = tpu.vector_load_idx %arg10[%add3A_224, %add3A_322] : memref<256x128xf32, #tpu.memory_space<vmem>>[vector<16xi32>, vector<16xi32>], vector<16xf32>,
        %add3A_324 = arith.constant 25 : i32
        %add3A_325 = vector.broadcast %add3A_324 : i32 to vector<16xi32>
        %add3A_326 = arith.addi %shift_left3A_220, %add3A_325 : vector<16xi32>
        %gather3A_327 = tpu.vector_load_idx %arg10[%add3A_224, %add3A_326] : memref<256x128xf32, #tpu.memory_space<vmem>>[vector<16xi32>, vector<16xi32>], vector<16xf32>,
        %add3A_328 = arith.constant 26 : i32
        %add3A_329 = vector.broadcast %add3A_328 : i32 to vector<16xi32>
        %add3A_330 = arith.addi %shift_left3A_220, %add3A_329 : vector<16xi32>
        %gather3A_331 = tpu.vector_load_idx %arg10[%add3A_224, %add3A_330] : memref<256x128xf32, #tpu.memory_space<vmem>>[vector<16xi32>, vector<16xi32>], vector<16xf32>,
        %add3A_332 = arith.constant 27 : i32
        %add3A_333 = vector.broadcast %add3A_332 : i32 to vector<16xi32>
        %add3A_334 = arith.addi %shift_left3A_220, %add3A_333 : vector<16xi32>
        %gather3A_335 = tpu.vector_load_idx %arg10[%add3A_224, %add3A_334] : memref<256x128xf32, #tpu.memory_space<vmem>>[vector<16xi32>, vector<16xi32>], vector<16xf32>,
        %add3A_336 = arith.constant 28 : i32
        %add3A_337 = vector.broadcast %add3A_336 : i32 to vector<16xi32>
        %add3A_338 = arith.addi %shift_left3A_220, %add3A_337 : vector<16xi32>
        %gather3A_339 = tpu.vector_load_idx %arg10[%add3A_224, %add3A_338] : memref<256x128xf32, #tpu.memory_space<vmem>>[vector<16xi32>, vector<16xi32>], vector<16xf32>,
        %add3A_340 = arith.constant 29 : i32
        %add3A_341 = vector.broadcast %add3A_340 : i32 to vector<16xi32>
        %add3A_342 = arith.addi %shift_left3A_220, %add3A_341 : vector<16xi32>
        %gather3A_343 = tpu.vector_load_idx %arg10[%add3A_224, %add3A_342] : memref<256x128xf32, #tpu.memory_space<vmem>>[vector<16xi32>, vector<16xi32>], vector<16xf32>,
        %add3A_344 = arith.constant 30 : i32
        %add3A_345 = vector.broadcast %add3A_344 : i32 to vector<16xi32>
        %add3A_346 = arith.addi %shift_left3A_220, %add3A_345 : vector<16xi32>
        %gather3A_347 = tpu.vector_load_idx %arg10[%add3A_224, %add3A_346] : memref<256x128xf32, #tpu.memory_space<vmem>>[vector<16xi32>, vector<16xi32>], vector<16xf32>,
        %add3A_348 = arith.constant 31 : i32
        %add3A_349 = vector.broadcast %add3A_348 : i32 to vector<16xi32>
        %add3A_350 = arith.addi %shift_left3A_220, %add3A_349 : vector<16xi32>
        %gather3A_351 = tpu.vector_load_idx %arg10[%add3A_224, %add3A_350] : memref<256x128xf32, #tpu.memory_space<vmem>>[vector<16xi32>, vector<16xi32>], vector<16xf32>,
        %broadcast_in_dim3A = arith.constant 0 : i32
        %broadcast_in_dim3A_352 = vector.broadcast %broadcast_in_dim3A : i32 to vector<16xi32>
        tpu.vector_store_idx %arg11[%add3A_224, %broadcast_in_dim3A_352], %gather3A : memref<256x32xf32, #tpu.memory_space<vmem>>[vector<16xi32>, vector<16xi32>], vector<16xf32>,
        %broadcast_in_dim3A_353 = arith.constant 1 : i32
        %broadcast_in_dim3A_354 = vector.broadcast %broadcast_in_dim3A_353 : i32 to vector<16xi32>
        tpu.vector_store_idx %arg11[%add3A_224, %broadcast_in_dim3A_354], %gather3A_231 : memref<256x32xf32, #tpu.memory_space<vmem>>[vector<16xi32>, vector<16xi32>], vector<16xf32>,
        %broadcast_in_dim3A_355 = arith.constant 2 : i32
        %broadcast_in_dim3A_356 = vector.broadcast %broadcast_in_dim3A_355 : i32 to vector<16xi32>
        tpu.vector_store_idx %arg11[%add3A_224, %broadcast_in_dim3A_356], %gather3A_235 : memref<256x32xf32, #tpu.memory_space<vmem>>[vector<16xi32>, vector<16xi32>], vector<16xf32>,
        %broadcast_in_dim3A_357 = arith.constant 3 : i32
        %broadcast_in_dim3A_358 = vector.broadcast %broadcast_in_dim3A_357 : i32 to vector<16xi32>
        tpu.vector_store_idx %arg11[%add3A_224, %broadcast_in_dim3A_358], %gather3A_239 : memref<256x32xf32, #tpu.memory_space<vmem>>[vector<16xi32>, vector<16xi32>], vector<16xf32>,
        %broadcast_in_dim3A_359 = arith.constant 4 : i32
        %broadcast_in_dim3A_360 = vector.broadcast %broadcast_in_dim3A_359 : i32 to vector<16xi32>
        tpu.vector_store_idx %arg11[%add3A_224, %broadcast_in_dim3A_360], %gather3A_243 : memref<256x32xf32, #tpu.memory_space<vmem>>[vector<16xi32>, vector<16xi32>], vector<16xf32>,
        %broadcast_in_dim3A_361 = arith.constant 5 : i32
        %broadcast_in_dim3A_362 = vector.broadcast %broadcast_in_dim3A_361 : i32 to vector<16xi32>
        tpu.vector_store_idx %arg11[%add3A_224, %broadcast_in_dim3A_362], %gather3A_247 : memref<256x32xf32, #tpu.memory_space<vmem>>[vector<16xi32>, vector<16xi32>], vector<16xf32>,
        %broadcast_in_dim3A_363 = arith.constant 6 : i32
        %broadcast_in_dim3A_364 = vector.broadcast %broadcast_in_dim3A_363 : i32 to vector<16xi32>
        tpu.vector_store_idx %arg11[%add3A_224, %broadcast_in_dim3A_364], %gather3A_251 : memref<256x32xf32, #tpu.memory_space<vmem>>[vector<16xi32>, vector<16xi32>], vector<16xf32>,
        %broadcast_in_dim3A_365 = arith.constant 7 : i32
        %broadcast_in_dim3A_366 = vector.broadcast %broadcast_in_dim3A_365 : i32 to vector<16xi32>
        tpu.vector_store_idx %arg11[%add3A_224, %broadcast_in_dim3A_366], %gather3A_255 : memref<256x32xf32, #tpu.memory_space<vmem>>[vector<16xi32>, vector<16xi32>], vector<16xf32>,
        %broadcast_in_dim3A_367 = arith.constant 8 : i32
        %broadcast_in_dim3A_368 = vector.broadcast %broadcast_in_dim3A_367 : i32 to vector<16xi32>
        tpu.vector_store_idx %arg11[%add3A_224, %broadcast_in_dim3A_368], %gather3A_259 : memref<256x32xf32, #tpu.memory_space<vmem>>[vector<16xi32>, vector<16xi32>], vector<16xf32>,
        %broadcast_in_dim3A_369 = arith.constant 9 : i32
        %broadcast_in_dim3A_370 = vector.broadcast %broadcast_in_dim3A_369 : i32 to vector<16xi32>
        tpu.vector_store_idx %arg11[%add3A_224, %broadcast_in_dim3A_370], %gather3A_263 : memref<256x32xf32, #tpu.memory_space<vmem>>[vector<16xi32>, vector<16xi32>], vector<16xf32>,
        %broadcast_in_dim3A_371 = arith.constant 10 : i32
        %broadcast_in_dim3A_372 = vector.broadcast %broadcast_in_dim3A_371 : i32 to vector<16xi32>
        tpu.vector_store_idx %arg11[%add3A_224, %broadcast_in_dim3A_372], %gather3A_267 : memref<256x32xf32, #tpu.memory_space<vmem>>[vector<16xi32>, vector<16xi32>], vector<16xf32>,
        %broadcast_in_dim3A_373 = arith.constant 11 : i32
        %broadcast_in_dim3A_374 = vector.broadcast %broadcast_in_dim3A_373 : i32 to vector<16xi32>
        tpu.vector_store_idx %arg11[%add3A_224, %broadcast_in_dim3A_374], %gather3A_271 : memref<256x32xf32, #tpu.memory_space<vmem>>[vector<16xi32>, vector<16xi32>], vector<16xf32>,
        %broadcast_in_dim3A_375 = arith.constant 12 : i32
        %broadcast_in_dim3A_376 = vector.broadcast %broadcast_in_dim3A_375 : i32 to vector<16xi32>
        tpu.vector_store_idx %arg11[%add3A_224, %broadcast_in_dim3A_376], %gather3A_275 : memref<256x32xf32, #tpu.memory_space<vmem>>[vector<16xi32>, vector<16xi32>], vector<16xf32>,
        %broadcast_in_dim3A_377 = arith.constant 13 : i32
        %broadcast_in_dim3A_378 = vector.broadcast %broadcast_in_dim3A_377 : i32 to vector<16xi32>
        tpu.vector_store_idx %arg11[%add3A_224, %broadcast_in_dim3A_378], %gather3A_279 : memref<256x32xf32, #tpu.memory_space<vmem>>[vector<16xi32>, vector<16xi32>], vector<16xf32>,
        %broadcast_in_dim3A_379 = arith.constant 14 : i32
        %broadcast_in_dim3A_380 = vector.broadcast %broadcast_in_dim3A_379 : i32 to vector<16xi32>
        tpu.vector_store_idx %arg11[%add3A_224, %broadcast_in_dim3A_380], %gather3A_283 : memref<256x32xf32, #tpu.memory_space<vmem>>[vector<16xi32>, vector<16xi32>], vector<16xf32>,
        %broadcast_in_dim3A_381 = arith.constant 15 : i32
        %broadcast_in_dim3A_382 = vector.broadcast %broadcast_in_dim3A_381 : i32 to vector<16xi32>
        tpu.vector_store_idx %arg11[%add3A_224, %broadcast_in_dim3A_382], %gather3A_287 : memref<256x32xf32, #tpu.memory_space<vmem>>[vector<16xi32>, vector<16xi32>], vector<16xf32>,
        %broadcast_in_dim3A_383 = arith.constant 16 : i32
        %broadcast_in_dim3A_384 = vector.broadcast %broadcast_in_dim3A_383 : i32 to vector<16xi32>
        tpu.vector_store_idx %arg11[%add3A_224, %broadcast_in_dim3A_384], %gather3A_291 : memref<256x32xf32, #tpu.memory_space<vmem>>[vector<16xi32>, vector<16xi32>], vector<16xf32>,
        %broadcast_in_dim3A_385 = arith.constant 17 : i32
        %broadcast_in_dim3A_386 = vector.broadcast %broadcast_in_dim3A_385 : i32 to vector<16xi32>
        tpu.vector_store_idx %arg11[%add3A_224, %broadcast_in_dim3A_386], %gather3A_295 : memref<256x32xf32, #tpu.memory_space<vmem>>[vector<16xi32>, vector<16xi32>], vector<16xf32>,
        %broadcast_in_dim3A_387 = arith.constant 18 : i32
        %broadcast_in_dim3A_388 = vector.broadcast %broadcast_in_dim3A_387 : i32 to vector<16xi32>
        tpu.vector_store_idx %arg11[%add3A_224, %broadcast_in_dim3A_388], %gather3A_299 : memref<256x32xf32, #tpu.memory_space<vmem>>[vector<16xi32>, vector<16xi32>], vector<16xf32>,
        %broadcast_in_dim3A_389 = arith.constant 19 : i32
        %broadcast_in_dim3A_390 = vector.broadcast %broadcast_in_dim3A_389 : i32 to vector<16xi32>
        tpu.vector_store_idx %arg11[%add3A_224, %broadcast_in_dim3A_390], %gather3A_303 : memref<256x32xf32, #tpu.memory_space<vmem>>[vector<16xi32>, vector<16xi32>], vector<16xf32>,
        %broadcast_in_dim3A_391 = arith.constant 20 : i32
        %broadcast_in_dim3A_392 = vector.broadcast %broadcast_in_dim3A_391 : i32 to vector<16xi32>
        tpu.vector_store_idx %arg11[%add3A_224, %broadcast_in_dim3A_392], %gather3A_307 : memref<256x32xf32, #tpu.memory_space<vmem>>[vector<16xi32>, vector<16xi32>], vector<16xf32>,
        %broadcast_in_dim3A_393 = arith.constant 21 : i32
        %broadcast_in_dim3A_394 = vector.broadcast %broadcast_in_dim3A_393 : i32 to vector<16xi32>
        tpu.vector_store_idx %arg11[%add3A_224, %broadcast_in_dim3A_394], %gather3A_311 : memref<256x32xf32, #tpu.memory_space<vmem>>[vector<16xi32>, vector<16xi32>], vector<16xf32>,
        %broadcast_in_dim3A_395 = arith.constant 22 : i32
        %broadcast_in_dim3A_396 = vector.broadcast %broadcast_in_dim3A_395 : i32 to vector<16xi32>
        tpu.vector_store_idx %arg11[%add3A_224, %broadcast_in_dim3A_396], %gather3A_315 : memref<256x32xf32, #tpu.memory_space<vmem>>[vector<16xi32>, vector<16xi32>], vector<16xf32>,
        %broadcast_in_dim3A_397 = arith.constant 23 : i32
        %broadcast_in_dim3A_398 = vector.broadcast %broadcast_in_dim3A_397 : i32 to vector<16xi32>
        tpu.vector_store_idx %arg11[%add3A_224, %broadcast_in_dim3A_398], %gather3A_319 : memref<256x32xf32, #tpu.memory_space<vmem>>[vector<16xi32>, vector<16xi32>], vector<16xf32>,
        %broadcast_in_dim3A_399 = arith.constant 24 : i32
        %broadcast_in_dim3A_400 = vector.broadcast %broadcast_in_dim3A_399 : i32 to vector<16xi32>
        tpu.vector_store_idx %arg11[%add3A_224, %broadcast_in_dim3A_400], %gather3A_323 : memref<256x32xf32, #tpu.memory_space<vmem>>[vector<16xi32>, vector<16xi32>], vector<16xf32>,
        %broadcast_in_dim3A_401 = arith.constant 25 : i32
        %broadcast_in_dim3A_402 = vector.broadcast %broadcast_in_dim3A_401 : i32 to vector<16xi32>
        tpu.vector_store_idx %arg11[%add3A_224, %broadcast_in_dim3A_402], %gather3A_327 : memref<256x32xf32, #tpu.memory_space<vmem>>[vector<16xi32>, vector<16xi32>], vector<16xf32>,
        %broadcast_in_dim3A_403 = arith.constant 26 : i32
        %broadcast_in_dim3A_404 = vector.broadcast %broadcast_in_dim3A_403 : i32 to vector<16xi32>
        tpu.vector_store_idx %arg11[%add3A_224, %broadcast_in_dim3A_404], %gather3A_331 : memref<256x32xf32, #tpu.memory_space<vmem>>[vector<16xi32>, vector<16xi32>], vector<16xf32>,
        %broadcast_in_dim3A_405 = arith.constant 27 : i32
        %broadcast_in_dim3A_406 = vector.broadcast %broadcast_in_dim3A_405 : i32 to vector<16xi32>
        tpu.vector_store_idx %arg11[%add3A_224, %broadcast_in_dim3A_406], %gather3A_335 : memref<256x32xf32, #tpu.memory_space<vmem>>[vector<16xi32>, vector<16xi32>], vector<16xf32>,
        %broadcast_in_dim3A_407 = arith.constant 28 : i32
        %broadcast_in_dim3A_408 = vector.broadcast %broadcast_in_dim3A_407 : i32 to vector<16xi32>
        tpu.vector_store_idx %arg11[%add3A_224, %broadcast_in_dim3A_408], %gather3A_339 : memref<256x32xf32, #tpu.memory_space<vmem>>[vector<16xi32>, vector<16xi32>], vector<16xf32>,
        %broadcast_in_dim3A_409 = arith.constant 29 : i32
        %broadcast_in_dim3A_410 = vector.broadcast %broadcast_in_dim3A_409 : i32 to vector<16xi32>
        tpu.vector_store_idx %arg11[%add3A_224, %broadcast_in_dim3A_410], %gather3A_343 : memref<256x32xf32, #tpu.memory_space<vmem>>[vector<16xi32>, vector<16xi32>], vector<16xf32>,
        %broadcast_in_dim3A_411 = arith.constant 30 : i32
        %broadcast_in_dim3A_412 = vector.broadcast %broadcast_in_dim3A_411 : i32 to vector<16xi32>
        tpu.vector_store_idx %arg11[%add3A_224, %broadcast_in_dim3A_412], %gather3A_347 : memref<256x32xf32, #tpu.memory_space<vmem>>[vector<16xi32>, vector<16xi32>], vector<16xf32>,
        %broadcast_in_dim3A_413 = arith.constant 31 : i32
        %broadcast_in_dim3A_414 = vector.broadcast %broadcast_in_dim3A_413 : i32 to vector<16xi32>
        tpu.vector_store_idx %arg11[%add3A_224, %broadcast_in_dim3A_414], %gather3A_351 : memref<256x32xf32, #tpu.memory_space<vmem>>[vector<16xi32>, vector<16xi32>], vector<16xf32>,
      }
      %scan3A_166 = arith.constant 4 : i32
      %dma_wait3A_167 = arith.constant 64 : i32
      %dma_wait3A_168 = arith.constant 0 : i32
      %dma_wait3A_169 = tpu.memref_slice %arg10[%dma_wait3A_167, %dma_wait3A_168] : memref<256x128xf32, #tpu.memory_space<vmem>> -> memref<64x128xf32, #tpu.memory_space<vmem>>
      %dma_wait3A_170 = arith.constant 64 : i32
      %dma_wait3A_171 = tpu.memref_slice %arg8[%dma_wait3A_170] : memref<256xi32, #tpu.memory_space<vmem>> -> memref<64xi32, #tpu.memory_space<vmem>>
      %dma_wait3A_172 = arith.constant 0 : i32
      %dma_wait3A_173 = arith.constant 0 : i32
      %dma_wait3A_174 = tpu.memref_slice %arg2[%dma_wait3A_172, %dma_wait3A_173] : memref<250000x128xf32, #tpu.memory_space<hbm>> -> memref<250000x128xf32, #tpu.memory_space<hbm>>
      tpu.wait_indirect_dma semaphore(%arg13 : memref<!tpu.dma_semaphore, #tpu.memory_space<semaphore_mem>>) src(%dma_wait3A_174 : memref<250000x128xf32, #tpu.memory_space<hbm>>) dst(%dma_wait3A_169 : memref<64x128xf32, #tpu.memory_space<vmem>>)
      %scan3A_175 = arith.constant 0 : i32
      %scan3A_176 = arith.constant 4 : i32
      %scan3A_177 = arith.addi %scan3A_175, %scan3A_176 : i32
      %scan3A_178 = arith.constant 1 : i32
      scf.for %scan3A_209 = %scan3A_175 to %scan3A_177 step %scan3A_178  : i32 {
        %mul3A_210 = arith.constant 1 : i32
        %mul3A_211 = arith.muli %scan3A_209, %mul3A_210 : i32
        %add3A_212 = arith.constant 4 : i32
        %add3A_213 = arith.addi %add3A_212, %mul3A_211 : i32
        %mul3A_214 = arith.constant 16 : i32
        %mul3A_215 = arith.muli %add3A_213, %mul3A_214 : i32
        %get3A = arith.index_cast %mul3A_215 : i32 to index
        %get3A_216 = tpu.vector_load %arg6[%get3A] {strides = array<i32>} : memref<256xi32, #tpu.memory_space<vmem>>, vector<16xi32>,
        %and3A = arith.constant 3 : i32
        %and3A_217 = vector.broadcast %and3A : i32 to vector<16xi32>
        %and3A_218 = arith.andi %get3A_216, %and3A_217 : vector<16xi32>
        %shift_left3A = arith.constant 5 : i32
        %shift_left3A_219 = vector.broadcast %shift_left3A : i32 to vector<16xi32>
        %shift_left3A_220 = arith.shli %and3A_218, %shift_left3A_219 : vector<16xi32>
        %mul3A_221 = arith.constant 16 : i32
        %mul3A_222 = arith.muli %add3A_213, %mul3A_221 : i32
        %add3A_223 = vector.broadcast %mul3A_222 : i32 to vector<16xi32>
        %add3A_224 = arith.addi %add3A_223, %iota3A : vector<16xi32>
        %add3A_225 = arith.constant 0 : i32
        %add3A_226 = vector.broadcast %add3A_225 : i32 to vector<16xi32>
        %add3A_227 = arith.addi %shift_left3A_220, %add3A_226 : vector<16xi32>
        %gather3A = tpu.vector_load_idx %arg10[%add3A_224, %add3A_227] : memref<256x128xf32, #tpu.memory_space<vmem>>[vector<16xi32>, vector<16xi32>], vector<16xf32>,
        %add3A_228 = arith.constant 1 : i32
        %add3A_229 = vector.broadcast %add3A_228 : i32 to vector<16xi32>
        %add3A_230 = arith.addi %shift_left3A_220, %add3A_229 : vector<16xi32>
        %gather3A_231 = tpu.vector_load_idx %arg10[%add3A_224, %add3A_230] : memref<256x128xf32, #tpu.memory_space<vmem>>[vector<16xi32>, vector<16xi32>], vector<16xf32>,
        %add3A_232 = arith.constant 2 : i32
        %add3A_233 = vector.broadcast %add3A_232 : i32 to vector<16xi32>
        %add3A_234 = arith.addi %shift_left3A_220, %add3A_233 : vector<16xi32>
        %gather3A_235 = tpu.vector_load_idx %arg10[%add3A_224, %add3A_234] : memref<256x128xf32, #tpu.memory_space<vmem>>[vector<16xi32>, vector<16xi32>], vector<16xf32>,
        %add3A_236 = arith.constant 3 : i32
        %add3A_237 = vector.broadcast %add3A_236 : i32 to vector<16xi32>
        %add3A_238 = arith.addi %shift_left3A_220, %add3A_237 : vector<16xi32>
        %gather3A_239 = tpu.vector_load_idx %arg10[%add3A_224, %add3A_238] : memref<256x128xf32, #tpu.memory_space<vmem>>[vector<16xi32>, vector<16xi32>], vector<16xf32>,
        %add3A_240 = arith.constant 4 : i32
        %add3A_241 = vector.broadcast %add3A_240 : i32 to vector<16xi32>
        %add3A_242 = arith.addi %shift_left3A_220, %add3A_241 : vector<16xi32>
        %gather3A_243 = tpu.vector_load_idx %arg10[%add3A_224, %add3A_242] : memref<256x128xf32, #tpu.memory_space<vmem>>[vector<16xi32>, vector<16xi32>], vector<16xf32>,
        %add3A_244 = arith.constant 5 : i32
        %add3A_245 = vector.broadcast %add3A_244 : i32 to vector<16xi32>
        %add3A_246 = arith.addi %shift_left3A_220, %add3A_245 : vector<16xi32>
        %gather3A_247 = tpu.vector_load_idx %arg10[%add3A_224, %add3A_246] : memref<256x128xf32, #tpu.memory_space<vmem>>[vector<16xi32>, vector<16xi32>], vector<16xf32>,
        %add3A_248 = arith.constant 6 : i32
        %add3A_249 = vector.broadcast %add3A_248 : i32 to vector<16xi32>
        %add3A_250 = arith.addi %shift_left3A_220, %add3A_249 : vector<16xi32>
        %gather3A_251 = tpu.vector_load_idx %arg10[%add3A_224, %add3A_250] : memref<256x128xf32, #tpu.memory_space<vmem>>[vector<16xi32>, vector<16xi32>], vector<16xf32>,
        %add3A_252 = arith.constant 7 : i32
        %add3A_253 = vector.broadcast %add3A_252 : i32 to vector<16xi32>
        %add3A_254 = arith.addi %shift_left3A_220, %add3A_253 : vector<16xi32>
        %gather3A_255 = tpu.vector_load_idx %arg10[%add3A_224, %add3A_254] : memref<256x128xf32, #tpu.memory_space<vmem>>[vector<16xi32>, vector<16xi32>], vector<16xf32>,
        %add3A_256 = arith.constant 8 : i32
        %add3A_257 = vector.broadcast %add3A_256 : i32 to vector<16xi32>
        %add3A_258 = arith.addi %shift_left3A_220, %add3A_257 : vector<16xi32>
        %gather3A_259 = tpu.vector_load_idx %arg10[%add3A_224, %add3A_258] : memref<256x128xf32, #tpu.memory_space<vmem>>[vector<16xi32>, vector<16xi32>], vector<16xf32>,
        %add3A_260 = arith.constant 9 : i32
        %add3A_261 = vector.broadcast %add3A_260 : i32 to vector<16xi32>
        %add3A_262 = arith.addi %shift_left3A_220, %add3A_261 : vector<16xi32>
        %gather3A_263 = tpu.vector_load_idx %arg10[%add3A_224, %add3A_262] : memref<256x128xf32, #tpu.memory_space<vmem>>[vector<16xi32>, vector<16xi32>], vector<16xf32>,
        %add3A_264 = arith.constant 10 : i32
        %add3A_265 = vector.broadcast %add3A_264 : i32 to vector<16xi32>
        %add3A_266 = arith.addi %shift_left3A_220, %add3A_265 : vector<16xi32>
        %gather3A_267 = tpu.vector_load_idx %arg10[%add3A_224, %add3A_266] : memref<256x128xf32, #tpu.memory_space<vmem>>[vector<16xi32>, vector<16xi32>], vector<16xf32>,
        %add3A_268 = arith.constant 11 : i32
        %add3A_269 = vector.broadcast %add3A_268 : i32 to vector<16xi32>
        %add3A_270 = arith.addi %shift_left3A_220, %add3A_269 : vector<16xi32>
        %gather3A_271 = tpu.vector_load_idx %arg10[%add3A_224, %add3A_270] : memref<256x128xf32, #tpu.memory_space<vmem>>[vector<16xi32>, vector<16xi32>], vector<16xf32>,
        %add3A_272 = arith.constant 12 : i32
        %add3A_273 = vector.broadcast %add3A_272 : i32 to vector<16xi32>
        %add3A_274 = arith.addi %shift_left3A_220, %add3A_273 : vector<16xi32>
        %gather3A_275 = tpu.vector_load_idx %arg10[%add3A_224, %add3A_274] : memref<256x128xf32, #tpu.memory_space<vmem>>[vector<16xi32>, vector<16xi32>], vector<16xf32>,
        %add3A_276 = arith.constant 13 : i32
        %add3A_277 = vector.broadcast %add3A_276 : i32 to vector<16xi32>
        %add3A_278 = arith.addi %shift_left3A_220, %add3A_277 : vector<16xi32>
        %gather3A_279 = tpu.vector_load_idx %arg10[%add3A_224, %add3A_278] : memref<256x128xf32, #tpu.memory_space<vmem>>[vector<16xi32>, vector<16xi32>], vector<16xf32>,
        %add3A_280 = arith.constant 14 : i32
        %add3A_281 = vector.broadcast %add3A_280 : i32 to vector<16xi32>
        %add3A_282 = arith.addi %shift_left3A_220, %add3A_281 : vector<16xi32>
        %gather3A_283 = tpu.vector_load_idx %arg10[%add3A_224, %add3A_282] : memref<256x128xf32, #tpu.memory_space<vmem>>[vector<16xi32>, vector<16xi32>], vector<16xf32>,
        %add3A_284 = arith.constant 15 : i32
        %add3A_285 = vector.broadcast %add3A_284 : i32 to vector<16xi32>
        %add3A_286 = arith.addi %shift_left3A_220, %add3A_285 : vector<16xi32>
        %gather3A_287 = tpu.vector_load_idx %arg10[%add3A_224, %add3A_286] : memref<256x128xf32, #tpu.memory_space<vmem>>[vector<16xi32>, vector<16xi32>], vector<16xf32>,
        %add3A_288 = arith.constant 16 : i32
        %add3A_289 = vector.broadcast %add3A_288 : i32 to vector<16xi32>
        %add3A_290 = arith.addi %shift_left3A_220, %add3A_289 : vector<16xi32>
        %gather3A_291 = tpu.vector_load_idx %arg10[%add3A_224, %add3A_290] : memref<256x128xf32, #tpu.memory_space<vmem>>[vector<16xi32>, vector<16xi32>], vector<16xf32>,
        %add3A_292 = arith.constant 17 : i32
        %add3A_293 = vector.broadcast %add3A_292 : i32 to vector<16xi32>
        %add3A_294 = arith.addi %shift_left3A_220, %add3A_293 : vector<16xi32>
        %gather3A_295 = tpu.vector_load_idx %arg10[%add3A_224, %add3A_294] : memref<256x128xf32, #tpu.memory_space<vmem>>[vector<16xi32>, vector<16xi32>], vector<16xf32>,
        %add3A_296 = arith.constant 18 : i32
        %add3A_297 = vector.broadcast %add3A_296 : i32 to vector<16xi32>
        %add3A_298 = arith.addi %shift_left3A_220, %add3A_297 : vector<16xi32>
        %gather3A_299 = tpu.vector_load_idx %arg10[%add3A_224, %add3A_298] : memref<256x128xf32, #tpu.memory_space<vmem>>[vector<16xi32>, vector<16xi32>], vector<16xf32>,
        %add3A_300 = arith.constant 19 : i32
        %add3A_301 = vector.broadcast %add3A_300 : i32 to vector<16xi32>
        %add3A_302 = arith.addi %shift_left3A_220, %add3A_301 : vector<16xi32>
        %gather3A_303 = tpu.vector_load_idx %arg10[%add3A_224, %add3A_302] : memref<256x128xf32, #tpu.memory_space<vmem>>[vector<16xi32>, vector<16xi32>], vector<16xf32>,
        %add3A_304 = arith.constant 20 : i32
        %add3A_305 = vector.broadcast %add3A_304 : i32 to vector<16xi32>
        %add3A_306 = arith.addi %shift_left3A_220, %add3A_305 : vector<16xi32>
        %gather3A_307 = tpu.vector_load_idx %arg10[%add3A_224, %add3A_306] : memref<256x128xf32, #tpu.memory_space<vmem>>[vector<16xi32>, vector<16xi32>], vector<16xf32>,
        %add3A_308 = arith.constant 21 : i32
        %add3A_309 = vector.broadcast %add3A_308 : i32 to vector<16xi32>
        %add3A_310 = arith.addi %shift_left3A_220, %add3A_309 : vector<16xi32>
        %gather3A_311 = tpu.vector_load_idx %arg10[%add3A_224, %add3A_310] : memref<256x128xf32, #tpu.memory_space<vmem>>[vector<16xi32>, vector<16xi32>], vector<16xf32>,
        %add3A_312 = arith.constant 22 : i32
        %add3A_313 = vector.broadcast %add3A_312 : i32 to vector<16xi32>
        %add3A_314 = arith.addi %shift_left3A_220, %add3A_313 : vector<16xi32>
        %gather3A_315 = tpu.vector_load_idx %arg10[%add3A_224, %add3A_314] : memref<256x128xf32, #tpu.memory_space<vmem>>[vector<16xi32>, vector<16xi32>], vector<16xf32>,
        %add3A_316 = arith.constant 23 : i32
        %add3A_317 = vector.broadcast %add3A_316 : i32 to vector<16xi32>
        %add3A_318 = arith.addi %shift_left3A_220, %add3A_317 : vector<16xi32>
        %gather3A_319 = tpu.vector_load_idx %arg10[%add3A_224, %add3A_318] : memref<256x128xf32, #tpu.memory_space<vmem>>[vector<16xi32>, vector<16xi32>], vector<16xf32>,
        %add3A_320 = arith.constant 24 : i32
        %add3A_321 = vector.broadcast %add3A_320 : i32 to vector<16xi32>
        %add3A_322 = arith.addi %shift_left3A_220, %add3A_321 : vector<16xi32>
        %gather3A_323 = tpu.vector_load_idx %arg10[%add3A_224, %add3A_322] : memref<256x128xf32, #tpu.memory_space<vmem>>[vector<16xi32>, vector<16xi32>], vector<16xf32>,
        %add3A_324 = arith.constant 25 : i32
        %add3A_325 = vector.broadcast %add3A_324 : i32 to vector<16xi32>
        %add3A_326 = arith.addi %shift_left3A_220, %add3A_325 : vector<16xi32>
        %gather3A_327 = tpu.vector_load_idx %arg10[%add3A_224, %add3A_326] : memref<256x128xf32, #tpu.memory_space<vmem>>[vector<16xi32>, vector<16xi32>], vector<16xf32>,
        %add3A_328 = arith.constant 26 : i32
        %add3A_329 = vector.broadcast %add3A_328 : i32 to vector<16xi32>
        %add3A_330 = arith.addi %shift_left3A_220, %add3A_329 : vector<16xi32>
        %gather3A_331 = tpu.vector_load_idx %arg10[%add3A_224, %add3A_330] : memref<256x128xf32, #tpu.memory_space<vmem>>[vector<16xi32>, vector<16xi32>], vector<16xf32>,
        %add3A_332 = arith.constant 27 : i32
        %add3A_333 = vector.broadcast %add3A_332 : i32 to vector<16xi32>
        %add3A_334 = arith.addi %shift_left3A_220, %add3A_333 : vector<16xi32>
        %gather3A_335 = tpu.vector_load_idx %arg10[%add3A_224, %add3A_334] : memref<256x128xf32, #tpu.memory_space<vmem>>[vector<16xi32>, vector<16xi32>], vector<16xf32>,
        %add3A_336 = arith.constant 28 : i32
        %add3A_337 = vector.broadcast %add3A_336 : i32 to vector<16xi32>
        %add3A_338 = arith.addi %shift_left3A_220, %add3A_337 : vector<16xi32>
        %gather3A_339 = tpu.vector_load_idx %arg10[%add3A_224, %add3A_338] : memref<256x128xf32, #tpu.memory_space<vmem>>[vector<16xi32>, vector<16xi32>], vector<16xf32>,
        %add3A_340 = arith.constant 29 : i32
        %add3A_341 = vector.broadcast %add3A_340 : i32 to vector<16xi32>
        %add3A_342 = arith.addi %shift_left3A_220, %add3A_341 : vector<16xi32>
        %gather3A_343 = tpu.vector_load_idx %arg10[%add3A_224, %add3A_342] : memref<256x128xf32, #tpu.memory_space<vmem>>[vector<16xi32>, vector<16xi32>], vector<16xf32>,
        %add3A_344 = arith.constant 30 : i32
        %add3A_345 = vector.broadcast %add3A_344 : i32 to vector<16xi32>
        %add3A_346 = arith.addi %shift_left3A_220, %add3A_345 : vector<16xi32>
        %gather3A_347 = tpu.vector_load_idx %arg10[%add3A_224, %add3A_346] : memref<256x128xf32, #tpu.memory_space<vmem>>[vector<16xi32>, vector<16xi32>], vector<16xf32>,
        %add3A_348 = arith.constant 31 : i32
        %add3A_349 = vector.broadcast %add3A_348 : i32 to vector<16xi32>
        %add3A_350 = arith.addi %shift_left3A_220, %add3A_349 : vector<16xi32>
        %gather3A_351 = tpu.vector_load_idx %arg10[%add3A_224, %add3A_350] : memref<256x128xf32, #tpu.memory_space<vmem>>[vector<16xi32>, vector<16xi32>], vector<16xf32>,
        %broadcast_in_dim3A = arith.constant 0 : i32
        %broadcast_in_dim3A_352 = vector.broadcast %broadcast_in_dim3A : i32 to vector<16xi32>
        tpu.vector_store_idx %arg11[%add3A_224, %broadcast_in_dim3A_352], %gather3A : memref<256x32xf32, #tpu.memory_space<vmem>>[vector<16xi32>, vector<16xi32>], vector<16xf32>,
        %broadcast_in_dim3A_353 = arith.constant 1 : i32
        %broadcast_in_dim3A_354 = vector.broadcast %broadcast_in_dim3A_353 : i32 to vector<16xi32>
        tpu.vector_store_idx %arg11[%add3A_224, %broadcast_in_dim3A_354], %gather3A_231 : memref<256x32xf32, #tpu.memory_space<vmem>>[vector<16xi32>, vector<16xi32>], vector<16xf32>,
        %broadcast_in_dim3A_355 = arith.constant 2 : i32
        %broadcast_in_dim3A_356 = vector.broadcast %broadcast_in_dim3A_355 : i32 to vector<16xi32>
        tpu.vector_store_idx %arg11[%add3A_224, %broadcast_in_dim3A_356], %gather3A_235 : memref<256x32xf32, #tpu.memory_space<vmem>>[vector<16xi32>, vector<16xi32>], vector<16xf32>,
        %broadcast_in_dim3A_357 = arith.constant 3 : i32
        %broadcast_in_dim3A_358 = vector.broadcast %broadcast_in_dim3A_357 : i32 to vector<16xi32>
        tpu.vector_store_idx %arg11[%add3A_224, %broadcast_in_dim3A_358], %gather3A_239 : memref<256x32xf32, #tpu.memory_space<vmem>>[vector<16xi32>, vector<16xi32>], vector<16xf32>,
        %broadcast_in_dim3A_359 = arith.constant 4 : i32
        %broadcast_in_dim3A_360 = vector.broadcast %broadcast_in_dim3A_359 : i32 to vector<16xi32>
        tpu.vector_store_idx %arg11[%add3A_224, %broadcast_in_dim3A_360], %gather3A_243 : memref<256x32xf32, #tpu.memory_space<vmem>>[vector<16xi32>, vector<16xi32>], vector<16xf32>,
        %broadcast_in_dim3A_361 = arith.constant 5 : i32
        %broadcast_in_dim3A_362 = vector.broadcast %broadcast_in_dim3A_361 : i32 to vector<16xi32>
        tpu.vector_store_idx %arg11[%add3A_224, %broadcast_in_dim3A_362], %gather3A_247 : memref<256x32xf32, #tpu.memory_space<vmem>>[vector<16xi32>, vector<16xi32>], vector<16xf32>,
        %broadcast_in_dim3A_363 = arith.constant 6 : i32
        %broadcast_in_dim3A_364 = vector.broadcast %broadcast_in_dim3A_363 : i32 to vector<16xi32>
        tpu.vector_store_idx %arg11[%add3A_224, %broadcast_in_dim3A_364], %gather3A_251 : memref<256x32xf32, #tpu.memory_space<vmem>>[vector<16xi32>, vector<16xi32>], vector<16xf32>,
        %broadcast_in_dim3A_365 = arith.constant 7 : i32
        %broadcast_in_dim3A_366 = vector.broadcast %broadcast_in_dim3A_365 : i32 to vector<16xi32>
        tpu.vector_store_idx %arg11[%add3A_224, %broadcast_in_dim3A_366], %gather3A_255 : memref<256x32xf32, #tpu.memory_space<vmem>>[vector<16xi32>, vector<16xi32>], vector<16xf32>,
        %broadcast_in_dim3A_367 = arith.constant 8 : i32
        %broadcast_in_dim3A_368 = vector.broadcast %broadcast_in_dim3A_367 : i32 to vector<16xi32>
        tpu.vector_store_idx %arg11[%add3A_224, %broadcast_in_dim3A_368], %gather3A_259 : memref<256x32xf32, #tpu.memory_space<vmem>>[vector<16xi32>, vector<16xi32>], vector<16xf32>,
        %broadcast_in_dim3A_369 = arith.constant 9 : i32
        %broadcast_in_dim3A_370 = vector.broadcast %broadcast_in_dim3A_369 : i32 to vector<16xi32>
        tpu.vector_store_idx %arg11[%add3A_224, %broadcast_in_dim3A_370], %gather3A_263 : memref<256x32xf32, #tpu.memory_space<vmem>>[vector<16xi32>, vector<16xi32>], vector<16xf32>,
        %broadcast_in_dim3A_371 = arith.constant 10 : i32
        %broadcast_in_dim3A_372 = vector.broadcast %broadcast_in_dim3A_371 : i32 to vector<16xi32>
        tpu.vector_store_idx %arg11[%add3A_224, %broadcast_in_dim3A_372], %gather3A_267 : memref<256x32xf32, #tpu.memory_space<vmem>>[vector<16xi32>, vector<16xi32>], vector<16xf32>,
        %broadcast_in_dim3A_373 = arith.constant 11 : i32
        %broadcast_in_dim3A_374 = vector.broadcast %broadcast_in_dim3A_373 : i32 to vector<16xi32>
        tpu.vector_store_idx %arg11[%add3A_224, %broadcast_in_dim3A_374], %gather3A_271 : memref<256x32xf32, #tpu.memory_space<vmem>>[vector<16xi32>, vector<16xi32>], vector<16xf32>,
        %broadcast_in_dim3A_375 = arith.constant 12 : i32
        %broadcast_in_dim3A_376 = vector.broadcast %broadcast_in_dim3A_375 : i32 to vector<16xi32>
        tpu.vector_store_idx %arg11[%add3A_224, %broadcast_in_dim3A_376], %gather3A_275 : memref<256x32xf32, #tpu.memory_space<vmem>>[vector<16xi32>, vector<16xi32>], vector<16xf32>,
        %broadcast_in_dim3A_377 = arith.constant 13 : i32
        %broadcast_in_dim3A_378 = vector.broadcast %broadcast_in_dim3A_377 : i32 to vector<16xi32>
        tpu.vector_store_idx %arg11[%add3A_224, %broadcast_in_dim3A_378], %gather3A_279 : memref<256x32xf32, #tpu.memory_space<vmem>>[vector<16xi32>, vector<16xi32>], vector<16xf32>,
        %broadcast_in_dim3A_379 = arith.constant 14 : i32
        %broadcast_in_dim3A_380 = vector.broadcast %broadcast_in_dim3A_379 : i32 to vector<16xi32>
        tpu.vector_store_idx %arg11[%add3A_224, %broadcast_in_dim3A_380], %gather3A_283 : memref<256x32xf32, #tpu.memory_space<vmem>>[vector<16xi32>, vector<16xi32>], vector<16xf32>,
        %broadcast_in_dim3A_381 = arith.constant 15 : i32
        %broadcast_in_dim3A_382 = vector.broadcast %broadcast_in_dim3A_381 : i32 to vector<16xi32>
        tpu.vector_store_idx %arg11[%add3A_224, %broadcast_in_dim3A_382], %gather3A_287 : memref<256x32xf32, #tpu.memory_space<vmem>>[vector<16xi32>, vector<16xi32>], vector<16xf32>,
        %broadcast_in_dim3A_383 = arith.constant 16 : i32
        %broadcast_in_dim3A_384 = vector.broadcast %broadcast_in_dim3A_383 : i32 to vector<16xi32>
        tpu.vector_store_idx %arg11[%add3A_224, %broadcast_in_dim3A_384], %gather3A_291 : memref<256x32xf32, #tpu.memory_space<vmem>>[vector<16xi32>, vector<16xi32>], vector<16xf32>,
        %broadcast_in_dim3A_385 = arith.constant 17 : i32
        %broadcast_in_dim3A_386 = vector.broadcast %broadcast_in_dim3A_385 : i32 to vector<16xi32>
        tpu.vector_store_idx %arg11[%add3A_224, %broadcast_in_dim3A_386], %gather3A_295 : memref<256x32xf32, #tpu.memory_space<vmem>>[vector<16xi32>, vector<16xi32>], vector<16xf32>,
        %broadcast_in_dim3A_387 = arith.constant 18 : i32
        %broadcast_in_dim3A_388 = vector.broadcast %broadcast_in_dim3A_387 : i32 to vector<16xi32>
        tpu.vector_store_idx %arg11[%add3A_224, %broadcast_in_dim3A_388], %gather3A_299 : memref<256x32xf32, #tpu.memory_space<vmem>>[vector<16xi32>, vector<16xi32>], vector<16xf32>,
        %broadcast_in_dim3A_389 = arith.constant 19 : i32
        %broadcast_in_dim3A_390 = vector.broadcast %broadcast_in_dim3A_389 : i32 to vector<16xi32>
        tpu.vector_store_idx %arg11[%add3A_224, %broadcast_in_dim3A_390], %gather3A_303 : memref<256x32xf32, #tpu.memory_space<vmem>>[vector<16xi32>, vector<16xi32>], vector<16xf32>,
        %broadcast_in_dim3A_391 = arith.constant 20 : i32
        %broadcast_in_dim3A_392 = vector.broadcast %broadcast_in_dim3A_391 : i32 to vector<16xi32>
        tpu.vector_store_idx %arg11[%add3A_224, %broadcast_in_dim3A_392], %gather3A_307 : memref<256x32xf32, #tpu.memory_space<vmem>>[vector<16xi32>, vector<16xi32>], vector<16xf32>,
        %broadcast_in_dim3A_393 = arith.constant 21 : i32
        %broadcast_in_dim3A_394 = vector.broadcast %broadcast_in_dim3A_393 : i32 to vector<16xi32>
        tpu.vector_store_idx %arg11[%add3A_224, %broadcast_in_dim3A_394], %gather3A_311 : memref<256x32xf32, #tpu.memory_space<vmem>>[vector<16xi32>, vector<16xi32>], vector<16xf32>,
        %broadcast_in_dim3A_395 = arith.constant 22 : i32
        %broadcast_in_dim3A_396 = vector.broadcast %broadcast_in_dim3A_395 : i32 to vector<16xi32>
        tpu.vector_store_idx %arg11[%add3A_224, %broadcast_in_dim3A_396], %gather3A_315 : memref<256x32xf32, #tpu.memory_space<vmem>>[vector<16xi32>, vector<16xi32>], vector<16xf32>,
        %broadcast_in_dim3A_397 = arith.constant 23 : i32
        %broadcast_in_dim3A_398 = vector.broadcast %broadcast_in_dim3A_397 : i32 to vector<16xi32>
        tpu.vector_store_idx %arg11[%add3A_224, %broadcast_in_dim3A_398], %gather3A_319 : memref<256x32xf32, #tpu.memory_space<vmem>>[vector<16xi32>, vector<16xi32>], vector<16xf32>,
        %broadcast_in_dim3A_399 = arith.constant 24 : i32
        %broadcast_in_dim3A_400 = vector.broadcast %broadcast_in_dim3A_399 : i32 to vector<16xi32>
        tpu.vector_store_idx %arg11[%add3A_224, %broadcast_in_dim3A_400], %gather3A_323 : memref<256x32xf32, #tpu.memory_space<vmem>>[vector<16xi32>, vector<16xi32>], vector<16xf32>,
        %broadcast_in_dim3A_401 = arith.constant 25 : i32
        %broadcast_in_dim3A_402 = vector.broadcast %broadcast_in_dim3A_401 : i32 to vector<16xi32>
        tpu.vector_store_idx %arg11[%add3A_224, %broadcast_in_dim3A_402], %gather3A_327 : memref<256x32xf32, #tpu.memory_space<vmem>>[vector<16xi32>, vector<16xi32>], vector<16xf32>,
        %broadcast_in_dim3A_403 = arith.constant 26 : i32
        %broadcast_in_dim3A_404 = vector.broadcast %broadcast_in_dim3A_403 : i32 to vector<16xi32>
        tpu.vector_store_idx %arg11[%add3A_224, %broadcast_in_dim3A_404], %gather3A_331 : memref<256x32xf32, #tpu.memory_space<vmem>>[vector<16xi32>, vector<16xi32>], vector<16xf32>,
        %broadcast_in_dim3A_405 = arith.constant 27 : i32
        %broadcast_in_dim3A_406 = vector.broadcast %broadcast_in_dim3A_405 : i32 to vector<16xi32>
        tpu.vector_store_idx %arg11[%add3A_224, %broadcast_in_dim3A_406], %gather3A_335 : memref<256x32xf32, #tpu.memory_space<vmem>>[vector<16xi32>, vector<16xi32>], vector<16xf32>,
        %broadcast_in_dim3A_407 = arith.constant 28 : i32
        %broadcast_in_dim3A_408 = vector.broadcast %broadcast_in_dim3A_407 : i32 to vector<16xi32>
        tpu.vector_store_idx %arg11[%add3A_224, %broadcast_in_dim3A_408], %gather3A_339 : memref<256x32xf32, #tpu.memory_space<vmem>>[vector<16xi32>, vector<16xi32>], vector<16xf32>,
        %broadcast_in_dim3A_409 = arith.constant 29 : i32
        %broadcast_in_dim3A_410 = vector.broadcast %broadcast_in_dim3A_409 : i32 to vector<16xi32>
        tpu.vector_store_idx %arg11[%add3A_224, %broadcast_in_dim3A_410], %gather3A_343 : memref<256x32xf32, #tpu.memory_space<vmem>>[vector<16xi32>, vector<16xi32>], vector<16xf32>,
        %broadcast_in_dim3A_411 = arith.constant 30 : i32
        %broadcast_in_dim3A_412 = vector.broadcast %broadcast_in_dim3A_411 : i32 to vector<16xi32>
        tpu.vector_store_idx %arg11[%add3A_224, %broadcast_in_dim3A_412], %gather3A_347 : memref<256x32xf32, #tpu.memory_space<vmem>>[vector<16xi32>, vector<16xi32>], vector<16xf32>,
        %broadcast_in_dim3A_413 = arith.constant 31 : i32
        %broadcast_in_dim3A_414 = vector.broadcast %broadcast_in_dim3A_413 : i32 to vector<16xi32>
        tpu.vector_store_idx %arg11[%add3A_224, %broadcast_in_dim3A_414], %gather3A_351 : memref<256x32xf32, #tpu.memory_space<vmem>>[vector<16xi32>, vector<16xi32>], vector<16xf32>,
      }
      %scan3A_179 = arith.constant 4 : i32
      %dma_wait3A_180 = arith.constant 128 : i32
      %dma_wait3A_181 = arith.constant 0 : i32
      %dma_wait3A_182 = tpu.memref_slice %arg10[%dma_wait3A_180, %dma_wait3A_181] : memref<256x128xf32, #tpu.memory_space<vmem>> -> memref<64x128xf32, #tpu.memory_space<vmem>>
      %dma_wait3A_183 = arith.constant 128 : i32
      %dma_wait3A_184 = tpu.memref_slice %arg8[%dma_wait3A_183] : memref<256xi32, #tpu.memory_space<vmem>> -> memref<64xi32, #tpu.memory_space<vmem>>
      %dma_wait3A_185 = arith.constant 0 : i32
      %dma_wait3A_186 = arith.constant 0 : i32
      %dma_wait3A_187 = tpu.memref_slice %arg2[%dma_wait3A_185, %dma_wait3A_186] : memref<250000x128xf32, #tpu.memory_space<hbm>> -> memref<250000x128xf32, #tpu.memory_space<hbm>>
      tpu.wait_indirect_dma semaphore(%arg13 : memref<!tpu.dma_semaphore, #tpu.memory_space<semaphore_mem>>) src(%dma_wait3A_187 : memref<250000x128xf32, #tpu.memory_space<hbm>>) dst(%dma_wait3A_182 : memref<64x128xf32, #tpu.memory_space<vmem>>)
      %scan3A_188 = arith.constant 0 : i32
      %scan3A_189 = arith.constant 4 : i32
      %scan3A_190 = arith.addi %scan3A_188, %scan3A_189 : i32
      %scan3A_191 = arith.constant 1 : i32
      scf.for %scan3A_209 = %scan3A_188 to %scan3A_190 step %scan3A_191  : i32 {
        %mul3A_210 = arith.constant 1 : i32
        %mul3A_211 = arith.muli %scan3A_209, %mul3A_210 : i32
        %add3A_212 = arith.constant 8 : i32
        %add3A_213 = arith.addi %add3A_212, %mul3A_211 : i32
        %mul3A_214 = arith.constant 16 : i32
        %mul3A_215 = arith.muli %add3A_213, %mul3A_214 : i32
        %get3A = arith.index_cast %mul3A_215 : i32 to index
        %get3A_216 = tpu.vector_load %arg6[%get3A] {strides = array<i32>} : memref<256xi32, #tpu.memory_space<vmem>>, vector<16xi32>,
        %and3A = arith.constant 3 : i32
        %and3A_217 = vector.broadcast %and3A : i32 to vector<16xi32>
        %and3A_218 = arith.andi %get3A_216, %and3A_217 : vector<16xi32>
        %shift_left3A = arith.constant 5 : i32
        %shift_left3A_219 = vector.broadcast %shift_left3A : i32 to vector<16xi32>
        %shift_left3A_220 = arith.shli %and3A_218, %shift_left3A_219 : vector<16xi32>
        %mul3A_221 = arith.constant 16 : i32
        %mul3A_222 = arith.muli %add3A_213, %mul3A_221 : i32
        %add3A_223 = vector.broadcast %mul3A_222 : i32 to vector<16xi32>
        %add3A_224 = arith.addi %add3A_223, %iota3A : vector<16xi32>
        %add3A_225 = arith.constant 0 : i32
        %add3A_226 = vector.broadcast %add3A_225 : i32 to vector<16xi32>
        %add3A_227 = arith.addi %shift_left3A_220, %add3A_226 : vector<16xi32>
        %gather3A = tpu.vector_load_idx %arg10[%add3A_224, %add3A_227] : memref<256x128xf32, #tpu.memory_space<vmem>>[vector<16xi32>, vector<16xi32>], vector<16xf32>,
        %add3A_228 = arith.constant 1 : i32
        %add3A_229 = vector.broadcast %add3A_228 : i32 to vector<16xi32>
        %add3A_230 = arith.addi %shift_left3A_220, %add3A_229 : vector<16xi32>
        %gather3A_231 = tpu.vector_load_idx %arg10[%add3A_224, %add3A_230] : memref<256x128xf32, #tpu.memory_space<vmem>>[vector<16xi32>, vector<16xi32>], vector<16xf32>,
        %add3A_232 = arith.constant 2 : i32
        %add3A_233 = vector.broadcast %add3A_232 : i32 to vector<16xi32>
        %add3A_234 = arith.addi %shift_left3A_220, %add3A_233 : vector<16xi32>
        %gather3A_235 = tpu.vector_load_idx %arg10[%add3A_224, %add3A_234] : memref<256x128xf32, #tpu.memory_space<vmem>>[vector<16xi32>, vector<16xi32>], vector<16xf32>,
        %add3A_236 = arith.constant 3 : i32
        %add3A_237 = vector.broadcast %add3A_236 : i32 to vector<16xi32>
        %add3A_238 = arith.addi %shift_left3A_220, %add3A_237 : vector<16xi32>
        %gather3A_239 = tpu.vector_load_idx %arg10[%add3A_224, %add3A_238] : memref<256x128xf32, #tpu.memory_space<vmem>>[vector<16xi32>, vector<16xi32>], vector<16xf32>,
        %add3A_240 = arith.constant 4 : i32
        %add3A_241 = vector.broadcast %add3A_240 : i32 to vector<16xi32>
        %add3A_242 = arith.addi %shift_left3A_220, %add3A_241 : vector<16xi32>
        %gather3A_243 = tpu.vector_load_idx %arg10[%add3A_224, %add3A_242] : memref<256x128xf32, #tpu.memory_space<vmem>>[vector<16xi32>, vector<16xi32>], vector<16xf32>,
        %add3A_244 = arith.constant 5 : i32
        %add3A_245 = vector.broadcast %add3A_244 : i32 to vector<16xi32>
        %add3A_246 = arith.addi %shift_left3A_220, %add3A_245 : vector<16xi32>
        %gather3A_247 = tpu.vector_load_idx %arg10[%add3A_224, %add3A_246] : memref<256x128xf32, #tpu.memory_space<vmem>>[vector<16xi32>, vector<16xi32>], vector<16xf32>,
        %add3A_248 = arith.constant 6 : i32
        %add3A_249 = vector.broadcast %add3A_248 : i32 to vector<16xi32>
        %add3A_250 = arith.addi %shift_left3A_220, %add3A_249 : vector<16xi32>
        %gather3A_251 = tpu.vector_load_idx %arg10[%add3A_224, %add3A_250] : memref<256x128xf32, #tpu.memory_space<vmem>>[vector<16xi32>, vector<16xi32>], vector<16xf32>,
        %add3A_252 = arith.constant 7 : i32
        %add3A_253 = vector.broadcast %add3A_252 : i32 to vector<16xi32>
        %add3A_254 = arith.addi %shift_left3A_220, %add3A_253 : vector<16xi32>
        %gather3A_255 = tpu.vector_load_idx %arg10[%add3A_224, %add3A_254] : memref<256x128xf32, #tpu.memory_space<vmem>>[vector<16xi32>, vector<16xi32>], vector<16xf32>,
        %add3A_256 = arith.constant 8 : i32
        %add3A_257 = vector.broadcast %add3A_256 : i32 to vector<16xi32>
        %add3A_258 = arith.addi %shift_left3A_220, %add3A_257 : vector<16xi32>
        %gather3A_259 = tpu.vector_load_idx %arg10[%add3A_224, %add3A_258] : memref<256x128xf32, #tpu.memory_space<vmem>>[vector<16xi32>, vector<16xi32>], vector<16xf32>,
        %add3A_260 = arith.constant 9 : i32
        %add3A_261 = vector.broadcast %add3A_260 : i32 to vector<16xi32>
        %add3A_262 = arith.addi %shift_left3A_220, %add3A_261 : vector<16xi32>
        %gather3A_263 = tpu.vector_load_idx %arg10[%add3A_224, %add3A_262] : memref<256x128xf32, #tpu.memory_space<vmem>>[vector<16xi32>, vector<16xi32>], vector<16xf32>,
        %add3A_264 = arith.constant 10 : i32
        %add3A_265 = vector.broadcast %add3A_264 : i32 to vector<16xi32>
        %add3A_266 = arith.addi %shift_left3A_220, %add3A_265 : vector<16xi32>
        %gather3A_267 = tpu.vector_load_idx %arg10[%add3A_224, %add3A_266] : memref<256x128xf32, #tpu.memory_space<vmem>>[vector<16xi32>, vector<16xi32>], vector<16xf32>,
        %add3A_268 = arith.constant 11 : i32
        %add3A_269 = vector.broadcast %add3A_268 : i32 to vector<16xi32>
        %add3A_270 = arith.addi %shift_left3A_220, %add3A_269 : vector<16xi32>
        %gather3A_271 = tpu.vector_load_idx %arg10[%add3A_224, %add3A_270] : memref<256x128xf32, #tpu.memory_space<vmem>>[vector<16xi32>, vector<16xi32>], vector<16xf32>,
        %add3A_272 = arith.constant 12 : i32
        %add3A_273 = vector.broadcast %add3A_272 : i32 to vector<16xi32>
        %add3A_274 = arith.addi %shift_left3A_220, %add3A_273 : vector<16xi32>
        %gather3A_275 = tpu.vector_load_idx %arg10[%add3A_224, %add3A_274] : memref<256x128xf32, #tpu.memory_space<vmem>>[vector<16xi32>, vector<16xi32>], vector<16xf32>,
        %add3A_276 = arith.constant 13 : i32
        %add3A_277 = vector.broadcast %add3A_276 : i32 to vector<16xi32>
        %add3A_278 = arith.addi %shift_left3A_220, %add3A_277 : vector<16xi32>
        %gather3A_279 = tpu.vector_load_idx %arg10[%add3A_224, %add3A_278] : memref<256x128xf32, #tpu.memory_space<vmem>>[vector<16xi32>, vector<16xi32>], vector<16xf32>,
        %add3A_280 = arith.constant 14 : i32
        %add3A_281 = vector.broadcast %add3A_280 : i32 to vector<16xi32>
        %add3A_282 = arith.addi %shift_left3A_220, %add3A_281 : vector<16xi32>
        %gather3A_283 = tpu.vector_load_idx %arg10[%add3A_224, %add3A_282] : memref<256x128xf32, #tpu.memory_space<vmem>>[vector<16xi32>, vector<16xi32>], vector<16xf32>,
        %add3A_284 = arith.constant 15 : i32
        %add3A_285 = vector.broadcast %add3A_284 : i32 to vector<16xi32>
        %add3A_286 = arith.addi %shift_left3A_220, %add3A_285 : vector<16xi32>
        %gather3A_287 = tpu.vector_load_idx %arg10[%add3A_224, %add3A_286] : memref<256x128xf32, #tpu.memory_space<vmem>>[vector<16xi32>, vector<16xi32>], vector<16xf32>,
        %add3A_288 = arith.constant 16 : i32
        %add3A_289 = vector.broadcast %add3A_288 : i32 to vector<16xi32>
        %add3A_290 = arith.addi %shift_left3A_220, %add3A_289 : vector<16xi32>
        %gather3A_291 = tpu.vector_load_idx %arg10[%add3A_224, %add3A_290] : memref<256x128xf32, #tpu.memory_space<vmem>>[vector<16xi32>, vector<16xi32>], vector<16xf32>,
        %add3A_292 = arith.constant 17 : i32
        %add3A_293 = vector.broadcast %add3A_292 : i32 to vector<16xi32>
        %add3A_294 = arith.addi %shift_left3A_220, %add3A_293 : vector<16xi32>
        %gather3A_295 = tpu.vector_load_idx %arg10[%add3A_224, %add3A_294] : memref<256x128xf32, #tpu.memory_space<vmem>>[vector<16xi32>, vector<16xi32>], vector<16xf32>,
        %add3A_296 = arith.constant 18 : i32
        %add3A_297 = vector.broadcast %add3A_296 : i32 to vector<16xi32>
        %add3A_298 = arith.addi %shift_left3A_220, %add3A_297 : vector<16xi32>
        %gather3A_299 = tpu.vector_load_idx %arg10[%add3A_224, %add3A_298] : memref<256x128xf32, #tpu.memory_space<vmem>>[vector<16xi32>, vector<16xi32>], vector<16xf32>,
        %add3A_300 = arith.constant 19 : i32
        %add3A_301 = vector.broadcast %add3A_300 : i32 to vector<16xi32>
        %add3A_302 = arith.addi %shift_left3A_220, %add3A_301 : vector<16xi32>
        %gather3A_303 = tpu.vector_load_idx %arg10[%add3A_224, %add3A_302] : memref<256x128xf32, #tpu.memory_space<vmem>>[vector<16xi32>, vector<16xi32>], vector<16xf32>,
        %add3A_304 = arith.constant 20 : i32
        %add3A_305 = vector.broadcast %add3A_304 : i32 to vector<16xi32>
        %add3A_306 = arith.addi %shift_left3A_220, %add3A_305 : vector<16xi32>
        %gather3A_307 = tpu.vector_load_idx %arg10[%add3A_224, %add3A_306] : memref<256x128xf32, #tpu.memory_space<vmem>>[vector<16xi32>, vector<16xi32>], vector<16xf32>,
        %add3A_308 = arith.constant 21 : i32
        %add3A_309 = vector.broadcast %add3A_308 : i32 to vector<16xi32>
        %add3A_310 = arith.addi %shift_left3A_220, %add3A_309 : vector<16xi32>
        %gather3A_311 = tpu.vector_load_idx %arg10[%add3A_224, %add3A_310] : memref<256x128xf32, #tpu.memory_space<vmem>>[vector<16xi32>, vector<16xi32>], vector<16xf32>,
        %add3A_312 = arith.constant 22 : i32
        %add3A_313 = vector.broadcast %add3A_312 : i32 to vector<16xi32>
        %add3A_314 = arith.addi %shift_left3A_220, %add3A_313 : vector<16xi32>
        %gather3A_315 = tpu.vector_load_idx %arg10[%add3A_224, %add3A_314] : memref<256x128xf32, #tpu.memory_space<vmem>>[vector<16xi32>, vector<16xi32>], vector<16xf32>,
        %add3A_316 = arith.constant 23 : i32
        %add3A_317 = vector.broadcast %add3A_316 : i32 to vector<16xi32>
        %add3A_318 = arith.addi %shift_left3A_220, %add3A_317 : vector<16xi32>
        %gather3A_319 = tpu.vector_load_idx %arg10[%add3A_224, %add3A_318] : memref<256x128xf32, #tpu.memory_space<vmem>>[vector<16xi32>, vector<16xi32>], vector<16xf32>,
        %add3A_320 = arith.constant 24 : i32
        %add3A_321 = vector.broadcast %add3A_320 : i32 to vector<16xi32>
        %add3A_322 = arith.addi %shift_left3A_220, %add3A_321 : vector<16xi32>
        %gather3A_323 = tpu.vector_load_idx %arg10[%add3A_224, %add3A_322] : memref<256x128xf32, #tpu.memory_space<vmem>>[vector<16xi32>, vector<16xi32>], vector<16xf32>,
        %add3A_324 = arith.constant 25 : i32
        %add3A_325 = vector.broadcast %add3A_324 : i32 to vector<16xi32>
        %add3A_326 = arith.addi %shift_left3A_220, %add3A_325 : vector<16xi32>
        %gather3A_327 = tpu.vector_load_idx %arg10[%add3A_224, %add3A_326] : memref<256x128xf32, #tpu.memory_space<vmem>>[vector<16xi32>, vector<16xi32>], vector<16xf32>,
        %add3A_328 = arith.constant 26 : i32
        %add3A_329 = vector.broadcast %add3A_328 : i32 to vector<16xi32>
        %add3A_330 = arith.addi %shift_left3A_220, %add3A_329 : vector<16xi32>
        %gather3A_331 = tpu.vector_load_idx %arg10[%add3A_224, %add3A_330] : memref<256x128xf32, #tpu.memory_space<vmem>>[vector<16xi32>, vector<16xi32>], vector<16xf32>,
        %add3A_332 = arith.constant 27 : i32
        %add3A_333 = vector.broadcast %add3A_332 : i32 to vector<16xi32>
        %add3A_334 = arith.addi %shift_left3A_220, %add3A_333 : vector<16xi32>
        %gather3A_335 = tpu.vector_load_idx %arg10[%add3A_224, %add3A_334] : memref<256x128xf32, #tpu.memory_space<vmem>>[vector<16xi32>, vector<16xi32>], vector<16xf32>,
        %add3A_336 = arith.constant 28 : i32
        %add3A_337 = vector.broadcast %add3A_336 : i32 to vector<16xi32>
        %add3A_338 = arith.addi %shift_left3A_220, %add3A_337 : vector<16xi32>
        %gather3A_339 = tpu.vector_load_idx %arg10[%add3A_224, %add3A_338] : memref<256x128xf32, #tpu.memory_space<vmem>>[vector<16xi32>, vector<16xi32>], vector<16xf32>,
        %add3A_340 = arith.constant 29 : i32
        %add3A_341 = vector.broadcast %add3A_340 : i32 to vector<16xi32>
        %add3A_342 = arith.addi %shift_left3A_220, %add3A_341 : vector<16xi32>
        %gather3A_343 = tpu.vector_load_idx %arg10[%add3A_224, %add3A_342] : memref<256x128xf32, #tpu.memory_space<vmem>>[vector<16xi32>, vector<16xi32>], vector<16xf32>,
        %add3A_344 = arith.constant 30 : i32
        %add3A_345 = vector.broadcast %add3A_344 : i32 to vector<16xi32>
        %add3A_346 = arith.addi %shift_left3A_220, %add3A_345 : vector<16xi32>
        %gather3A_347 = tpu.vector_load_idx %arg10[%add3A_224, %add3A_346] : memref<256x128xf32, #tpu.memory_space<vmem>>[vector<16xi32>, vector<16xi32>], vector<16xf32>,
        %add3A_348 = arith.constant 31 : i32
        %add3A_349 = vector.broadcast %add3A_348 : i32 to vector<16xi32>
        %add3A_350 = arith.addi %shift_left3A_220, %add3A_349 : vector<16xi32>
        %gather3A_351 = tpu.vector_load_idx %arg10[%add3A_224, %add3A_350] : memref<256x128xf32, #tpu.memory_space<vmem>>[vector<16xi32>, vector<16xi32>], vector<16xf32>,
        %broadcast_in_dim3A = arith.constant 0 : i32
        %broadcast_in_dim3A_352 = vector.broadcast %broadcast_in_dim3A : i32 to vector<16xi32>
        tpu.vector_store_idx %arg11[%add3A_224, %broadcast_in_dim3A_352], %gather3A : memref<256x32xf32, #tpu.memory_space<vmem>>[vector<16xi32>, vector<16xi32>], vector<16xf32>,
        %broadcast_in_dim3A_353 = arith.constant 1 : i32
        %broadcast_in_dim3A_354 = vector.broadcast %broadcast_in_dim3A_353 : i32 to vector<16xi32>
        tpu.vector_store_idx %arg11[%add3A_224, %broadcast_in_dim3A_354], %gather3A_231 : memref<256x32xf32, #tpu.memory_space<vmem>>[vector<16xi32>, vector<16xi32>], vector<16xf32>,
        %broadcast_in_dim3A_355 = arith.constant 2 : i32
        %broadcast_in_dim3A_356 = vector.broadcast %broadcast_in_dim3A_355 : i32 to vector<16xi32>
        tpu.vector_store_idx %arg11[%add3A_224, %broadcast_in_dim3A_356], %gather3A_235 : memref<256x32xf32, #tpu.memory_space<vmem>>[vector<16xi32>, vector<16xi32>], vector<16xf32>,
        %broadcast_in_dim3A_357 = arith.constant 3 : i32
        %broadcast_in_dim3A_358 = vector.broadcast %broadcast_in_dim3A_357 : i32 to vector<16xi32>
        tpu.vector_store_idx %arg11[%add3A_224, %broadcast_in_dim3A_358], %gather3A_239 : memref<256x32xf32, #tpu.memory_space<vmem>>[vector<16xi32>, vector<16xi32>], vector<16xf32>,
        %broadcast_in_dim3A_359 = arith.constant 4 : i32
        %broadcast_in_dim3A_360 = vector.broadcast %broadcast_in_dim3A_359 : i32 to vector<16xi32>
        tpu.vector_store_idx %arg11[%add3A_224, %broadcast_in_dim3A_360], %gather3A_243 : memref<256x32xf32, #tpu.memory_space<vmem>>[vector<16xi32>, vector<16xi32>], vector<16xf32>,
        %broadcast_in_dim3A_361 = arith.constant 5 : i32
        %broadcast_in_dim3A_362 = vector.broadcast %broadcast_in_dim3A_361 : i32 to vector<16xi32>
        tpu.vector_store_idx %arg11[%add3A_224, %broadcast_in_dim3A_362], %gather3A_247 : memref<256x32xf32, #tpu.memory_space<vmem>>[vector<16xi32>, vector<16xi32>], vector<16xf32>,
        %broadcast_in_dim3A_363 = arith.constant 6 : i32
        %broadcast_in_dim3A_364 = vector.broadcast %broadcast_in_dim3A_363 : i32 to vector<16xi32>
        tpu.vector_store_idx %arg11[%add3A_224, %broadcast_in_dim3A_364], %gather3A_251 : memref<256x32xf32, #tpu.memory_space<vmem>>[vector<16xi32>, vector<16xi32>], vector<16xf32>,
        %broadcast_in_dim3A_365 = arith.constant 7 : i32
        %broadcast_in_dim3A_366 = vector.broadcast %broadcast_in_dim3A_365 : i32 to vector<16xi32>
        tpu.vector_store_idx %arg11[%add3A_224, %broadcast_in_dim3A_366], %gather3A_255 : memref<256x32xf32, #tpu.memory_space<vmem>>[vector<16xi32>, vector<16xi32>], vector<16xf32>,
        %broadcast_in_dim3A_367 = arith.constant 8 : i32
        %broadcast_in_dim3A_368 = vector.broadcast %broadcast_in_dim3A_367 : i32 to vector<16xi32>
        tpu.vector_store_idx %arg11[%add3A_224, %broadcast_in_dim3A_368], %gather3A_259 : memref<256x32xf32, #tpu.memory_space<vmem>>[vector<16xi32>, vector<16xi32>], vector<16xf32>,
        %broadcast_in_dim3A_369 = arith.constant 9 : i32
        %broadcast_in_dim3A_370 = vector.broadcast %broadcast_in_dim3A_369 : i32 to vector<16xi32>
        tpu.vector_store_idx %arg11[%add3A_224, %broadcast_in_dim3A_370], %gather3A_263 : memref<256x32xf32, #tpu.memory_space<vmem>>[vector<16xi32>, vector<16xi32>], vector<16xf32>,
        %broadcast_in_dim3A_371 = arith.constant 10 : i32
        %broadcast_in_dim3A_372 = vector.broadcast %broadcast_in_dim3A_371 : i32 to vector<16xi32>
        tpu.vector_store_idx %arg11[%add3A_224, %broadcast_in_dim3A_372], %gather3A_267 : memref<256x32xf32, #tpu.memory_space<vmem>>[vector<16xi32>, vector<16xi32>], vector<16xf32>,
        %broadcast_in_dim3A_373 = arith.constant 11 : i32
        %broadcast_in_dim3A_374 = vector.broadcast %broadcast_in_dim3A_373 : i32 to vector<16xi32>
        tpu.vector_store_idx %arg11[%add3A_224, %broadcast_in_dim3A_374], %gather3A_271 : memref<256x32xf32, #tpu.memory_space<vmem>>[vector<16xi32>, vector<16xi32>], vector<16xf32>,
        %broadcast_in_dim3A_375 = arith.constant 12 : i32
        %broadcast_in_dim3A_376 = vector.broadcast %broadcast_in_dim3A_375 : i32 to vector<16xi32>
        tpu.vector_store_idx %arg11[%add3A_224, %broadcast_in_dim3A_376], %gather3A_275 : memref<256x32xf32, #tpu.memory_space<vmem>>[vector<16xi32>, vector<16xi32>], vector<16xf32>,
        %broadcast_in_dim3A_377 = arith.constant 13 : i32
        %broadcast_in_dim3A_378 = vector.broadcast %broadcast_in_dim3A_377 : i32 to vector<16xi32>
        tpu.vector_store_idx %arg11[%add3A_224, %broadcast_in_dim3A_378], %gather3A_279 : memref<256x32xf32, #tpu.memory_space<vmem>>[vector<16xi32>, vector<16xi32>], vector<16xf32>,
        %broadcast_in_dim3A_379 = arith.constant 14 : i32
        %broadcast_in_dim3A_380 = vector.broadcast %broadcast_in_dim3A_379 : i32 to vector<16xi32>
        tpu.vector_store_idx %arg11[%add3A_224, %broadcast_in_dim3A_380], %gather3A_283 : memref<256x32xf32, #tpu.memory_space<vmem>>[vector<16xi32>, vector<16xi32>], vector<16xf32>,
        %broadcast_in_dim3A_381 = arith.constant 15 : i32
        %broadcast_in_dim3A_382 = vector.broadcast %broadcast_in_dim3A_381 : i32 to vector<16xi32>
        tpu.vector_store_idx %arg11[%add3A_224, %broadcast_in_dim3A_382], %gather3A_287 : memref<256x32xf32, #tpu.memory_space<vmem>>[vector<16xi32>, vector<16xi32>], vector<16xf32>,
        %broadcast_in_dim3A_383 = arith.constant 16 : i32
        %broadcast_in_dim3A_384 = vector.broadcast %broadcast_in_dim3A_383 : i32 to vector<16xi32>
        tpu.vector_store_idx %arg11[%add3A_224, %broadcast_in_dim3A_384], %gather3A_291 : memref<256x32xf32, #tpu.memory_space<vmem>>[vector<16xi32>, vector<16xi32>], vector<16xf32>,
        %broadcast_in_dim3A_385 = arith.constant 17 : i32
        %broadcast_in_dim3A_386 = vector.broadcast %broadcast_in_dim3A_385 : i32 to vector<16xi32>
        tpu.vector_store_idx %arg11[%add3A_224, %broadcast_in_dim3A_386], %gather3A_295 : memref<256x32xf32, #tpu.memory_space<vmem>>[vector<16xi32>, vector<16xi32>], vector<16xf32>,
        %broadcast_in_dim3A_387 = arith.constant 18 : i32
        %broadcast_in_dim3A_388 = vector.broadcast %broadcast_in_dim3A_387 : i32 to vector<16xi32>
        tpu.vector_store_idx %arg11[%add3A_224, %broadcast_in_dim3A_388], %gather3A_299 : memref<256x32xf32, #tpu.memory_space<vmem>>[vector<16xi32>, vector<16xi32>], vector<16xf32>,
        %broadcast_in_dim3A_389 = arith.constant 19 : i32
        %broadcast_in_dim3A_390 = vector.broadcast %broadcast_in_dim3A_389 : i32 to vector<16xi32>
        tpu.vector_store_idx %arg11[%add3A_224, %broadcast_in_dim3A_390], %gather3A_303 : memref<256x32xf32, #tpu.memory_space<vmem>>[vector<16xi32>, vector<16xi32>], vector<16xf32>,
        %broadcast_in_dim3A_391 = arith.constant 20 : i32
        %broadcast_in_dim3A_392 = vector.broadcast %broadcast_in_dim3A_391 : i32 to vector<16xi32>
        tpu.vector_store_idx %arg11[%add3A_224, %broadcast_in_dim3A_392], %gather3A_307 : memref<256x32xf32, #tpu.memory_space<vmem>>[vector<16xi32>, vector<16xi32>], vector<16xf32>,
        %broadcast_in_dim3A_393 = arith.constant 21 : i32
        %broadcast_in_dim3A_394 = vector.broadcast %broadcast_in_dim3A_393 : i32 to vector<16xi32>
        tpu.vector_store_idx %arg11[%add3A_224, %broadcast_in_dim3A_394], %gather3A_311 : memref<256x32xf32, #tpu.memory_space<vmem>>[vector<16xi32>, vector<16xi32>], vector<16xf32>,
        %broadcast_in_dim3A_395 = arith.constant 22 : i32
        %broadcast_in_dim3A_396 = vector.broadcast %broadcast_in_dim3A_395 : i32 to vector<16xi32>
        tpu.vector_store_idx %arg11[%add3A_224, %broadcast_in_dim3A_396], %gather3A_315 : memref<256x32xf32, #tpu.memory_space<vmem>>[vector<16xi32>, vector<16xi32>], vector<16xf32>,
        %broadcast_in_dim3A_397 = arith.constant 23 : i32
        %broadcast_in_dim3A_398 = vector.broadcast %broadcast_in_dim3A_397 : i32 to vector<16xi32>
        tpu.vector_store_idx %arg11[%add3A_224, %broadcast_in_dim3A_398], %gather3A_319 : memref<256x32xf32, #tpu.memory_space<vmem>>[vector<16xi32>, vector<16xi32>], vector<16xf32>,
        %broadcast_in_dim3A_399 = arith.constant 24 : i32
        %broadcast_in_dim3A_400 = vector.broadcast %broadcast_in_dim3A_399 : i32 to vector<16xi32>
        tpu.vector_store_idx %arg11[%add3A_224, %broadcast_in_dim3A_400], %gather3A_323 : memref<256x32xf32, #tpu.memory_space<vmem>>[vector<16xi32>, vector<16xi32>], vector<16xf32>,
        %broadcast_in_dim3A_401 = arith.constant 25 : i32
        %broadcast_in_dim3A_402 = vector.broadcast %broadcast_in_dim3A_401 : i32 to vector<16xi32>
        tpu.vector_store_idx %arg11[%add3A_224, %broadcast_in_dim3A_402], %gather3A_327 : memref<256x32xf32, #tpu.memory_space<vmem>>[vector<16xi32>, vector<16xi32>], vector<16xf32>,
        %broadcast_in_dim3A_403 = arith.constant 26 : i32
        %broadcast_in_dim3A_404 = vector.broadcast %broadcast_in_dim3A_403 : i32 to vector<16xi32>
        tpu.vector_store_idx %arg11[%add3A_224, %broadcast_in_dim3A_404], %gather3A_331 : memref<256x32xf32, #tpu.memory_space<vmem>>[vector<16xi32>, vector<16xi32>], vector<16xf32>,
        %broadcast_in_dim3A_405 = arith.constant 27 : i32
        %broadcast_in_dim3A_406 = vector.broadcast %broadcast_in_dim3A_405 : i32 to vector<16xi32>
        tpu.vector_store_idx %arg11[%add3A_224, %broadcast_in_dim3A_406], %gather3A_335 : memref<256x32xf32, #tpu.memory_space<vmem>>[vector<16xi32>, vector<16xi32>], vector<16xf32>,
        %broadcast_in_dim3A_407 = arith.constant 28 : i32
        %broadcast_in_dim3A_408 = vector.broadcast %broadcast_in_dim3A_407 : i32 to vector<16xi32>
        tpu.vector_store_idx %arg11[%add3A_224, %broadcast_in_dim3A_408], %gather3A_339 : memref<256x32xf32, #tpu.memory_space<vmem>>[vector<16xi32>, vector<16xi32>], vector<16xf32>,
        %broadcast_in_dim3A_409 = arith.constant 29 : i32
        %broadcast_in_dim3A_410 = vector.broadcast %broadcast_in_dim3A_409 : i32 to vector<16xi32>
        tpu.vector_store_idx %arg11[%add3A_224, %broadcast_in_dim3A_410], %gather3A_343 : memref<256x32xf32, #tpu.memory_space<vmem>>[vector<16xi32>, vector<16xi32>], vector<16xf32>,
        %broadcast_in_dim3A_411 = arith.constant 30 : i32
        %broadcast_in_dim3A_412 = vector.broadcast %broadcast_in_dim3A_411 : i32 to vector<16xi32>
        tpu.vector_store_idx %arg11[%add3A_224, %broadcast_in_dim3A_412], %gather3A_347 : memref<256x32xf32, #tpu.memory_space<vmem>>[vector<16xi32>, vector<16xi32>], vector<16xf32>,
        %broadcast_in_dim3A_413 = arith.constant 31 : i32
        %broadcast_in_dim3A_414 = vector.broadcast %broadcast_in_dim3A_413 : i32 to vector<16xi32>
        tpu.vector_store_idx %arg11[%add3A_224, %broadcast_in_dim3A_414], %gather3A_351 : memref<256x32xf32, #tpu.memory_space<vmem>>[vector<16xi32>, vector<16xi32>], vector<16xf32>,
      }
      %scan3A_192 = arith.constant 4 : i32
      %dma_wait3A_193 = arith.constant 192 : i32
      %dma_wait3A_194 = arith.constant 0 : i32
      %dma_wait3A_195 = tpu.memref_slice %arg10[%dma_wait3A_193, %dma_wait3A_194] : memref<256x128xf32, #tpu.memory_space<vmem>> -> memref<64x128xf32, #tpu.memory_space<vmem>>
      %dma_wait3A_196 = arith.constant 192 : i32
      %dma_wait3A_197 = tpu.memref_slice %arg8[%dma_wait3A_196] : memref<256xi32, #tpu.memory_space<vmem>> -> memref<64xi32, #tpu.memory_space<vmem>>
      %dma_wait3A_198 = arith.constant 0 : i32
      %dma_wait3A_199 = arith.constant 0 : i32
      %dma_wait3A_200 = tpu.memref_slice %arg2[%dma_wait3A_198, %dma_wait3A_199] : memref<250000x128xf32, #tpu.memory_space<hbm>> -> memref<250000x128xf32, #tpu.memory_space<hbm>>
      tpu.wait_indirect_dma semaphore(%arg13 : memref<!tpu.dma_semaphore, #tpu.memory_space<semaphore_mem>>) src(%dma_wait3A_200 : memref<250000x128xf32, #tpu.memory_space<hbm>>) dst(%dma_wait3A_195 : memref<64x128xf32, #tpu.memory_space<vmem>>)
      %scan3A_201 = arith.constant 0 : i32
      %scan3A_202 = arith.constant 4 : i32
      %scan3A_203 = arith.addi %scan3A_201, %scan3A_202 : i32
      %scan3A_204 = arith.constant 1 : i32
      scf.for %scan3A_209 = %scan3A_201 to %scan3A_203 step %scan3A_204  : i32 {
        %mul3A_210 = arith.constant 1 : i32
        %mul3A_211 = arith.muli %scan3A_209, %mul3A_210 : i32
        %add3A_212 = arith.constant 12 : i32
        %add3A_213 = arith.addi %add3A_212, %mul3A_211 : i32
        %mul3A_214 = arith.constant 16 : i32
        %mul3A_215 = arith.muli %add3A_213, %mul3A_214 : i32
        %get3A = arith.index_cast %mul3A_215 : i32 to index
        %get3A_216 = tpu.vector_load %arg6[%get3A] {strides = array<i32>} : memref<256xi32, #tpu.memory_space<vmem>>, vector<16xi32>,
        %and3A = arith.constant 3 : i32
        %and3A_217 = vector.broadcast %and3A : i32 to vector<16xi32>
        %and3A_218 = arith.andi %get3A_216, %and3A_217 : vector<16xi32>
        %shift_left3A = arith.constant 5 : i32
        %shift_left3A_219 = vector.broadcast %shift_left3A : i32 to vector<16xi32>
        %shift_left3A_220 = arith.shli %and3A_218, %shift_left3A_219 : vector<16xi32>
        %mul3A_221 = arith.constant 16 : i32
        %mul3A_222 = arith.muli %add3A_213, %mul3A_221 : i32
        %add3A_223 = vector.broadcast %mul3A_222 : i32 to vector<16xi32>
        %add3A_224 = arith.addi %add3A_223, %iota3A : vector<16xi32>
        %add3A_225 = arith.constant 0 : i32
        %add3A_226 = vector.broadcast %add3A_225 : i32 to vector<16xi32>
        %add3A_227 = arith.addi %shift_left3A_220, %add3A_226 : vector<16xi32>
        %gather3A = tpu.vector_load_idx %arg10[%add3A_224, %add3A_227] : memref<256x128xf32, #tpu.memory_space<vmem>>[vector<16xi32>, vector<16xi32>], vector<16xf32>,
        %add3A_228 = arith.constant 1 : i32
        %add3A_229 = vector.broadcast %add3A_228 : i32 to vector<16xi32>
        %add3A_230 = arith.addi %shift_left3A_220, %add3A_229 : vector<16xi32>
        %gather3A_231 = tpu.vector_load_idx %arg10[%add3A_224, %add3A_230] : memref<256x128xf32, #tpu.memory_space<vmem>>[vector<16xi32>, vector<16xi32>], vector<16xf32>,
        %add3A_232 = arith.constant 2 : i32
        %add3A_233 = vector.broadcast %add3A_232 : i32 to vector<16xi32>
        %add3A_234 = arith.addi %shift_left3A_220, %add3A_233 : vector<16xi32>
        %gather3A_235 = tpu.vector_load_idx %arg10[%add3A_224, %add3A_234] : memref<256x128xf32, #tpu.memory_space<vmem>>[vector<16xi32>, vector<16xi32>], vector<16xf32>,
        %add3A_236 = arith.constant 3 : i32
        %add3A_237 = vector.broadcast %add3A_236 : i32 to vector<16xi32>
        %add3A_238 = arith.addi %shift_left3A_220, %add3A_237 : vector<16xi32>
        %gather3A_239 = tpu.vector_load_idx %arg10[%add3A_224, %add3A_238] : memref<256x128xf32, #tpu.memory_space<vmem>>[vector<16xi32>, vector<16xi32>], vector<16xf32>,
        %add3A_240 = arith.constant 4 : i32
        %add3A_241 = vector.broadcast %add3A_240 : i32 to vector<16xi32>
        %add3A_242 = arith.addi %shift_left3A_220, %add3A_241 : vector<16xi32>
        %gather3A_243 = tpu.vector_load_idx %arg10[%add3A_224, %add3A_242] : memref<256x128xf32, #tpu.memory_space<vmem>>[vector<16xi32>, vector<16xi32>], vector<16xf32>,
        %add3A_244 = arith.constant 5 : i32
        %add3A_245 = vector.broadcast %add3A_244 : i32 to vector<16xi32>
        %add3A_246 = arith.addi %shift_left3A_220, %add3A_245 : vector<16xi32>
        %gather3A_247 = tpu.vector_load_idx %arg10[%add3A_224, %add3A_246] : memref<256x128xf32, #tpu.memory_space<vmem>>[vector<16xi32>, vector<16xi32>], vector<16xf32>,
        %add3A_248 = arith.constant 6 : i32
        %add3A_249 = vector.broadcast %add3A_248 : i32 to vector<16xi32>
        %add3A_250 = arith.addi %shift_left3A_220, %add3A_249 : vector<16xi32>
        %gather3A_251 = tpu.vector_load_idx %arg10[%add3A_224, %add3A_250] : memref<256x128xf32, #tpu.memory_space<vmem>>[vector<16xi32>, vector<16xi32>], vector<16xf32>,
        %add3A_252 = arith.constant 7 : i32
        %add3A_253 = vector.broadcast %add3A_252 : i32 to vector<16xi32>
        %add3A_254 = arith.addi %shift_left3A_220, %add3A_253 : vector<16xi32>
        %gather3A_255 = tpu.vector_load_idx %arg10[%add3A_224, %add3A_254] : memref<256x128xf32, #tpu.memory_space<vmem>>[vector<16xi32>, vector<16xi32>], vector<16xf32>,
        %add3A_256 = arith.constant 8 : i32
        %add3A_257 = vector.broadcast %add3A_256 : i32 to vector<16xi32>
        %add3A_258 = arith.addi %shift_left3A_220, %add3A_257 : vector<16xi32>
        %gather3A_259 = tpu.vector_load_idx %arg10[%add3A_224, %add3A_258] : memref<256x128xf32, #tpu.memory_space<vmem>>[vector<16xi32>, vector<16xi32>], vector<16xf32>,
        %add3A_260 = arith.constant 9 : i32
        %add3A_261 = vector.broadcast %add3A_260 : i32 to vector<16xi32>
        %add3A_262 = arith.addi %shift_left3A_220, %add3A_261 : vector<16xi32>
        %gather3A_263 = tpu.vector_load_idx %arg10[%add3A_224, %add3A_262] : memref<256x128xf32, #tpu.memory_space<vmem>>[vector<16xi32>, vector<16xi32>], vector<16xf32>,
        %add3A_264 = arith.constant 10 : i32
        %add3A_265 = vector.broadcast %add3A_264 : i32 to vector<16xi32>
        %add3A_266 = arith.addi %shift_left3A_220, %add3A_265 : vector<16xi32>
        %gather3A_267 = tpu.vector_load_idx %arg10[%add3A_224, %add3A_266] : memref<256x128xf32, #tpu.memory_space<vmem>>[vector<16xi32>, vector<16xi32>], vector<16xf32>,
        %add3A_268 = arith.constant 11 : i32
        %add3A_269 = vector.broadcast %add3A_268 : i32 to vector<16xi32>
        %add3A_270 = arith.addi %shift_left3A_220, %add3A_269 : vector<16xi32>
        %gather3A_271 = tpu.vector_load_idx %arg10[%add3A_224, %add3A_270] : memref<256x128xf32, #tpu.memory_space<vmem>>[vector<16xi32>, vector<16xi32>], vector<16xf32>,
        %add3A_272 = arith.constant 12 : i32
        %add3A_273 = vector.broadcast %add3A_272 : i32 to vector<16xi32>
        %add3A_274 = arith.addi %shift_left3A_220, %add3A_273 : vector<16xi32>
        %gather3A_275 = tpu.vector_load_idx %arg10[%add3A_224, %add3A_274] : memref<256x128xf32, #tpu.memory_space<vmem>>[vector<16xi32>, vector<16xi32>], vector<16xf32>,
        %add3A_276 = arith.constant 13 : i32
        %add3A_277 = vector.broadcast %add3A_276 : i32 to vector<16xi32>
        %add3A_278 = arith.addi %shift_left3A_220, %add3A_277 : vector<16xi32>
        %gather3A_279 = tpu.vector_load_idx %arg10[%add3A_224, %add3A_278] : memref<256x128xf32, #tpu.memory_space<vmem>>[vector<16xi32>, vector<16xi32>], vector<16xf32>,
        %add3A_280 = arith.constant 14 : i32
        %add3A_281 = vector.broadcast %add3A_280 : i32 to vector<16xi32>
        %add3A_282 = arith.addi %shift_left3A_220, %add3A_281 : vector<16xi32>
        %gather3A_283 = tpu.vector_load_idx %arg10[%add3A_224, %add3A_282] : memref<256x128xf32, #tpu.memory_space<vmem>>[vector<16xi32>, vector<16xi32>], vector<16xf32>,
        %add3A_284 = arith.constant 15 : i32
        %add3A_285 = vector.broadcast %add3A_284 : i32 to vector<16xi32>
        %add3A_286 = arith.addi %shift_left3A_220, %add3A_285 : vector<16xi32>
        %gather3A_287 = tpu.vector_load_idx %arg10[%add3A_224, %add3A_286] : memref<256x128xf32, #tpu.memory_space<vmem>>[vector<16xi32>, vector<16xi32>], vector<16xf32>,
        %add3A_288 = arith.constant 16 : i32
        %add3A_289 = vector.broadcast %add3A_288 : i32 to vector<16xi32>
        %add3A_290 = arith.addi %shift_left3A_220, %add3A_289 : vector<16xi32>
        %gather3A_291 = tpu.vector_load_idx %arg10[%add3A_224, %add3A_290] : memref<256x128xf32, #tpu.memory_space<vmem>>[vector<16xi32>, vector<16xi32>], vector<16xf32>,
        %add3A_292 = arith.constant 17 : i32
        %add3A_293 = vector.broadcast %add3A_292 : i32 to vector<16xi32>
        %add3A_294 = arith.addi %shift_left3A_220, %add3A_293 : vector<16xi32>
        %gather3A_295 = tpu.vector_load_idx %arg10[%add3A_224, %add3A_294] : memref<256x128xf32, #tpu.memory_space<vmem>>[vector<16xi32>, vector<16xi32>], vector<16xf32>,
        %add3A_296 = arith.constant 18 : i32
        %add3A_297 = vector.broadcast %add3A_296 : i32 to vector<16xi32>
        %add3A_298 = arith.addi %shift_left3A_220, %add3A_297 : vector<16xi32>
        %gather3A_299 = tpu.vector_load_idx %arg10[%add3A_224, %add3A_298] : memref<256x128xf32, #tpu.memory_space<vmem>>[vector<16xi32>, vector<16xi32>], vector<16xf32>,
        %add3A_300 = arith.constant 19 : i32
        %add3A_301 = vector.broadcast %add3A_300 : i32 to vector<16xi32>
        %add3A_302 = arith.addi %shift_left3A_220, %add3A_301 : vector<16xi32>
        %gather3A_303 = tpu.vector_load_idx %arg10[%add3A_224, %add3A_302] : memref<256x128xf32, #tpu.memory_space<vmem>>[vector<16xi32>, vector<16xi32>], vector<16xf32>,
        %add3A_304 = arith.constant 20 : i32
        %add3A_305 = vector.broadcast %add3A_304 : i32 to vector<16xi32>
        %add3A_306 = arith.addi %shift_left3A_220, %add3A_305 : vector<16xi32>
        %gather3A_307 = tpu.vector_load_idx %arg10[%add3A_224, %add3A_306] : memref<256x128xf32, #tpu.memory_space<vmem>>[vector<16xi32>, vector<16xi32>], vector<16xf32>,
        %add3A_308 = arith.constant 21 : i32
        %add3A_309 = vector.broadcast %add3A_308 : i32 to vector<16xi32>
        %add3A_310 = arith.addi %shift_left3A_220, %add3A_309 : vector<16xi32>
        %gather3A_311 = tpu.vector_load_idx %arg10[%add3A_224, %add3A_310] : memref<256x128xf32, #tpu.memory_space<vmem>>[vector<16xi32>, vector<16xi32>], vector<16xf32>,
        %add3A_312 = arith.constant 22 : i32
        %add3A_313 = vector.broadcast %add3A_312 : i32 to vector<16xi32>
        %add3A_314 = arith.addi %shift_left3A_220, %add3A_313 : vector<16xi32>
        %gather3A_315 = tpu.vector_load_idx %arg10[%add3A_224, %add3A_314] : memref<256x128xf32, #tpu.memory_space<vmem>>[vector<16xi32>, vector<16xi32>], vector<16xf32>,
        %add3A_316 = arith.constant 23 : i32
        %add3A_317 = vector.broadcast %add3A_316 : i32 to vector<16xi32>
        %add3A_318 = arith.addi %shift_left3A_220, %add3A_317 : vector<16xi32>
        %gather3A_319 = tpu.vector_load_idx %arg10[%add3A_224, %add3A_318] : memref<256x128xf32, #tpu.memory_space<vmem>>[vector<16xi32>, vector<16xi32>], vector<16xf32>,
        %add3A_320 = arith.constant 24 : i32
        %add3A_321 = vector.broadcast %add3A_320 : i32 to vector<16xi32>
        %add3A_322 = arith.addi %shift_left3A_220, %add3A_321 : vector<16xi32>
        %gather3A_323 = tpu.vector_load_idx %arg10[%add3A_224, %add3A_322] : memref<256x128xf32, #tpu.memory_space<vmem>>[vector<16xi32>, vector<16xi32>], vector<16xf32>,
        %add3A_324 = arith.constant 25 : i32
        %add3A_325 = vector.broadcast %add3A_324 : i32 to vector<16xi32>
        %add3A_326 = arith.addi %shift_left3A_220, %add3A_325 : vector<16xi32>
        %gather3A_327 = tpu.vector_load_idx %arg10[%add3A_224, %add3A_326] : memref<256x128xf32, #tpu.memory_space<vmem>>[vector<16xi32>, vector<16xi32>], vector<16xf32>,
        %add3A_328 = arith.constant 26 : i32
        %add3A_329 = vector.broadcast %add3A_328 : i32 to vector<16xi32>
        %add3A_330 = arith.addi %shift_left3A_220, %add3A_329 : vector<16xi32>
        %gather3A_331 = tpu.vector_load_idx %arg10[%add3A_224, %add3A_330] : memref<256x128xf32, #tpu.memory_space<vmem>>[vector<16xi32>, vector<16xi32>], vector<16xf32>,
        %add3A_332 = arith.constant 27 : i32
        %add3A_333 = vector.broadcast %add3A_332 : i32 to vector<16xi32>
        %add3A_334 = arith.addi %shift_left3A_220, %add3A_333 : vector<16xi32>
        %gather3A_335 = tpu.vector_load_idx %arg10[%add3A_224, %add3A_334] : memref<256x128xf32, #tpu.memory_space<vmem>>[vector<16xi32>, vector<16xi32>], vector<16xf32>,
        %add3A_336 = arith.constant 28 : i32
        %add3A_337 = vector.broadcast %add3A_336 : i32 to vector<16xi32>
        %add3A_338 = arith.addi %shift_left3A_220, %add3A_337 : vector<16xi32>
        %gather3A_339 = tpu.vector_load_idx %arg10[%add3A_224, %add3A_338] : memref<256x128xf32, #tpu.memory_space<vmem>>[vector<16xi32>, vector<16xi32>], vector<16xf32>,
        %add3A_340 = arith.constant 29 : i32
        %add3A_341 = vector.broadcast %add3A_340 : i32 to vector<16xi32>
        %add3A_342 = arith.addi %shift_left3A_220, %add3A_341 : vector<16xi32>
        %gather3A_343 = tpu.vector_load_idx %arg10[%add3A_224, %add3A_342] : memref<256x128xf32, #tpu.memory_space<vmem>>[vector<16xi32>, vector<16xi32>], vector<16xf32>,
        %add3A_344 = arith.constant 30 : i32
        %add3A_345 = vector.broadcast %add3A_344 : i32 to vector<16xi32>
        %add3A_346 = arith.addi %shift_left3A_220, %add3A_345 : vector<16xi32>
        %gather3A_347 = tpu.vector_load_idx %arg10[%add3A_224, %add3A_346] : memref<256x128xf32, #tpu.memory_space<vmem>>[vector<16xi32>, vector<16xi32>], vector<16xf32>,
        %add3A_348 = arith.constant 31 : i32
        %add3A_349 = vector.broadcast %add3A_348 : i32 to vector<16xi32>
        %add3A_350 = arith.addi %shift_left3A_220, %add3A_349 : vector<16xi32>
        %gather3A_351 = tpu.vector_load_idx %arg10[%add3A_224, %add3A_350] : memref<256x128xf32, #tpu.memory_space<vmem>>[vector<16xi32>, vector<16xi32>], vector<16xf32>,
        %broadcast_in_dim3A = arith.constant 0 : i32
        %broadcast_in_dim3A_352 = vector.broadcast %broadcast_in_dim3A : i32 to vector<16xi32>
        tpu.vector_store_idx %arg11[%add3A_224, %broadcast_in_dim3A_352], %gather3A : memref<256x32xf32, #tpu.memory_space<vmem>>[vector<16xi32>, vector<16xi32>], vector<16xf32>,
        %broadcast_in_dim3A_353 = arith.constant 1 : i32
        %broadcast_in_dim3A_354 = vector.broadcast %broadcast_in_dim3A_353 : i32 to vector<16xi32>
        tpu.vector_store_idx %arg11[%add3A_224, %broadcast_in_dim3A_354], %gather3A_231 : memref<256x32xf32, #tpu.memory_space<vmem>>[vector<16xi32>, vector<16xi32>], vector<16xf32>,
        %broadcast_in_dim3A_355 = arith.constant 2 : i32
        %broadcast_in_dim3A_356 = vector.broadcast %broadcast_in_dim3A_355 : i32 to vector<16xi32>
        tpu.vector_store_idx %arg11[%add3A_224, %broadcast_in_dim3A_356], %gather3A_235 : memref<256x32xf32, #tpu.memory_space<vmem>>[vector<16xi32>, vector<16xi32>], vector<16xf32>,
        %broadcast_in_dim3A_357 = arith.constant 3 : i32
        %broadcast_in_dim3A_358 = vector.broadcast %broadcast_in_dim3A_357 : i32 to vector<16xi32>
        tpu.vector_store_idx %arg11[%add3A_224, %broadcast_in_dim3A_358], %gather3A_239 : memref<256x32xf32, #tpu.memory_space<vmem>>[vector<16xi32>, vector<16xi32>], vector<16xf32>,
        %broadcast_in_dim3A_359 = arith.constant 4 : i32
        %broadcast_in_dim3A_360 = vector.broadcast %broadcast_in_dim3A_359 : i32 to vector<16xi32>
        tpu.vector_store_idx %arg11[%add3A_224, %broadcast_in_dim3A_360], %gather3A_243 : memref<256x32xf32, #tpu.memory_space<vmem>>[vector<16xi32>, vector<16xi32>], vector<16xf32>,
        %broadcast_in_dim3A_361 = arith.constant 5 : i32
        %broadcast_in_dim3A_362 = vector.broadcast %broadcast_in_dim3A_361 : i32 to vector<16xi32>
        tpu.vector_store_idx %arg11[%add3A_224, %broadcast_in_dim3A_362], %gather3A_247 : memref<256x32xf32, #tpu.memory_space<vmem>>[vector<16xi32>, vector<16xi32>], vector<16xf32>,
        %broadcast_in_dim3A_363 = arith.constant 6 : i32
        %broadcast_in_dim3A_364 = vector.broadcast %broadcast_in_dim3A_363 : i32 to vector<16xi32>
        tpu.vector_store_idx %arg11[%add3A_224, %broadcast_in_dim3A_364], %gather3A_251 : memref<256x32xf32, #tpu.memory_space<vmem>>[vector<16xi32>, vector<16xi32>], vector<16xf32>,
        %broadcast_in_dim3A_365 = arith.constant 7 : i32
        %broadcast_in_dim3A_366 = vector.broadcast %broadcast_in_dim3A_365 : i32 to vector<16xi32>
        tpu.vector_store_idx %arg11[%add3A_224, %broadcast_in_dim3A_366], %gather3A_255 : memref<256x32xf32, #tpu.memory_space<vmem>>[vector<16xi32>, vector<16xi32>], vector<16xf32>,
        %broadcast_in_dim3A_367 = arith.constant 8 : i32
        %broadcast_in_dim3A_368 = vector.broadcast %broadcast_in_dim3A_367 : i32 to vector<16xi32>
        tpu.vector_store_idx %arg11[%add3A_224, %broadcast_in_dim3A_368], %gather3A_259 : memref<256x32xf32, #tpu.memory_space<vmem>>[vector<16xi32>, vector<16xi32>], vector<16xf32>,
        %broadcast_in_dim3A_369 = arith.constant 9 : i32
        %broadcast_in_dim3A_370 = vector.broadcast %broadcast_in_dim3A_369 : i32 to vector<16xi32>
        tpu.vector_store_idx %arg11[%add3A_224, %broadcast_in_dim3A_370], %gather3A_263 : memref<256x32xf32, #tpu.memory_space<vmem>>[vector<16xi32>, vector<16xi32>], vector<16xf32>,
        %broadcast_in_dim3A_371 = arith.constant 10 : i32
        %broadcast_in_dim3A_372 = vector.broadcast %broadcast_in_dim3A_371 : i32 to vector<16xi32>
        tpu.vector_store_idx %arg11[%add3A_224, %broadcast_in_dim3A_372], %gather3A_267 : memref<256x32xf32, #tpu.memory_space<vmem>>[vector<16xi32>, vector<16xi32>], vector<16xf32>,
        %broadcast_in_dim3A_373 = arith.constant 11 : i32
        %broadcast_in_dim3A_374 = vector.broadcast %broadcast_in_dim3A_373 : i32 to vector<16xi32>
        tpu.vector_store_idx %arg11[%add3A_224, %broadcast_in_dim3A_374], %gather3A_271 : memref<256x32xf32, #tpu.memory_space<vmem>>[vector<16xi32>, vector<16xi32>], vector<16xf32>,
        %broadcast_in_dim3A_375 = arith.constant 12 : i32
        %broadcast_in_dim3A_376 = vector.broadcast %broadcast_in_dim3A_375 : i32 to vector<16xi32>
        tpu.vector_store_idx %arg11[%add3A_224, %broadcast_in_dim3A_376], %gather3A_275 : memref<256x32xf32, #tpu.memory_space<vmem>>[vector<16xi32>, vector<16xi32>], vector<16xf32>,
        %broadcast_in_dim3A_377 = arith.constant 13 : i32
        %broadcast_in_dim3A_378 = vector.broadcast %broadcast_in_dim3A_377 : i32 to vector<16xi32>
        tpu.vector_store_idx %arg11[%add3A_224, %broadcast_in_dim3A_378], %gather3A_279 : memref<256x32xf32, #tpu.memory_space<vmem>>[vector<16xi32>, vector<16xi32>], vector<16xf32>,
        %broadcast_in_dim3A_379 = arith.constant 14 : i32
        %broadcast_in_dim3A_380 = vector.broadcast %broadcast_in_dim3A_379 : i32 to vector<16xi32>
        tpu.vector_store_idx %arg11[%add3A_224, %broadcast_in_dim3A_380], %gather3A_283 : memref<256x32xf32, #tpu.memory_space<vmem>>[vector<16xi32>, vector<16xi32>], vector<16xf32>,
        %broadcast_in_dim3A_381 = arith.constant 15 : i32
        %broadcast_in_dim3A_382 = vector.broadcast %broadcast_in_dim3A_381 : i32 to vector<16xi32>
        tpu.vector_store_idx %arg11[%add3A_224, %broadcast_in_dim3A_382], %gather3A_287 : memref<256x32xf32, #tpu.memory_space<vmem>>[vector<16xi32>, vector<16xi32>], vector<16xf32>,
        %broadcast_in_dim3A_383 = arith.constant 16 : i32
        %broadcast_in_dim3A_384 = vector.broadcast %broadcast_in_dim3A_383 : i32 to vector<16xi32>
        tpu.vector_store_idx %arg11[%add3A_224, %broadcast_in_dim3A_384], %gather3A_291 : memref<256x32xf32, #tpu.memory_space<vmem>>[vector<16xi32>, vector<16xi32>], vector<16xf32>,
        %broadcast_in_dim3A_385 = arith.constant 17 : i32
        %broadcast_in_dim3A_386 = vector.broadcast %broadcast_in_dim3A_385 : i32 to vector<16xi32>
        tpu.vector_store_idx %arg11[%add3A_224, %broadcast_in_dim3A_386], %gather3A_295 : memref<256x32xf32, #tpu.memory_space<vmem>>[vector<16xi32>, vector<16xi32>], vector<16xf32>,
        %broadcast_in_dim3A_387 = arith.constant 18 : i32
        %broadcast_in_dim3A_388 = vector.broadcast %broadcast_in_dim3A_387 : i32 to vector<16xi32>
        tpu.vector_store_idx %arg11[%add3A_224, %broadcast_in_dim3A_388], %gather3A_299 : memref<256x32xf32, #tpu.memory_space<vmem>>[vector<16xi32>, vector<16xi32>], vector<16xf32>,
        %broadcast_in_dim3A_389 = arith.constant 19 : i32
        %broadcast_in_dim3A_390 = vector.broadcast %broadcast_in_dim3A_389 : i32 to vector<16xi32>
        tpu.vector_store_idx %arg11[%add3A_224, %broadcast_in_dim3A_390], %gather3A_303 : memref<256x32xf32, #tpu.memory_space<vmem>>[vector<16xi32>, vector<16xi32>], vector<16xf32>,
        %broadcast_in_dim3A_391 = arith.constant 20 : i32
        %broadcast_in_dim3A_392 = vector.broadcast %broadcast_in_dim3A_391 : i32 to vector<16xi32>
        tpu.vector_store_idx %arg11[%add3A_224, %broadcast_in_dim3A_392], %gather3A_307 : memref<256x32xf32, #tpu.memory_space<vmem>>[vector<16xi32>, vector<16xi32>], vector<16xf32>,
        %broadcast_in_dim3A_393 = arith.constant 21 : i32
        %broadcast_in_dim3A_394 = vector.broadcast %broadcast_in_dim3A_393 : i32 to vector<16xi32>
        tpu.vector_store_idx %arg11[%add3A_224, %broadcast_in_dim3A_394], %gather3A_311 : memref<256x32xf32, #tpu.memory_space<vmem>>[vector<16xi32>, vector<16xi32>], vector<16xf32>,
        %broadcast_in_dim3A_395 = arith.constant 22 : i32
        %broadcast_in_dim3A_396 = vector.broadcast %broadcast_in_dim3A_395 : i32 to vector<16xi32>
        tpu.vector_store_idx %arg11[%add3A_224, %broadcast_in_dim3A_396], %gather3A_315 : memref<256x32xf32, #tpu.memory_space<vmem>>[vector<16xi32>, vector<16xi32>], vector<16xf32>,
        %broadcast_in_dim3A_397 = arith.constant 23 : i32
        %broadcast_in_dim3A_398 = vector.broadcast %broadcast_in_dim3A_397 : i32 to vector<16xi32>
        tpu.vector_store_idx %arg11[%add3A_224, %broadcast_in_dim3A_398], %gather3A_319 : memref<256x32xf32, #tpu.memory_space<vmem>>[vector<16xi32>, vector<16xi32>], vector<16xf32>,
        %broadcast_in_dim3A_399 = arith.constant 24 : i32
        %broadcast_in_dim3A_400 = vector.broadcast %broadcast_in_dim3A_399 : i32 to vector<16xi32>
        tpu.vector_store_idx %arg11[%add3A_224, %broadcast_in_dim3A_400], %gather3A_323 : memref<256x32xf32, #tpu.memory_space<vmem>>[vector<16xi32>, vector<16xi32>], vector<16xf32>,
        %broadcast_in_dim3A_401 = arith.constant 25 : i32
        %broadcast_in_dim3A_402 = vector.broadcast %broadcast_in_dim3A_401 : i32 to vector<16xi32>
        tpu.vector_store_idx %arg11[%add3A_224, %broadcast_in_dim3A_402], %gather3A_327 : memref<256x32xf32, #tpu.memory_space<vmem>>[vector<16xi32>, vector<16xi32>], vector<16xf32>,
        %broadcast_in_dim3A_403 = arith.constant 26 : i32
        %broadcast_in_dim3A_404 = vector.broadcast %broadcast_in_dim3A_403 : i32 to vector<16xi32>
        tpu.vector_store_idx %arg11[%add3A_224, %broadcast_in_dim3A_404], %gather3A_331 : memref<256x32xf32, #tpu.memory_space<vmem>>[vector<16xi32>, vector<16xi32>], vector<16xf32>,
        %broadcast_in_dim3A_405 = arith.constant 27 : i32
        %broadcast_in_dim3A_406 = vector.broadcast %broadcast_in_dim3A_405 : i32 to vector<16xi32>
        tpu.vector_store_idx %arg11[%add3A_224, %broadcast_in_dim3A_406], %gather3A_335 : memref<256x32xf32, #tpu.memory_space<vmem>>[vector<16xi32>, vector<16xi32>], vector<16xf32>,
        %broadcast_in_dim3A_407 = arith.constant 28 : i32
        %broadcast_in_dim3A_408 = vector.broadcast %broadcast_in_dim3A_407 : i32 to vector<16xi32>
        tpu.vector_store_idx %arg11[%add3A_224, %broadcast_in_dim3A_408], %gather3A_339 : memref<256x32xf32, #tpu.memory_space<vmem>>[vector<16xi32>, vector<16xi32>], vector<16xf32>,
        %broadcast_in_dim3A_409 = arith.constant 29 : i32
        %broadcast_in_dim3A_410 = vector.broadcast %broadcast_in_dim3A_409 : i32 to vector<16xi32>
        tpu.vector_store_idx %arg11[%add3A_224, %broadcast_in_dim3A_410], %gather3A_343 : memref<256x32xf32, #tpu.memory_space<vmem>>[vector<16xi32>, vector<16xi32>], vector<16xf32>,
        %broadcast_in_dim3A_411 = arith.constant 30 : i32
        %broadcast_in_dim3A_412 = vector.broadcast %broadcast_in_dim3A_411 : i32 to vector<16xi32>
        tpu.vector_store_idx %arg11[%add3A_224, %broadcast_in_dim3A_412], %gather3A_347 : memref<256x32xf32, #tpu.memory_space<vmem>>[vector<16xi32>, vector<16xi32>], vector<16xf32>,
        %broadcast_in_dim3A_413 = arith.constant 31 : i32
        %broadcast_in_dim3A_414 = vector.broadcast %broadcast_in_dim3A_413 : i32 to vector<16xi32>
        tpu.vector_store_idx %arg11[%add3A_224, %broadcast_in_dim3A_414], %gather3A_351 : memref<256x32xf32, #tpu.memory_space<vmem>>[vector<16xi32>, vector<16xi32>], vector<16xf32>,
      }
      %scan3A_205 = arith.constant 4 : i32
      %mul3A_206 = arith.constant 256 : i32
      %mul3A_207 = arith.muli %add3A_153, %mul3A_206 : i32
      %add3A_208 = arith.addi %mul3A_2, %mul3A_207 : i32
      "tpu.region"() ({
        %run_scoped3A = tpu.sem_alloc : memref<!tpu.dma_semaphore, #tpu.memory_space<semaphore_mem>>
        %dma_start3A_209 = arith.constant 0 : i32
        %dma_start3A_210 = tpu.memref_slice %arg4[%add3A_208, %dma_start3A_209] : memref<819200x32xf32, #tpu.memory_space<hbm>> -> memref<256x32xf32, #tpu.memory_space<hbm>>
        %dma_start3A_211 = arith.constant 0 : i32
        %dma_start3A_212 = tpu.memref_slice %arg4[%add3A_208, %dma_start3A_211] : memref<819200x32xf32, #tpu.memory_space<hbm>> -> memref<256x32xf32, #tpu.memory_space<hbm>>
        tpu.enqueue_dma source(%arg11 : memref<256x32xf32, #tpu.memory_space<vmem>>) target(%dma_start3A_212 : memref<256x32xf32, #tpu.memory_space<hbm>>) target_semaphore(%run_scoped3A : memref<!tpu.dma_semaphore, #tpu.memory_space<semaphore_mem>>)
        %dma_wait3A_213 = arith.constant 0 : i32
        %dma_wait3A_214 = tpu.memref_slice %arg4[%add3A_208, %dma_wait3A_213] : memref<819200x32xf32, #tpu.memory_space<hbm>> -> memref<256x32xf32, #tpu.memory_space<hbm>>
        %dma_wait3A_215 = arith.constant 0 : i32
        %dma_wait3A_216 = tpu.memref_slice %arg4[%add3A_208, %dma_wait3A_215] : memref<819200x32xf32, #tpu.memory_space<hbm>> -> memref<256x32xf32, #tpu.memory_space<hbm>>
        tpu.wait_dma2 semaphore(%run_scoped3A : memref<!tpu.dma_semaphore, #tpu.memory_space<semaphore_mem>>) src(%arg11 : memref<256x32xf32, #tpu.memory_space<vmem>>) dst(%dma_wait3A_216 : memref<256x32xf32, #tpu.memory_space<hbm>>)
        tpu.yield
      }) : () -> ()
    }
    %scan3A_44 = arith.constant 50 : i32
    return
  }
}

</mosaic_0001>

<sc_bundles>
// kernel: kernel.3.cloned.1.call-start
scs
__scs_entry_jumppad:
0x0: {  	(pc) =	sbr.rel $0x88, $3  }
0x1: {  	(tag) =	ssettag $0x0;
	lr =	simm.s32 $0x1  }
0x2: {  	[smem:$0x3F9F] =	sst lr;
	_ =	strace $0xD0000000  }
0x3: {  	_ = 	snop  }
0x4: {  	_ = 	snop  }
0x5: {  	_ = 	snop  }
0x6: {  	_ = 	snop  }
0x7: {  	_ = 	snop  }
__scs_overlays_trampoline_lowered:
0x8: {  	[smem:$0x3FAE] =	sst s0  }
0x9: {  	[smem:$0x3FAF] =	sst s1  }
0xa: {  	[smem:$0x3FB0] =	sst s2  }
0xb: {  	[smem:$0x3FB1] =	sst s3  }
0xc: {  	[smem:$0x3FB2] =	sst s4  }
0xd: {  	[smem:$0x3FB3] =	sst s5  }
0xe: {  	[smem:$0x3FB4] =	sst s6  }
0xf: {  	[smem:$0x3FB5] =	sst s7  }
0x10: {  	[smem:$0x3FB6] =	sst s8  }
0x11: {  	[smem:$0x3FB7] =	sst s9;
	s0 =	simm.s32 @!p0 $0x0  }
0x12: {  	s1 =	sld [smem:$0x3F9D];
	s0 =	simm.s32 @p0 $0x1  }
0x13: {  	[smem:$0x3FB8] =	sst s0;
	s0 =	simm.s32 @!p1 $0x0  }
0x14: {  	s2 =	sld [smem:$0x3F9C];
	s0 =	simm.s32 @p1 $0x1  }
0x15: {  	[smem:$0x3FB9] =	sst s0;
	s0 =	simm.s32 @!p2 $0x0  }
0x16: {  	s3 =	sld [smem:$0x3FDB];
	s0 =	simm.s32 @p2 $0x1  }
0x17: {  	s4 =	simm.s32 $0x1BF5;
	[smem:$0x3FBB] =	sst s0  }
0x18: {  	s0 =	sld [smem:$0x3F9E];
	_ =	swait.ge [sflag:s4], $0x0  }
0x19: {  	s7 =	sld [smem:$0x3F9F]  }
0x1a: {  	s8 =	sadd.s32 $0xFFFFE003, lr  }
0x1b: {  	s9 =	sadd.s32 $0xFFFFFEF7, lr;
	s5 =	simm.s32 $0xFFFFFFFF;
	p2 =	slt.u32 s8, $0xFFFFF086  }
0x1c: {  	p1 =	slt.u32 s9, $0xF7A;
	s5 =	simm.s32 @!p2 $0x0  }
0x1d: {  	s5 =	simm.s32 @p1 $0x1;
	p0 =	seq.s32 s7, s2  }
0x1e: {  	s7 =	smul.u32 @!p0 $0xF7A, s2;
	p2 =	seq.s32 @!p0 s5, $0x0  }
0x1f: {  	s9 =	smul.u32 $0xF7A, s1;
	s8 =	simm.s32 @!p0 $0x1BF5;
	p2 =	por !p2, p0  }
0x20: {  	[sflag:s8] =	ssyncset.s32 @!p0 $0xFFFFF086;
	s6 =	sadd.s32 @!p0 s3, s7;
	s7 =	simm.s32 @!p0 $0x108  }
0x21: {  	s3 =	sadd.s32 s3, s9;
	s6 =	sadd.s32 @!p0 $0x88, s6;
	s7 =	simm.s32 @p2 $0x1082  }
0x22: {  	[simem:s7], [sflag:s8] =	dma.local @!p0 [hbm:s6], $0xF7A  }
0x23: {  	s9 =	sor.u32 $0xD0000000, s2;
	s6 =	simm.s32 $0x108;
	_ =	swait.ge @!p0 [sflag:s8], $0x0  }
0x24: {  	s3 =	sadd.s32 $0x88, s3;
	s6 =	simm.s32 @!p1 $0x1082;
	[sflag:s4] =	ssyncset.s32 $0xFFFFF086  }
0x25: {  	[simem:s6], [sflag:s4] =	dma.local [hbm:s3], $0xF7A  }
0x26: {  	[smem:$0x3F9F] =	sst s1;
	(tag) =	ssettag s2;
	_ =	strace s9  }
0x27: {  	s1 =	sld [smem:$0x3FAF]  }
0x28: {  	s2 =	sld [smem:$0x3FB0]  }
0x29: {  	s4 =	sld [smem:$0x3FB2]  }
0x2a: {  	p0 =	seq.s32 s5, $0x0;
	s5 =	sld [smem:$0x3FB3]  }
0x2b: {  	s6 =	sld [smem:$0x3FB4]  }
0x2c: {  	s7 =	sld [smem:$0x3FB5]  }
0x2d: {  	s3 =	simm.s32 $0x108;
	s8 =	sld [smem:$0x3FB6]  }
0x2e: {  	s3 =	simm.s32 @!p0 $0x1082;
	s9 =	sld [smem:$0x3FB7]  }
0x2f: {  	lr =	sadd.s32 s0, s3;
	s0 =	sld [smem:$0x3FAE]  }
0x30: {  	s3 =	sld [smem:$0x3FB1]  }
0x31: {  	[smem:$0x3FBA] =	sst s10  }
0x32: {  	s10 =	sld [smem:$0x3FB8];
	_ =	sdelay $0x3  }
0x33: {  	p0 =	seq.s32 s10, $0x1;
	s10 =	sld [smem:$0x3FBA];
	_ =	sdelay $0x3  }
0x34: {  	[smem:$0x3FBA] =	sst s10  }
0x35: {  	s10 =	sld [smem:$0x3FB9];
	_ =	sdelay $0x3  }
0x36: {  	p1 =	seq.s32 s10, $0x1;
	s10 =	sld [smem:$0x3FBA];
	_ =	sdelay $0x3  }
0x37: {  	[smem:$0x3FBA] =	sst s10  }
0x38: {  	s10 =	sld [smem:$0x3FBB]  }
0x39: {  	_ = 	snop;
	(pc) =	sbr.ind lr, $3  }
0x3a: {  	_ = 	snop  }
0x3b: {  	_ = 	snop  }
0x3c: {  	p2 =	seq.s32 s10, $0x1;
	s10 =	sld [smem:$0x3FBA]  }
0x3d: {  	_ =	shalt  }
0x3e: {  	_ =	shalt  }
0x3f: {  	_ =	shalt  }
0x40: {  	_ =	shalt  }
0x41: {  	_ =	shalt  }
0x42: {  	_ =	shalt  }
0x43: {  	_ =	shalt  }
0x44: {  	_ =	shalt  }
0x45: {  	_ =	shalt  }
0x46: {  	_ =	shalt  }
0x47: {  	_ =	shalt  }
0x48: {  	_ =	shalt  }
0x49: {  	_ =	shalt  }
0x4a: {  	_ =	shalt  }
0x4b: {  	_ =	shalt  }
0x4c: {  	_ =	shalt  }
0x4d: {  	_ =	shalt  }
0x4e: {  	_ =	shalt  }
0x4f: {  	_ =	shalt  }
0x50: {  	_ =	shalt  }
0x51: {  	_ =	shalt  }
0x52: {  	_ =	shalt  }
0x53: {  	_ =	shalt  }
0x54: {  	_ =	shalt  }
0x55: {  	_ =	shalt  }
0x56: {  	_ =	shalt  }
0x57: {  	_ =	shalt  }
0x58: {  	_ =	shalt  }
0x59: {  	_ =	shalt  }
0x5a: {  	_ =	shalt  }
0x5b: {  	_ =	shalt  }
0x5c: {  	_ =	shalt  }
0x5d: {  	_ =	shalt  }
0x5e: {  	_ =	shalt  }
0x5f: {  	_ =	shalt  }
0x60: {  	_ =	shalt  }
0x61: {  	_ =	shalt  }
0x62: {  	_ =	shalt  }
0x63: {  	_ =	shalt  }
0x64: {  	_ =	shalt  }
0x65: {  	_ =	shalt  }
0x66: {  	_ =	shalt  }
0x67: {  	_ =	shalt  }
0x68: {  	_ =	shalt  }
0x69: {  	_ =	shalt  }
0x6a: {  	_ =	shalt  }
0x6b: {  	_ =	shalt  }
0x6c: {  	_ =	shalt  }
0x6d: {  	_ =	shalt  }
0x6e: {  	_ =	shalt  }
0x6f: {  	_ =	shalt  }
0x70: {  	_ =	shalt  }
0x71: {  	_ =	shalt  }
0x72: {  	_ =	shalt  }
0x73: {  	_ =	shalt  }
0x74: {  	_ =	shalt  }
0x75: {  	_ =	shalt  }
0x76: {  	_ =	shalt  }
0x77: {  	_ =	shalt  }
0x78: {  	_ =	shalt  }
0x79: {  	_ =	shalt  }
0x7a: {  	_ =	shalt  }
0x7b: {  	_ =	shalt  }
0x7c: {  	_ =	shalt  }
0x7d: {  	_ =	shalt  }
0x7e: {  	_ =	shalt  }
0x7f: {  	_ =	shalt  }
0x80: {  	_ =	shalt  }
0x81: {  	_ =	shalt  }
0x82: {  	_ =	shalt  }
0x83: {  	_ =	shalt  }
0x84: {  	_ =	shalt  }
0x85: {  	_ =	shalt  }
0x86: {  	_ =	shalt  }
0x87: {  	_ =	shalt  }
.Lfunc_end0:
.L_simem_size_0:
called_computation.1_lowered:
.L_overlay_start_0:
0x88: {  	s2 =	sld [smem:$0x3FD9]  }
0x89: {  	s3 =	sld [smem:$0x3FFE];
	_ =	sdelay $0x1  }
0x8a: {  	s1 =	srdreg.scid  }
0x8b: {  	s0 =	sand.u32 $0x1, s1  }
0x8c: {  	s17 =	sshll.u32 s0, $0xA;
	s2 =	sadd.s32 s3, s2  }
0x8d: {  	s2 =	sadd.s32 s2, s17  }
0x8e: {  	[smem:$0x3FC6] =	sst s2  }
0x8f: {  	_ = 	snop  }
0x90: {  	s2 =	sld [smem:$0x3FD0];
	(tm) =	ssettm $0x1  }
0x91: {  	s18 =	sld [smem:$0x3FFB];
	_ =	sdelay $0x3  }
0x92: {  	_ =	strace s18  }
0x93: {  	s3 =	sld [smem:$0x3FFC];
	_ =	sdelay $0x3  }
0x94: {  	_ =	strace s3  }
0x95: {  	s3 =	sld [smem:$0x3FFD];
	_ =	sdelay $0x3  }
0x96: {  	_ =	strace s3  }
0x97: {  	_ =	strace $0x8FFFFFFF  }
0x98: {  	s19 =	sld [smem:$0x3FDB];
	_ =	sdelay $0x1  }
0x99: {  	s4 =	simm.s32 $_scs_section_size  }
0x9a: {  	s5 =	simm.s32 $_size__tile_overlayer_lowered;
	s6 =	simm.s32 $_tile_overlayer_lowered  }
0x9b: {  	s22 =	simm.s32 $0x1BFF;
	s21 =	sshll.u32 s6, $0x1;
	s3 =	sadd.s32 s4, s19  }
0x9c: {  	s7 =	simm.s32 $0x0;
	s20 =	sshll.u32 s5, $0x1;
	s5 =	sadd.s32 s21, s3  }
0x9d: {  	[timem:s7], [sflag:s22] =	dma.local [hbm:s5], s20  }
0x9e: {  	_ =	swait.ge [sflag:s22], s20  }
0x9f: {  	s4 =	ssub.s32 $0x0, s20;
	[sflag:s22] =	ssyncset.done $0x0  }
0xa0: {  	[sflag:s22] =	ssyncadd.s32 s4;
	_ =	sdelay $0x1  }
0xa1: {  	s23 =	simm.s32 $0x1B8B  }
0xa2: {  	_ =	swait.ge [sflag:s23], $0x1  }
0xa3: {  	[sflag:s23] =	ssyncset.done $0x0  }
0xa4: {  	s25 =	simm.s32 $0x1B8E;
	s24 =	sld [smem:$0x3FFE];
	[sflag:s23] =	ssyncadd.s32 $0xFFFFFFFF  }
0xa5: {  	s26 =	simm.s32 $execute0_lowered;
	[smem:$0x3FD2] =	sst s25  }
0xa6: {  	s5 =	sshll.u32 s26, $0x1;
	_ =	strace $0x80000046;
	[dreg:$0x1] =	wrdreg $0xFFFFFFFF  }
0xa7: {  	s28 =	simm.s32 $_size_execute0_lowered;
	s3 =	sadd.s32 s3, s5;
	[dreg:$0x0] =	wrdreg $0x0  }
0xa8: {  	s5 =	sshll.u32 s28, $0x1;
	[dreg:$0x2] =	wrdreg s3  }
0xa9: {  	[dreg:$0x3] =	wrdreg s5  }
0xaa: {  	[dreg:$0x4] =	wrdreg $0xC0  }
0xab: {  	_ =	task [dreg:s7], $0x5FFFF  }
0xac: {  	[dreg:$0x1] =	wrdreg $0xFFFFFFFF  }
0xad: {  	[dreg:$0x0] =	wrdreg $0x60  }
0xae: {  	[dreg:$0x2] =	wrdreg s24  }
0xaf: {  	[dreg:$0x3] =	wrdreg s2  }
0xb0: {  	[dreg:$0x4] =	wrdreg $0x9  }
0xb1: {  	_ =	task.clear_ibuf [dreg:s7], $0x5FFFF;
	_ =	strace $0x90000046  }
0xb2: {  	s29 =	simm.s32 $0x9;
	_ =	strace $0x80000048  }
0xb3: {  	_ =	swait.ge [sflag:s29], $0x1  }
0xb4: {  	[sflag:s29] =	ssyncadd.s32 $0xFFFFFFFF  }
0xb5: {  	_ =	strace $0x90000048  }
0xb6: {  	_ =	sfence  }
0xb7: {  	s30 =	sld [smem:$0x0];
	_ =	sdelay $0x2  }
0xb8: {  	s31 =	sshll.u32 s1, $0xD;
	s1 =	sshrl.u32 s1, $0x2  }
0xb9: {  	s3 =	sand.u32 $0x4000, s31;
	s1 =	sadd.s32 s1, s30  }
0xba: {  	s0 =	sor.u32 s3, s0;
	s1 =	sshll.u32 s1, $0x11  }
0xbb: {  	s0 =	sor.u32 s1, s0  }
0xbc: {  	s0 =	sadd.s32 $0x8F2B, s0  }
0xbd: {  	[sflag:s0] =	ssyncadd.remote.s32 $0x1  }
0xbe: {  	_ =	sfence.sel $0xFFFF  }
0xbf: {  	[dreg:$0x0] =	wrdreg $0xFFFFFFFF;
	(pc) =	sbr.abs _section_cstart, $3  }
0xc0: {  	[dreg:$0x1] =	wrdreg $0xFFFFFFFF  }
0xc1: {  	_ =	task.clear_ibuf [dreg:s7], $0x2FFFF;
	_ =	strace $0x9FFFFFFF  }
0xc2: {  	(tm) =	ssettm $0x7FFFFFFF  }
0xc3: {  	_ =	shalt  }
tec
execute0_lowered:
.L_overlay_start_1:
0x0: {  	(tag) =	ssettag $0x1  }
0x1: {  	s0 =	rddreg [dreg:$0x0]  }
0x2: {  	s1 =	srdreg.scid;
	s3 =	stileid.u32  }
0x3: {  	s2 =	rddreg [dreg:$0x1];
	s11 =	simm.s32 $0x3;
	s12 =	simm.s32 $0x40  }
0x4: {  	s14 =	simm.s32 $0x400;
	s18 =	simm.s32 $0x4400;
	s19 =	simm.s32 $0x2C0  }
0x5: {  	s20 =	simm.s32 $0x6400;
	s21 =	simm.s32 $0x100;
	s22 =	simm.s32 $0x300  }
0x6: {  	s23 =	simm.s32 $0x8400;
	s24 =	simm.s32 $0x340;
	s28 =	simm.s32 $0xC400  }
0x7: {  	s29 =	simm.s32 $0x3C0;
	s30 =	simm.s32 $0xE400;
	s31 =	simm.s32 $0x1  }
0x8: {  	s10 =	simm.s32 $0x0;
	s1 =	sand.u32 $0x1, s1;
	s4 =	sshll.u32 s3, $0x1  }
0x9: {  	s3 =	simm.s32 $0x0;
	s5 =	sadd.s32 $0xF42E00, s0;
	s7 =	sor.u32 s1, s4  }
0xa: {  	[smem:$0x7FF] =	sst s3;
	s1 =	ssub.s32 $0x2, s1;
	s4 =	smul.u32 $0x6400, s7  }
0xb: {  	s6 =	sadd.s32 $0xA00, s0;
	_ =	strace $0x80000047;
	s8 =	sshrl.u32 s1, $0x1  }
0xc: {  	s25 =	ssub.s32 s1, s8;
	s8 =	smul.u32 $0x320000, s7;
	s26 =	sshrl.u32 s4, $0x3  }
0xd: {  	s9 =	sor.u32 $0x200, s4;
	s0 =	smax.u32 s25, $0x1;
	s25 =	simm.s32 $0xA400  }
0xe: {  	v0 =	vlaneseq.u32;
	s1 =	sadd.s32 s2, s26;
	[dreg:$0x4] =	wrdreg s0;
	s26 =	simm.s32 $0x380  }
0xf: {  	v0 =	vmul.u32 $0x80, v0;
	s0 =	simm.s32 $0x2;
	[dreg:$0x3] =	wrdreg s1;
	s1 =	simm.s32 $0x10400  }
.LBB2_1:
0x10: {  	[dreg:$0x5] =	wrdreg s10  }
0x11: {  	s7 =	rddreg [dreg:$0x3]  }
0x12: {  	[tilespmem:s3], [sflag:$0x3] =	stream.linear.gather [hbm4b:s7+s3], $0x100, $0x38;
	[tilespmem:$0x18400] =	vst v63  }
0x13: {  	_ =	swait.ge [sflag:s11], $0x100  }
0x14: {  	[sflag:s11] =	ssyncset.done $0x0  }
0x15: {  	[sflag:s11] =	ssyncadd.s32 $0xFFFFFF00  }
0x16: {  	v1 =	vld [tilespmem:$0x0]  }
0x17: {  	v2 =	vld [tilespmem:$0x10]  }
0x18: {  	v3 =	vld [tilespmem:$0x20]  }
0x19: {  	v4 =	vld [tilespmem:$0x30]  }
0x1a: {  	v5 =	vld [tilespmem:$0x40]  }
0x1b: {  	v6 =	vld [tilespmem:$0x50];
	v1 =	vshrl.u32 v1, $0x2  }
0x1c: {  	[tilespmem:$0x200] =	vst v1;
	v1 =	vshrl.u32 v2, $0x2;
	v2 =	vld [tilespmem:$0x60]  }
0x1d: {  	[tilespmem:$0x210] =	vst v1;
	v1 =	vshrl.u32 v3, $0x2;
	v3 =	vld [tilespmem:$0x70]  }
0x1e: {  	v58 =	vld [tilespmem:$0x80];
	[tilespmem:$0x220] =	vst v1;
	v1 =	vshrl.u32 v4, $0x2  }
0x1f: {  	v59 =	vld [tilespmem:$0x90];
	[tilespmem:$0x230] =	vst v1;
	v1 =	vshrl.u32 v5, $0x2  }
0x20: {  	v60 =	vld [tilespmem:$0xA0];
	[tilespmem:$0x240] =	vst v1;
	v1 =	vshrl.u32 v6, $0x2  }
0x21: {  	[tilespmem:$0x250] =	vst v1;
	v1 =	vshrl.u32 v2, $0x2;
	v2 =	vld [tilespmem:$0xB0]  }
0x22: {  	[tilespmem:$0x260] =	vst v1;
	v1 =	vshrl.u32 v3, $0x2;
	v3 =	vld [tilespmem:$0xC0]  }
0x23: {  	v61 =	vld [tilespmem:$0xD0];
	[tilespmem:$0x270] =	vst v1;
	v1 =	vshrl.u32 v58, $0x2  }
0x24: {  	v62 =	vld [tilespmem:$0xE0];
	[tilespmem:$0x280] =	vst v1;
	v1 =	vshrl.u32 v59, $0x2  }
0x25: {  	v63 =	vld [tilespmem:$0xF0];
	[tilespmem:$0x290] =	vst v1;
	v1 =	vshrl.u32 v60, $0x2  }
0x26: {  	[tilespmem:$0x2A0] =	vst v1;
	v1 =	vshrl.u32 v2, $0x2  }
0x27: {  	[tilespmem:$0x2B0] =	vst v1;
	v1 =	vshrl.u32 v3, $0x2  }
0x28: {  	[tilespmem:$0x2C0] =	vst v1;
	v1 =	vshrl.u32 v61, $0x2  }
0x29: {  	[tilespmem:$0x2D0] =	vst v1;
	v1 =	vshrl.u32 v62, $0x2  }
0x2a: {  	[tilespmem:$0x2E0] =	vst v1;
	v1 =	vshrl.u32 v63, $0x2  }
0x2b: {  	s13 =	simm.s32 $0x200;
	[tilespmem:$0x2F0] =	vst v1  }
0x2c: {  	[tilespmem:s14], [sflag:$0x1] =	stream.indirect.gather [hbm4b:s5+s12], $0x80, s13, s12, $0xb8;
	[tilespmem:$0x18400] =	vst v63  }
0x2d: {  	s15 =	simm.s32 $0x240;
	s16 =	simm.s32 $0x2400  }
0x2e: {  	[tilespmem:s16], [sflag:$0x1] =	stream.indirect.gather [hbm4b:s5+s12], $0x80, s15, s12, $0xb8;
	[tilespmem:$0x18400] =	vst v63  }
0x2f: {  	s17 =	simm.s32 $0x280  }
0x30: {  	[tilespmem:s18], [sflag:$0x1] =	stream.indirect.gather [hbm4b:s5+s12], $0x80, s17, s12, $0xb8;
	[tilespmem:$0x18400] =	vst v63  }
0x31: {  	s10 =	simm.s32 $0x0  }
0x32: {  	[tilespmem:s20], [sflag:$0x1] =	stream.indirect.gather [hbm4b:s5+s12], $0x80, s19, s12, $0xb8;
	[tilespmem:$0x18400] =	vst v63  }
.LBB2_2:
0x33: {  	s13 =	sshll.u32 s10, $0x9  }
0x34: {  	s7 =	sadd.s32 s13, s4  }
0x35: {  	s7 =	sadd.s32 $0x100, s7  }
0x36: {  	s15 =	sshrl.u32 s7, $0x3  }
0x37: {  	s16 =	sadd.s32 s2, s15;
	s15 =	simm.s32 $0x0  }
0x38: {  	[tilespmem:s21], [sflag:$0x3] =	stream.linear.gather [hbm4b:s16+s15], $0x100, $0x38;
	[tilespmem:$0x18400] =	vst v63  }
0x39: {  	_ =	swait.ge [sflag:s11], $0x100  }
0x3a: {  	[sflag:s11] =	ssyncset.done $0x0  }
0x3b: {  	[sflag:s11] =	ssyncadd.s32 $0xFFFFFF00  }
0x3c: {  	v1 =	vld [tilespmem:$0x100]  }
0x3d: {  	v2 =	vld [tilespmem:$0x110]  }
0x3e: {  	v3 =	vld [tilespmem:$0x120]  }
0x3f: {  	v4 =	vld [tilespmem:$0x130]  }
0x40: {  	v5 =	vld [tilespmem:$0x140]  }
0x41: {  	v6 =	vld [tilespmem:$0x150];
	v1 =	vshrl.u32 v1, $0x2  }
0x42: {  	[tilespmem:$0x300] =	vst v1;
	v1 =	vshrl.u32 v2, $0x2;
	v2 =	vld [tilespmem:$0x160]  }
0x43: {  	[tilespmem:$0x310] =	vst v1;
	v1 =	vshrl.u32 v3, $0x2;
	v3 =	vld [tilespmem:$0x170]  }
0x44: {  	[tilespmem:$0x320] =	vst v1;
	v1 =	vshrl.u32 v4, $0x2;
	v4 =	vld [tilespmem:$0x180]  }
0x45: {  	[tilespmem:$0x330] =	vst v1;
	v1 =	vshrl.u32 v5, $0x2;
	v5 =	vld [tilespmem:$0x190]  }
0x46: {  	[tilespmem:$0x340] =	vst v1;
	v1 =	vshrl.u32 v6, $0x2;
	v6 =	vld [tilespmem:$0x1A0]  }
0x47: {  	[tilespmem:$0x350] =	vst v1;
	v1 =	vshrl.u32 v2, $0x2;
	v2 =	vld [tilespmem:$0x1B0]  }
0x48: {  	[tilespmem:$0x360] =	vst v1;
	v1 =	vshrl.u32 v3, $0x2;
	v3 =	vld [tilespmem:$0x1C0]  }
0x49: {  	[tilespmem:$0x370] =	vst v1;
	v1 =	vshrl.u32 v4, $0x2;
	v4 =	vld [tilespmem:$0x1D0]  }
0x4a: {  	[tilespmem:$0x380] =	vst v1;
	v1 =	vshrl.u32 v5, $0x2;
	v5 =	vld [tilespmem:$0x1E0]  }
0x4b: {  	[tilespmem:$0x390] =	vst v1;
	v1 =	vshrl.u32 v6, $0x2;
	v6 =	vld [tilespmem:$0x1F0]  }
0x4c: {  	[tilespmem:$0x3A0] =	vst v1;
	v1 =	vshrl.u32 v2, $0x2  }
0x4d: {  	[tilespmem:$0x3B0] =	vst v1;
	v1 =	vshrl.u32 v3, $0x2  }
0x4e: {  	[tilespmem:$0x3C0] =	vst v1;
	v1 =	vshrl.u32 v4, $0x2  }
0x4f: {  	[tilespmem:$0x3D0] =	vst v1;
	v1 =	vshrl.u32 v5, $0x2  }
0x50: {  	[tilespmem:$0x3E0] =	vst v1;
	v1 =	vshrl.u32 v6, $0x2  }
0x51: {  	[tilespmem:$0x3F0] =	vst v1  }
0x52: {  	[tilespmem:s23], [sflag:$0x2] =	stream.indirect.gather [hbm4b:s5+s12], $0x80, s22, s12, $0xb8;
	[tilespmem:$0x18400] =	vst v63  }
0x53: {  	_ = 	snop  }
0x54: {  	[tilespmem:s25], [sflag:$0x2] =	stream.indirect.gather [hbm4b:s5+s12], $0x80, s24, s12, $0xb8;
	[tilespmem:$0x18400] =	vst v63  }
0x55: {  	_ = 	snop  }
0x56: {  	[tilespmem:s28], [sflag:$0x2] =	stream.indirect.gather [hbm4b:s5+s12], $0x80, s26, s12, $0xb8;
	[tilespmem:$0x18400] =	vst v63  }
0x57: {  	_ = 	snop  }
0x58: {  	[tilespmem:s30], [sflag:$0x2] =	stream.indirect.gather [hbm4b:s5+s12], $0x80, s29, s12, $0xb8;
	[tilespmem:$0x18400] =	vst v63  }
0x59: {  	_ =	swait.ge [sflag:s31], $0x2000  }
0x5a: {  	[sflag:s31] =	ssyncset.done $0x0  }
0x5b: {  	[sflag:s31] =	ssyncadd.s32 $0xFFFFE000  }
0x5c: {  	v1 =	vld [tilespmem:s15+$0x0];
	_ =	sdelay $0x3  }
0x5d: {  	v2 =	vmov s15  }
0x5e: {  	v2 =	vshll.u32 v2, $0x7;
	v1 =	vshll.u32 v1, $0x5  }
0x5f: {  	v3 =	vand.u32 $0x60, v1;
	v1 =	vor.u32 v0, v2  }
0x60: {  	v13 =	vor.u32 v1, v3  }
0x61: {  	v2 =	vor.u32 $0x3, v13  }
0x62: {  	v3 =	vor.u32 $0x6, v13  }
0x63: {  	v4 =	vor.u32 $0x5, v13  }
0x64: {  	v5 =	vor.u32 $0x1, v13  }
0x65: {  	v6 =	vor.u32 $0x4, v13;
	v30 =	vld.idx.msk [tilespmem:v13+s14+$0x0], $0xffff  }
0x66: {  	v7 =	vor.u32 $0x9, v13;
	v31 =	vld.idx.msk [tilespmem:v2+s14+$0x0], $0xffff  }
0x67: {  	v10 =	vor.u32 $0x8, v13;
	v12 =	vld.idx.msk [tilespmem:v3+s14+$0x0], $0xffff  }
0x68: {  	v17 =	vor.u32 $0x7, v13;
	v14 =	vld.idx.msk [tilespmem:v4+s14+$0x0], $0xffff  }
0x69: {  	v18 =	vor.u32 $0x10, v13;
	v32 =	vld.idx.msk [tilespmem:v5+s14+$0x0], $0xffff  }
0x6a: {  	v19 =	vor.u32 $0x2, v13;
	v36 =	vld.idx.msk [tilespmem:v6+s14+$0x0], $0xffff  }
0x6b: {  	v22 =	vor.u32 $0xA, v13;
	v15 =	vld.idx.msk [tilespmem:v7+s14+$0x0], $0xffff  }
0x6c: {  	v2 =	vor.u32 $0x11, v13;
	v20 =	vld.idx.msk [tilespmem:v10+s14+$0x0], $0xffff  }
0x6d: {  	v3 =	vor.u32 $0x18, v13;
	v25 =	vld.idx.msk [tilespmem:v17+s14+$0x0], $0xffff  }
0x6e: {  	v4 =	vor.u32 $0x12, v13;
	v17 =	vld.idx.msk [tilespmem:v18+s14+$0x0], $0xffff  }
0x6f: {  	v6 =	vor.u32 $0x1D, v13;
	v33 =	vld.idx.msk [tilespmem:v19+s14+$0x0], $0xffff  }
0x70: {  	v7 =	vor.u32 $0x1E, v13;
	v27 =	vld.idx.msk [tilespmem:v22+s14+$0x0], $0xffff  }
0x71: {  	v11 =	vor.u32 $0x1B, v13;
	v8 =	vld.idx.msk [tilespmem:v2+s14+$0x0], $0xffff  }
0x72: {  	v16 =	vor.u32 $0x1A, v13;
	v5 =	vld.idx.msk [tilespmem:v3+s14+$0x0], $0xffff  }
0x73: {  	v10 =	vor.u32 $0x19, v13;
	v9 =	vld.idx.msk [tilespmem:v4+s14+$0x0], $0xffff  }
0x74: {  	v19 =	vor.u32 $0x14, v13;
	v3 =	vld.idx.msk [tilespmem:v6+s14+$0x0], $0xffff  }
0x75: {  	v22 =	vor.u32 $0x16, v13;
	v4 =	vld.idx.msk [tilespmem:v7+s14+$0x0], $0xffff  }
0x76: {  	v2 =	vor.u32 $0x1F, v13;
	v6 =	vld.idx.msk [tilespmem:v11+s14+$0x0], $0xffff  }
0x77: {  	v11 =	vor.u32 $0xB, v13;
	v7 =	vld.idx.msk [tilespmem:v16+s14+$0x0], $0xffff  }
0x78: {  	v16 =	vor.u32 $0xC, v13;
	v10 =	vld.idx.msk [tilespmem:v10+s14+$0x0], $0xffff  }
0x79: {  	v21 =	vor.u32 $0x1C, v13;
	v19 =	vld.idx.msk [tilespmem:v19+s14+$0x0], $0xffff  }
0x7a: {  	v18 =	vor.u32 $0x15, v13;
	v22 =	vld.idx.msk [tilespmem:v22+s14+$0x0], $0xffff  }
0x7b: {  	v26 =	vor.u32 $0x13, v13;
	v2 =	vld.idx.msk [tilespmem:v2+s14+$0x0], $0xffff  }
0x7c: {  	v28 =	vor.u32 $0xF, v13;
	v24 =	vld.idx.msk [tilespmem:v11+s14+$0x0], $0xffff  }
0x7d: {  	v29 =	vor.u32 $0x17, v13;
	v23 =	vld.idx.msk [tilespmem:v16+s14+$0x0], $0xffff  }
0x7e: {  	v34 =	vor.u32 $0xE, v13;
	v11 =	vld.idx.msk [tilespmem:v21+s14+$0x0], $0xffff  }
0x7f: {  	v13 =	vor.u32 $0xD, v13;
	v16 =	vld.idx.msk [tilespmem:v18+s14+$0x0], $0xffff  }
0x80: {  	v35 =	vor.u32 $0x1, v1;
	v21 =	vld.idx.msk [tilespmem:v26+s14+$0x0], $0xffff  }
0x81: {  	v37 =	vor.u32 $0x2, v1;
	v26 =	vld.idx.msk [tilespmem:v28+s14+$0x0], $0xffff  }
0x82: {  	v63 =	vor.u32 $0x3, v1;
	v18 =	vld.idx.msk [tilespmem:v29+s14+$0x0], $0xffff  }
0x83: {  	v38 =	vor.u32 $0x4, v1;
	v28 =	vld.idx.msk [tilespmem:v34+s14+$0x0], $0xffff  }
0x84: {  	v29 =	vld.idx.msk [tilespmem:v13+s14+$0x0], $0xffff;
	[tilespmem:v1+s1+$0x0] =	vst.idx.msk $0xffff, v30  }
0x85: {  	[tilespmem:v35+s1+$0x0] =	vst.idx.msk $0xffff, v32;
	v35 =	vor.u32 $0x5, v1  }
0x86: {  	[tilespmem:v37+s1+$0x0] =	vst.idx.msk $0xffff, v33;
	v33 =	vor.u32 $0x6, v1  }
0x87: {  	v13 =	vor.u32 $0xB, v1;
	v30 =	vor.u32 $0x7, v1;
	[tilespmem:v63+s1+$0x0] =	vst.idx.msk $0xffff, v31  }
0x88: {  	s16 =	simm.s32 $0x10;
	v34 =	vor.u32 $0x8, v1;
	v32 =	vor.u32 $0xA, v1;
	v31 =	vor.u32 $0x9, v1;
	[tilespmem:v38+s1+$0x0] =	vst.idx.msk $0xffff, v36  }
.LBB2_3:
0x89: {  	p0 =	sne.s32 s16, $0x30  }
0x8a: {  	[tilespmem:v35+s1+$0x0] =	vst.idx.msk $0xffff, v14;
	s15 =	sadd.s32 $0x10, s15;
	s17 =	smov.u32 s16;
	s16 =	sadd.s32 $0x10, s16  }
0x8b: {  	[tilespmem:v33+s1+$0x0] =	vst.idx.msk $0xffff, v12;
	v12 =	vor.u32 $0xC, v1  }
0x8c: {  	v14 =	vor.u32 $0xD, v1;
	[tilespmem:v30+s1+$0x0] =	vst.idx.msk $0xffff, v25  }
0x8d: {  	[tilespmem:v34+s1+$0x0] =	vst.idx.msk $0xffff, v20;
	v20 =	vor.u32 $0xE, v1  }
0x8e: {  	[tilespmem:v31+s1+$0x0] =	vst.idx.msk $0xffff, v15;
	v15 =	vor.u32 $0xF, v1  }
0x8f: {  	v25 =	vor.u32 $0x10, v1;
	[tilespmem:v32+s1+$0x0] =	vst.idx.msk $0xffff, v27  }
0x90: {  	[tilespmem:v13+s1+$0x0] =	vst.idx.msk $0xffff, v24;
	v13 =	vor.u32 $0x11, v1  }
0x91: {  	[tilespmem:v12+s1+$0x0] =	vst.idx.msk $0xffff, v23;
	v12 =	vor.u32 $0x12, v1  }
0x92: {  	[tilespmem:v14+s1+$0x0] =	vst.idx.msk $0xffff, v29;
	v14 =	vor.u32 $0x13, v1  }
0x93: {  	[tilespmem:v20+s1+$0x0] =	vst.idx.msk $0xffff, v28;
	v20 =	vor.u32 $0x14, v1  }
0x94: {  	[tilespmem:v15+s1+$0x0] =	vst.idx.msk $0xffff, v26;
	v15 =	vor.u32 $0x15, v1  }
0x95: {  	[tilespmem:v25+s1+$0x0] =	vst.idx.msk $0xffff, v17;
	v17 =	vor.u32 $0x16, v1  }
0x96: {  	[tilespmem:v13+s1+$0x0] =	vst.idx.msk $0xffff, v8;
	v8 =	vor.u32 $0x17, v1  }
0x97: {  	[tilespmem:v12+s1+$0x0] =	vst.idx.msk $0xffff, v9;
	v9 =	vor.u32 $0x18, v1  }
0x98: {  	v12 =	vor.u32 $0x19, v1;
	[tilespmem:v14+s1+$0x0] =	vst.idx.msk $0xffff, v21  }
0x99: {  	v13 =	vor.u32 $0x1A, v1;
	[tilespmem:v20+s1+$0x0] =	vst.idx.msk $0xffff, v19  }
0x9a: {  	v14 =	vor.u32 $0x1B, v1;
	[tilespmem:v15+s1+$0x0] =	vst.idx.msk $0xffff, v16  }
0x9b: {  	v15 =	vor.u32 $0x1C, v1;
	[tilespmem:v17+s1+$0x0] =	vst.idx.msk $0xffff, v22  }
0x9c: {  	[tilespmem:v8+s1+$0x0] =	vst.idx.msk $0xffff, v18;
	v8 =	vor.u32 $0x1D, v1  }
0x9d: {  	[tilespmem:v9+s1+$0x0] =	vst.idx.msk $0xffff, v5;
	v5 =	vor.u32 $0x1E, v1  }
0x9e: {  	v1 =	vor.u32 $0x1F, v1;
	[tilespmem:v12+s1+$0x0] =	vst.idx.msk $0xffff, v10  }
0x9f: {  	[tilespmem:v13+s1+$0x0] =	vst.idx.msk $0xffff, v7  }
0xa0: {  	[tilespmem:v14+s1+$0x0] =	vst.idx.msk $0xffff, v6  }
0xa1: {  	[tilespmem:v15+s1+$0x0] =	vst.idx.msk $0xffff, v11  }
0xa2: {  	[tilespmem:v8+s1+$0x0] =	vst.idx.msk $0xffff, v3  }
0xa3: {  	[tilespmem:v5+s1+$0x0] =	vst.idx.msk $0xffff, v4  }
0xa4: {  	[tilespmem:v1+s1+$0x0] =	vst.idx.msk $0xffff, v2  }
0xa5: {  	v1 =	vld [tilespmem:s15+$0x0];
	_ =	sdelay $0x3  }
0xa6: {  	v2 =	vmov s17  }
0xa7: {  	v2 =	vshll.u32 v2, $0x7;
	v1 =	vshll.u32 v1, $0x5  }
0xa8: {  	v3 =	vand.u32 $0x60, v1;
	v1 =	vor.u32 v0, v2  }
0xa9: {  	v2 =	vor.u32 v1, v3;
	v13 =	vor.u32 $0xB, v1  }
0xaa: {  	v3 =	vor.u32 $0x1, v2;
	v11 =	vor.u32 $0x2, v2;
	v4 =	vor.u32 $0x3, v2  }
0xab: {  	v5 =	vor.u32 $0x4, v2;
	v6 =	vor.u32 $0x5, v2;
	v7 =	vor.u32 $0x6, v2  }
0xac: {  	v10 =	vor.u32 $0x7, v2;
	v16 =	vor.u32 $0x8, v2;
	v9 =	vor.u32 $0x9, v2  }
0xad: {  	v18 =	vor.u32 $0xA, v2;
	v19 =	vor.u32 $0xB, v2;
	v21 =	vor.u32 $0xC, v2  }
0xae: {  	v29 =	vor.u32 $0xD, v2;
	v22 =	vor.u32 $0xE, v2;
	v26 =	vor.u32 $0xF, v2;
	v30 =	vld.idx.msk [tilespmem:v2+s14+$0x0], $0xffff  }
0xaf: {  	v17 =	vor.u32 $0x10, v2;
	v20 =	vor.u32 $0x12, v2;
	v31 =	vld.idx.msk [tilespmem:v4+s14+$0x0], $0xffff;
	v4 =	vor.u32 $0x11, v2  }
0xb0: {  	v28 =	vor.u32 $0x13, v2;
	v32 =	vor.u32 $0x14, v2;
	v27 =	vor.u32 $0x15, v2;
	v12 =	vld.idx.msk [tilespmem:v7+s14+$0x0], $0xffff  }
0xb1: {  	v33 =	vor.u32 $0x16, v2;
	v34 =	vor.u32 $0x17, v2;
	v14 =	vld.idx.msk [tilespmem:v6+s14+$0x0], $0xffff;
	v6 =	vor.u32 $0x18, v2  }
0xb2: {  	v23 =	vor.u32 $0x19, v2;
	v24 =	vor.u32 $0x1B, v2;
	v7 =	vor.u32 $0x1A, v2;
	v36 =	vld.idx.msk [tilespmem:v3+s14+$0x0], $0xffff  }
0xb3: {  	v35 =	vor.u32 $0x1C, v2;
	v25 =	vor.u32 $0x1E, v2;
	v3 =	vor.u32 $0x1D, v2;
	v37 =	vld.idx.msk [tilespmem:v5+s14+$0x0], $0xffff  }
0xb4: {  	v2 =	vor.u32 $0x1F, v2;
	v8 =	vld.idx.msk [tilespmem:v4+s14+$0x0], $0xffff  }
0xb5: {  	v15 =	vld.idx.msk [tilespmem:v9+s14+$0x0], $0xffff  }
0xb6: {  	v5 =	vld.idx.msk [tilespmem:v6+s14+$0x0], $0xffff  }
0xb7: {  	v9 =	vld.idx.msk [tilespmem:v20+s14+$0x0], $0xffff  }
0xb8: {  	v3 =	vld.idx.msk [tilespmem:v3+s14+$0x0], $0xffff  }
0xb9: {  	v2 =	vld.idx.msk [tilespmem:v2+s14+$0x0], $0xffff  }
0xba: {  	v20 =	vld.idx.msk [tilespmem:v16+s14+$0x0], $0xffff  }
0xbb: {  	v4 =	vld.idx.msk [tilespmem:v25+s14+$0x0], $0xffff  }
0xbc: {  	v6 =	vld.idx.msk [tilespmem:v24+s14+$0x0], $0xffff  }
0xbd: {  	v7 =	vld.idx.msk [tilespmem:v7+s14+$0x0], $0xffff  }
0xbe: {  	v25 =	vld.idx.msk [tilespmem:v10+s14+$0x0], $0xffff  }
0xbf: {  	v17 =	vld.idx.msk [tilespmem:v17+s14+$0x0], $0xffff  }
0xc0: {  	v10 =	vld.idx.msk [tilespmem:v23+s14+$0x0], $0xffff  }
0xc1: {  	v38 =	vld.idx.msk [tilespmem:v11+s14+$0x0], $0xffff  }
0xc2: {  	v24 =	vld.idx.msk [tilespmem:v19+s14+$0x0], $0xffff  }
0xc3: {  	v23 =	vld.idx.msk [tilespmem:v21+s14+$0x0], $0xffff  }
0xc4: {  	v11 =	vld.idx.msk [tilespmem:v35+s14+$0x0], $0xffff  }
0xc5: {  	v16 =	vld.idx.msk [tilespmem:v27+s14+$0x0], $0xffff  }
0xc6: {  	v27 =	vld.idx.msk [tilespmem:v18+s14+$0x0], $0xffff  }
0xc7: {  	v19 =	vld.idx.msk [tilespmem:v32+s14+$0x0], $0xffff  }
0xc8: {  	v21 =	vld.idx.msk [tilespmem:v28+s14+$0x0], $0xffff  }
0xc9: {  	v32 =	vor.u32 $0x1, v1;
	v26 =	vld.idx.msk [tilespmem:v26+s14+$0x0], $0xffff  }
0xca: {  	v18 =	vld.idx.msk [tilespmem:v34+s14+$0x0], $0xffff;
	v34 =	vor.u32 $0x2, v1  }
0xcb: {  	v39 =	vor.u32 $0x3, v1;
	v28 =	vld.idx.msk [tilespmem:v22+s14+$0x0], $0xffff  }
0xcc: {  	v40 =	vor.u32 $0x4, v1;
	v22 =	vld.idx.msk [tilespmem:v33+s14+$0x0], $0xffff  }
0xcd: {  	v35 =	vor.u32 $0x5, v1;
	v29 =	vld.idx.msk [tilespmem:v29+s14+$0x0], $0xffff  }
.Ltmp0:
0xce: {  	v33 =	vor.u32 $0x6, v1;
	[tilespmem:v1+s1+$0x0] =	vst.idx.msk $0xffff, v30;
	(pc) =	sbr.rel @p0 .LBB2_3-.Ltmp0, $4  }
0xcf: {  	v30 =	vor.u32 $0x7, v1;
	[tilespmem:v32+s1+$0x0] =	vst.idx.msk $0xffff, v36  }
0xd0: {  	[tilespmem:v34+s1+$0x0] =	vst.idx.msk $0xffff, v38;
	v34 =	vor.u32 $0x8, v1  }
0xd1: {  	[tilespmem:v39+s1+$0x0] =	vst.idx.msk $0xffff, v31;
	v31 =	vor.u32 $0x9, v1  }
0xd2: {  	v32 =	vor.u32 $0xA, v1;
	[tilespmem:v40+s1+$0x0] =	vst.idx.msk $0xffff, v37  }
0xd3: {  	_ =	sdelay $0x3  }
0xd4: {  	[tilespmem:v35+s1+$0x0] =	vst.idx.msk $0xffff, v14  }
0xd5: {  	[tilespmem:v33+s1+$0x0] =	vst.idx.msk $0xffff, v12  }
0xd6: {  	v12 =	vor.u32 $0xC, v1;
	[tilespmem:v30+s1+$0x0] =	vst.idx.msk $0xffff, v25  }
0xd7: {  	v14 =	vor.u32 $0xD, v1;
	[tilespmem:v34+s1+$0x0] =	vst.idx.msk $0xffff, v20  }
0xd8: {  	v20 =	vor.u32 $0xE, v1;
	[tilespmem:v31+s1+$0x0] =	vst.idx.msk $0xffff, v15  }
0xd9: {  	v15 =	vor.u32 $0xF, v1;
	[tilespmem:v32+s1+$0x0] =	vst.idx.msk $0xffff, v27  }
0xda: {  	v25 =	vor.u32 $0x10, v1;
	[tilespmem:v13+s1+$0x0] =	vst.idx.msk $0xffff, v24  }
0xdb: {  	v13 =	vor.u32 $0x11, v1;
	[tilespmem:v12+s1+$0x0] =	vst.idx.msk $0xffff, v23  }
0xdc: {  	v12 =	vor.u32 $0x12, v1;
	[tilespmem:v14+s1+$0x0] =	vst.idx.msk $0xffff, v29  }
0xdd: {  	v14 =	vor.u32 $0x13, v1;
	[tilespmem:v20+s1+$0x0] =	vst.idx.msk $0xffff, v28  }
0xde: {  	v20 =	vor.u32 $0x14, v1;
	[tilespmem:v15+s1+$0x0] =	vst.idx.msk $0xffff, v26  }
0xdf: {  	v15 =	vor.u32 $0x15, v1;
	[tilespmem:v25+s1+$0x0] =	vst.idx.msk $0xffff, v17  }
0xe0: {  	v17 =	vor.u32 $0x16, v1;
	[tilespmem:v13+s1+$0x0] =	vst.idx.msk $0xffff, v8  }
0xe1: {  	v8 =	vor.u32 $0x17, v1;
	[tilespmem:v12+s1+$0x0] =	vst.idx.msk $0xffff, v9  }
0xe2: {  	v9 =	vor.u32 $0x18, v1;
	[tilespmem:v14+s1+$0x0] =	vst.idx.msk $0xffff, v21  }
0xe3: {  	v12 =	vor.u32 $0x19, v1;
	[tilespmem:v20+s1+$0x0] =	vst.idx.msk $0xffff, v19  }
0xe4: {  	v13 =	vor.u32 $0x1A, v1;
	[tilespmem:v15+s1+$0x0] =	vst.idx.msk $0xffff, v16  }
0xe5: {  	v14 =	vor.u32 $0x1B, v1;
	[tilespmem:v17+s1+$0x0] =	vst.idx.msk $0xffff, v22  }
0xe6: {  	v15 =	vor.u32 $0x1C, v1;
	[tilespmem:v8+s1+$0x0] =	vst.idx.msk $0xffff, v18  }
0xe7: {  	v8 =	vor.u32 $0x1D, v1;
	[tilespmem:v9+s1+$0x0] =	vst.idx.msk $0xffff, v5  }
0xe8: {  	v5 =	vor.u32 $0x1E, v1;
	[tilespmem:v12+s1+$0x0] =	vst.idx.msk $0xffff, v10  }
0xe9: {  	v1 =	vor.u32 $0x1F, v1;
	[tilespmem:v13+s1+$0x0] =	vst.idx.msk $0xffff, v7  }
0xea: {  	[tilespmem:v14+s1+$0x0] =	vst.idx.msk $0xffff, v6  }
0xeb: {  	[tilespmem:v15+s1+$0x0] =	vst.idx.msk $0xffff, v11  }
0xec: {  	[tilespmem:v8+s1+$0x0] =	vst.idx.msk $0xffff, v3  }
0xed: {  	[tilespmem:v5+s1+$0x0] =	vst.idx.msk $0xffff, v4  }
0xee: {  	[tilespmem:v1+s1+$0x0] =	vst.idx.msk $0xffff, v2  }
0xef: {  	_ =	swait.ge [sflag:s31], $0x2000  }
0xf0: {  	[sflag:s31] =	ssyncset.done $0x0  }
0xf1: {  	s15 =	simm.s32 $0x40;
	[sflag:s31] =	ssyncadd.s32 $0xFFFFE000  }
0xf2: {  	v1 =	vld [tilespmem:s15+$0x0];
	_ =	sdelay $0x3  }
0xf3: {  	v2 =	vmov s15  }
0xf4: {  	v2 =	vshll.u32 v2, $0x7;
	v1 =	vshll.u32 v1, $0x5  }
0xf5: {  	v3 =	vand.u32 $0x60, v1;
	v1 =	vor.u32 v0, v2  }
0xf6: {  	v13 =	vor.u32 v1, v3  }
0xf7: {  	v2 =	vor.u32 $0x3, v13  }
0xf8: {  	v3 =	vor.u32 $0x6, v13  }
0xf9: {  	v4 =	vor.u32 $0x5, v13  }
0xfa: {  	v5 =	vor.u32 $0x1, v13  }
0xfb: {  	v6 =	vor.u32 $0x4, v13;
	v30 =	vld.idx.msk [tilespmem:v13+s14+$0x0], $0xffff  }
0xfc: {  	v7 =	vor.u32 $0x9, v13;
	v31 =	vld.idx.msk [tilespmem:v2+s14+$0x0], $0xffff  }
0xfd: {  	v10 =	vor.u32 $0x8, v13;
	v12 =	vld.idx.msk [tilespmem:v3+s14+$0x0], $0xffff  }
0xfe: {  	v17 =	vor.u32 $0x7, v13;
	v14 =	vld.idx.msk [tilespmem:v4+s14+$0x0], $0xffff  }
0xff: {  	v18 =	vor.u32 $0x10, v13;
	v59 =	vld.idx.msk [tilespmem:v5+s14+$0x0], $0xffff  }
0x100: {  	v19 =	vor.u32 $0x2, v13;
	v36 =	vld.idx.msk [tilespmem:v6+s14+$0x0], $0xffff  }
0x101: {  	v22 =	vor.u32 $0xA, v13;
	v15 =	vld.idx.msk [tilespmem:v7+s14+$0x0], $0xffff  }
0x102: {  	v2 =	vor.u32 $0x11, v13;
	v20 =	vld.idx.msk [tilespmem:v10+s14+$0x0], $0xffff  }
0x103: {  	v3 =	vor.u32 $0x18, v13;
	v25 =	vld.idx.msk [tilespmem:v17+s14+$0x0], $0xffff  }
0x104: {  	v4 =	vor.u32 $0x12, v13;
	v17 =	vld.idx.msk [tilespmem:v18+s14+$0x0], $0xffff  }
0x105: {  	v6 =	vor.u32 $0x1D, v13;
	v60 =	vld.idx.msk [tilespmem:v19+s14+$0x0], $0xffff  }
0x106: {  	v7 =	vor.u32 $0x1E, v13;
	v27 =	vld.idx.msk [tilespmem:v22+s14+$0x0], $0xffff  }
0x107: {  	v11 =	vor.u32 $0x1B, v13;
	v8 =	vld.idx.msk [tilespmem:v2+s14+$0x0], $0xffff  }
0x108: {  	v16 =	vor.u32 $0x1A, v13;
	v5 =	vld.idx.msk [tilespmem:v3+s14+$0x0], $0xffff  }
0x109: {  	v10 =	vor.u32 $0x19, v13;
	v9 =	vld.idx.msk [tilespmem:v4+s14+$0x0], $0xffff  }
0x10a: {  	v19 =	vor.u32 $0x14, v13;
	v3 =	vld.idx.msk [tilespmem:v6+s14+$0x0], $0xffff  }
0x10b: {  	v22 =	vor.u32 $0x16, v13;
	v4 =	vld.idx.msk [tilespmem:v7+s14+$0x0], $0xffff  }
0x10c: {  	v2 =	vor.u32 $0x1F, v13;
	v6 =	vld.idx.msk [tilespmem:v11+s14+$0x0], $0xffff  }
0x10d: {  	v11 =	vor.u32 $0xB, v13;
	v7 =	vld.idx.msk [tilespmem:v16+s14+$0x0], $0xffff  }
0x10e: {  	v16 =	vor.u32 $0xC, v13;
	v10 =	vld.idx.msk [tilespmem:v10+s14+$0x0], $0xffff  }
0x10f: {  	v21 =	vor.u32 $0x1C, v13;
	v19 =	vld.idx.msk [tilespmem:v19+s14+$0x0], $0xffff  }
0x110: {  	v18 =	vor.u32 $0x15, v13;
	v22 =	vld.idx.msk [tilespmem:v22+s14+$0x0], $0xffff  }
0x111: {  	v26 =	vor.u32 $0x13, v13;
	v2 =	vld.idx.msk [tilespmem:v2+s14+$0x0], $0xffff  }
0x112: {  	v28 =	vor.u32 $0xF, v13;
	v24 =	vld.idx.msk [tilespmem:v11+s14+$0x0], $0xffff  }
0x113: {  	v29 =	vor.u32 $0x17, v13;
	v23 =	vld.idx.msk [tilespmem:v16+s14+$0x0], $0xffff  }
0x114: {  	v61 =	vor.u32 $0xE, v13;
	v11 =	vld.idx.msk [tilespmem:v21+s14+$0x0], $0xffff  }
0x115: {  	v13 =	vor.u32 $0xD, v13;
	v16 =	vld.idx.msk [tilespmem:v18+s14+$0x0], $0xffff  }
0x116: {  	v62 =	vor.u32 $0x1, v1;
	v21 =	vld.idx.msk [tilespmem:v26+s14+$0x0], $0xffff  }
0x117: {  	v37 =	vor.u32 $0x2, v1;
	v26 =	vld.idx.msk [tilespmem:v28+s14+$0x0], $0xffff  }
0x118: {  	v63 =	vor.u32 $0x3, v1;
	v18 =	vld.idx.msk [tilespmem:v29+s14+$0x0], $0xffff  }
0x119: {  	v38 =	vor.u32 $0x4, v1;
	v28 =	vld.idx.msk [tilespmem:v61+s14+$0x0], $0xffff  }
0x11a: {  	v29 =	vld.idx.msk [tilespmem:v13+s14+$0x0], $0xffff;
	[tilespmem:v1+s1+$0x0] =	vst.idx.msk $0xffff, v30  }
0x11b: {  	v35 =	vor.u32 $0x5, v1;
	[tilespmem:v62+s1+$0x0] =	vst.idx.msk $0xffff, v59  }
0x11c: {  	v33 =	vor.u32 $0x6, v1;
	[tilespmem:v37+s1+$0x0] =	vst.idx.msk $0xffff, v60  }
0x11d: {  	v34 =	vor.u32 $0x8, v1;
	v30 =	vor.u32 $0x7, v1;
	[tilespmem:v63+s1+$0x0] =	vst.idx.msk $0xffff, v31  }
0x11e: {  	s16 =	simm.s32 $0x50;
	v32 =	vor.u32 $0xA, v1;
	v13 =	vor.u32 $0xB, v1;
	v31 =	vor.u32 $0x9, v1;
	[tilespmem:v38+s1+$0x0] =	vst.idx.msk $0xffff, v36  }
.LBB2_5:
0x11f: {  	p0 =	sne.s32 s16, $0x70  }
0x120: {  	[tilespmem:v35+s1+$0x0] =	vst.idx.msk $0xffff, v14;
	s15 =	sadd.s32 $0x10, s15;
	s17 =	smov.u32 s16;
	s16 =	sadd.s32 $0x10, s16  }
0x121: {  	[tilespmem:v33+s1+$0x0] =	vst.idx.msk $0xffff, v12;
	v12 =	vor.u32 $0xC, v1  }
0x122: {  	v14 =	vor.u32 $0xD, v1;
	[tilespmem:v30+s1+$0x0] =	vst.idx.msk $0xffff, v25  }
0x123: {  	[tilespmem:v34+s1+$0x0] =	vst.idx.msk $0xffff, v20;
	v20 =	vor.u32 $0xE, v1  }
0x124: {  	[tilespmem:v31+s1+$0x0] =	vst.idx.msk $0xffff, v15;
	v15 =	vor.u32 $0xF, v1  }
0x125: {  	v25 =	vor.u32 $0x10, v1;
	[tilespmem:v32+s1+$0x0] =	vst.idx.msk $0xffff, v27  }
0x126: {  	[tilespmem:v13+s1+$0x0] =	vst.idx.msk $0xffff, v24;
	v13 =	vor.u32 $0x11, v1  }
0x127: {  	[tilespmem:v12+s1+$0x0] =	vst.idx.msk $0xffff, v23;
	v12 =	vor.u32 $0x12, v1  }
0x128: {  	[tilespmem:v14+s1+$0x0] =	vst.idx.msk $0xffff, v29;
	v14 =	vor.u32 $0x13, v1  }
0x129: {  	[tilespmem:v20+s1+$0x0] =	vst.idx.msk $0xffff, v28;
	v20 =	vor.u32 $0x14, v1  }
0x12a: {  	[tilespmem:v15+s1+$0x0] =	vst.idx.msk $0xffff, v26;
	v15 =	vor.u32 $0x15, v1  }
0x12b: {  	[tilespmem:v25+s1+$0x0] =	vst.idx.msk $0xffff, v17;
	v17 =	vor.u32 $0x16, v1  }
0x12c: {  	[tilespmem:v13+s1+$0x0] =	vst.idx.msk $0xffff, v8;
	v8 =	vor.u32 $0x17, v1  }
0x12d: {  	[tilespmem:v12+s1+$0x0] =	vst.idx.msk $0xffff, v9;
	v9 =	vor.u32 $0x18, v1  }
0x12e: {  	v12 =	vor.u32 $0x19, v1;
	[tilespmem:v14+s1+$0x0] =	vst.idx.msk $0xffff, v21  }
0x12f: {  	v13 =	vor.u32 $0x1A, v1;
	[tilespmem:v20+s1+$0x0] =	vst.idx.msk $0xffff, v19  }
0x130: {  	v14 =	vor.u32 $0x1B, v1;
	[tilespmem:v15+s1+$0x0] =	vst.idx.msk $0xffff, v16  }
0x131: {  	v15 =	vor.u32 $0x1C, v1;
	[tilespmem:v17+s1+$0x0] =	vst.idx.msk $0xffff, v22  }
0x132: {  	[tilespmem:v8+s1+$0x0] =	vst.idx.msk $0xffff, v18;
	v8 =	vor.u32 $0x1D, v1  }
0x133: {  	[tilespmem:v9+s1+$0x0] =	vst.idx.msk $0xffff, v5;
	v5 =	vor.u32 $0x1E, v1  }
0x134: {  	v1 =	vor.u32 $0x1F, v1;
	[tilespmem:v12+s1+$0x0] =	vst.idx.msk $0xffff, v10  }
0x135: {  	[tilespmem:v13+s1+$0x0] =	vst.idx.msk $0xffff, v7  }
0x136: {  	[tilespmem:v14+s1+$0x0] =	vst.idx.msk $0xffff, v6  }
0x137: {  	[tilespmem:v15+s1+$0x0] =	vst.idx.msk $0xffff, v11  }
0x138: {  	[tilespmem:v8+s1+$0x0] =	vst.idx.msk $0xffff, v3  }
0x139: {  	[tilespmem:v5+s1+$0x0] =	vst.idx.msk $0xffff, v4  }
0x13a: {  	[tilespmem:v1+s1+$0x0] =	vst.idx.msk $0xffff, v2  }
0x13b: {  	v1 =	vld [tilespmem:s15+$0x0];
	_ =	sdelay $0x3  }
0x13c: {  	v2 =	vmov s17  }
0x13d: {  	v2 =	vshll.u32 v2, $0x7;
	v1 =	vshll.u32 v1, $0x5  }
0x13e: {  	v3 =	vand.u32 $0x60, v1;
	v1 =	vor.u32 v0, v2  }
0x13f: {  	v2 =	vor.u32 v1, v3;
	v13 =	vor.u32 $0xB, v1  }
0x140: {  	v3 =	vor.u32 $0x1, v2;
	v11 =	vor.u32 $0x2, v2;
	v4 =	vor.u32 $0x3, v2  }
0x141: {  	v5 =	vor.u32 $0x4, v2;
	v6 =	vor.u32 $0x5, v2;
	v7 =	vor.u32 $0x6, v2  }
0x142: {  	v10 =	vor.u32 $0x7, v2;
	v16 =	vor.u32 $0x8, v2;
	v9 =	vor.u32 $0x9, v2  }
0x143: {  	v18 =	vor.u32 $0xA, v2;
	v19 =	vor.u32 $0xB, v2;
	v21 =	vor.u32 $0xC, v2  }
0x144: {  	v29 =	vor.u32 $0xD, v2;
	v22 =	vor.u32 $0xE, v2;
	v26 =	vor.u32 $0xF, v2;
	v30 =	vld.idx.msk [tilespmem:v2+s14+$0x0], $0xffff  }
0x145: {  	v17 =	vor.u32 $0x10, v2;
	v20 =	vor.u32 $0x12, v2;
	v31 =	vld.idx.msk [tilespmem:v4+s14+$0x0], $0xffff;
	v4 =	vor.u32 $0x11, v2  }
0x146: {  	v28 =	vor.u32 $0x13, v2;
	v32 =	vor.u32 $0x14, v2;
	v27 =	vor.u32 $0x15, v2;
	v12 =	vld.idx.msk [tilespmem:v7+s14+$0x0], $0xffff  }
0x147: {  	v33 =	vor.u32 $0x16, v2;
	v34 =	vor.u32 $0x17, v2;
	v14 =	vld.idx.msk [tilespmem:v6+s14+$0x0], $0xffff;
	v6 =	vor.u32 $0x18, v2  }
0x148: {  	v23 =	vor.u32 $0x19, v2;
	v24 =	vor.u32 $0x1B, v2;
	v7 =	vor.u32 $0x1A, v2;
	v36 =	vld.idx.msk [tilespmem:v3+s14+$0x0], $0xffff  }
0x149: {  	v35 =	vor.u32 $0x1C, v2;
	v25 =	vor.u32 $0x1E, v2;
	v3 =	vor.u32 $0x1D, v2;
	v37 =	vld.idx.msk [tilespmem:v5+s14+$0x0], $0xffff  }
0x14a: {  	v2 =	vor.u32 $0x1F, v2;
	v8 =	vld.idx.msk [tilespmem:v4+s14+$0x0], $0xffff  }
0x14b: {  	v15 =	vld.idx.msk [tilespmem:v9+s14+$0x0], $0xffff  }
0x14c: {  	v5 =	vld.idx.msk [tilespmem:v6+s14+$0x0], $0xffff  }
0x14d: {  	v9 =	vld.idx.msk [tilespmem:v20+s14+$0x0], $0xffff  }
0x14e: {  	v3 =	vld.idx.msk [tilespmem:v3+s14+$0x0], $0xffff  }
0x14f: {  	v2 =	vld.idx.msk [tilespmem:v2+s14+$0x0], $0xffff  }
0x150: {  	v20 =	vld.idx.msk [tilespmem:v16+s14+$0x0], $0xffff  }
0x151: {  	v4 =	vld.idx.msk [tilespmem:v25+s14+$0x0], $0xffff  }
0x152: {  	v6 =	vld.idx.msk [tilespmem:v24+s14+$0x0], $0xffff  }
0x153: {  	v7 =	vld.idx.msk [tilespmem:v7+s14+$0x0], $0xffff  }
0x154: {  	v25 =	vld.idx.msk [tilespmem:v10+s14+$0x0], $0xffff  }
0x155: {  	v17 =	vld.idx.msk [tilespmem:v17+s14+$0x0], $0xffff  }
0x156: {  	v10 =	vld.idx.msk [tilespmem:v23+s14+$0x0], $0xffff  }
0x157: {  	v38 =	vld.idx.msk [tilespmem:v11+s14+$0x0], $0xffff  }
0x158: {  	v24 =	vld.idx.msk [tilespmem:v19+s14+$0x0], $0xffff  }
0x159: {  	v23 =	vld.idx.msk [tilespmem:v21+s14+$0x0], $0xffff  }
0x15a: {  	v11 =	vld.idx.msk [tilespmem:v35+s14+$0x0], $0xffff  }
0x15b: {  	v16 =	vld.idx.msk [tilespmem:v27+s14+$0x0], $0xffff  }
0x15c: {  	v27 =	vld.idx.msk [tilespmem:v18+s14+$0x0], $0xffff  }
0x15d: {  	v19 =	vld.idx.msk [tilespmem:v32+s14+$0x0], $0xffff  }
0x15e: {  	v21 =	vld.idx.msk [tilespmem:v28+s14+$0x0], $0xffff  }
0x15f: {  	v32 =	vor.u32 $0x1, v1;
	v26 =	vld.idx.msk [tilespmem:v26+s14+$0x0], $0xffff  }
0x160: {  	v18 =	vld.idx.msk [tilespmem:v34+s14+$0x0], $0xffff;
	v34 =	vor.u32 $0x2, v1  }
0x161: {  	v39 =	vor.u32 $0x3, v1;
	v28 =	vld.idx.msk [tilespmem:v22+s14+$0x0], $0xffff  }
0x162: {  	v40 =	vor.u32 $0x4, v1;
	v22 =	vld.idx.msk [tilespmem:v33+s14+$0x0], $0xffff  }
0x163: {  	v35 =	vor.u32 $0x5, v1;
	v29 =	vld.idx.msk [tilespmem:v29+s14+$0x0], $0xffff  }
.Ltmp1:
0x164: {  	v33 =	vor.u32 $0x6, v1;
	[tilespmem:v1+s1+$0x0] =	vst.idx.msk $0xffff, v30;
	(pc) =	sbr.rel @p0 .LBB2_5-.Ltmp1, $4  }
0x165: {  	v30 =	vor.u32 $0x7, v1;
	[tilespmem:v32+s1+$0x0] =	vst.idx.msk $0xffff, v36  }
0x166: {  	[tilespmem:v34+s1+$0x0] =	vst.idx.msk $0xffff, v38;
	v34 =	vor.u32 $0x8, v1  }
0x167: {  	[tilespmem:v39+s1+$0x0] =	vst.idx.msk $0xffff, v31;
	v31 =	vor.u32 $0x9, v1  }
0x168: {  	v32 =	vor.u32 $0xA, v1;
	[tilespmem:v40+s1+$0x0] =	vst.idx.msk $0xffff, v37  }
0x169: {  	_ =	sdelay $0x3  }
0x16a: {  	[tilespmem:v35+s1+$0x0] =	vst.idx.msk $0xffff, v14  }
0x16b: {  	[tilespmem:v33+s1+$0x0] =	vst.idx.msk $0xffff, v12  }
0x16c: {  	v12 =	vor.u32 $0xC, v1;
	[tilespmem:v30+s1+$0x0] =	vst.idx.msk $0xffff, v25  }
0x16d: {  	v14 =	vor.u32 $0xD, v1;
	[tilespmem:v34+s1+$0x0] =	vst.idx.msk $0xffff, v20  }
0x16e: {  	v20 =	vor.u32 $0xE, v1;
	[tilespmem:v31+s1+$0x0] =	vst.idx.msk $0xffff, v15  }
0x16f: {  	v15 =	vor.u32 $0xF, v1;
	[tilespmem:v32+s1+$0x0] =	vst.idx.msk $0xffff, v27  }
0x170: {  	v25 =	vor.u32 $0x10, v1;
	[tilespmem:v13+s1+$0x0] =	vst.idx.msk $0xffff, v24  }
0x171: {  	v13 =	vor.u32 $0x11, v1;
	[tilespmem:v12+s1+$0x0] =	vst.idx.msk $0xffff, v23  }
0x172: {  	v12 =	vor.u32 $0x12, v1;
	[tilespmem:v14+s1+$0x0] =	vst.idx.msk $0xffff, v29  }
0x173: {  	v14 =	vor.u32 $0x13, v1;
	[tilespmem:v20+s1+$0x0] =	vst.idx.msk $0xffff, v28  }
0x174: {  	v20 =	vor.u32 $0x14, v1;
	[tilespmem:v15+s1+$0x0] =	vst.idx.msk $0xffff, v26  }
0x175: {  	v15 =	vor.u32 $0x15, v1;
	[tilespmem:v25+s1+$0x0] =	vst.idx.msk $0xffff, v17  }
0x176: {  	v17 =	vor.u32 $0x16, v1;
	[tilespmem:v13+s1+$0x0] =	vst.idx.msk $0xffff, v8  }
0x177: {  	v8 =	vor.u32 $0x17, v1;
	[tilespmem:v12+s1+$0x0] =	vst.idx.msk $0xffff, v9  }
0x178: {  	v9 =	vor.u32 $0x18, v1;
	[tilespmem:v14+s1+$0x0] =	vst.idx.msk $0xffff, v21  }
0x179: {  	v12 =	vor.u32 $0x19, v1;
	[tilespmem:v20+s1+$0x0] =	vst.idx.msk $0xffff, v19  }
0x17a: {  	v13 =	vor.u32 $0x1A, v1;
	[tilespmem:v15+s1+$0x0] =	vst.idx.msk $0xffff, v16  }
0x17b: {  	v14 =	vor.u32 $0x1B, v1;
	[tilespmem:v17+s1+$0x0] =	vst.idx.msk $0xffff, v22  }
0x17c: {  	v15 =	vor.u32 $0x1C, v1;
	[tilespmem:v8+s1+$0x0] =	vst.idx.msk $0xffff, v18  }
0x17d: {  	v8 =	vor.u32 $0x1D, v1;
	[tilespmem:v9+s1+$0x0] =	vst.idx.msk $0xffff, v5  }
0x17e: {  	v5 =	vor.u32 $0x1E, v1;
	[tilespmem:v12+s1+$0x0] =	vst.idx.msk $0xffff, v10  }
0x17f: {  	v1 =	vor.u32 $0x1F, v1;
	[tilespmem:v13+s1+$0x0] =	vst.idx.msk $0xffff, v7  }
0x180: {  	[tilespmem:v14+s1+$0x0] =	vst.idx.msk $0xffff, v6  }
0x181: {  	[tilespmem:v15+s1+$0x0] =	vst.idx.msk $0xffff, v11  }
0x182: {  	[tilespmem:v8+s1+$0x0] =	vst.idx.msk $0xffff, v3  }
0x183: {  	[tilespmem:v5+s1+$0x0] =	vst.idx.msk $0xffff, v4  }
0x184: {  	[tilespmem:v1+s1+$0x0] =	vst.idx.msk $0xffff, v2  }
0x185: {  	_ =	swait.ge [sflag:s31], $0x2000  }
0x186: {  	[sflag:s31] =	ssyncset.done $0x0  }
0x187: {  	s15 =	simm.s32 $0x80;
	[sflag:s31] =	ssyncadd.s32 $0xFFFFE000  }
0x188: {  	v1 =	vld [tilespmem:s15+$0x0];
	_ =	sdelay $0x3  }
0x189: {  	v2 =	vmov s15  }
0x18a: {  	v2 =	vshll.u32 v2, $0x7;
	v1 =	vshll.u32 v1, $0x5  }
0x18b: {  	v3 =	vand.u32 $0x60, v1;
	v1 =	vor.u32 v0, v2  }
0x18c: {  	v13 =	vor.u32 v1, v3  }
0x18d: {  	v2 =	vor.u32 $0x3, v13  }
0x18e: {  	v3 =	vor.u32 $0x6, v13  }
0x18f: {  	v4 =	vor.u32 $0x5, v13  }
0x190: {  	v5 =	vor.u32 $0x1, v13  }
0x191: {  	v6 =	vor.u32 $0x4, v13;
	v30 =	vld.idx.msk [tilespmem:v13+s14+$0x0], $0xffff  }
0x192: {  	v7 =	vor.u32 $0x9, v13;
	v31 =	vld.idx.msk [tilespmem:v2+s14+$0x0], $0xffff  }
0x193: {  	v10 =	vor.u32 $0x8, v13;
	v12 =	vld.idx.msk [tilespmem:v3+s14+$0x0], $0xffff  }
0x194: {  	v17 =	vor.u32 $0x7, v13;
	v14 =	vld.idx.msk [tilespmem:v4+s14+$0x0], $0xffff  }
0x195: {  	v18 =	vor.u32 $0x10, v13;
	v59 =	vld.idx.msk [tilespmem:v5+s14+$0x0], $0xffff  }
0x196: {  	v19 =	vor.u32 $0x2, v13;
	v36 =	vld.idx.msk [tilespmem:v6+s14+$0x0], $0xffff  }
0x197: {  	v22 =	vor.u32 $0xA, v13;
	v15 =	vld.idx.msk [tilespmem:v7+s14+$0x0], $0xffff  }
0x198: {  	v2 =	vor.u32 $0x11, v13;
	v20 =	vld.idx.msk [tilespmem:v10+s14+$0x0], $0xffff  }
0x199: {  	v3 =	vor.u32 $0x18, v13;
	v25 =	vld.idx.msk [tilespmem:v17+s14+$0x0], $0xffff  }
0x19a: {  	v4 =	vor.u32 $0x12, v13;
	v17 =	vld.idx.msk [tilespmem:v18+s14+$0x0], $0xffff  }
0x19b: {  	v6 =	vor.u32 $0x1D, v13;
	v60 =	vld.idx.msk [tilespmem:v19+s14+$0x0], $0xffff  }
0x19c: {  	v7 =	vor.u32 $0x1E, v13;
	v27 =	vld.idx.msk [tilespmem:v22+s14+$0x0], $0xffff  }
0x19d: {  	v11 =	vor.u32 $0x1B, v13;
	v8 =	vld.idx.msk [tilespmem:v2+s14+$0x0], $0xffff  }
0x19e: {  	v16 =	vor.u32 $0x1A, v13;
	v5 =	vld.idx.msk [tilespmem:v3+s14+$0x0], $0xffff  }
0x19f: {  	v10 =	vor.u32 $0x19, v13;
	v9 =	vld.idx.msk [tilespmem:v4+s14+$0x0], $0xffff  }
0x1a0: {  	v19 =	vor.u32 $0x14, v13;
	v3 =	vld.idx.msk [tilespmem:v6+s14+$0x0], $0xffff  }
0x1a1: {  	v22 =	vor.u32 $0x16, v13;
	v4 =	vld.idx.msk [tilespmem:v7+s14+$0x0], $0xffff  }
0x1a2: {  	v2 =	vor.u32 $0x1F, v13;
	v6 =	vld.idx.msk [tilespmem:v11+s14+$0x0], $0xffff  }
0x1a3: {  	v11 =	vor.u32 $0xB, v13;
	v7 =	vld.idx.msk [tilespmem:v16+s14+$0x0], $0xffff  }
0x1a4: {  	v16 =	vor.u32 $0xC, v13;
	v10 =	vld.idx.msk [tilespmem:v10+s14+$0x0], $0xffff  }
0x1a5: {  	v21 =	vor.u32 $0x1C, v13;
	v19 =	vld.idx.msk [tilespmem:v19+s14+$0x0], $0xffff  }
0x1a6: {  	v18 =	vor.u32 $0x15, v13;
	v22 =	vld.idx.msk [tilespmem:v22+s14+$0x0], $0xffff  }
0x1a7: {  	v26 =	vor.u32 $0x13, v13;
	v2 =	vld.idx.msk [tilespmem:v2+s14+$0x0], $0xffff  }
0x1a8: {  	v28 =	vor.u32 $0xF, v13;
	v24 =	vld.idx.msk [tilespmem:v11+s14+$0x0], $0xffff  }
0x1a9: {  	v29 =	vor.u32 $0x17, v13;
	v23 =	vld.idx.msk [tilespmem:v16+s14+$0x0], $0xffff  }
0x1aa: {  	v61 =	vor.u32 $0xE, v13;
	v11 =	vld.idx.msk [tilespmem:v21+s14+$0x0], $0xffff  }
0x1ab: {  	v13 =	vor.u32 $0xD, v13;
	v16 =	vld.idx.msk [tilespmem:v18+s14+$0x0], $0xffff  }
0x1ac: {  	v62 =	vor.u32 $0x1, v1;
	v21 =	vld.idx.msk [tilespmem:v26+s14+$0x0], $0xffff  }
0x1ad: {  	v37 =	vor.u32 $0x2, v1;
	v26 =	vld.idx.msk [tilespmem:v28+s14+$0x0], $0xffff  }
0x1ae: {  	v63 =	vor.u32 $0x3, v1;
	v18 =	vld.idx.msk [tilespmem:v29+s14+$0x0], $0xffff  }
0x1af: {  	v38 =	vor.u32 $0x4, v1;
	v28 =	vld.idx.msk [tilespmem:v61+s14+$0x0], $0xffff  }
0x1b0: {  	v29 =	vld.idx.msk [tilespmem:v13+s14+$0x0], $0xffff;
	[tilespmem:v1+s1+$0x0] =	vst.idx.msk $0xffff, v30  }
0x1b1: {  	v35 =	vor.u32 $0x5, v1;
	[tilespmem:v62+s1+$0x0] =	vst.idx.msk $0xffff, v59  }
0x1b2: {  	v33 =	vor.u32 $0x6, v1;
	[tilespmem:v37+s1+$0x0] =	vst.idx.msk $0xffff, v60  }
0x1b3: {  	v34 =	vor.u32 $0x8, v1;
	v30 =	vor.u32 $0x7, v1;
	[tilespmem:v63+s1+$0x0] =	vst.idx.msk $0xffff, v31  }
0x1b4: {  	s16 =	simm.s32 $0x90;
	v32 =	vor.u32 $0xA, v1;
	v13 =	vor.u32 $0xB, v1;
	v31 =	vor.u32 $0x9, v1;
	[tilespmem:v38+s1+$0x0] =	vst.idx.msk $0xffff, v36  }
.LBB2_7:
0x1b5: {  	p0 =	sne.s32 s16, $0xB0  }
0x1b6: {  	[tilespmem:v35+s1+$0x0] =	vst.idx.msk $0xffff, v14;
	s15 =	sadd.s32 $0x10, s15;
	s17 =	smov.u32 s16;
	s16 =	sadd.s32 $0x10, s16  }
0x1b7: {  	[tilespmem:v33+s1+$0x0] =	vst.idx.msk $0xffff, v12;
	v12 =	vor.u32 $0xC, v1  }
0x1b8: {  	v14 =	vor.u32 $0xD, v1;
	[tilespmem:v30+s1+$0x0] =	vst.idx.msk $0xffff, v25  }
0x1b9: {  	[tilespmem:v34+s1+$0x0] =	vst.idx.msk $0xffff, v20;
	v20 =	vor.u32 $0xE, v1  }
0x1ba: {  	[tilespmem:v31+s1+$0x0] =	vst.idx.msk $0xffff, v15;
	v15 =	vor.u32 $0xF, v1  }
0x1bb: {  	v25 =	vor.u32 $0x10, v1;
	[tilespmem:v32+s1+$0x0] =	vst.idx.msk $0xffff, v27  }
0x1bc: {  	[tilespmem:v13+s1+$0x0] =	vst.idx.msk $0xffff, v24;
	v13 =	vor.u32 $0x11, v1  }
0x1bd: {  	[tilespmem:v12+s1+$0x0] =	vst.idx.msk $0xffff, v23;
	v12 =	vor.u32 $0x12, v1  }
0x1be: {  	[tilespmem:v14+s1+$0x0] =	vst.idx.msk $0xffff, v29;
	v14 =	vor.u32 $0x13, v1  }
0x1bf: {  	[tilespmem:v20+s1+$0x0] =	vst.idx.msk $0xffff, v28;
	v20 =	vor.u32 $0x14, v1  }
0x1c0: {  	[tilespmem:v15+s1+$0x0] =	vst.idx.msk $0xffff, v26;
	v15 =	vor.u32 $0x15, v1  }
0x1c1: {  	[tilespmem:v25+s1+$0x0] =	vst.idx.msk $0xffff, v17;
	v17 =	vor.u32 $0x16, v1  }
0x1c2: {  	[tilespmem:v13+s1+$0x0] =	vst.idx.msk $0xffff, v8;
	v8 =	vor.u32 $0x17, v1  }
0x1c3: {  	[tilespmem:v12+s1+$0x0] =	vst.idx.msk $0xffff, v9;
	v9 =	vor.u32 $0x18, v1  }
0x1c4: {  	v12 =	vor.u32 $0x19, v1;
	[tilespmem:v14+s1+$0x0] =	vst.idx.msk $0xffff, v21  }
0x1c5: {  	v13 =	vor.u32 $0x1A, v1;
	[tilespmem:v20+s1+$0x0] =	vst.idx.msk $0xffff, v19  }
0x1c6: {  	v14 =	vor.u32 $0x1B, v1;
	[tilespmem:v15+s1+$0x0] =	vst.idx.msk $0xffff, v16  }
0x1c7: {  	v15 =	vor.u32 $0x1C, v1;
	[tilespmem:v17+s1+$0x0] =	vst.idx.msk $0xffff, v22  }
0x1c8: {  	[tilespmem:v8+s1+$0x0] =	vst.idx.msk $0xffff, v18;
	v8 =	vor.u32 $0x1D, v1  }
0x1c9: {  	[tilespmem:v9+s1+$0x0] =	vst.idx.msk $0xffff, v5;
	v5 =	vor.u32 $0x1E, v1  }
0x1ca: {  	v1 =	vor.u32 $0x1F, v1;
	[tilespmem:v12+s1+$0x0] =	vst.idx.msk $0xffff, v10  }
0x1cb: {  	[tilespmem:v13+s1+$0x0] =	vst.idx.msk $0xffff, v7  }
0x1cc: {  	[tilespmem:v14+s1+$0x0] =	vst.idx.msk $0xffff, v6  }
0x1cd: {  	[tilespmem:v15+s1+$0x0] =	vst.idx.msk $0xffff, v11  }
0x1ce: {  	[tilespmem:v8+s1+$0x0] =	vst.idx.msk $0xffff, v3  }
0x1cf: {  	[tilespmem:v5+s1+$0x0] =	vst.idx.msk $0xffff, v4  }
0x1d0: {  	[tilespmem:v1+s1+$0x0] =	vst.idx.msk $0xffff, v2  }
0x1d1: {  	v1 =	vld [tilespmem:s15+$0x0];
	_ =	sdelay $0x3  }
0x1d2: {  	v2 =	vmov s17  }
0x1d3: {  	v2 =	vshll.u32 v2, $0x7;
	v1 =	vshll.u32 v1, $0x5  }
0x1d4: {  	v3 =	vand.u32 $0x60, v1;
	v1 =	vor.u32 v0, v2  }
0x1d5: {  	v2 =	vor.u32 v1, v3;
	v13 =	vor.u32 $0xB, v1  }
0x1d6: {  	v3 =	vor.u32 $0x1, v2;
	v11 =	vor.u32 $0x2, v2;
	v4 =	vor.u32 $0x3, v2  }
0x1d7: {  	v5 =	vor.u32 $0x4, v2;
	v6 =	vor.u32 $0x5, v2;
	v7 =	vor.u32 $0x6, v2  }
0x1d8: {  	v10 =	vor.u32 $0x7, v2;
	v16 =	vor.u32 $0x8, v2;
	v9 =	vor.u32 $0x9, v2  }
0x1d9: {  	v18 =	vor.u32 $0xA, v2;
	v19 =	vor.u32 $0xB, v2;
	v21 =	vor.u32 $0xC, v2  }
0x1da: {  	v29 =	vor.u32 $0xD, v2;
	v22 =	vor.u32 $0xE, v2;
	v26 =	vor.u32 $0xF, v2;
	v30 =	vld.idx.msk [tilespmem:v2+s14+$0x0], $0xffff  }
0x1db: {  	v17 =	vor.u32 $0x10, v2;
	v20 =	vor.u32 $0x12, v2;
	v31 =	vld.idx.msk [tilespmem:v4+s14+$0x0], $0xffff;
	v4 =	vor.u32 $0x11, v2  }
0x1dc: {  	v28 =	vor.u32 $0x13, v2;
	v32 =	vor.u32 $0x14, v2;
	v27 =	vor.u32 $0x15, v2;
	v12 =	vld.idx.msk [tilespmem:v7+s14+$0x0], $0xffff  }
0x1dd: {  	v33 =	vor.u32 $0x16, v2;
	v34 =	vor.u32 $0x17, v2;
	v14 =	vld.idx.msk [tilespmem:v6+s14+$0x0], $0xffff;
	v6 =	vor.u32 $0x18, v2  }
0x1de: {  	v23 =	vor.u32 $0x19, v2;
	v24 =	vor.u32 $0x1B, v2;
	v7 =	vor.u32 $0x1A, v2;
	v36 =	vld.idx.msk [tilespmem:v3+s14+$0x0], $0xffff  }
0x1df: {  	v35 =	vor.u32 $0x1C, v2;
	v25 =	vor.u32 $0x1E, v2;
	v3 =	vor.u32 $0x1D, v2;
	v37 =	vld.idx.msk [tilespmem:v5+s14+$0x0], $0xffff  }
0x1e0: {  	v2 =	vor.u32 $0x1F, v2;
	v8 =	vld.idx.msk [tilespmem:v4+s14+$0x0], $0xffff  }
0x1e1: {  	v15 =	vld.idx.msk [tilespmem:v9+s14+$0x0], $0xffff  }
0x1e2: {  	v5 =	vld.idx.msk [tilespmem:v6+s14+$0x0], $0xffff  }
0x1e3: {  	v9 =	vld.idx.msk [tilespmem:v20+s14+$0x0], $0xffff  }
0x1e4: {  	v3 =	vld.idx.msk [tilespmem:v3+s14+$0x0], $0xffff  }
0x1e5: {  	v2 =	vld.idx.msk [tilespmem:v2+s14+$0x0], $0xffff  }
0x1e6: {  	v20 =	vld.idx.msk [tilespmem:v16+s14+$0x0], $0xffff  }
0x1e7: {  	v4 =	vld.idx.msk [tilespmem:v25+s14+$0x0], $0xffff  }
0x1e8: {  	v6 =	vld.idx.msk [tilespmem:v24+s14+$0x0], $0xffff  }
0x1e9: {  	v7 =	vld.idx.msk [tilespmem:v7+s14+$0x0], $0xffff  }
0x1ea: {  	v25 =	vld.idx.msk [tilespmem:v10+s14+$0x0], $0xffff  }
0x1eb: {  	v17 =	vld.idx.msk [tilespmem:v17+s14+$0x0], $0xffff  }
0x1ec: {  	v10 =	vld.idx.msk [tilespmem:v23+s14+$0x0], $0xffff  }
0x1ed: {  	v38 =	vld.idx.msk [tilespmem:v11+s14+$0x0], $0xffff  }
0x1ee: {  	v24 =	vld.idx.msk [tilespmem:v19+s14+$0x0], $0xffff  }
0x1ef: {  	v23 =	vld.idx.msk [tilespmem:v21+s14+$0x0], $0xffff  }
0x1f0: {  	v11 =	vld.idx.msk [tilespmem:v35+s14+$0x0], $0xffff  }
0x1f1: {  	v16 =	vld.idx.msk [tilespmem:v27+s14+$0x0], $0xffff  }
0x1f2: {  	v27 =	vld.idx.msk [tilespmem:v18+s14+$0x0], $0xffff  }
0x1f3: {  	v19 =	vld.idx.msk [tilespmem:v32+s14+$0x0], $0xffff  }
0x1f4: {  	v21 =	vld.idx.msk [tilespmem:v28+s14+$0x0], $0xffff  }
0x1f5: {  	v32 =	vor.u32 $0x1, v1;
	v26 =	vld.idx.msk [tilespmem:v26+s14+$0x0], $0xffff  }
0x1f6: {  	v18 =	vld.idx.msk [tilespmem:v34+s14+$0x0], $0xffff;
	v34 =	vor.u32 $0x2, v1  }
0x1f7: {  	v39 =	vor.u32 $0x3, v1;
	v28 =	vld.idx.msk [tilespmem:v22+s14+$0x0], $0xffff  }
0x1f8: {  	v40 =	vor.u32 $0x4, v1;
	v22 =	vld.idx.msk [tilespmem:v33+s14+$0x0], $0xffff  }
0x1f9: {  	v35 =	vor.u32 $0x5, v1;
	v29 =	vld.idx.msk [tilespmem:v29+s14+$0x0], $0xffff  }
.Ltmp2:
0x1fa: {  	v33 =	vor.u32 $0x6, v1;
	[tilespmem:v1+s1+$0x0] =	vst.idx.msk $0xffff, v30;
	(pc) =	sbr.rel @p0 .LBB2_7-.Ltmp2, $4  }
0x1fb: {  	v30 =	vor.u32 $0x7, v1;
	[tilespmem:v32+s1+$0x0] =	vst.idx.msk $0xffff, v36  }
0x1fc: {  	[tilespmem:v34+s1+$0x0] =	vst.idx.msk $0xffff, v38;
	v34 =	vor.u32 $0x8, v1  }
0x1fd: {  	[tilespmem:v39+s1+$0x0] =	vst.idx.msk $0xffff, v31;
	v31 =	vor.u32 $0x9, v1  }
0x1fe: {  	v32 =	vor.u32 $0xA, v1;
	[tilespmem:v40+s1+$0x0] =	vst.idx.msk $0xffff, v37  }
0x1ff: {  	_ =	sdelay $0x3  }
0x200: {  	[tilespmem:v35+s1+$0x0] =	vst.idx.msk $0xffff, v14  }
0x201: {  	[tilespmem:v33+s1+$0x0] =	vst.idx.msk $0xffff, v12  }
0x202: {  	v12 =	vor.u32 $0xC, v1;
	[tilespmem:v30+s1+$0x0] =	vst.idx.msk $0xffff, v25  }
0x203: {  	v14 =	vor.u32 $0xD, v1;
	[tilespmem:v34+s1+$0x0] =	vst.idx.msk $0xffff, v20  }
0x204: {  	v20 =	vor.u32 $0xE, v1;
	[tilespmem:v31+s1+$0x0] =	vst.idx.msk $0xffff, v15  }
0x205: {  	v15 =	vor.u32 $0xF, v1;
	[tilespmem:v32+s1+$0x0] =	vst.idx.msk $0xffff, v27  }
0x206: {  	v25 =	vor.u32 $0x10, v1;
	[tilespmem:v13+s1+$0x0] =	vst.idx.msk $0xffff, v24  }
0x207: {  	v13 =	vor.u32 $0x11, v1;
	[tilespmem:v12+s1+$0x0] =	vst.idx.msk $0xffff, v23  }
0x208: {  	v12 =	vor.u32 $0x12, v1;
	[tilespmem:v14+s1+$0x0] =	vst.idx.msk $0xffff, v29  }
0x209: {  	v14 =	vor.u32 $0x13, v1;
	[tilespmem:v20+s1+$0x0] =	vst.idx.msk $0xffff, v28  }
0x20a: {  	v20 =	vor.u32 $0x14, v1;
	[tilespmem:v15+s1+$0x0] =	vst.idx.msk $0xffff, v26  }
0x20b: {  	v15 =	vor.u32 $0x15, v1;
	[tilespmem:v25+s1+$0x0] =	vst.idx.msk $0xffff, v17  }
0x20c: {  	v17 =	vor.u32 $0x16, v1;
	[tilespmem:v13+s1+$0x0] =	vst.idx.msk $0xffff, v8  }
0x20d: {  	v8 =	vor.u32 $0x17, v1;
	[tilespmem:v12+s1+$0x0] =	vst.idx.msk $0xffff, v9  }
0x20e: {  	v9 =	vor.u32 $0x18, v1;
	[tilespmem:v14+s1+$0x0] =	vst.idx.msk $0xffff, v21  }
0x20f: {  	v12 =	vor.u32 $0x19, v1;
	[tilespmem:v20+s1+$0x0] =	vst.idx.msk $0xffff, v19  }
0x210: {  	v13 =	vor.u32 $0x1A, v1;
	[tilespmem:v15+s1+$0x0] =	vst.idx.msk $0xffff, v16  }
0x211: {  	v14 =	vor.u32 $0x1B, v1;
	[tilespmem:v17+s1+$0x0] =	vst.idx.msk $0xffff, v22  }
0x212: {  	v15 =	vor.u32 $0x1C, v1;
	[tilespmem:v8+s1+$0x0] =	vst.idx.msk $0xffff, v18  }
0x213: {  	v8 =	vor.u32 $0x1D, v1;
	[tilespmem:v9+s1+$0x0] =	vst.idx.msk $0xffff, v5  }
0x214: {  	v5 =	vor.u32 $0x1E, v1;
	[tilespmem:v12+s1+$0x0] =	vst.idx.msk $0xffff, v10  }
0x215: {  	v1 =	vor.u32 $0x1F, v1;
	[tilespmem:v13+s1+$0x0] =	vst.idx.msk $0xffff, v7  }
0x216: {  	[tilespmem:v14+s1+$0x0] =	vst.idx.msk $0xffff, v6  }
0x217: {  	[tilespmem:v15+s1+$0x0] =	vst.idx.msk $0xffff, v11  }
0x218: {  	[tilespmem:v8+s1+$0x0] =	vst.idx.msk $0xffff, v3  }
0x219: {  	[tilespmem:v5+s1+$0x0] =	vst.idx.msk $0xffff, v4  }
0x21a: {  	[tilespmem:v1+s1+$0x0] =	vst.idx.msk $0xffff, v2  }
0x21b: {  	_ =	swait.ge [sflag:s31], $0x2000  }
0x21c: {  	[sflag:s31] =	ssyncset.done $0x0  }
0x21d: {  	s15 =	simm.s32 $0xC0;
	[sflag:s31] =	ssyncadd.s32 $0xFFFFE000  }
0x21e: {  	v1 =	vld [tilespmem:s15+$0x0];
	_ =	sdelay $0x3  }
0x21f: {  	v2 =	vmov s15  }
0x220: {  	v2 =	vshll.u32 v2, $0x7;
	v1 =	vshll.u32 v1, $0x5  }
0x221: {  	v3 =	vand.u32 $0x60, v1;
	v1 =	vor.u32 v0, v2  }
0x222: {  	v13 =	vor.u32 v1, v3  }
0x223: {  	v2 =	vor.u32 $0x3, v13  }
0x224: {  	v3 =	vor.u32 $0x6, v13  }
0x225: {  	v4 =	vor.u32 $0x5, v13  }
0x226: {  	v5 =	vor.u32 $0x1, v13  }
0x227: {  	v6 =	vor.u32 $0x4, v13;
	v30 =	vld.idx.msk [tilespmem:v13+s14+$0x0], $0xffff  }
0x228: {  	v7 =	vor.u32 $0x9, v13;
	v31 =	vld.idx.msk [tilespmem:v2+s14+$0x0], $0xffff  }
0x229: {  	v10 =	vor.u32 $0x8, v13;
	v12 =	vld.idx.msk [tilespmem:v3+s14+$0x0], $0xffff  }
0x22a: {  	v17 =	vor.u32 $0x7, v13;
	v14 =	vld.idx.msk [tilespmem:v4+s14+$0x0], $0xffff  }
0x22b: {  	v18 =	vor.u32 $0x10, v13;
	v59 =	vld.idx.msk [tilespmem:v5+s14+$0x0], $0xffff  }
0x22c: {  	v19 =	vor.u32 $0x2, v13;
	v36 =	vld.idx.msk [tilespmem:v6+s14+$0x0], $0xffff  }
0x22d: {  	v22 =	vor.u32 $0xA, v13;
	v15 =	vld.idx.msk [tilespmem:v7+s14+$0x0], $0xffff  }
0x22e: {  	v2 =	vor.u32 $0x11, v13;
	v20 =	vld.idx.msk [tilespmem:v10+s14+$0x0], $0xffff  }
0x22f: {  	v3 =	vor.u32 $0x18, v13;
	v25 =	vld.idx.msk [tilespmem:v17+s14+$0x0], $0xffff  }
0x230: {  	v4 =	vor.u32 $0x12, v13;
	v17 =	vld.idx.msk [tilespmem:v18+s14+$0x0], $0xffff  }
0x231: {  	v6 =	vor.u32 $0x1D, v13;
	v60 =	vld.idx.msk [tilespmem:v19+s14+$0x0], $0xffff  }
0x232: {  	v7 =	vor.u32 $0x1E, v13;
	v27 =	vld.idx.msk [tilespmem:v22+s14+$0x0], $0xffff  }
0x233: {  	v11 =	vor.u32 $0x1B, v13;
	v8 =	vld.idx.msk [tilespmem:v2+s14+$0x0], $0xffff  }
0x234: {  	v16 =	vor.u32 $0x1A, v13;
	v5 =	vld.idx.msk [tilespmem:v3+s14+$0x0], $0xffff  }
0x235: {  	v10 =	vor.u32 $0x19, v13;
	v9 =	vld.idx.msk [tilespmem:v4+s14+$0x0], $0xffff  }
0x236: {  	v19 =	vor.u32 $0x14, v13;
	v3 =	vld.idx.msk [tilespmem:v6+s14+$0x0], $0xffff  }
0x237: {  	v22 =	vor.u32 $0x16, v13;
	v4 =	vld.idx.msk [tilespmem:v7+s14+$0x0], $0xffff  }
0x238: {  	v2 =	vor.u32 $0x1F, v13;
	v6 =	vld.idx.msk [tilespmem:v11+s14+$0x0], $0xffff  }
0x239: {  	v11 =	vor.u32 $0xB, v13;
	v7 =	vld.idx.msk [tilespmem:v16+s14+$0x0], $0xffff  }
0x23a: {  	v16 =	vor.u32 $0xC, v13;
	v10 =	vld.idx.msk [tilespmem:v10+s14+$0x0], $0xffff  }
0x23b: {  	v21 =	vor.u32 $0x1C, v13;
	v19 =	vld.idx.msk [tilespmem:v19+s14+$0x0], $0xffff  }
0x23c: {  	v18 =	vor.u32 $0x15, v13;
	v22 =	vld.idx.msk [tilespmem:v22+s14+$0x0], $0xffff  }
0x23d: {  	v26 =	vor.u32 $0x13, v13;
	v2 =	vld.idx.msk [tilespmem:v2+s14+$0x0], $0xffff  }
0x23e: {  	v28 =	vor.u32 $0xF, v13;
	v24 =	vld.idx.msk [tilespmem:v11+s14+$0x0], $0xffff  }
0x23f: {  	v29 =	vor.u32 $0x17, v13;
	v23 =	vld.idx.msk [tilespmem:v16+s14+$0x0], $0xffff  }
0x240: {  	v61 =	vor.u32 $0xE, v13;
	v11 =	vld.idx.msk [tilespmem:v21+s14+$0x0], $0xffff  }
0x241: {  	v13 =	vor.u32 $0xD, v13;
	v16 =	vld.idx.msk [tilespmem:v18+s14+$0x0], $0xffff  }
0x242: {  	v62 =	vor.u32 $0x1, v1;
	v21 =	vld.idx.msk [tilespmem:v26+s14+$0x0], $0xffff  }
0x243: {  	v37 =	vor.u32 $0x2, v1;
	v26 =	vld.idx.msk [tilespmem:v28+s14+$0x0], $0xffff  }
0x244: {  	v63 =	vor.u32 $0x3, v1;
	v18 =	vld.idx.msk [tilespmem:v29+s14+$0x0], $0xffff  }
0x245: {  	v38 =	vor.u32 $0x4, v1;
	v28 =	vld.idx.msk [tilespmem:v61+s14+$0x0], $0xffff  }
0x246: {  	v29 =	vld.idx.msk [tilespmem:v13+s14+$0x0], $0xffff;
	[tilespmem:v1+s1+$0x0] =	vst.idx.msk $0xffff, v30  }
0x247: {  	v35 =	vor.u32 $0x5, v1;
	[tilespmem:v62+s1+$0x0] =	vst.idx.msk $0xffff, v59  }
0x248: {  	v33 =	vor.u32 $0x6, v1;
	[tilespmem:v37+s1+$0x0] =	vst.idx.msk $0xffff, v60  }
0x249: {  	v34 =	vor.u32 $0x8, v1;
	v30 =	vor.u32 $0x7, v1;
	[tilespmem:v63+s1+$0x0] =	vst.idx.msk $0xffff, v31  }
0x24a: {  	s16 =	simm.s32 $0xD0;
	v32 =	vor.u32 $0xA, v1;
	v13 =	vor.u32 $0xB, v1;
	v31 =	vor.u32 $0x9, v1;
	[tilespmem:v38+s1+$0x0] =	vst.idx.msk $0xffff, v36  }
.LBB2_9:
0x24b: {  	p0 =	sne.s32 s16, $0xF0  }
0x24c: {  	[tilespmem:v35+s1+$0x0] =	vst.idx.msk $0xffff, v14;
	s15 =	sadd.s32 $0x10, s15;
	s17 =	smov.u32 s16;
	s16 =	sadd.s32 $0x10, s16  }
0x24d: {  	[tilespmem:v33+s1+$0x0] =	vst.idx.msk $0xffff, v12;
	v12 =	vor.u32 $0xC, v1  }
0x24e: {  	v14 =	vor.u32 $0xD, v1;
	[tilespmem:v30+s1+$0x0] =	vst.idx.msk $0xffff, v25  }
0x24f: {  	[tilespmem:v34+s1+$0x0] =	vst.idx.msk $0xffff, v20;
	v20 =	vor.u32 $0xE, v1  }
0x250: {  	[tilespmem:v31+s1+$0x0] =	vst.idx.msk $0xffff, v15;
	v15 =	vor.u32 $0xF, v1  }
0x251: {  	v25 =	vor.u32 $0x10, v1;
	[tilespmem:v32+s1+$0x0] =	vst.idx.msk $0xffff, v27  }
0x252: {  	[tilespmem:v13+s1+$0x0] =	vst.idx.msk $0xffff, v24;
	v13 =	vor.u32 $0x11, v1  }
0x253: {  	[tilespmem:v12+s1+$0x0] =	vst.idx.msk $0xffff, v23;
	v12 =	vor.u32 $0x12, v1  }
0x254: {  	[tilespmem:v14+s1+$0x0] =	vst.idx.msk $0xffff, v29;
	v14 =	vor.u32 $0x13, v1  }
0x255: {  	[tilespmem:v20+s1+$0x0] =	vst.idx.msk $0xffff, v28;
	v20 =	vor.u32 $0x14, v1  }
0x256: {  	[tilespmem:v15+s1+$0x0] =	vst.idx.msk $0xffff, v26;
	v15 =	vor.u32 $0x15, v1  }
0x257: {  	[tilespmem:v25+s1+$0x0] =	vst.idx.msk $0xffff, v17;
	v17 =	vor.u32 $0x16, v1  }
0x258: {  	[tilespmem:v13+s1+$0x0] =	vst.idx.msk $0xffff, v8;
	v8 =	vor.u32 $0x17, v1  }
0x259: {  	[tilespmem:v12+s1+$0x0] =	vst.idx.msk $0xffff, v9;
	v9 =	vor.u32 $0x18, v1  }
0x25a: {  	v12 =	vor.u32 $0x19, v1;
	[tilespmem:v14+s1+$0x0] =	vst.idx.msk $0xffff, v21  }
0x25b: {  	v13 =	vor.u32 $0x1A, v1;
	[tilespmem:v20+s1+$0x0] =	vst.idx.msk $0xffff, v19  }
0x25c: {  	v14 =	vor.u32 $0x1B, v1;
	[tilespmem:v15+s1+$0x0] =	vst.idx.msk $0xffff, v16  }
0x25d: {  	v15 =	vor.u32 $0x1C, v1;
	[tilespmem:v17+s1+$0x0] =	vst.idx.msk $0xffff, v22  }
0x25e: {  	[tilespmem:v8+s1+$0x0] =	vst.idx.msk $0xffff, v18;
	v8 =	vor.u32 $0x1D, v1  }
0x25f: {  	[tilespmem:v9+s1+$0x0] =	vst.idx.msk $0xffff, v5;
	v5 =	vor.u32 $0x1E, v1  }
0x260: {  	v1 =	vor.u32 $0x1F, v1;
	[tilespmem:v12+s1+$0x0] =	vst.idx.msk $0xffff, v10  }
0x261: {  	[tilespmem:v13+s1+$0x0] =	vst.idx.msk $0xffff, v7  }
0x262: {  	[tilespmem:v14+s1+$0x0] =	vst.idx.msk $0xffff, v6  }
0x263: {  	[tilespmem:v15+s1+$0x0] =	vst.idx.msk $0xffff, v11  }
0x264: {  	[tilespmem:v8+s1+$0x0] =	vst.idx.msk $0xffff, v3  }
0x265: {  	[tilespmem:v5+s1+$0x0] =	vst.idx.msk $0xffff, v4  }
0x266: {  	[tilespmem:v1+s1+$0x0] =	vst.idx.msk $0xffff, v2  }
0x267: {  	v1 =	vld [tilespmem:s15+$0x0];
	_ =	sdelay $0x3  }
0x268: {  	v2 =	vmov s17  }
0x269: {  	v2 =	vshll.u32 v2, $0x7;
	v1 =	vshll.u32 v1, $0x5  }
0x26a: {  	v3 =	vand.u32 $0x60, v1;
	v1 =	vor.u32 v0, v2  }
0x26b: {  	v2 =	vor.u32 v1, v3;
	v13 =	vor.u32 $0xB, v1  }
0x26c: {  	v3 =	vor.u32 $0x1, v2;
	v11 =	vor.u32 $0x2, v2;
	v4 =	vor.u32 $0x3, v2  }
0x26d: {  	v5 =	vor.u32 $0x4, v2;
	v6 =	vor.u32 $0x5, v2;
	v7 =	vor.u32 $0x6, v2  }
0x26e: {  	v10 =	vor.u32 $0x7, v2;
	v16 =	vor.u32 $0x8, v2;
	v9 =	vor.u32 $0x9, v2  }
0x26f: {  	v18 =	vor.u32 $0xA, v2;
	v19 =	vor.u32 $0xB, v2;
	v21 =	vor.u32 $0xC, v2  }
0x270: {  	v29 =	vor.u32 $0xD, v2;
	v22 =	vor.u32 $0xE, v2;
	v26 =	vor.u32 $0xF, v2;
	v30 =	vld.idx.msk [tilespmem:v2+s14+$0x0], $0xffff  }
0x271: {  	v17 =	vor.u32 $0x10, v2;
	v20 =	vor.u32 $0x12, v2;
	v31 =	vld.idx.msk [tilespmem:v4+s14+$0x0], $0xffff;
	v4 =	vor.u32 $0x11, v2  }
0x272: {  	v28 =	vor.u32 $0x13, v2;
	v32 =	vor.u32 $0x14, v2;
	v27 =	vor.u32 $0x15, v2;
	v12 =	vld.idx.msk [tilespmem:v7+s14+$0x0], $0xffff  }
0x273: {  	v33 =	vor.u32 $0x16, v2;
	v34 =	vor.u32 $0x17, v2;
	v14 =	vld.idx.msk [tilespmem:v6+s14+$0x0], $0xffff;
	v6 =	vor.u32 $0x18, v2  }
0x274: {  	v23 =	vor.u32 $0x19, v2;
	v24 =	vor.u32 $0x1B, v2;
	v7 =	vor.u32 $0x1A, v2;
	v36 =	vld.idx.msk [tilespmem:v3+s14+$0x0], $0xffff  }
0x275: {  	v35 =	vor.u32 $0x1C, v2;
	v25 =	vor.u32 $0x1E, v2;
	v3 =	vor.u32 $0x1D, v2;
	v37 =	vld.idx.msk [tilespmem:v5+s14+$0x0], $0xffff  }
0x276: {  	v2 =	vor.u32 $0x1F, v2;
	v8 =	vld.idx.msk [tilespmem:v4+s14+$0x0], $0xffff  }
0x277: {  	v15 =	vld.idx.msk [tilespmem:v9+s14+$0x0], $0xffff  }
0x278: {  	v5 =	vld.idx.msk [tilespmem:v6+s14+$0x0], $0xffff  }
0x279: {  	v9 =	vld.idx.msk [tilespmem:v20+s14+$0x0], $0xffff  }
0x27a: {  	v3 =	vld.idx.msk [tilespmem:v3+s14+$0x0], $0xffff  }
0x27b: {  	v2 =	vld.idx.msk [tilespmem:v2+s14+$0x0], $0xffff  }
0x27c: {  	v20 =	vld.idx.msk [tilespmem:v16+s14+$0x0], $0xffff  }
0x27d: {  	v4 =	vld.idx.msk [tilespmem:v25+s14+$0x0], $0xffff  }
0x27e: {  	v6 =	vld.idx.msk [tilespmem:v24+s14+$0x0], $0xffff  }
0x27f: {  	v7 =	vld.idx.msk [tilespmem:v7+s14+$0x0], $0xffff  }
0x280: {  	v25 =	vld.idx.msk [tilespmem:v10+s14+$0x0], $0xffff  }
0x281: {  	v17 =	vld.idx.msk [tilespmem:v17+s14+$0x0], $0xffff  }
0x282: {  	v10 =	vld.idx.msk [tilespmem:v23+s14+$0x0], $0xffff  }
0x283: {  	v38 =	vld.idx.msk [tilespmem:v11+s14+$0x0], $0xffff  }
0x284: {  	v24 =	vld.idx.msk [tilespmem:v19+s14+$0x0], $0xffff  }
0x285: {  	v23 =	vld.idx.msk [tilespmem:v21+s14+$0x0], $0xffff  }
0x286: {  	v11 =	vld.idx.msk [tilespmem:v35+s14+$0x0], $0xffff  }
0x287: {  	v16 =	vld.idx.msk [tilespmem:v27+s14+$0x0], $0xffff  }
0x288: {  	v27 =	vld.idx.msk [tilespmem:v18+s14+$0x0], $0xffff  }
0x289: {  	v19 =	vld.idx.msk [tilespmem:v32+s14+$0x0], $0xffff  }
0x28a: {  	v21 =	vld.idx.msk [tilespmem:v28+s14+$0x0], $0xffff  }
0x28b: {  	v32 =	vor.u32 $0x1, v1;
	v26 =	vld.idx.msk [tilespmem:v26+s14+$0x0], $0xffff  }
0x28c: {  	v18 =	vld.idx.msk [tilespmem:v34+s14+$0x0], $0xffff;
	v34 =	vor.u32 $0x2, v1  }
0x28d: {  	v39 =	vor.u32 $0x3, v1;
	v28 =	vld.idx.msk [tilespmem:v22+s14+$0x0], $0xffff  }
0x28e: {  	v40 =	vor.u32 $0x4, v1;
	v22 =	vld.idx.msk [tilespmem:v33+s14+$0x0], $0xffff  }
0x28f: {  	v35 =	vor.u32 $0x5, v1;
	v29 =	vld.idx.msk [tilespmem:v29+s14+$0x0], $0xffff  }
.Ltmp3:
0x290: {  	v33 =	vor.u32 $0x6, v1;
	[tilespmem:v1+s1+$0x0] =	vst.idx.msk $0xffff, v30;
	(pc) =	sbr.rel @p0 .LBB2_9-.Ltmp3, $4  }
0x291: {  	v30 =	vor.u32 $0x7, v1;
	[tilespmem:v32+s1+$0x0] =	vst.idx.msk $0xffff, v36  }
0x292: {  	[tilespmem:v34+s1+$0x0] =	vst.idx.msk $0xffff, v38;
	v34 =	vor.u32 $0x8, v1  }
0x293: {  	[tilespmem:v39+s1+$0x0] =	vst.idx.msk $0xffff, v31;
	v31 =	vor.u32 $0x9, v1  }
0x294: {  	v32 =	vor.u32 $0xA, v1;
	[tilespmem:v40+s1+$0x0] =	vst.idx.msk $0xffff, v37  }
0x295: {  	_ =	sdelay $0x3  }
0x296: {  	[tilespmem:v35+s1+$0x0] =	vst.idx.msk $0xffff, v14  }
0x297: {  	[tilespmem:v33+s1+$0x0] =	vst.idx.msk $0xffff, v12  }
0x298: {  	v45 =	vor.u32 $0xC, v1;
	[tilespmem:v30+s1+$0x0] =	vst.idx.msk $0xffff, v25  }
0x299: {  	v46 =	vor.u32 $0xD, v1;
	[tilespmem:v34+s1+$0x0] =	vst.idx.msk $0xffff, v20  }
0x29a: {  	v47 =	vor.u32 $0xE, v1;
	[tilespmem:v31+s1+$0x0] =	vst.idx.msk $0xffff, v15  }
0x29b: {  	v48 =	vor.u32 $0xF, v1;
	[tilespmem:v32+s1+$0x0] =	vst.idx.msk $0xffff, v27  }
0x29c: {  	v49 =	vor.u32 $0x10, v1;
	[tilespmem:v13+s1+$0x0] =	vst.idx.msk $0xffff, v24  }
0x29d: {  	v50 =	vor.u32 $0x11, v1;
	[tilespmem:v45+s1+$0x0] =	vst.idx.msk $0xffff, v23  }
0x29e: {  	v51 =	vor.u32 $0x12, v1;
	[tilespmem:v46+s1+$0x0] =	vst.idx.msk $0xffff, v29  }
0x29f: {  	v52 =	vor.u32 $0x13, v1;
	[tilespmem:v47+s1+$0x0] =	vst.idx.msk $0xffff, v28  }
0x2a0: {  	v53 =	vor.u32 $0x14, v1;
	[tilespmem:v48+s1+$0x0] =	vst.idx.msk $0xffff, v26  }
0x2a1: {  	v54 =	vor.u32 $0x15, v1;
	[tilespmem:v49+s1+$0x0] =	vst.idx.msk $0xffff, v17  }
0x2a2: {  	v55 =	vor.u32 $0x16, v1;
	[tilespmem:v50+s1+$0x0] =	vst.idx.msk $0xffff, v8  }
0x2a3: {  	v56 =	vor.u32 $0x17, v1;
	[tilespmem:v51+s1+$0x0] =	vst.idx.msk $0xffff, v9  }
0x2a4: {  	v57 =	vor.u32 $0x18, v1;
	[tilespmem:v52+s1+$0x0] =	vst.idx.msk $0xffff, v21  }
0x2a5: {  	v58 =	vor.u32 $0x19, v1;
	[tilespmem:v53+s1+$0x0] =	vst.idx.msk $0xffff, v19  }
0x2a6: {  	v59 =	vor.u32 $0x1A, v1;
	[tilespmem:v54+s1+$0x0] =	vst.idx.msk $0xffff, v16  }
0x2a7: {  	v60 =	vor.u32 $0x1B, v1;
	[tilespmem:v55+s1+$0x0] =	vst.idx.msk $0xffff, v22  }
0x2a8: {  	v61 =	vor.u32 $0x1C, v1;
	[tilespmem:v56+s1+$0x0] =	vst.idx.msk $0xffff, v18  }
0x2a9: {  	v62 =	vor.u32 $0x1D, v1;
	[tilespmem:v57+s1+$0x0] =	vst.idx.msk $0xffff, v5  }
0x2aa: {  	v63 =	vor.u32 $0x1E, v1;
	[tilespmem:v58+s1+$0x0] =	vst.idx.msk $0xffff, v10  }
0x2ab: {  	v1 =	vor.u32 $0x1F, v1;
	[tilespmem:v59+s1+$0x0] =	vst.idx.msk $0xffff, v7  }
0x2ac: {  	[tilespmem:v60+s1+$0x0] =	vst.idx.msk $0xffff, v6  }
0x2ad: {  	s15 =	sshll.u32 s10, $0x10;
	[tilespmem:v61+s1+$0x0] =	vst.idx.msk $0xffff, v11  }
0x2ae: {  	s15 =	sadd.s32 s8, s15;
	[tilespmem:v62+s1+$0x0] =	vst.idx.msk $0xffff, v3  }
0x2af: {  	p0 =	seq.s32 s10, $0x31;
	s15 =	sshrl.u32 s15, $0x3;
	[tilespmem:v63+s1+$0x0] =	vst.idx.msk $0xffff, v4  }
.Ltmp4:
0x2b0: {  	s15 =	sadd.s32 s6, s15;
	[tilespmem:v1+s1+$0x0] =	vst.idx.msk $0xffff, v2;
	(pc) =	sbr.rel @p0 .LBB2_12-.Ltmp4, $4  }
0x2b1: {  	[hbm4b:s15+s3] =	stream.linear.scatter [tilespmem:s1], [sflag:$0x3], $0x8000, $0x38;
	[tilespmem:$0x18400] =	vst v63  }
0x2b2: {  	_ =	swait.ge [sflag:s11], $0x8000  }
0x2b3: {  	[sflag:s11] =	ssyncset.done $0x0  }
0x2b4: {  	[sflag:s11] =	ssyncadd.s32 $0xFFFF8000  }
0x2b5: {  	s13 =	sadd.s32 s13, s9  }
0x2b6: {  	s13 =	sshrl.u32 s13, $0x3  }
0x2b7: {  	s13 =	sadd.s32 s2, s13  }
0x2b8: {  	[tilespmem:s3], [sflag:$0x3] =	stream.linear.gather [hbm4b:s13+s3], $0x100, $0x38;
	[tilespmem:$0x18400] =	vst v63  }
0x2b9: {  	_ =	swait.ge [sflag:s11], $0x100  }
0x2ba: {  	[sflag:s11] =	ssyncset.done $0x0  }
0x2bb: {  	[sflag:s11] =	ssyncadd.s32 $0xFFFFFF00  }
0x2bc: {  	v1 =	vld [tilespmem:$0x0]  }
0x2bd: {  	v2 =	vld [tilespmem:$0x10]  }
0x2be: {  	v3 =	vld [tilespmem:$0x20]  }
0x2bf: {  	v4 =	vld [tilespmem:$0x30]  }
0x2c0: {  	v5 =	vld [tilespmem:$0x40]  }
0x2c1: {  	v6 =	vld [tilespmem:$0x50];
	v1 =	vshrl.u32 v1, $0x2  }
0x2c2: {  	[tilespmem:$0x200] =	vst v1;
	v1 =	vshrl.u32 v2, $0x2;
	v2 =	vld [tilespmem:$0x60]  }
0x2c3: {  	[tilespmem:$0x210] =	vst v1;
	v1 =	vshrl.u32 v3, $0x2;
	v3 =	vld [tilespmem:$0x70]  }
0x2c4: {  	v58 =	vld [tilespmem:$0x80];
	[tilespmem:$0x220] =	vst v1;
	v1 =	vshrl.u32 v4, $0x2  }
0x2c5: {  	v59 =	vld [tilespmem:$0x90];
	[tilespmem:$0x230] =	vst v1;
	v1 =	vshrl.u32 v5, $0x2  }
0x2c6: {  	v60 =	vld [tilespmem:$0xA0];
	[tilespmem:$0x240] =	vst v1;
	v1 =	vshrl.u32 v6, $0x2  }
0x2c7: {  	[tilespmem:$0x250] =	vst v1;
	v1 =	vshrl.u32 v2, $0x2;
	v2 =	vld [tilespmem:$0xB0]  }
0x2c8: {  	[tilespmem:$0x260] =	vst v1;
	v1 =	vshrl.u32 v3, $0x2;
	v3 =	vld [tilespmem:$0xC0]  }
0x2c9: {  	v61 =	vld [tilespmem:$0xD0];
	[tilespmem:$0x270] =	vst v1;
	v1 =	vshrl.u32 v58, $0x2  }
0x2ca: {  	v62 =	vld [tilespmem:$0xE0];
	[tilespmem:$0x280] =	vst v1;
	v1 =	vshrl.u32 v59, $0x2  }
0x2cb: {  	v63 =	vld [tilespmem:$0xF0];
	[tilespmem:$0x290] =	vst v1;
	v1 =	vshrl.u32 v60, $0x2  }
0x2cc: {  	[tilespmem:$0x2A0] =	vst v1;
	v1 =	vshrl.u32 v2, $0x2  }
0x2cd: {  	[tilespmem:$0x2B0] =	vst v1;
	v1 =	vshrl.u32 v3, $0x2  }
0x2ce: {  	[tilespmem:$0x2C0] =	vst v1;
	v1 =	vshrl.u32 v61, $0x2  }
0x2cf: {  	[tilespmem:$0x2D0] =	vst v1;
	v1 =	vshrl.u32 v62, $0x2  }
0x2d0: {  	[tilespmem:$0x2E0] =	vst v1;
	v1 =	vshrl.u32 v63, $0x2  }
0x2d1: {  	s15 =	simm.s32 $0x200;
	[tilespmem:$0x2F0] =	vst v1  }
0x2d2: {  	[tilespmem:s14], [sflag:$0x1] =	stream.indirect.gather [hbm4b:s5+s12], $0x80, s15, s12, $0xb8;
	[tilespmem:$0x18400] =	vst v63  }
0x2d3: {  	s16 =	simm.s32 $0x240;
	s15 =	simm.s32 $0x2400  }
0x2d4: {  	[tilespmem:s15], [sflag:$0x1] =	stream.indirect.gather [hbm4b:s5+s12], $0x80, s16, s12, $0xb8;
	[tilespmem:$0x18400] =	vst v63  }
0x2d5: {  	s17 =	simm.s32 $0x280  }
0x2d6: {  	[tilespmem:s18], [sflag:$0x1] =	stream.indirect.gather [hbm4b:s5+s12], $0x80, s17, s12, $0xb8;
	[tilespmem:$0x18400] =	vst v63  }
0x2d7: {  	_ = 	snop  }
0x2d8: {  	[tilespmem:s20], [sflag:$0x1] =	stream.indirect.gather [hbm4b:s5+s12], $0x80, s19, s12, $0xb8;
	[tilespmem:$0x18400] =	vst v63  }
.LBB2_12:
0x2d9: {  	_ =	swait.ge [sflag:s0], $0x2000  }
0x2da: {  	[sflag:s0] =	ssyncset.done $0x0  }
0x2db: {  	s13 =	simm.s32 $0x100;
	[sflag:s0] =	ssyncadd.s32 $0xFFFFE000  }
0x2dc: {  	v1 =	vld [tilespmem:s13+$0x0];
	_ =	sdelay $0x2  }
0x2dd: {  	s15 =	simm.s32 $0x0  }
0x2de: {  	v2 =	vmov s15  }
0x2df: {  	v2 =	vshll.u32 v2, $0x7;
	v1 =	vshll.u32 v1, $0x5  }
0x2e0: {  	v3 =	vand.u32 $0x60, v1;
	v1 =	vor.u32 v0, v2  }
0x2e1: {  	v13 =	vor.u32 v1, v3  }
0x2e2: {  	v2 =	vor.u32 $0x3, v13  }
0x2e3: {  	v3 =	vor.u32 $0x6, v13  }
0x2e4: {  	v4 =	vor.u32 $0x5, v13  }
0x2e5: {  	v5 =	vor.u32 $0x1, v13  }
0x2e6: {  	v6 =	vor.u32 $0x4, v13;
	v30 =	vld.idx.msk [tilespmem:v13+s23+$0x0], $0xffff  }
0x2e7: {  	v7 =	vor.u32 $0x9, v13;
	v31 =	vld.idx.msk [tilespmem:v2+s23+$0x0], $0xffff  }
0x2e8: {  	v10 =	vor.u32 $0x8, v13;
	v12 =	vld.idx.msk [tilespmem:v3+s23+$0x0], $0xffff  }
0x2e9: {  	v17 =	vor.u32 $0x7, v13;
	v14 =	vld.idx.msk [tilespmem:v4+s23+$0x0], $0xffff  }
0x2ea: {  	v18 =	vor.u32 $0x10, v13;
	v32 =	vld.idx.msk [tilespmem:v5+s23+$0x0], $0xffff  }
0x2eb: {  	v19 =	vor.u32 $0x2, v13;
	v36 =	vld.idx.msk [tilespmem:v6+s23+$0x0], $0xffff  }
0x2ec: {  	v22 =	vor.u32 $0xA, v13;
	v15 =	vld.idx.msk [tilespmem:v7+s23+$0x0], $0xffff  }
0x2ed: {  	v2 =	vor.u32 $0x11, v13;
	v20 =	vld.idx.msk [tilespmem:v10+s23+$0x0], $0xffff  }
0x2ee: {  	v3 =	vor.u32 $0x18, v13;
	v25 =	vld.idx.msk [tilespmem:v17+s23+$0x0], $0xffff  }
0x2ef: {  	v4 =	vor.u32 $0x12, v13;
	v17 =	vld.idx.msk [tilespmem:v18+s23+$0x0], $0xffff  }
0x2f0: {  	v6 =	vor.u32 $0x1D, v13;
	v33 =	vld.idx.msk [tilespmem:v19+s23+$0x0], $0xffff  }
0x2f1: {  	v7 =	vor.u32 $0x1E, v13;
	v27 =	vld.idx.msk [tilespmem:v22+s23+$0x0], $0xffff  }
0x2f2: {  	v11 =	vor.u32 $0x1B, v13;
	v8 =	vld.idx.msk [tilespmem:v2+s23+$0x0], $0xffff  }
0x2f3: {  	v16 =	vor.u32 $0x1A, v13;
	v5 =	vld.idx.msk [tilespmem:v3+s23+$0x0], $0xffff  }
0x2f4: {  	v10 =	vor.u32 $0x19, v13;
	v9 =	vld.idx.msk [tilespmem:v4+s23+$0x0], $0xffff  }
0x2f5: {  	v19 =	vor.u32 $0x14, v13;
	v3 =	vld.idx.msk [tilespmem:v6+s23+$0x0], $0xffff  }
0x2f6: {  	v22 =	vor.u32 $0x16, v13;
	v4 =	vld.idx.msk [tilespmem:v7+s23+$0x0], $0xffff  }
0x2f7: {  	v2 =	vor.u32 $0x1F, v13;
	v6 =	vld.idx.msk [tilespmem:v11+s23+$0x0], $0xffff  }
0x2f8: {  	v11 =	vor.u32 $0xB, v13;
	v7 =	vld.idx.msk [tilespmem:v16+s23+$0x0], $0xffff  }
0x2f9: {  	v16 =	vor.u32 $0xC, v13;
	v10 =	vld.idx.msk [tilespmem:v10+s23+$0x0], $0xffff  }
0x2fa: {  	v21 =	vor.u32 $0x1C, v13;
	v19 =	vld.idx.msk [tilespmem:v19+s23+$0x0], $0xffff  }
0x2fb: {  	v18 =	vor.u32 $0x15, v13;
	v22 =	vld.idx.msk [tilespmem:v22+s23+$0x0], $0xffff  }
0x2fc: {  	v26 =	vor.u32 $0x13, v13;
	v2 =	vld.idx.msk [tilespmem:v2+s23+$0x0], $0xffff  }
0x2fd: {  	v28 =	vor.u32 $0xF, v13;
	v24 =	vld.idx.msk [tilespmem:v11+s23+$0x0], $0xffff  }
0x2fe: {  	v29 =	vor.u32 $0x17, v13;
	v23 =	vld.idx.msk [tilespmem:v16+s23+$0x0], $0xffff  }
0x2ff: {  	v34 =	vor.u32 $0xE, v13;
	v11 =	vld.idx.msk [tilespmem:v21+s23+$0x0], $0xffff  }
0x300: {  	v13 =	vor.u32 $0xD, v13;
	v16 =	vld.idx.msk [tilespmem:v18+s23+$0x0], $0xffff  }
0x301: {  	v35 =	vor.u32 $0x1, v1;
	v21 =	vld.idx.msk [tilespmem:v26+s23+$0x0], $0xffff  }
0x302: {  	v37 =	vor.u32 $0x2, v1;
	v26 =	vld.idx.msk [tilespmem:v28+s23+$0x0], $0xffff  }
0x303: {  	v63 =	vor.u32 $0x3, v1;
	v18 =	vld.idx.msk [tilespmem:v29+s23+$0x0], $0xffff  }
0x304: {  	v38 =	vor.u32 $0x4, v1;
	v28 =	vld.idx.msk [tilespmem:v34+s23+$0x0], $0xffff  }
0x305: {  	v29 =	vld.idx.msk [tilespmem:v13+s23+$0x0], $0xffff;
	[tilespmem:v1+s1+$0x0] =	vst.idx.msk $0xffff, v30  }
0x306: {  	[tilespmem:v35+s1+$0x0] =	vst.idx.msk $0xffff, v32;
	v35 =	vor.u32 $0x5, v1  }
0x307: {  	[tilespmem:v37+s1+$0x0] =	vst.idx.msk $0xffff, v33;
	v33 =	vor.u32 $0x6, v1  }
0x308: {  	v13 =	vor.u32 $0xB, v1;
	v30 =	vor.u32 $0x7, v1;
	[tilespmem:v63+s1+$0x0] =	vst.idx.msk $0xffff, v31  }
0x309: {  	s15 =	simm.s32 $0x10;
	v34 =	vor.u32 $0x8, v1;
	v32 =	vor.u32 $0xA, v1;
	v31 =	vor.u32 $0x9, v1;
	[tilespmem:v38+s1+$0x0] =	vst.idx.msk $0xffff, v36  }
.LBB2_13:
0x30a: {  	p0 =	sne.s32 s15, $0x30  }
0x30b: {  	[tilespmem:v35+s1+$0x0] =	vst.idx.msk $0xffff, v14;
	s13 =	sadd.s32 $0x10, s13;
	s16 =	smov.u32 s15;
	s15 =	sadd.s32 $0x10, s15  }
0x30c: {  	[tilespmem:v33+s1+$0x0] =	vst.idx.msk $0xffff, v12;
	v12 =	vor.u32 $0xC, v1  }
0x30d: {  	v14 =	vor.u32 $0xD, v1;
	[tilespmem:v30+s1+$0x0] =	vst.idx.msk $0xffff, v25  }
0x30e: {  	[tilespmem:v34+s1+$0x0] =	vst.idx.msk $0xffff, v20;
	v20 =	vor.u32 $0xE, v1  }
0x30f: {  	[tilespmem:v31+s1+$0x0] =	vst.idx.msk $0xffff, v15;
	v15 =	vor.u32 $0xF, v1  }
0x310: {  	v25 =	vor.u32 $0x10, v1;
	[tilespmem:v32+s1+$0x0] =	vst.idx.msk $0xffff, v27  }
0x311: {  	[tilespmem:v13+s1+$0x0] =	vst.idx.msk $0xffff, v24;
	v13 =	vor.u32 $0x11, v1  }
0x312: {  	[tilespmem:v12+s1+$0x0] =	vst.idx.msk $0xffff, v23;
	v12 =	vor.u32 $0x12, v1  }
0x313: {  	[tilespmem:v14+s1+$0x0] =	vst.idx.msk $0xffff, v29;
	v14 =	vor.u32 $0x13, v1  }
0x314: {  	[tilespmem:v20+s1+$0x0] =	vst.idx.msk $0xffff, v28;
	v20 =	vor.u32 $0x14, v1  }
0x315: {  	[tilespmem:v15+s1+$0x0] =	vst.idx.msk $0xffff, v26;
	v15 =	vor.u32 $0x15, v1  }
0x316: {  	[tilespmem:v25+s1+$0x0] =	vst.idx.msk $0xffff, v17;
	v17 =	vor.u32 $0x16, v1  }
0x317: {  	[tilespmem:v13+s1+$0x0] =	vst.idx.msk $0xffff, v8;
	v8 =	vor.u32 $0x17, v1  }
0x318: {  	[tilespmem:v12+s1+$0x0] =	vst.idx.msk $0xffff, v9;
	v9 =	vor.u32 $0x18, v1  }
0x319: {  	v12 =	vor.u32 $0x19, v1;
	[tilespmem:v14+s1+$0x0] =	vst.idx.msk $0xffff, v21  }
0x31a: {  	v13 =	vor.u32 $0x1A, v1;
	[tilespmem:v20+s1+$0x0] =	vst.idx.msk $0xffff, v19  }
0x31b: {  	v14 =	vor.u32 $0x1B, v1;
	[tilespmem:v15+s1+$0x0] =	vst.idx.msk $0xffff, v16  }
0x31c: {  	v15 =	vor.u32 $0x1C, v1;
	[tilespmem:v17+s1+$0x0] =	vst.idx.msk $0xffff, v22  }
0x31d: {  	[tilespmem:v8+s1+$0x0] =	vst.idx.msk $0xffff, v18;
	v8 =	vor.u32 $0x1D, v1  }
0x31e: {  	[tilespmem:v9+s1+$0x0] =	vst.idx.msk $0xffff, v5;
	v5 =	vor.u32 $0x1E, v1  }
0x31f: {  	v1 =	vor.u32 $0x1F, v1;
	[tilespmem:v12+s1+$0x0] =	vst.idx.msk $0xffff, v10  }
0x320: {  	[tilespmem:v13+s1+$0x0] =	vst.idx.msk $0xffff, v7  }
0x321: {  	[tilespmem:v14+s1+$0x0] =	vst.idx.msk $0xffff, v6  }
0x322: {  	[tilespmem:v15+s1+$0x0] =	vst.idx.msk $0xffff, v11  }
0x323: {  	[tilespmem:v8+s1+$0x0] =	vst.idx.msk $0xffff, v3  }
0x324: {  	[tilespmem:v5+s1+$0x0] =	vst.idx.msk $0xffff, v4  }
0x325: {  	[tilespmem:v1+s1+$0x0] =	vst.idx.msk $0xffff, v2  }
0x326: {  	v1 =	vld [tilespmem:s13+$0x0];
	_ =	sdelay $0x3  }
0x327: {  	v2 =	vmov s16  }
0x328: {  	v2 =	vshll.u32 v2, $0x7;
	v1 =	vshll.u32 v1, $0x5  }
0x329: {  	v3 =	vand.u32 $0x60, v1;
	v1 =	vor.u32 v0, v2  }
0x32a: {  	v2 =	vor.u32 v1, v3;
	v13 =	vor.u32 $0xB, v1  }
0x32b: {  	v3 =	vor.u32 $0x1, v2;
	v11 =	vor.u32 $0x2, v2;
	v4 =	vor.u32 $0x3, v2  }
0x32c: {  	v5 =	vor.u32 $0x4, v2;
	v6 =	vor.u32 $0x5, v2;
	v7 =	vor.u32 $0x6, v2  }
0x32d: {  	v10 =	vor.u32 $0x7, v2;
	v16 =	vor.u32 $0x8, v2;
	v9 =	vor.u32 $0x9, v2  }
0x32e: {  	v18 =	vor.u32 $0xA, v2;
	v19 =	vor.u32 $0xB, v2;
	v21 =	vor.u32 $0xC, v2  }
0x32f: {  	v29 =	vor.u32 $0xD, v2;
	v22 =	vor.u32 $0xE, v2;
	v26 =	vor.u32 $0xF, v2;
	v30 =	vld.idx.msk [tilespmem:v2+s23+$0x0], $0xffff  }
0x330: {  	v17 =	vor.u32 $0x10, v2;
	v20 =	vor.u32 $0x12, v2;
	v31 =	vld.idx.msk [tilespmem:v4+s23+$0x0], $0xffff;
	v4 =	vor.u32 $0x11, v2  }
0x331: {  	v28 =	vor.u32 $0x13, v2;
	v32 =	vor.u32 $0x14, v2;
	v27 =	vor.u32 $0x15, v2;
	v12 =	vld.idx.msk [tilespmem:v7+s23+$0x0], $0xffff  }
0x332: {  	v33 =	vor.u32 $0x16, v2;
	v34 =	vor.u32 $0x17, v2;
	v14 =	vld.idx.msk [tilespmem:v6+s23+$0x0], $0xffff;
	v6 =	vor.u32 $0x18, v2  }
0x333: {  	v23 =	vor.u32 $0x19, v2;
	v24 =	vor.u32 $0x1B, v2;
	v7 =	vor.u32 $0x1A, v2;
	v36 =	vld.idx.msk [tilespmem:v3+s23+$0x0], $0xffff  }
0x334: {  	v35 =	vor.u32 $0x1C, v2;
	v25 =	vor.u32 $0x1E, v2;
	v3 =	vor.u32 $0x1D, v2;
	v37 =	vld.idx.msk [tilespmem:v5+s23+$0x0], $0xffff  }
0x335: {  	v2 =	vor.u32 $0x1F, v2;
	v8 =	vld.idx.msk [tilespmem:v4+s23+$0x0], $0xffff  }
0x336: {  	v15 =	vld.idx.msk [tilespmem:v9+s23+$0x0], $0xffff  }
0x337: {  	v5 =	vld.idx.msk [tilespmem:v6+s23+$0x0], $0xffff  }
0x338: {  	v9 =	vld.idx.msk [tilespmem:v20+s23+$0x0], $0xffff  }
0x339: {  	v3 =	vld.idx.msk [tilespmem:v3+s23+$0x0], $0xffff  }
0x33a: {  	v2 =	vld.idx.msk [tilespmem:v2+s23+$0x0], $0xffff  }
0x33b: {  	v20 =	vld.idx.msk [tilespmem:v16+s23+$0x0], $0xffff  }
0x33c: {  	v4 =	vld.idx.msk [tilespmem:v25+s23+$0x0], $0xffff  }
0x33d: {  	v6 =	vld.idx.msk [tilespmem:v24+s23+$0x0], $0xffff  }
0x33e: {  	v7 =	vld.idx.msk [tilespmem:v7+s23+$0x0], $0xffff  }
0x33f: {  	v25 =	vld.idx.msk [tilespmem:v10+s23+$0x0], $0xffff  }
0x340: {  	v17 =	vld.idx.msk [tilespmem:v17+s23+$0x0], $0xffff  }
0x341: {  	v10 =	vld.idx.msk [tilespmem:v23+s23+$0x0], $0xffff  }
0x342: {  	v38 =	vld.idx.msk [tilespmem:v11+s23+$0x0], $0xffff  }
0x343: {  	v24 =	vld.idx.msk [tilespmem:v19+s23+$0x0], $0xffff  }
0x344: {  	v23 =	vld.idx.msk [tilespmem:v21+s23+$0x0], $0xffff  }
0x345: {  	v11 =	vld.idx.msk [tilespmem:v35+s23+$0x0], $0xffff  }
0x346: {  	v16 =	vld.idx.msk [tilespmem:v27+s23+$0x0], $0xffff  }
0x347: {  	v27 =	vld.idx.msk [tilespmem:v18+s23+$0x0], $0xffff  }
0x348: {  	v19 =	vld.idx.msk [tilespmem:v32+s23+$0x0], $0xffff  }
0x349: {  	v21 =	vld.idx.msk [tilespmem:v28+s23+$0x0], $0xffff  }
0x34a: {  	v32 =	vor.u32 $0x1, v1;
	v26 =	vld.idx.msk [tilespmem:v26+s23+$0x0], $0xffff  }
0x34b: {  	v18 =	vld.idx.msk [tilespmem:v34+s23+$0x0], $0xffff;
	v34 =	vor.u32 $0x2, v1  }
0x34c: {  	v39 =	vor.u32 $0x3, v1;
	v28 =	vld.idx.msk [tilespmem:v22+s23+$0x0], $0xffff  }
0x34d: {  	v40 =	vor.u32 $0x4, v1;
	v22 =	vld.idx.msk [tilespmem:v33+s23+$0x0], $0xffff  }
0x34e: {  	v35 =	vor.u32 $0x5, v1;
	v29 =	vld.idx.msk [tilespmem:v29+s23+$0x0], $0xffff  }
.Ltmp5:
0x34f: {  	v33 =	vor.u32 $0x6, v1;
	[tilespmem:v1+s1+$0x0] =	vst.idx.msk $0xffff, v30;
	(pc) =	sbr.rel @p0 .LBB2_13-.Ltmp5, $4  }
0x350: {  	v30 =	vor.u32 $0x7, v1;
	[tilespmem:v32+s1+$0x0] =	vst.idx.msk $0xffff, v36  }
0x351: {  	[tilespmem:v34+s1+$0x0] =	vst.idx.msk $0xffff, v38;
	v34 =	vor.u32 $0x8, v1  }
0x352: {  	[tilespmem:v39+s1+$0x0] =	vst.idx.msk $0xffff, v31;
	v31 =	vor.u32 $0x9, v1  }
0x353: {  	v32 =	vor.u32 $0xA, v1;
	[tilespmem:v40+s1+$0x0] =	vst.idx.msk $0xffff, v37  }
0x354: {  	_ =	sdelay $0x3  }
0x355: {  	[tilespmem:v35+s1+$0x0] =	vst.idx.msk $0xffff, v14  }
0x356: {  	[tilespmem:v33+s1+$0x0] =	vst.idx.msk $0xffff, v12  }
0x357: {  	v12 =	vor.u32 $0xC, v1;
	[tilespmem:v30+s1+$0x0] =	vst.idx.msk $0xffff, v25  }
0x358: {  	v14 =	vor.u32 $0xD, v1;
	[tilespmem:v34+s1+$0x0] =	vst.idx.msk $0xffff, v20  }
0x359: {  	v20 =	vor.u32 $0xE, v1;
	[tilespmem:v31+s1+$0x0] =	vst.idx.msk $0xffff, v15  }
0x35a: {  	v15 =	vor.u32 $0xF, v1;
	[tilespmem:v32+s1+$0x0] =	vst.idx.msk $0xffff, v27  }
0x35b: {  	v25 =	vor.u32 $0x10, v1;
	[tilespmem:v13+s1+$0x0] =	vst.idx.msk $0xffff, v24  }
0x35c: {  	v13 =	vor.u32 $0x11, v1;
	[tilespmem:v12+s1+$0x0] =	vst.idx.msk $0xffff, v23  }
0x35d: {  	v12 =	vor.u32 $0x12, v1;
	[tilespmem:v14+s1+$0x0] =	vst.idx.msk $0xffff, v29  }
0x35e: {  	v14 =	vor.u32 $0x13, v1;
	[tilespmem:v20+s1+$0x0] =	vst.idx.msk $0xffff, v28  }
0x35f: {  	v20 =	vor.u32 $0x14, v1;
	[tilespmem:v15+s1+$0x0] =	vst.idx.msk $0xffff, v26  }
0x360: {  	v15 =	vor.u32 $0x15, v1;
	[tilespmem:v25+s1+$0x0] =	vst.idx.msk $0xffff, v17  }
0x361: {  	v17 =	vor.u32 $0x16, v1;
	[tilespmem:v13+s1+$0x0] =	vst.idx.msk $0xffff, v8  }
0x362: {  	v8 =	vor.u32 $0x17, v1;
	[tilespmem:v12+s1+$0x0] =	vst.idx.msk $0xffff, v9  }
0x363: {  	v9 =	vor.u32 $0x18, v1;
	[tilespmem:v14+s1+$0x0] =	vst.idx.msk $0xffff, v21  }
0x364: {  	v12 =	vor.u32 $0x19, v1;
	[tilespmem:v20+s1+$0x0] =	vst.idx.msk $0xffff, v19  }
0x365: {  	v13 =	vor.u32 $0x1A, v1;
	[tilespmem:v15+s1+$0x0] =	vst.idx.msk $0xffff, v16  }
0x366: {  	v14 =	vor.u32 $0x1B, v1;
	[tilespmem:v17+s1+$0x0] =	vst.idx.msk $0xffff, v22  }
0x367: {  	v15 =	vor.u32 $0x1C, v1;
	[tilespmem:v8+s1+$0x0] =	vst.idx.msk $0xffff, v18  }
0x368: {  	v8 =	vor.u32 $0x1D, v1;
	[tilespmem:v9+s1+$0x0] =	vst.idx.msk $0xffff, v5  }
0x369: {  	v5 =	vor.u32 $0x1E, v1;
	[tilespmem:v12+s1+$0x0] =	vst.idx.msk $0xffff, v10  }
0x36a: {  	v1 =	vor.u32 $0x1F, v1;
	[tilespmem:v13+s1+$0x0] =	vst.idx.msk $0xffff, v7  }
0x36b: {  	[tilespmem:v14+s1+$0x0] =	vst.idx.msk $0xffff, v6  }
0x36c: {  	[tilespmem:v15+s1+$0x0] =	vst.idx.msk $0xffff, v11  }
0x36d: {  	[tilespmem:v8+s1+$0x0] =	vst.idx.msk $0xffff, v3  }
0x36e: {  	[tilespmem:v5+s1+$0x0] =	vst.idx.msk $0xffff, v4  }
0x36f: {  	[tilespmem:v1+s1+$0x0] =	vst.idx.msk $0xffff, v2  }
0x370: {  	_ =	swait.ge [sflag:s0], $0x2000  }
0x371: {  	[sflag:s0] =	ssyncset.done $0x0  }
0x372: {  	s13 =	simm.s32 $0x140;
	[sflag:s0] =	ssyncadd.s32 $0xFFFFE000  }
0x373: {  	v1 =	vld [tilespmem:s13+$0x0];
	_ =	sdelay $0x2  }
0x374: {  	s15 =	simm.s32 $0x40  }
0x375: {  	v2 =	vmov s15  }
0x376: {  	v2 =	vshll.u32 v2, $0x7;
	v1 =	vshll.u32 v1, $0x5  }
0x377: {  	v3 =	vand.u32 $0x60, v1;
	v1 =	vor.u32 v0, v2  }
0x378: {  	v13 =	vor.u32 v1, v3  }
0x379: {  	v2 =	vor.u32 $0x3, v13  }
0x37a: {  	v3 =	vor.u32 $0x6, v13  }
0x37b: {  	v4 =	vor.u32 $0x5, v13  }
0x37c: {  	v5 =	vor.u32 $0x1, v13  }
0x37d: {  	v6 =	vor.u32 $0x4, v13;
	v30 =	vld.idx.msk [tilespmem:v13+s23+$0x0], $0xffff  }
0x37e: {  	v7 =	vor.u32 $0x9, v13;
	v31 =	vld.idx.msk [tilespmem:v2+s23+$0x0], $0xffff  }
0x37f: {  	v10 =	vor.u32 $0x8, v13;
	v12 =	vld.idx.msk [tilespmem:v3+s23+$0x0], $0xffff  }
0x380: {  	v17 =	vor.u32 $0x7, v13;
	v14 =	vld.idx.msk [tilespmem:v4+s23+$0x0], $0xffff  }
0x381: {  	v18 =	vor.u32 $0x10, v13;
	v59 =	vld.idx.msk [tilespmem:v5+s23+$0x0], $0xffff  }
0x382: {  	v19 =	vor.u32 $0x2, v13;
	v36 =	vld.idx.msk [tilespmem:v6+s23+$0x0], $0xffff  }
0x383: {  	v22 =	vor.u32 $0xA, v13;
	v15 =	vld.idx.msk [tilespmem:v7+s23+$0x0], $0xffff  }
0x384: {  	v2 =	vor.u32 $0x11, v13;
	v20 =	vld.idx.msk [tilespmem:v10+s23+$0x0], $0xffff  }
0x385: {  	v3 =	vor.u32 $0x18, v13;
	v25 =	vld.idx.msk [tilespmem:v17+s23+$0x0], $0xffff  }
0x386: {  	v4 =	vor.u32 $0x12, v13;
	v17 =	vld.idx.msk [tilespmem:v18+s23+$0x0], $0xffff  }
0x387: {  	v6 =	vor.u32 $0x1D, v13;
	v60 =	vld.idx.msk [tilespmem:v19+s23+$0x0], $0xffff  }
0x388: {  	v7 =	vor.u32 $0x1E, v13;
	v27 =	vld.idx.msk [tilespmem:v22+s23+$0x0], $0xffff  }
0x389: {  	v11 =	vor.u32 $0x1B, v13;
	v8 =	vld.idx.msk [tilespmem:v2+s23+$0x0], $0xffff  }
0x38a: {  	v16 =	vor.u32 $0x1A, v13;
	v5 =	vld.idx.msk [tilespmem:v3+s23+$0x0], $0xffff  }
0x38b: {  	v10 =	vor.u32 $0x19, v13;
	v9 =	vld.idx.msk [tilespmem:v4+s23+$0x0], $0xffff  }
0x38c: {  	v19 =	vor.u32 $0x14, v13;
	v3 =	vld.idx.msk [tilespmem:v6+s23+$0x0], $0xffff  }
0x38d: {  	v22 =	vor.u32 $0x16, v13;
	v4 =	vld.idx.msk [tilespmem:v7+s23+$0x0], $0xffff  }
0x38e: {  	v2 =	vor.u32 $0x1F, v13;
	v6 =	vld.idx.msk [tilespmem:v11+s23+$0x0], $0xffff  }
0x38f: {  	v11 =	vor.u32 $0xB, v13;
	v7 =	vld.idx.msk [tilespmem:v16+s23+$0x0], $0xffff  }
0x390: {  	v16 =	vor.u32 $0xC, v13;
	v10 =	vld.idx.msk [tilespmem:v10+s23+$0x0], $0xffff  }
0x391: {  	v21 =	vor.u32 $0x1C, v13;
	v19 =	vld.idx.msk [tilespmem:v19+s23+$0x0], $0xffff  }
0x392: {  	v18 =	vor.u32 $0x15, v13;
	v22 =	vld.idx.msk [tilespmem:v22+s23+$0x0], $0xffff  }
0x393: {  	v26 =	vor.u32 $0x13, v13;
	v2 =	vld.idx.msk [tilespmem:v2+s23+$0x0], $0xffff  }
0x394: {  	v28 =	vor.u32 $0xF, v13;
	v24 =	vld.idx.msk [tilespmem:v11+s23+$0x0], $0xffff  }
0x395: {  	v29 =	vor.u32 $0x17, v13;
	v23 =	vld.idx.msk [tilespmem:v16+s23+$0x0], $0xffff  }
0x396: {  	v61 =	vor.u32 $0xE, v13;
	v11 =	vld.idx.msk [tilespmem:v21+s23+$0x0], $0xffff  }
0x397: {  	v13 =	vor.u32 $0xD, v13;
	v16 =	vld.idx.msk [tilespmem:v18+s23+$0x0], $0xffff  }
0x398: {  	v62 =	vor.u32 $0x1, v1;
	v21 =	vld.idx.msk [tilespmem:v26+s23+$0x0], $0xffff  }
0x399: {  	v37 =	vor.u32 $0x2, v1;
	v26 =	vld.idx.msk [tilespmem:v28+s23+$0x0], $0xffff  }
0x39a: {  	v63 =	vor.u32 $0x3, v1;
	v18 =	vld.idx.msk [tilespmem:v29+s23+$0x0], $0xffff  }
0x39b: {  	v38 =	vor.u32 $0x4, v1;
	v28 =	vld.idx.msk [tilespmem:v61+s23+$0x0], $0xffff  }
0x39c: {  	v29 =	vld.idx.msk [tilespmem:v13+s23+$0x0], $0xffff;
	[tilespmem:v1+s1+$0x0] =	vst.idx.msk $0xffff, v30  }
0x39d: {  	v35 =	vor.u32 $0x5, v1;
	[tilespmem:v62+s1+$0x0] =	vst.idx.msk $0xffff, v59  }
0x39e: {  	v33 =	vor.u32 $0x6, v1;
	[tilespmem:v37+s1+$0x0] =	vst.idx.msk $0xffff, v60  }
0x39f: {  	v34 =	vor.u32 $0x8, v1;
	v30 =	vor.u32 $0x7, v1;
	[tilespmem:v63+s1+$0x0] =	vst.idx.msk $0xffff, v31  }
0x3a0: {  	s15 =	simm.s32 $0x50;
	v32 =	vor.u32 $0xA, v1;
	v13 =	vor.u32 $0xB, v1;
	v31 =	vor.u32 $0x9, v1;
	[tilespmem:v38+s1+$0x0] =	vst.idx.msk $0xffff, v36  }
.LBB2_15:
0x3a1: {  	p0 =	sne.s32 s15, $0x70  }
0x3a2: {  	[tilespmem:v35+s1+$0x0] =	vst.idx.msk $0xffff, v14;
	s13 =	sadd.s32 $0x10, s13;
	s16 =	smov.u32 s15;
	s15 =	sadd.s32 $0x10, s15  }
0x3a3: {  	[tilespmem:v33+s1+$0x0] =	vst.idx.msk $0xffff, v12;
	v12 =	vor.u32 $0xC, v1  }
0x3a4: {  	v14 =	vor.u32 $0xD, v1;
	[tilespmem:v30+s1+$0x0] =	vst.idx.msk $0xffff, v25  }
0x3a5: {  	[tilespmem:v34+s1+$0x0] =	vst.idx.msk $0xffff, v20;
	v20 =	vor.u32 $0xE, v1  }
0x3a6: {  	[tilespmem:v31+s1+$0x0] =	vst.idx.msk $0xffff, v15;
	v15 =	vor.u32 $0xF, v1  }
0x3a7: {  	v25 =	vor.u32 $0x10, v1;
	[tilespmem:v32+s1+$0x0] =	vst.idx.msk $0xffff, v27  }
0x3a8: {  	[tilespmem:v13+s1+$0x0] =	vst.idx.msk $0xffff, v24;
	v13 =	vor.u32 $0x11, v1  }
0x3a9: {  	[tilespmem:v12+s1+$0x0] =	vst.idx.msk $0xffff, v23;
	v12 =	vor.u32 $0x12, v1  }
0x3aa: {  	[tilespmem:v14+s1+$0x0] =	vst.idx.msk $0xffff, v29;
	v14 =	vor.u32 $0x13, v1  }
0x3ab: {  	[tilespmem:v20+s1+$0x0] =	vst.idx.msk $0xffff, v28;
	v20 =	vor.u32 $0x14, v1  }
0x3ac: {  	[tilespmem:v15+s1+$0x0] =	vst.idx.msk $0xffff, v26;
	v15 =	vor.u32 $0x15, v1  }
0x3ad: {  	[tilespmem:v25+s1+$0x0] =	vst.idx.msk $0xffff, v17;
	v17 =	vor.u32 $0x16, v1  }
0x3ae: {  	[tilespmem:v13+s1+$0x0] =	vst.idx.msk $0xffff, v8;
	v8 =	vor.u32 $0x17, v1  }
0x3af: {  	[tilespmem:v12+s1+$0x0] =	vst.idx.msk $0xffff, v9;
	v9 =	vor.u32 $0x18, v1  }
0x3b0: {  	v12 =	vor.u32 $0x19, v1;
	[tilespmem:v14+s1+$0x0] =	vst.idx.msk $0xffff, v21  }
0x3b1: {  	v13 =	vor.u32 $0x1A, v1;
	[tilespmem:v20+s1+$0x0] =	vst.idx.msk $0xffff, v19  }
0x3b2: {  	v14 =	vor.u32 $0x1B, v1;
	[tilespmem:v15+s1+$0x0] =	vst.idx.msk $0xffff, v16  }
0x3b3: {  	v15 =	vor.u32 $0x1C, v1;
	[tilespmem:v17+s1+$0x0] =	vst.idx.msk $0xffff, v22  }
0x3b4: {  	[tilespmem:v8+s1+$0x0] =	vst.idx.msk $0xffff, v18;
	v8 =	vor.u32 $0x1D, v1  }
0x3b5: {  	[tilespmem:v9+s1+$0x0] =	vst.idx.msk $0xffff, v5;
	v5 =	vor.u32 $0x1E, v1  }
0x3b6: {  	v1 =	vor.u32 $0x1F, v1;
	[tilespmem:v12+s1+$0x0] =	vst.idx.msk $0xffff, v10  }
0x3b7: {  	[tilespmem:v13+s1+$0x0] =	vst.idx.msk $0xffff, v7  }
0x3b8: {  	[tilespmem:v14+s1+$0x0] =	vst.idx.msk $0xffff, v6  }
0x3b9: {  	[tilespmem:v15+s1+$0x0] =	vst.idx.msk $0xffff, v11  }
0x3ba: {  	[tilespmem:v8+s1+$0x0] =	vst.idx.msk $0xffff, v3  }
0x3bb: {  	[tilespmem:v5+s1+$0x0] =	vst.idx.msk $0xffff, v4  }
0x3bc: {  	[tilespmem:v1+s1+$0x0] =	vst.idx.msk $0xffff, v2  }
0x3bd: {  	v1 =	vld [tilespmem:s13+$0x0];
	_ =	sdelay $0x3  }
0x3be: {  	v2 =	vmov s16  }
0x3bf: {  	v2 =	vshll.u32 v2, $0x7;
	v1 =	vshll.u32 v1, $0x5  }
0x3c0: {  	v3 =	vand.u32 $0x60, v1;
	v1 =	vor.u32 v0, v2  }
0x3c1: {  	v2 =	vor.u32 v1, v3;
	v13 =	vor.u32 $0xB, v1  }
0x3c2: {  	v3 =	vor.u32 $0x1, v2;
	v11 =	vor.u32 $0x2, v2;
	v4 =	vor.u32 $0x3, v2  }
0x3c3: {  	v5 =	vor.u32 $0x4, v2;
	v6 =	vor.u32 $0x5, v2;
	v7 =	vor.u32 $0x6, v2  }
0x3c4: {  	v10 =	vor.u32 $0x7, v2;
	v16 =	vor.u32 $0x8, v2;
	v9 =	vor.u32 $0x9, v2  }
0x3c5: {  	v18 =	vor.u32 $0xA, v2;
	v19 =	vor.u32 $0xB, v2;
	v21 =	vor.u32 $0xC, v2  }
0x3c6: {  	v29 =	vor.u32 $0xD, v2;
	v22 =	vor.u32 $0xE, v2;
	v26 =	vor.u32 $0xF, v2;
	v30 =	vld.idx.msk [tilespmem:v2+s23+$0x0], $0xffff  }
0x3c7: {  	v17 =	vor.u32 $0x10, v2;
	v20 =	vor.u32 $0x12, v2;
	v31 =	vld.idx.msk [tilespmem:v4+s23+$0x0], $0xffff;
	v4 =	vor.u32 $0x11, v2  }
0x3c8: {  	v28 =	vor.u32 $0x13, v2;
	v32 =	vor.u32 $0x14, v2;
	v27 =	vor.u32 $0x15, v2;
	v12 =	vld.idx.msk [tilespmem:v7+s23+$0x0], $0xffff  }
0x3c9: {  	v33 =	vor.u32 $0x16, v2;
	v34 =	vor.u32 $0x17, v2;
	v14 =	vld.idx.msk [tilespmem:v6+s23+$0x0], $0xffff;
	v6 =	vor.u32 $0x18, v2  }
0x3ca: {  	v23 =	vor.u32 $0x19, v2;
	v24 =	vor.u32 $0x1B, v2;
	v7 =	vor.u32 $0x1A, v2;
	v36 =	vld.idx.msk [tilespmem:v3+s23+$0x0], $0xffff  }
0x3cb: {  	v35 =	vor.u32 $0x1C, v2;
	v25 =	vor.u32 $0x1E, v2;
	v3 =	vor.u32 $0x1D, v2;
	v37 =	vld.idx.msk [tilespmem:v5+s23+$0x0], $0xffff  }
0x3cc: {  	v2 =	vor.u32 $0x1F, v2;
	v8 =	vld.idx.msk [tilespmem:v4+s23+$0x0], $0xffff  }
0x3cd: {  	v15 =	vld.idx.msk [tilespmem:v9+s23+$0x0], $0xffff  }
0x3ce: {  	v5 =	vld.idx.msk [tilespmem:v6+s23+$0x0], $0xffff  }
0x3cf: {  	v9 =	vld.idx.msk [tilespmem:v20+s23+$0x0], $0xffff  }
0x3d0: {  	v3 =	vld.idx.msk [tilespmem:v3+s23+$0x0], $0xffff  }
0x3d1: {  	v2 =	vld.idx.msk [tilespmem:v2+s23+$0x0], $0xffff  }
0x3d2: {  	v20 =	vld.idx.msk [tilespmem:v16+s23+$0x0], $0xffff  }
0x3d3: {  	v4 =	vld.idx.msk [tilespmem:v25+s23+$0x0], $0xffff  }
0x3d4: {  	v6 =	vld.idx.msk [tilespmem:v24+s23+$0x0], $0xffff  }
0x3d5: {  	v7 =	vld.idx.msk [tilespmem:v7+s23+$0x0], $0xffff  }
0x3d6: {  	v25 =	vld.idx.msk [tilespmem:v10+s23+$0x0], $0xffff  }
0x3d7: {  	v17 =	vld.idx.msk [tilespmem:v17+s23+$0x0], $0xffff  }
0x3d8: {  	v10 =	vld.idx.msk [tilespmem:v23+s23+$0x0], $0xffff  }
0x3d9: {  	v38 =	vld.idx.msk [tilespmem:v11+s23+$0x0], $0xffff  }
0x3da: {  	v24 =	vld.idx.msk [tilespmem:v19+s23+$0x0], $0xffff  }
0x3db: {  	v23 =	vld.idx.msk [tilespmem:v21+s23+$0x0], $0xffff  }
0x3dc: {  	v11 =	vld.idx.msk [tilespmem:v35+s23+$0x0], $0xffff  }
0x3dd: {  	v16 =	vld.idx.msk [tilespmem:v27+s23+$0x0], $0xffff  }
0x3de: {  	v27 =	vld.idx.msk [tilespmem:v18+s23+$0x0], $0xffff  }
0x3df: {  	v19 =	vld.idx.msk [tilespmem:v32+s23+$0x0], $0xffff  }
0x3e0: {  	v21 =	vld.idx.msk [tilespmem:v28+s23+$0x0], $0xffff  }
0x3e1: {  	v32 =	vor.u32 $0x1, v1;
	v26 =	vld.idx.msk [tilespmem:v26+s23+$0x0], $0xffff  }
0x3e2: {  	v18 =	vld.idx.msk [tilespmem:v34+s23+$0x0], $0xffff;
	v34 =	vor.u32 $0x2, v1  }
0x3e3: {  	v39 =	vor.u32 $0x3, v1;
	v28 =	vld.idx.msk [tilespmem:v22+s23+$0x0], $0xffff  }
0x3e4: {  	v40 =	vor.u32 $0x4, v1;
	v22 =	vld.idx.msk [tilespmem:v33+s23+$0x0], $0xffff  }
0x3e5: {  	v35 =	vor.u32 $0x5, v1;
	v29 =	vld.idx.msk [tilespmem:v29+s23+$0x0], $0xffff  }
.Ltmp6:
0x3e6: {  	v33 =	vor.u32 $0x6, v1;
	[tilespmem:v1+s1+$0x0] =	vst.idx.msk $0xffff, v30;
	(pc) =	sbr.rel @p0 .LBB2_15-.Ltmp6, $4  }
0x3e7: {  	v30 =	vor.u32 $0x7, v1;
	[tilespmem:v32+s1+$0x0] =	vst.idx.msk $0xffff, v36  }
0x3e8: {  	[tilespmem:v34+s1+$0x0] =	vst.idx.msk $0xffff, v38;
	v34 =	vor.u32 $0x8, v1  }
0x3e9: {  	[tilespmem:v39+s1+$0x0] =	vst.idx.msk $0xffff, v31;
	v31 =	vor.u32 $0x9, v1  }
0x3ea: {  	v32 =	vor.u32 $0xA, v1;
	[tilespmem:v40+s1+$0x0] =	vst.idx.msk $0xffff, v37  }
0x3eb: {  	_ =	sdelay $0x3  }
0x3ec: {  	[tilespmem:v35+s1+$0x0] =	vst.idx.msk $0xffff, v14  }
0x3ed: {  	[tilespmem:v33+s1+$0x0] =	vst.idx.msk $0xffff, v12  }
0x3ee: {  	v12 =	vor.u32 $0xC, v1;
	[tilespmem:v30+s1+$0x0] =	vst.idx.msk $0xffff, v25  }
0x3ef: {  	v14 =	vor.u32 $0xD, v1;
	[tilespmem:v34+s1+$0x0] =	vst.idx.msk $0xffff, v20  }
0x3f0: {  	v20 =	vor.u32 $0xE, v1;
	[tilespmem:v31+s1+$0x0] =	vst.idx.msk $0xffff, v15  }
0x3f1: {  	v15 =	vor.u32 $0xF, v1;
	[tilespmem:v32+s1+$0x0] =	vst.idx.msk $0xffff, v27  }
0x3f2: {  	v25 =	vor.u32 $0x10, v1;
	[tilespmem:v13+s1+$0x0] =	vst.idx.msk $0xffff, v24  }
0x3f3: {  	v13 =	vor.u32 $0x11, v1;
	[tilespmem:v12+s1+$0x0] =	vst.idx.msk $0xffff, v23  }
0x3f4: {  	v12 =	vor.u32 $0x12, v1;
	[tilespmem:v14+s1+$0x0] =	vst.idx.msk $0xffff, v29  }
0x3f5: {  	v14 =	vor.u32 $0x13, v1;
	[tilespmem:v20+s1+$0x0] =	vst.idx.msk $0xffff, v28  }
0x3f6: {  	v20 =	vor.u32 $0x14, v1;
	[tilespmem:v15+s1+$0x0] =	vst.idx.msk $0xffff, v26  }
0x3f7: {  	v15 =	vor.u32 $0x15, v1;
	[tilespmem:v25+s1+$0x0] =	vst.idx.msk $0xffff, v17  }
0x3f8: {  	v17 =	vor.u32 $0x16, v1;
	[tilespmem:v13+s1+$0x0] =	vst.idx.msk $0xffff, v8  }
0x3f9: {  	v8 =	vor.u32 $0x17, v1;
	[tilespmem:v12+s1+$0x0] =	vst.idx.msk $0xffff, v9  }
0x3fa: {  	v9 =	vor.u32 $0x18, v1;
	[tilespmem:v14+s1+$0x0] =	vst.idx.msk $0xffff, v21  }
0x3fb: {  	v12 =	vor.u32 $0x19, v1;
	[tilespmem:v20+s1+$0x0] =	vst.idx.msk $0xffff, v19  }
0x3fc: {  	v13 =	vor.u32 $0x1A, v1;
	[tilespmem:v15+s1+$0x0] =	vst.idx.msk $0xffff, v16  }
0x3fd: {  	v14 =	vor.u32 $0x1B, v1;
	[tilespmem:v17+s1+$0x0] =	vst.idx.msk $0xffff, v22  }
0x3fe: {  	v15 =	vor.u32 $0x1C, v1;
	[tilespmem:v8+s1+$0x0] =	vst.idx.msk $0xffff, v18  }
0x3ff: {  	v8 =	vor.u32 $0x1D, v1;
	[tilespmem:v9+s1+$0x0] =	vst.idx.msk $0xffff, v5  }
0x400: {  	v5 =	vor.u32 $0x1E, v1;
	[tilespmem:v12+s1+$0x0] =	vst.idx.msk $0xffff, v10  }
0x401: {  	v1 =	vor.u32 $0x1F, v1;
	[tilespmem:v13+s1+$0x0] =	vst.idx.msk $0xffff, v7  }
0x402: {  	[tilespmem:v14+s1+$0x0] =	vst.idx.msk $0xffff, v6  }
0x403: {  	[tilespmem:v15+s1+$0x0] =	vst.idx.msk $0xffff, v11  }
0x404: {  	[tilespmem:v8+s1+$0x0] =	vst.idx.msk $0xffff, v3  }
0x405: {  	[tilespmem:v5+s1+$0x0] =	vst.idx.msk $0xffff, v4  }
0x406: {  	[tilespmem:v1+s1+$0x0] =	vst.idx.msk $0xffff, v2  }
0x407: {  	_ =	swait.ge [sflag:s0], $0x2000  }
0x408: {  	[sflag:s0] =	ssyncset.done $0x0  }
0x409: {  	s13 =	simm.s32 $0x180;
	[sflag:s0] =	ssyncadd.s32 $0xFFFFE000  }
0x40a: {  	v1 =	vld [tilespmem:s13+$0x0];
	_ =	sdelay $0x2  }
0x40b: {  	s15 =	simm.s32 $0x80  }
0x40c: {  	v2 =	vmov s15  }
0x40d: {  	v2 =	vshll.u32 v2, $0x7;
	v1 =	vshll.u32 v1, $0x5  }
0x40e: {  	v3 =	vand.u32 $0x60, v1;
	v1 =	vor.u32 v0, v2  }
0x40f: {  	v13 =	vor.u32 v1, v3  }
0x410: {  	v2 =	vor.u32 $0x3, v13  }
0x411: {  	v3 =	vor.u32 $0x6, v13  }
0x412: {  	v4 =	vor.u32 $0x5, v13  }
0x413: {  	v5 =	vor.u32 $0x1, v13  }
0x414: {  	v6 =	vor.u32 $0x4, v13;
	v30 =	vld.idx.msk [tilespmem:v13+s23+$0x0], $0xffff  }
0x415: {  	v7 =	vor.u32 $0x9, v13;
	v31 =	vld.idx.msk [tilespmem:v2+s23+$0x0], $0xffff  }
0x416: {  	v10 =	vor.u32 $0x8, v13;
	v12 =	vld.idx.msk [tilespmem:v3+s23+$0x0], $0xffff  }
0x417: {  	v17 =	vor.u32 $0x7, v13;
	v14 =	vld.idx.msk [tilespmem:v4+s23+$0x0], $0xffff  }
0x418: {  	v18 =	vor.u32 $0x10, v13;
	v59 =	vld.idx.msk [tilespmem:v5+s23+$0x0], $0xffff  }
0x419: {  	v19 =	vor.u32 $0x2, v13;
	v36 =	vld.idx.msk [tilespmem:v6+s23+$0x0], $0xffff  }
0x41a: {  	v22 =	vor.u32 $0xA, v13;
	v15 =	vld.idx.msk [tilespmem:v7+s23+$0x0], $0xffff  }
0x41b: {  	v2 =	vor.u32 $0x11, v13;
	v20 =	vld.idx.msk [tilespmem:v10+s23+$0x0], $0xffff  }
0x41c: {  	v3 =	vor.u32 $0x18, v13;
	v25 =	vld.idx.msk [tilespmem:v17+s23+$0x0], $0xffff  }
0x41d: {  	v4 =	vor.u32 $0x12, v13;
	v17 =	vld.idx.msk [tilespmem:v18+s23+$0x0], $0xffff  }
0x41e: {  	v6 =	vor.u32 $0x1D, v13;
	v60 =	vld.idx.msk [tilespmem:v19+s23+$0x0], $0xffff  }
0x41f: {  	v7 =	vor.u32 $0x1E, v13;
	v27 =	vld.idx.msk [tilespmem:v22+s23+$0x0], $0xffff  }
0x420: {  	v11 =	vor.u32 $0x1B, v13;
	v8 =	vld.idx.msk [tilespmem:v2+s23+$0x0], $0xffff  }
0x421: {  	v16 =	vor.u32 $0x1A, v13;
	v5 =	vld.idx.msk [tilespmem:v3+s23+$0x0], $0xffff  }
0x422: {  	v10 =	vor.u32 $0x19, v13;
	v9 =	vld.idx.msk [tilespmem:v4+s23+$0x0], $0xffff  }
0x423: {  	v19 =	vor.u32 $0x14, v13;
	v3 =	vld.idx.msk [tilespmem:v6+s23+$0x0], $0xffff  }
0x424: {  	v22 =	vor.u32 $0x16, v13;
	v4 =	vld.idx.msk [tilespmem:v7+s23+$0x0], $0xffff  }
0x425: {  	v2 =	vor.u32 $0x1F, v13;
	v6 =	vld.idx.msk [tilespmem:v11+s23+$0x0], $0xffff  }
0x426: {  	v11 =	vor.u32 $0xB, v13;
	v7 =	vld.idx.msk [tilespmem:v16+s23+$0x0], $0xffff  }
0x427: {  	v16 =	vor.u32 $0xC, v13;
	v10 =	vld.idx.msk [tilespmem:v10+s23+$0x0], $0xffff  }
0x428: {  	v21 =	vor.u32 $0x1C, v13;
	v19 =	vld.idx.msk [tilespmem:v19+s23+$0x0], $0xffff  }
0x429: {  	v18 =	vor.u32 $0x15, v13;
	v22 =	vld.idx.msk [tilespmem:v22+s23+$0x0], $0xffff  }
0x42a: {  	v26 =	vor.u32 $0x13, v13;
	v2 =	vld.idx.msk [tilespmem:v2+s23+$0x0], $0xffff  }
0x42b: {  	v28 =	vor.u32 $0xF, v13;
	v24 =	vld.idx.msk [tilespmem:v11+s23+$0x0], $0xffff  }
0x42c: {  	v29 =	vor.u32 $0x17, v13;
	v23 =	vld.idx.msk [tilespmem:v16+s23+$0x0], $0xffff  }
0x42d: {  	v61 =	vor.u32 $0xE, v13;
	v11 =	vld.idx.msk [tilespmem:v21+s23+$0x0], $0xffff  }
0x42e: {  	v13 =	vor.u32 $0xD, v13;
	v16 =	vld.idx.msk [tilespmem:v18+s23+$0x0], $0xffff  }
0x42f: {  	v62 =	vor.u32 $0x1, v1;
	v21 =	vld.idx.msk [tilespmem:v26+s23+$0x0], $0xffff  }
0x430: {  	v37 =	vor.u32 $0x2, v1;
	v26 =	vld.idx.msk [tilespmem:v28+s23+$0x0], $0xffff  }
0x431: {  	v63 =	vor.u32 $0x3, v1;
	v18 =	vld.idx.msk [tilespmem:v29+s23+$0x0], $0xffff  }
0x432: {  	v38 =	vor.u32 $0x4, v1;
	v28 =	vld.idx.msk [tilespmem:v61+s23+$0x0], $0xffff  }
0x433: {  	v29 =	vld.idx.msk [tilespmem:v13+s23+$0x0], $0xffff;
	[tilespmem:v1+s1+$0x0] =	vst.idx.msk $0xffff, v30  }
0x434: {  	v35 =	vor.u32 $0x5, v1;
	[tilespmem:v62+s1+$0x0] =	vst.idx.msk $0xffff, v59  }
0x435: {  	v33 =	vor.u32 $0x6, v1;
	[tilespmem:v37+s1+$0x0] =	vst.idx.msk $0xffff, v60  }
0x436: {  	v34 =	vor.u32 $0x8, v1;
	v30 =	vor.u32 $0x7, v1;
	[tilespmem:v63+s1+$0x0] =	vst.idx.msk $0xffff, v31  }
0x437: {  	s15 =	simm.s32 $0x90;
	v32 =	vor.u32 $0xA, v1;
	v13 =	vor.u32 $0xB, v1;
	v31 =	vor.u32 $0x9, v1;
	[tilespmem:v38+s1+$0x0] =	vst.idx.msk $0xffff, v36  }
.LBB2_17:
0x438: {  	p0 =	sne.s32 s15, $0xB0  }
0x439: {  	[tilespmem:v35+s1+$0x0] =	vst.idx.msk $0xffff, v14;
	s13 =	sadd.s32 $0x10, s13;
	s16 =	smov.u32 s15;
	s15 =	sadd.s32 $0x10, s15  }
0x43a: {  	[tilespmem:v33+s1+$0x0] =	vst.idx.msk $0xffff, v12;
	v12 =	vor.u32 $0xC, v1  }
0x43b: {  	v14 =	vor.u32 $0xD, v1;
	[tilespmem:v30+s1+$0x0] =	vst.idx.msk $0xffff, v25  }
0x43c: {  	[tilespmem:v34+s1+$0x0] =	vst.idx.msk $0xffff, v20;
	v20 =	vor.u32 $0xE, v1  }
0x43d: {  	[tilespmem:v31+s1+$0x0] =	vst.idx.msk $0xffff, v15;
	v15 =	vor.u32 $0xF, v1  }
0x43e: {  	v25 =	vor.u32 $0x10, v1;
	[tilespmem:v32+s1+$0x0] =	vst.idx.msk $0xffff, v27  }
0x43f: {  	[tilespmem:v13+s1+$0x0] =	vst.idx.msk $0xffff, v24;
	v13 =	vor.u32 $0x11, v1  }
0x440: {  	[tilespmem:v12+s1+$0x0] =	vst.idx.msk $0xffff, v23;
	v12 =	vor.u32 $0x12, v1  }
0x441: {  	[tilespmem:v14+s1+$0x0] =	vst.idx.msk $0xffff, v29;
	v14 =	vor.u32 $0x13, v1  }
0x442: {  	[tilespmem:v20+s1+$0x0] =	vst.idx.msk $0xffff, v28;
	v20 =	vor.u32 $0x14, v1  }
0x443: {  	[tilespmem:v15+s1+$0x0] =	vst.idx.msk $0xffff, v26;
	v15 =	vor.u32 $0x15, v1  }
0x444: {  	[tilespmem:v25+s1+$0x0] =	vst.idx.msk $0xffff, v17;
	v17 =	vor.u32 $0x16, v1  }
0x445: {  	[tilespmem:v13+s1+$0x0] =	vst.idx.msk $0xffff, v8;
	v8 =	vor.u32 $0x17, v1  }
0x446: {  	[tilespmem:v12+s1+$0x0] =	vst.idx.msk $0xffff, v9;
	v9 =	vor.u32 $0x18, v1  }
0x447: {  	v12 =	vor.u32 $0x19, v1;
	[tilespmem:v14+s1+$0x0] =	vst.idx.msk $0xffff, v21  }
0x448: {  	v13 =	vor.u32 $0x1A, v1;
	[tilespmem:v20+s1+$0x0] =	vst.idx.msk $0xffff, v19  }
0x449: {  	v14 =	vor.u32 $0x1B, v1;
	[tilespmem:v15+s1+$0x0] =	vst.idx.msk $0xffff, v16  }
0x44a: {  	v15 =	vor.u32 $0x1C, v1;
	[tilespmem:v17+s1+$0x0] =	vst.idx.msk $0xffff, v22  }
0x44b: {  	[tilespmem:v8+s1+$0x0] =	vst.idx.msk $0xffff, v18;
	v8 =	vor.u32 $0x1D, v1  }
0x44c: {  	[tilespmem:v9+s1+$0x0] =	vst.idx.msk $0xffff, v5;
	v5 =	vor.u32 $0x1E, v1  }
0x44d: {  	v1 =	vor.u32 $0x1F, v1;
	[tilespmem:v12+s1+$0x0] =	vst.idx.msk $0xffff, v10  }
0x44e: {  	[tilespmem:v13+s1+$0x0] =	vst.idx.msk $0xffff, v7  }
0x44f: {  	[tilespmem:v14+s1+$0x0] =	vst.idx.msk $0xffff, v6  }
0x450: {  	[tilespmem:v15+s1+$0x0] =	vst.idx.msk $0xffff, v11  }
0x451: {  	[tilespmem:v8+s1+$0x0] =	vst.idx.msk $0xffff, v3  }
0x452: {  	[tilespmem:v5+s1+$0x0] =	vst.idx.msk $0xffff, v4  }
0x453: {  	[tilespmem:v1+s1+$0x0] =	vst.idx.msk $0xffff, v2  }
0x454: {  	v1 =	vld [tilespmem:s13+$0x0];
	_ =	sdelay $0x3  }
0x455: {  	v2 =	vmov s16  }
0x456: {  	v2 =	vshll.u32 v2, $0x7;
	v1 =	vshll.u32 v1, $0x5  }
0x457: {  	v3 =	vand.u32 $0x60, v1;
	v1 =	vor.u32 v0, v2  }
0x458: {  	v2 =	vor.u32 v1, v3;
	v13 =	vor.u32 $0xB, v1  }
0x459: {  	v3 =	vor.u32 $0x1, v2;
	v11 =	vor.u32 $0x2, v2;
	v4 =	vor.u32 $0x3, v2  }
0x45a: {  	v5 =	vor.u32 $0x4, v2;
	v6 =	vor.u32 $0x5, v2;
	v7 =	vor.u32 $0x6, v2  }
0x45b: {  	v10 =	vor.u32 $0x7, v2;
	v16 =	vor.u32 $0x8, v2;
	v9 =	vor.u32 $0x9, v2  }
0x45c: {  	v18 =	vor.u32 $0xA, v2;
	v19 =	vor.u32 $0xB, v2;
	v21 =	vor.u32 $0xC, v2  }
0x45d: {  	v29 =	vor.u32 $0xD, v2;
	v22 =	vor.u32 $0xE, v2;
	v26 =	vor.u32 $0xF, v2;
	v30 =	vld.idx.msk [tilespmem:v2+s23+$0x0], $0xffff  }
0x45e: {  	v17 =	vor.u32 $0x10, v2;
	v20 =	vor.u32 $0x12, v2;
	v31 =	vld.idx.msk [tilespmem:v4+s23+$0x0], $0xffff;
	v4 =	vor.u32 $0x11, v2  }
0x45f: {  	v28 =	vor.u32 $0x13, v2;
	v32 =	vor.u32 $0x14, v2;
	v27 =	vor.u32 $0x15, v2;
	v12 =	vld.idx.msk [tilespmem:v7+s23+$0x0], $0xffff  }
0x460: {  	v33 =	vor.u32 $0x16, v2;
	v34 =	vor.u32 $0x17, v2;
	v14 =	vld.idx.msk [tilespmem:v6+s23+$0x0], $0xffff;
	v6 =	vor.u32 $0x18, v2  }
0x461: {  	v23 =	vor.u32 $0x19, v2;
	v24 =	vor.u32 $0x1B, v2;
	v7 =	vor.u32 $0x1A, v2;
	v36 =	vld.idx.msk [tilespmem:v3+s23+$0x0], $0xffff  }
0x462: {  	v35 =	vor.u32 $0x1C, v2;
	v25 =	vor.u32 $0x1E, v2;
	v3 =	vor.u32 $0x1D, v2;
	v37 =	vld.idx.msk [tilespmem:v5+s23+$0x0], $0xffff  }
0x463: {  	v2 =	vor.u32 $0x1F, v2;
	v8 =	vld.idx.msk [tilespmem:v4+s23+$0x0], $0xffff  }
0x464: {  	v15 =	vld.idx.msk [tilespmem:v9+s23+$0x0], $0xffff  }
0x465: {  	v5 =	vld.idx.msk [tilespmem:v6+s23+$0x0], $0xffff  }
0x466: {  	v9 =	vld.idx.msk [tilespmem:v20+s23+$0x0], $0xffff  }
0x467: {  	v3 =	vld.idx.msk [tilespmem:v3+s23+$0x0], $0xffff  }
0x468: {  	v2 =	vld.idx.msk [tilespmem:v2+s23+$0x0], $0xffff  }
0x469: {  	v20 =	vld.idx.msk [tilespmem:v16+s23+$0x0], $0xffff  }
0x46a: {  	v4 =	vld.idx.msk [tilespmem:v25+s23+$0x0], $0xffff  }
0x46b: {  	v6 =	vld.idx.msk [tilespmem:v24+s23+$0x0], $0xffff  }
0x46c: {  	v7 =	vld.idx.msk [tilespmem:v7+s23+$0x0], $0xffff  }
0x46d: {  	v25 =	vld.idx.msk [tilespmem:v10+s23+$0x0], $0xffff  }
0x46e: {  	v17 =	vld.idx.msk [tilespmem:v17+s23+$0x0], $0xffff  }
0x46f: {  	v10 =	vld.idx.msk [tilespmem:v23+s23+$0x0], $0xffff  }
0x470: {  	v38 =	vld.idx.msk [tilespmem:v11+s23+$0x0], $0xffff  }
0x471: {  	v24 =	vld.idx.msk [tilespmem:v19+s23+$0x0], $0xffff  }
0x472: {  	v23 =	vld.idx.msk [tilespmem:v21+s23+$0x0], $0xffff  }
0x473: {  	v11 =	vld.idx.msk [tilespmem:v35+s23+$0x0], $0xffff  }
0x474: {  	v16 =	vld.idx.msk [tilespmem:v27+s23+$0x0], $0xffff  }
0x475: {  	v27 =	vld.idx.msk [tilespmem:v18+s23+$0x0], $0xffff  }
0x476: {  	v19 =	vld.idx.msk [tilespmem:v32+s23+$0x0], $0xffff  }
0x477: {  	v21 =	vld.idx.msk [tilespmem:v28+s23+$0x0], $0xffff  }
0x478: {  	v32 =	vor.u32 $0x1, v1;
	v26 =	vld.idx.msk [tilespmem:v26+s23+$0x0], $0xffff  }
0x479: {  	v18 =	vld.idx.msk [tilespmem:v34+s23+$0x0], $0xffff;
	v34 =	vor.u32 $0x2, v1  }
0x47a: {  	v39 =	vor.u32 $0x3, v1;
	v28 =	vld.idx.msk [tilespmem:v22+s23+$0x0], $0xffff  }
0x47b: {  	v40 =	vor.u32 $0x4, v1;
	v22 =	vld.idx.msk [tilespmem:v33+s23+$0x0], $0xffff  }
0x47c: {  	v35 =	vor.u32 $0x5, v1;
	v29 =	vld.idx.msk [tilespmem:v29+s23+$0x0], $0xffff  }
.Ltmp7:
0x47d: {  	v33 =	vor.u32 $0x6, v1;
	[tilespmem:v1+s1+$0x0] =	vst.idx.msk $0xffff, v30;
	(pc) =	sbr.rel @p0 .LBB2_17-.Ltmp7, $4  }
0x47e: {  	v30 =	vor.u32 $0x7, v1;
	[tilespmem:v32+s1+$0x0] =	vst.idx.msk $0xffff, v36  }
0x47f: {  	[tilespmem:v34+s1+$0x0] =	vst.idx.msk $0xffff, v38;
	v34 =	vor.u32 $0x8, v1  }
0x480: {  	[tilespmem:v39+s1+$0x0] =	vst.idx.msk $0xffff, v31;
	v31 =	vor.u32 $0x9, v1  }
0x481: {  	v32 =	vor.u32 $0xA, v1;
	[tilespmem:v40+s1+$0x0] =	vst.idx.msk $0xffff, v37  }
0x482: {  	_ =	sdelay $0x3  }
0x483: {  	[tilespmem:v35+s1+$0x0] =	vst.idx.msk $0xffff, v14  }
0x484: {  	[tilespmem:v33+s1+$0x0] =	vst.idx.msk $0xffff, v12  }
0x485: {  	v12 =	vor.u32 $0xC, v1;
	[tilespmem:v30+s1+$0x0] =	vst.idx.msk $0xffff, v25  }
0x486: {  	v14 =	vor.u32 $0xD, v1;
	[tilespmem:v34+s1+$0x0] =	vst.idx.msk $0xffff, v20  }
0x487: {  	v20 =	vor.u32 $0xE, v1;
	[tilespmem:v31+s1+$0x0] =	vst.idx.msk $0xffff, v15  }
0x488: {  	v15 =	vor.u32 $0xF, v1;
	[tilespmem:v32+s1+$0x0] =	vst.idx.msk $0xffff, v27  }
0x489: {  	v25 =	vor.u32 $0x10, v1;
	[tilespmem:v13+s1+$0x0] =	vst.idx.msk $0xffff, v24  }
0x48a: {  	v13 =	vor.u32 $0x11, v1;
	[tilespmem:v12+s1+$0x0] =	vst.idx.msk $0xffff, v23  }
0x48b: {  	v12 =	vor.u32 $0x12, v1;
	[tilespmem:v14+s1+$0x0] =	vst.idx.msk $0xffff, v29  }
0x48c: {  	v14 =	vor.u32 $0x13, v1;
	[tilespmem:v20+s1+$0x0] =	vst.idx.msk $0xffff, v28  }
0x48d: {  	v20 =	vor.u32 $0x14, v1;
	[tilespmem:v15+s1+$0x0] =	vst.idx.msk $0xffff, v26  }
0x48e: {  	v15 =	vor.u32 $0x15, v1;
	[tilespmem:v25+s1+$0x0] =	vst.idx.msk $0xffff, v17  }
0x48f: {  	v17 =	vor.u32 $0x16, v1;
	[tilespmem:v13+s1+$0x0] =	vst.idx.msk $0xffff, v8  }
0x490: {  	v8 =	vor.u32 $0x17, v1;
	[tilespmem:v12+s1+$0x0] =	vst.idx.msk $0xffff, v9  }
0x491: {  	v9 =	vor.u32 $0x18, v1;
	[tilespmem:v14+s1+$0x0] =	vst.idx.msk $0xffff, v21  }
0x492: {  	v12 =	vor.u32 $0x19, v1;
	[tilespmem:v20+s1+$0x0] =	vst.idx.msk $0xffff, v19  }
0x493: {  	v13 =	vor.u32 $0x1A, v1;
	[tilespmem:v15+s1+$0x0] =	vst.idx.msk $0xffff, v16  }
0x494: {  	v14 =	vor.u32 $0x1B, v1;
	[tilespmem:v17+s1+$0x0] =	vst.idx.msk $0xffff, v22  }
0x495: {  	v15 =	vor.u32 $0x1C, v1;
	[tilespmem:v8+s1+$0x0] =	vst.idx.msk $0xffff, v18  }
0x496: {  	v8 =	vor.u32 $0x1D, v1;
	[tilespmem:v9+s1+$0x0] =	vst.idx.msk $0xffff, v5  }
0x497: {  	v5 =	vor.u32 $0x1E, v1;
	[tilespmem:v12+s1+$0x0] =	vst.idx.msk $0xffff, v10  }
0x498: {  	v1 =	vor.u32 $0x1F, v1;
	[tilespmem:v13+s1+$0x0] =	vst.idx.msk $0xffff, v7  }
0x499: {  	[tilespmem:v14+s1+$0x0] =	vst.idx.msk $0xffff, v6  }
0x49a: {  	[tilespmem:v15+s1+$0x0] =	vst.idx.msk $0xffff, v11  }
0x49b: {  	[tilespmem:v8+s1+$0x0] =	vst.idx.msk $0xffff, v3  }
0x49c: {  	[tilespmem:v5+s1+$0x0] =	vst.idx.msk $0xffff, v4  }
0x49d: {  	[tilespmem:v1+s1+$0x0] =	vst.idx.msk $0xffff, v2  }
0x49e: {  	_ =	swait.ge [sflag:s0], $0x2000  }
0x49f: {  	[sflag:s0] =	ssyncset.done $0x0  }
0x4a0: {  	s13 =	simm.s32 $0x1C0;
	[sflag:s0] =	ssyncadd.s32 $0xFFFFE000  }
0x4a1: {  	v1 =	vld [tilespmem:s13+$0x0];
	_ =	sdelay $0x2  }
0x4a2: {  	s15 =	simm.s32 $0xC0  }
0x4a3: {  	v2 =	vmov s15  }
0x4a4: {  	v2 =	vshll.u32 v2, $0x7;
	v1 =	vshll.u32 v1, $0x5  }
0x4a5: {  	v3 =	vand.u32 $0x60, v1;
	v1 =	vor.u32 v0, v2  }
0x4a6: {  	v13 =	vor.u32 v1, v3  }
0x4a7: {  	v2 =	vor.u32 $0x3, v13  }
0x4a8: {  	v3 =	vor.u32 $0x6, v13  }
0x4a9: {  	v4 =	vor.u32 $0x5, v13  }
0x4aa: {  	v5 =	vor.u32 $0x1, v13  }
0x4ab: {  	v6 =	vor.u32 $0x4, v13;
	v30 =	vld.idx.msk [tilespmem:v13+s23+$0x0], $0xffff  }
0x4ac: {  	v7 =	vor.u32 $0x9, v13;
	v31 =	vld.idx.msk [tilespmem:v2+s23+$0x0], $0xffff  }
0x4ad: {  	v10 =	vor.u32 $0x8, v13;
	v12 =	vld.idx.msk [tilespmem:v3+s23+$0x0], $0xffff  }
0x4ae: {  	v17 =	vor.u32 $0x7, v13;
	v14 =	vld.idx.msk [tilespmem:v4+s23+$0x0], $0xffff  }
0x4af: {  	v18 =	vor.u32 $0x10, v13;
	v59 =	vld.idx.msk [tilespmem:v5+s23+$0x0], $0xffff  }
0x4b0: {  	v19 =	vor.u32 $0x2, v13;
	v36 =	vld.idx.msk [tilespmem:v6+s23+$0x0], $0xffff  }
0x4b1: {  	v22 =	vor.u32 $0xA, v13;
	v15 =	vld.idx.msk [tilespmem:v7+s23+$0x0], $0xffff  }
0x4b2: {  	v2 =	vor.u32 $0x11, v13;
	v20 =	vld.idx.msk [tilespmem:v10+s23+$0x0], $0xffff  }
0x4b3: {  	v3 =	vor.u32 $0x18, v13;
	v25 =	vld.idx.msk [tilespmem:v17+s23+$0x0], $0xffff  }
0x4b4: {  	v4 =	vor.u32 $0x12, v13;
	v17 =	vld.idx.msk [tilespmem:v18+s23+$0x0], $0xffff  }
0x4b5: {  	v6 =	vor.u32 $0x1D, v13;
	v60 =	vld.idx.msk [tilespmem:v19+s23+$0x0], $0xffff  }
0x4b6: {  	v7 =	vor.u32 $0x1E, v13;
	v27 =	vld.idx.msk [tilespmem:v22+s23+$0x0], $0xffff  }
0x4b7: {  	v11 =	vor.u32 $0x1B, v13;
	v8 =	vld.idx.msk [tilespmem:v2+s23+$0x0], $0xffff  }
0x4b8: {  	v16 =	vor.u32 $0x1A, v13;
	v5 =	vld.idx.msk [tilespmem:v3+s23+$0x0], $0xffff  }
0x4b9: {  	v10 =	vor.u32 $0x19, v13;
	v9 =	vld.idx.msk [tilespmem:v4+s23+$0x0], $0xffff  }
0x4ba: {  	v19 =	vor.u32 $0x14, v13;
	v3 =	vld.idx.msk [tilespmem:v6+s23+$0x0], $0xffff  }
0x4bb: {  	v22 =	vor.u32 $0x16, v13;
	v4 =	vld.idx.msk [tilespmem:v7+s23+$0x0], $0xffff  }
0x4bc: {  	v2 =	vor.u32 $0x1F, v13;
	v6 =	vld.idx.msk [tilespmem:v11+s23+$0x0], $0xffff  }
0x4bd: {  	v11 =	vor.u32 $0xB, v13;
	v7 =	vld.idx.msk [tilespmem:v16+s23+$0x0], $0xffff  }
0x4be: {  	v16 =	vor.u32 $0xC, v13;
	v10 =	vld.idx.msk [tilespmem:v10+s23+$0x0], $0xffff  }
0x4bf: {  	v21 =	vor.u32 $0x1C, v13;
	v19 =	vld.idx.msk [tilespmem:v19+s23+$0x0], $0xffff  }
0x4c0: {  	v18 =	vor.u32 $0x15, v13;
	v22 =	vld.idx.msk [tilespmem:v22+s23+$0x0], $0xffff  }
0x4c1: {  	v26 =	vor.u32 $0x13, v13;
	v2 =	vld.idx.msk [tilespmem:v2+s23+$0x0], $0xffff  }
0x4c2: {  	v28 =	vor.u32 $0xF, v13;
	v24 =	vld.idx.msk [tilespmem:v11+s23+$0x0], $0xffff  }
0x4c3: {  	v29 =	vor.u32 $0x17, v13;
	v23 =	vld.idx.msk [tilespmem:v16+s23+$0x0], $0xffff  }
0x4c4: {  	v61 =	vor.u32 $0xE, v13;
	v11 =	vld.idx.msk [tilespmem:v21+s23+$0x0], $0xffff  }
0x4c5: {  	v13 =	vor.u32 $0xD, v13;
	v16 =	vld.idx.msk [tilespmem:v18+s23+$0x0], $0xffff  }
0x4c6: {  	v62 =	vor.u32 $0x1, v1;
	v21 =	vld.idx.msk [tilespmem:v26+s23+$0x0], $0xffff  }
0x4c7: {  	v37 =	vor.u32 $0x2, v1;
	v26 =	vld.idx.msk [tilespmem:v28+s23+$0x0], $0xffff  }
0x4c8: {  	v63 =	vor.u32 $0x3, v1;
	v18 =	vld.idx.msk [tilespmem:v29+s23+$0x0], $0xffff  }
0x4c9: {  	v38 =	vor.u32 $0x4, v1;
	v28 =	vld.idx.msk [tilespmem:v61+s23+$0x0], $0xffff  }
0x4ca: {  	v29 =	vld.idx.msk [tilespmem:v13+s23+$0x0], $0xffff;
	[tilespmem:v1+s1+$0x0] =	vst.idx.msk $0xffff, v30  }
0x4cb: {  	v35 =	vor.u32 $0x5, v1;
	[tilespmem:v62+s1+$0x0] =	vst.idx.msk $0xffff, v59  }
0x4cc: {  	v33 =	vor.u32 $0x6, v1;
	[tilespmem:v37+s1+$0x0] =	vst.idx.msk $0xffff, v60  }
0x4cd: {  	v34 =	vor.u32 $0x8, v1;
	v30 =	vor.u32 $0x7, v1;
	[tilespmem:v63+s1+$0x0] =	vst.idx.msk $0xffff, v31  }
0x4ce: {  	s15 =	simm.s32 $0xD0;
	v32 =	vor.u32 $0xA, v1;
	v13 =	vor.u32 $0xB, v1;
	v31 =	vor.u32 $0x9, v1;
	[tilespmem:v38+s1+$0x0] =	vst.idx.msk $0xffff, v36  }
.LBB2_19:
0x4cf: {  	p0 =	sne.s32 s15, $0xF0  }
0x4d0: {  	[tilespmem:v35+s1+$0x0] =	vst.idx.msk $0xffff, v14;
	s13 =	sadd.s32 $0x10, s13;
	s16 =	smov.u32 s15;
	s15 =	sadd.s32 $0x10, s15  }
0x4d1: {  	[tilespmem:v33+s1+$0x0] =	vst.idx.msk $0xffff, v12;
	v12 =	vor.u32 $0xC, v1  }
0x4d2: {  	v14 =	vor.u32 $0xD, v1;
	[tilespmem:v30+s1+$0x0] =	vst.idx.msk $0xffff, v25  }
0x4d3: {  	[tilespmem:v34+s1+$0x0] =	vst.idx.msk $0xffff, v20;
	v20 =	vor.u32 $0xE, v1  }
0x4d4: {  	[tilespmem:v31+s1+$0x0] =	vst.idx.msk $0xffff, v15;
	v15 =	vor.u32 $0xF, v1  }
0x4d5: {  	v25 =	vor.u32 $0x10, v1;
	[tilespmem:v32+s1+$0x0] =	vst.idx.msk $0xffff, v27  }
0x4d6: {  	[tilespmem:v13+s1+$0x0] =	vst.idx.msk $0xffff, v24;
	v13 =	vor.u32 $0x11, v1  }
0x4d7: {  	[tilespmem:v12+s1+$0x0] =	vst.idx.msk $0xffff, v23;
	v12 =	vor.u32 $0x12, v1  }
0x4d8: {  	[tilespmem:v14+s1+$0x0] =	vst.idx.msk $0xffff, v29;
	v14 =	vor.u32 $0x13, v1  }
0x4d9: {  	[tilespmem:v20+s1+$0x0] =	vst.idx.msk $0xffff, v28;
	v20 =	vor.u32 $0x14, v1  }
0x4da: {  	[tilespmem:v15+s1+$0x0] =	vst.idx.msk $0xffff, v26;
	v15 =	vor.u32 $0x15, v1  }
0x4db: {  	[tilespmem:v25+s1+$0x0] =	vst.idx.msk $0xffff, v17;
	v17 =	vor.u32 $0x16, v1  }
0x4dc: {  	[tilespmem:v13+s1+$0x0] =	vst.idx.msk $0xffff, v8;
	v8 =	vor.u32 $0x17, v1  }
0x4dd: {  	[tilespmem:v12+s1+$0x0] =	vst.idx.msk $0xffff, v9;
	v9 =	vor.u32 $0x18, v1  }
0x4de: {  	v12 =	vor.u32 $0x19, v1;
	[tilespmem:v14+s1+$0x0] =	vst.idx.msk $0xffff, v21  }
0x4df: {  	v13 =	vor.u32 $0x1A, v1;
	[tilespmem:v20+s1+$0x0] =	vst.idx.msk $0xffff, v19  }
0x4e0: {  	v14 =	vor.u32 $0x1B, v1;
	[tilespmem:v15+s1+$0x0] =	vst.idx.msk $0xffff, v16  }
0x4e1: {  	v15 =	vor.u32 $0x1C, v1;
	[tilespmem:v17+s1+$0x0] =	vst.idx.msk $0xffff, v22  }
0x4e2: {  	[tilespmem:v8+s1+$0x0] =	vst.idx.msk $0xffff, v18;
	v8 =	vor.u32 $0x1D, v1  }
0x4e3: {  	[tilespmem:v9+s1+$0x0] =	vst.idx.msk $0xffff, v5;
	v5 =	vor.u32 $0x1E, v1  }
0x4e4: {  	v1 =	vor.u32 $0x1F, v1;
	[tilespmem:v12+s1+$0x0] =	vst.idx.msk $0xffff, v10  }
0x4e5: {  	[tilespmem:v13+s1+$0x0] =	vst.idx.msk $0xffff, v7  }
0x4e6: {  	[tilespmem:v14+s1+$0x0] =	vst.idx.msk $0xffff, v6  }
0x4e7: {  	[tilespmem:v15+s1+$0x0] =	vst.idx.msk $0xffff, v11  }
0x4e8: {  	[tilespmem:v8+s1+$0x0] =	vst.idx.msk $0xffff, v3  }
0x4e9: {  	[tilespmem:v5+s1+$0x0] =	vst.idx.msk $0xffff, v4  }
0x4ea: {  	[tilespmem:v1+s1+$0x0] =	vst.idx.msk $0xffff, v2  }
0x4eb: {  	v1 =	vld [tilespmem:s13+$0x0];
	_ =	sdelay $0x3  }
0x4ec: {  	v2 =	vmov s16  }
0x4ed: {  	v2 =	vshll.u32 v2, $0x7;
	v1 =	vshll.u32 v1, $0x5  }
0x4ee: {  	v3 =	vand.u32 $0x60, v1;
	v1 =	vor.u32 v0, v2  }
0x4ef: {  	v2 =	vor.u32 v1, v3;
	v13 =	vor.u32 $0xB, v1  }
0x4f0: {  	v3 =	vor.u32 $0x1, v2;
	v11 =	vor.u32 $0x2, v2;
	v4 =	vor.u32 $0x3, v2  }
0x4f1: {  	v5 =	vor.u32 $0x4, v2;
	v6 =	vor.u32 $0x5, v2;
	v7 =	vor.u32 $0x6, v2  }
0x4f2: {  	v10 =	vor.u32 $0x7, v2;
	v16 =	vor.u32 $0x8, v2;
	v9 =	vor.u32 $0x9, v2  }
0x4f3: {  	v18 =	vor.u32 $0xA, v2;
	v19 =	vor.u32 $0xB, v2;
	v21 =	vor.u32 $0xC, v2  }
0x4f4: {  	v29 =	vor.u32 $0xD, v2;
	v22 =	vor.u32 $0xE, v2;
	v26 =	vor.u32 $0xF, v2;
	v30 =	vld.idx.msk [tilespmem:v2+s23+$0x0], $0xffff  }
0x4f5: {  	v17 =	vor.u32 $0x10, v2;
	v20 =	vor.u32 $0x12, v2;
	v31 =	vld.idx.msk [tilespmem:v4+s23+$0x0], $0xffff;
	v4 =	vor.u32 $0x11, v2  }
0x4f6: {  	v28 =	vor.u32 $0x13, v2;
	v32 =	vor.u32 $0x14, v2;
	v27 =	vor.u32 $0x15, v2;
	v12 =	vld.idx.msk [tilespmem:v7+s23+$0x0], $0xffff  }
0x4f7: {  	v33 =	vor.u32 $0x16, v2;
	v34 =	vor.u32 $0x17, v2;
	v14 =	vld.idx.msk [tilespmem:v6+s23+$0x0], $0xffff;
	v6 =	vor.u32 $0x18, v2  }
0x4f8: {  	v23 =	vor.u32 $0x19, v2;
	v24 =	vor.u32 $0x1B, v2;
	v7 =	vor.u32 $0x1A, v2;
	v36 =	vld.idx.msk [tilespmem:v3+s23+$0x0], $0xffff  }
0x4f9: {  	v35 =	vor.u32 $0x1C, v2;
	v25 =	vor.u32 $0x1E, v2;
	v3 =	vor.u32 $0x1D, v2;
	v37 =	vld.idx.msk [tilespmem:v5+s23+$0x0], $0xffff  }
0x4fa: {  	v2 =	vor.u32 $0x1F, v2;
	v8 =	vld.idx.msk [tilespmem:v4+s23+$0x0], $0xffff  }
0x4fb: {  	v15 =	vld.idx.msk [tilespmem:v9+s23+$0x0], $0xffff  }
0x4fc: {  	v5 =	vld.idx.msk [tilespmem:v6+s23+$0x0], $0xffff  }
0x4fd: {  	v9 =	vld.idx.msk [tilespmem:v20+s23+$0x0], $0xffff  }
0x4fe: {  	v3 =	vld.idx.msk [tilespmem:v3+s23+$0x0], $0xffff  }
0x4ff: {  	v2 =	vld.idx.msk [tilespmem:v2+s23+$0x0], $0xffff  }
0x500: {  	v20 =	vld.idx.msk [tilespmem:v16+s23+$0x0], $0xffff  }
0x501: {  	v4 =	vld.idx.msk [tilespmem:v25+s23+$0x0], $0xffff  }
0x502: {  	v6 =	vld.idx.msk [tilespmem:v24+s23+$0x0], $0xffff  }
0x503: {  	v7 =	vld.idx.msk [tilespmem:v7+s23+$0x0], $0xffff  }
0x504: {  	v25 =	vld.idx.msk [tilespmem:v10+s23+$0x0], $0xffff  }
0x505: {  	v17 =	vld.idx.msk [tilespmem:v17+s23+$0x0], $0xffff  }
0x506: {  	v10 =	vld.idx.msk [tilespmem:v23+s23+$0x0], $0xffff  }
0x507: {  	v38 =	vld.idx.msk [tilespmem:v11+s23+$0x0], $0xffff  }
0x508: {  	v24 =	vld.idx.msk [tilespmem:v19+s23+$0x0], $0xffff  }
0x509: {  	v23 =	vld.idx.msk [tilespmem:v21+s23+$0x0], $0xffff  }
0x50a: {  	v11 =	vld.idx.msk [tilespmem:v35+s23+$0x0], $0xffff  }
0x50b: {  	v16 =	vld.idx.msk [tilespmem:v27+s23+$0x0], $0xffff  }
0x50c: {  	v27 =	vld.idx.msk [tilespmem:v18+s23+$0x0], $0xffff  }
0x50d: {  	v19 =	vld.idx.msk [tilespmem:v32+s23+$0x0], $0xffff  }
0x50e: {  	v21 =	vld.idx.msk [tilespmem:v28+s23+$0x0], $0xffff  }
0x50f: {  	v32 =	vor.u32 $0x1, v1;
	v26 =	vld.idx.msk [tilespmem:v26+s23+$0x0], $0xffff  }
0x510: {  	v18 =	vld.idx.msk [tilespmem:v34+s23+$0x0], $0xffff;
	v34 =	vor.u32 $0x2, v1  }
0x511: {  	v39 =	vor.u32 $0x3, v1;
	v28 =	vld.idx.msk [tilespmem:v22+s23+$0x0], $0xffff  }
0x512: {  	v40 =	vor.u32 $0x4, v1;
	v22 =	vld.idx.msk [tilespmem:v33+s23+$0x0], $0xffff  }
0x513: {  	v35 =	vor.u32 $0x5, v1;
	v29 =	vld.idx.msk [tilespmem:v29+s23+$0x0], $0xffff  }
.Ltmp8:
0x514: {  	v33 =	vor.u32 $0x6, v1;
	[tilespmem:v1+s1+$0x0] =	vst.idx.msk $0xffff, v30;
	(pc) =	sbr.rel @p0 .LBB2_19-.Ltmp8, $4  }
0x515: {  	v30 =	vor.u32 $0x7, v1;
	[tilespmem:v32+s1+$0x0] =	vst.idx.msk $0xffff, v36  }
0x516: {  	[tilespmem:v34+s1+$0x0] =	vst.idx.msk $0xffff, v38;
	v34 =	vor.u32 $0x8, v1  }
0x517: {  	[tilespmem:v39+s1+$0x0] =	vst.idx.msk $0xffff, v31;
	v31 =	vor.u32 $0x9, v1  }
0x518: {  	v32 =	vor.u32 $0xA, v1;
	[tilespmem:v40+s1+$0x0] =	vst.idx.msk $0xffff, v37  }
0x519: {  	_ =	sdelay $0x3  }
0x51a: {  	[tilespmem:v35+s1+$0x0] =	vst.idx.msk $0xffff, v14  }
0x51b: {  	[tilespmem:v33+s1+$0x0] =	vst.idx.msk $0xffff, v12  }
0x51c: {  	v45 =	vor.u32 $0xC, v1;
	[tilespmem:v30+s1+$0x0] =	vst.idx.msk $0xffff, v25  }
0x51d: {  	v46 =	vor.u32 $0xD, v1;
	[tilespmem:v34+s1+$0x0] =	vst.idx.msk $0xffff, v20  }
0x51e: {  	v47 =	vor.u32 $0xE, v1;
	[tilespmem:v31+s1+$0x0] =	vst.idx.msk $0xffff, v15  }
0x51f: {  	v48 =	vor.u32 $0xF, v1;
	[tilespmem:v32+s1+$0x0] =	vst.idx.msk $0xffff, v27  }
0x520: {  	v49 =	vor.u32 $0x10, v1;
	[tilespmem:v13+s1+$0x0] =	vst.idx.msk $0xffff, v24  }
0x521: {  	v50 =	vor.u32 $0x11, v1;
	[tilespmem:v45+s1+$0x0] =	vst.idx.msk $0xffff, v23  }
0x522: {  	v51 =	vor.u32 $0x12, v1;
	[tilespmem:v46+s1+$0x0] =	vst.idx.msk $0xffff, v29  }
0x523: {  	v52 =	vor.u32 $0x13, v1;
	[tilespmem:v47+s1+$0x0] =	vst.idx.msk $0xffff, v28  }
0x524: {  	v53 =	vor.u32 $0x14, v1;
	[tilespmem:v48+s1+$0x0] =	vst.idx.msk $0xffff, v26  }
0x525: {  	v54 =	vor.u32 $0x15, v1;
	[tilespmem:v49+s1+$0x0] =	vst.idx.msk $0xffff, v17  }
0x526: {  	v55 =	vor.u32 $0x16, v1;
	[tilespmem:v50+s1+$0x0] =	vst.idx.msk $0xffff, v8  }
0x527: {  	v56 =	vor.u32 $0x17, v1;
	[tilespmem:v51+s1+$0x0] =	vst.idx.msk $0xffff, v9  }
0x528: {  	v57 =	vor.u32 $0x18, v1;
	[tilespmem:v52+s1+$0x0] =	vst.idx.msk $0xffff, v21  }
0x529: {  	v58 =	vor.u32 $0x19, v1;
	[tilespmem:v53+s1+$0x0] =	vst.idx.msk $0xffff, v19  }
0x52a: {  	v59 =	vor.u32 $0x1A, v1;
	[tilespmem:v54+s1+$0x0] =	vst.idx.msk $0xffff, v16  }
0x52b: {  	v60 =	vor.u32 $0x1B, v1;
	[tilespmem:v55+s1+$0x0] =	vst.idx.msk $0xffff, v22  }
0x52c: {  	v61 =	vor.u32 $0x1C, v1;
	[tilespmem:v56+s1+$0x0] =	vst.idx.msk $0xffff, v18  }
0x52d: {  	v62 =	vor.u32 $0x1D, v1;
	[tilespmem:v57+s1+$0x0] =	vst.idx.msk $0xffff, v5  }
0x52e: {  	v63 =	vor.u32 $0x1E, v1;
	[tilespmem:v58+s1+$0x0] =	vst.idx.msk $0xffff, v10  }
0x52f: {  	v1 =	vor.u32 $0x1F, v1;
	[tilespmem:v59+s1+$0x0] =	vst.idx.msk $0xffff, v7  }
0x530: {  	[tilespmem:v60+s1+$0x0] =	vst.idx.msk $0xffff, v6  }
0x531: {  	[tilespmem:v61+s1+$0x0] =	vst.idx.msk $0xffff, v11  }
0x532: {  	s10 =	sadd.s32 $0x1, s10;
	[tilespmem:v62+s1+$0x0] =	vst.idx.msk $0xffff, v3  }
0x533: {  	s7 =	sshll.u32 s7, $0x4;
	p0 =	sne.s32 s10, $0x32;
	[tilespmem:v63+s1+$0x0] =	vst.idx.msk $0xffff, v4  }
.Ltmp9:
0x534: {  	s7 =	sadd.s32 s6, s7;
	[tilespmem:v1+s1+$0x0] =	vst.idx.msk $0xffff, v2;
	(pc) =	sbr.rel @p0 .LBB2_2-.Ltmp9, $4  }
0x535: {  	[hbm4b:s7+s3] =	stream.linear.scatter [tilespmem:s1], [sflag:$0x3], $0x8000, $0x38;
	[tilespmem:$0x18400] =	vst v63  }
0x536: {  	_ =	swait.ge [sflag:s11], $0x8000  }
0x537: {  	[sflag:s11] =	ssyncset.done $0x0  }
0x538: {  	[sflag:s11] =	ssyncadd.s32 $0xFFFF8000  }
0x539: {  	s10 =	rddreg [dreg:$0x5]  }
0x53a: {  	s7 =	rddreg [dreg:$0x4];
	s10 =	sadd.s32 $0x1, s10  }
0x53b: {  	p0 =	sne.s32 s10, s7  }
.Ltmp10:
0x53c: {  	_ = 	snop;
	(pc) =	sbr.rel @p0 .LBB2_1-.Ltmp10, $1  }
0x53d: {  	_ =	sdelay $0x3  }
0x53e: {  	_ =	sfence.sel $0x180000  }
0x53f: {  	[bflag:$0x0] =	sbarrier.arrive $0xFFFF  }
0x540: {  	_ =	strace $0x90000047  }
0x541: {  	s0 =	stileid.u32;
	[bflag:$0x2] =	sbarrier.arrive $0xFFFF  }
0x542: {  	p0 =	sne.s32 s0, $0x0;
	s0 =	rddreg [dreg:$0x2]  }
0x543: {  	s0 =	sadd.s32 @!p0 $0x100000, s0  }
0x544: {  	[sflag:s0] =	ssyncadd.tile.s32 @!p0 $0x1;
	_ =	shalt  }
.Lfunc_end2:
_tile_overlayer_lowered:
.L_overlay_start_2:
0x545: {  	(tag) =	ssettag $0x2  }
0x546: {  	s0 =	rddreg [dreg:$0x0];
	s2 =	stileid.u32  }
0x547: {  	s1 =	rddreg [dreg:$0x1];
	p0 =	sne.s32 s2, $0x0  }
0x548: {  	s3 =	rddreg [dreg:$0x2];
	[bflag:$0x3] =	sbarrier.arrive $0xFFFF;
	s2 =	simm.s32 @!p0 $0x1C03  }
0x549: {  	[timem:s3], [sflag:s2] =	dma.local @!p0 [hbm:s0], s1  }
0x54a: {  	s0 =	simm.s32 @!p0 $0x3  }
0x54b: {  	_ =	swait.ge @!p0 [sflag:s0], s1  }
0x54c: {  	s1 =	ssub.s32 @!p0 $0x0, s1;
	[sflag:s0] =	ssyncset.done @!p0 $0x0  }
0x54d: {  	[sflag:s0] =	ssyncadd.s32 @!p0 s1  }
0x54e: {  	[bflag:$0x3] =	sbarrier.arrive $0xFFFF  }
0x54f: {  	_ =	shalt  }

// kernel: sparse-core-data-format-call.cloned.1.call-start
scs
called_computation_lowered:
.L_overlay_start_0:
0x0: {  	s2 =	sld [smem:$0x3FD9]  }
0x1: {  	s3 =	sld [smem:$0x3FFE];
	_ =	sdelay $0x1  }
0x2: {  	s1 =	srdreg.scid  }
0x3: {  	s0 =	sand.u32 $0x1, s1  }
0x4: {  	s18 =	sshll.u32 s0, $0xA;
	s2 =	sadd.s32 s3, s2  }
0x5: {  	s2 =	sadd.s32 s2, s18  }
0x6: {  	[smem:$0x3FC6] =	sst s2  }
0x7: {  	_ = 	snop  }
0x8: {  	s2 =	sld [smem:$0x3FD0];
	(tm) =	ssettm $0x1  }
0x9: {  	s19 =	sld [smem:$0x3FFB];
	_ =	sdelay $0x3  }
0xa: {  	_ =	strace s19  }
0xb: {  	s3 =	sld [smem:$0x3FFC];
	_ =	sdelay $0x3  }
0xc: {  	_ =	strace s3  }
0xd: {  	s3 =	sld [smem:$0x3FFD];
	_ =	sdelay $0x3  }
0xe: {  	_ =	strace s3  }
0xf: {  	_ =	strace $0x8FFFFFFF  }
0x10: {  	s20 =	sld [smem:$0x3FDB];
	_ =	sdelay $0x1  }
0x11: {  	s4 =	simm.s32 $_scs_section_size  }
0x12: {  	s5 =	simm.s32 $_size__tile_overlayer_lowered;
	s6 =	simm.s32 $_tile_overlayer_lowered  }
0x13: {  	s23 =	simm.s32 $0x1BFF;
	s22 =	sshll.u32 s6, $0x1;
	s3 =	sadd.s32 s4, s20  }
0x14: {  	s7 =	simm.s32 $0x0;
	s21 =	sshll.u32 s5, $0x1;
	s5 =	sadd.s32 s22, s3  }
0x15: {  	[timem:s7], [sflag:s23] =	dma.local [hbm:s5], s21  }
0x16: {  	_ =	swait.ge [sflag:s23], s21  }
0x17: {  	s4 =	ssub.s32 $0x0, s21;
	[sflag:s23] =	ssyncset.done $0x0  }
0x18: {  	[sflag:s23] =	ssyncadd.s32 s4;
	_ =	sdelay $0x1  }
0x19: {  	s24 =	simm.s32 $0x1B8B  }
0x1a: {  	_ =	swait.ge [sflag:s24], $0x1  }
0x1b: {  	[sflag:s24] =	ssyncset.done $0x0  }
0x1c: {  	s26 =	simm.s32 $0x1B8E;
	s25 =	sld [smem:$0x3FFE];
	[sflag:s24] =	ssyncadd.s32 $0xFFFFFFFF  }
0x1d: {  	s27 =	simm.s32 $execute0_lowered;
	[smem:$0x3FD2] =	sst s26  }
0x1e: {  	s5 =	sshll.u32 s27, $0x1;
	_ =	strace $0x80000049;
	[dreg:$0x1] =	wrdreg $0xFFFFFFFF  }
0x1f: {  	s28 =	simm.s32 $_size_execute0_lowered;
	s3 =	sadd.s32 s3, s5;
	[dreg:$0x0] =	wrdreg $0x0  }
0x20: {  	s5 =	sshll.u32 s28, $0x1;
	[dreg:$0x2] =	wrdreg s3  }
0x21: {  	[dreg:$0x3] =	wrdreg s5  }
0x22: {  	[dreg:$0x4] =	wrdreg $0xC0  }
0x23: {  	_ =	task [dreg:s7], $0x5FFFF  }
0x24: {  	[dreg:$0x1] =	wrdreg $0xFFFFFFFF  }
0x25: {  	[dreg:$0x0] =	wrdreg $0x60  }
0x26: {  	[dreg:$0x2] =	wrdreg s25  }
0x27: {  	[dreg:$0x3] =	wrdreg s2  }
0x28: {  	[dreg:$0x4] =	wrdreg $0x9  }
0x29: {  	_ =	task.clear_ibuf [dreg:s7], $0x5FFFF;
	_ =	strace $0x90000049  }
0x2a: {  	s29 =	simm.s32 $0x9;
	_ =	strace $0x8000004B  }
0x2b: {  	_ =	swait.ge [sflag:s29], $0x1  }
0x2c: {  	[sflag:s29] =	ssyncadd.s32 $0xFFFFFFFF  }
0x2d: {  	_ =	strace $0x9000004B  }
0x2e: {  	_ =	sfence  }
0x2f: {  	s30 =	sld [smem:$0x0];
	_ =	sdelay $0x2  }
0x30: {  	s31 =	sshll.u32 s1, $0xD;
	s1 =	sshrl.u32 s1, $0x2  }
0x31: {  	s3 =	sand.u32 $0x4000, s31;
	s1 =	sadd.s32 s1, s30  }
0x32: {  	s0 =	sor.u32 s3, s0;
	s1 =	sshll.u32 s1, $0x11  }
0x33: {  	s0 =	sor.u32 s1, s0  }
0x34: {  	s0 =	sadd.s32 $0x8F2B, s0  }
0x35: {  	[sflag:s0] =	ssyncadd.remote.s32 $0x1  }
0x36: {  	_ =	sfence.sel $0xFFFF  }
0x37: {  	[dreg:$0x0] =	wrdreg $0xFFFFFFFF;
	(pc) =	sbr.abs _section_cstart, $3  }
0x38: {  	[dreg:$0x1] =	wrdreg $0xFFFFFFFF  }
0x39: {  	_ =	task.clear_ibuf [dreg:s7], $0x2FFFF;
	_ =	strace $0x9FFFFFFF  }
0x3a: {  	(tm) =	ssettm $0x7FFFFFFF  }
0x3b: {  	_ =	shalt  }
tec
execute0_lowered:
.L_overlay_start_1:
0x0: {  	(tag) =	ssettag $0x1  }
0x1: {  	s8 =	rddreg [dreg:$0x0]  }
0x2: {  	s2 =	rddreg [dreg:$0x1];
	s1 =	stileid.u32  }
0x3: {  	s4 =	srdreg.scid;
	s0 =	rddreg [dreg:$0x2];
	_ =	strace $0x8000004A  }
0x4: {  	s9 =	simm.s32 $0x1;
	s31 =	simm.s32 $0x2;
	s16 =	simm.s32 $0x0  }
0x5: {  	s17 =	simm.s32 $0x0;
	s11 =	simm.s32 $0x0;
	s12 =	simm.s32 $0x0  }
0x6: {  	s15 =	simm.s32 $0x0;
	s3 =	sshll.u32 s1, $0x1;
	s4 =	sshll.u32 s4, $0x7  }
0x7: {  	s4 =	sand.u32 $0x80, s4;
	s5 =	ssub.s32 $0x20, s3;
	s14 =	smov.u32 s3  }
0x8: {  	s6 =	sshrl.u32 s5, $0x5;
	s5 =	sand.u32 $0x1E, s5;
	s7 =	ssub.s32 $0x4000, s4  }
0x9: {  	p0 =	sne.s32 s5, $0x0;
	s30 =	sshrl.u32 s7, $0x7;
	s7 =	sshrl.u32 s7, $0x8  }
.Ltmp0:
0xa: {  	s9 =	simm.s32 @!p0 $0x0;
	s10 =	sand.u32 $0x1, s30;
	(pc) =	sbr.rel .LBB1_1-.Ltmp0, $4  }
0xb: {  	s5 =	simm.s32 $0x1;
	s6 =	sadd.s32 s9, s6;
	s7 =	sadd.s32 s7, s10  }
0xc: {  	s13 =	smov.u32 s4;
	[sflag:s5] =	ssyncpa.u1 $0x0;
	s6 =	smul.u32 s6, s7  }
0xd: {  	p0 =	por $0x0, $0x0;
	[sflag:s31] =	ssyncpa.u1 $0x0;
	s10 =	simm.s32 $0x80000  }
0xe: {  	s7 =	sadd.s32 $0xA00, s8;
	s8 =	sadd.s32 $0x40A00, s8;
	s9 =	sadd.s32 $0x1, s6  }
.LBB1_7:
0xf: {  	p1 =	slt.u32 s15, $0x2  }
0x10: {  	s19 =	smov.u32 s17;
	p2 =	sgt.s32 @!p1 s17, $0x1E;
	s18 =	sshra.s32 @!p1 s17, $0x1F  }
0x11: {  	p3 =	sgt.s32 @!p1 s16, $0x3F80;
	s20 =	sshra.s32 @!p1 s16, $0x1F;
	p2 =	por !p2, p1  }
0x12: {  	s17 =	sand.u32 @!p1 s18, s17;
	p3 =	por !p3, p1;
	s18 =	smov.u32 s16  }
0x13: {  	s16 =	sand.u32 @!p1 s20, s16;
	s19 =	simm.s32 @p2 $0x1E;
	s18 =	simm.s32 @p3 $0x3F80  }
0x14: {  	s20 =	smov.u32 s14;
	s17 =	ssub.s32 @!p1 s19, s17;
	s16 =	ssub.s32 @!p1 s18, s16  }
0x15: {  	s18 =	sadd.s32 @!p1 $0xFFFFFFE2, s17;
	s17 =	ssub.s32 @!p1 $0x20, s17;
	s19 =	sadd.s32 @!p1 $0xFFFFC080, s16  }
0x16: {  	p2 =	sgt.s32 @!p1 s18, $0x1;
	s17 =	smul.u32 @!p1 $0x32, s17;
	p3 =	sgt.s32 @!p1 s19, $0x7F  }
0x17: {  	s16 =	ssub.s32 @!p1 $0x4000, s16;
	p2 =	por !p2, p1;
	p3 =	por !p3, p1  }
0x18: {  	s18 =	sadd.s32 $0x100, s13;
	s17 =	simm.s32 @!p2 $0x0;
	s16 =	simm.s32 @!p3 $0x0  }
0x19: {  	p2 =	sgt.s32 s18, $0x3FFF;
	s16 =	smul.u32 @!p1 s16, s17;
	s17 =	sadd.s32 $0x20, s14  }
0x1a: {  	s20 =	smov.u32 @p2 s17  }
0x1b: {  	s18 =	smov.u32 @p2 s4;
	p2 =	sgt.s32 s20, $0x1F  }
0x1c: {  	s20 =	smov.u32 @p2 s3;
	p2 =	sne.s32 s15, s9  }
.Ltmp1:
0x1d: {  	p0 =	por !p0, !p0;
	s19 =	simm.s32 @!p1 $0x2;
	(pc) =	sbr.rel @!p2 .LBB1_8-.Ltmp1, $4  }
0x1e: {  	s17 =	smov.u32 s12;
	s12 =	smov.u32 s14;
	s16 =	sand.u32 @!p1 $0x3FFFFFFE, s16  }
0x1f: {  	_ =	swait.ge @!p1 [sflag:s19], s16;
	s21 =	ssub.s32 @!p1 $0x0, s16;
	s16 =	smov.u32 s11  }
0x20: {  	s15 =	sadd.s32 $0x1, s15;
	s11 =	smov.u32 s13;
	[sflag:s19] =	ssyncset.done @!p1 $0x0  }
0x21: {  	s13 =	smov.u32 s18;
	s14 =	smov.u32 s20;
	[sflag:s19] =	ssyncadd.s32 @!p1 s21  }
.LBB1_1:
0x22: {  	p1 =	sge.u32 s15, s6  }
0x23: {  	s18 =	sxor.u32 @!p1 $0xFFFFFFFF, s15;
	s19 =	sshll.u32 @!p1 s14, $0x12  }
0x24: {  	s20 =	sshll.u32 @!p1 s13, $0x4;
	s22 =	simm.s32 @!p1 $0x40;
	s23 =	simm.s32 @!p1 $0x80  }
0x25: {  	s18 =	sshll.u32 @!p1 s18, $0xE;
	s20 =	sand.u32 @!p1 $0x3FFF0, s20;
	s21 =	sadd.s32 @!p1 s7, s19  }
0x26: {  	s19 =	sadd.s32 @!p1 s19, s8;
	s18 =	sand.u32 @!p1 $0x4000, s18;
	s21 =	sadd.s32 @!p1 s20, s21  }
0x27: {  	[tilespmem:s18], [sflag:$0x1] =	stream.strided.gather @!p1 [hbm4b:s21+s22], $0x2000, s23, s22, $0x38;
	[tilespmem:$0x10100] =	vst v63  }
0x28: {  	s31 =	sadd.s32 $0xFFFFFFFF, s15;
	s19 =	sadd.s32 @!p1 s20, s19;
	s18 =	sor.u32 @!p1 $0x2000, s18  }
0x29: {  	[tilespmem:s18], [sflag:$0x1] =	stream.strided.gather @!p1 [hbm4b:s19+s22], $0x2000, s23, s22, $0x38;
	[tilespmem:$0x10100] =	vst v63  }
0x2a: {  	p1 =	sge.u32 s31, s6  }
.Ltmp2:
0x2b: {  	_ = 	snop;
	(pc) =	sbr.rel @p1 .LBB1_7-.Ltmp2, $1  }
0x2c: {  	_ =	sdelay $0x3  }
0x2d: {  	s18 =	simm.s32 $0x1;
	s20 =	sand.u32 $0x1, s15  }
0x2e: {  	_ =	swait.ge [sflag:s5], $0x4000;
	s18 =	simm.s32 @!p0 $0x0;
	s20 =	smul.u32 $0x10200, s20  }
0x2f: {  	p2 =	por $0x1, $0x1;
	[sflag:s5] =	ssyncset.done $0x0;
	s19 =	smul.u32 $0x10200, s18  }
0x30: {  	s21 =	sshll.u32 s18, $0x10;
	[sflag:s5] =	ssyncadd.s32 $0xFFFFC000;
	s30 =	sshrl.u32 s20, $0x2  }
0x31: {  	s31 =	sshrl.u32 s21, $0x2;
	s21 =	simm.s32 $0x0;
	s19 =	sshrl.u32 s19, $0x2  }
0x32: {  	s18 =	sor.u32 $0x8000, s30;
	s20 =	sadd.s32 $0x20, s31;
	s19 =	sor.u32 $0x8000, s19  }
.LBB1_3:
0x33: {  	s22 =	sshll.u32 s21, $0xD  }
0x34: {  	s22 =	sand.u32 $0x3FFFE000, s22  }
0x35: {  	s24 =	sadd.s32 s22, s20  }
0x36: {  	s31 =	smul.u32 $0x204, s21;
	v3 =	vld [tilespmem:s24+$0x10]  }
0x37: {  	v1 =	vld [tilespmem:s24+$0xFFFFFFF0]  }
0x38: {  	s21 =	sshra.s32 s31, $0x2;
	v0 =	vld [tilespmem:s24+$0x0]  }
0x39: {  	s21 =	sadd.s32 s21, s19;
	v2 =	vld [tilespmem:s24+$0xFFFFFFE0]  }
0x3a: {  	s22 =	sadd.s32 $0x0, s21  }
0x3b: {  	p1 =	por p2, p2;
	s23 =	simm.s32 $0x4;
	s24 =	sadd.s32 $0x40, s24;
	[tilespmem:s22+$0x3060 ss:$0x102] =	vst.msk $0xffff, v3  }
.LBB1_4:
0x3c: {  	v3 =	vld [tilespmem:s24+$0x10];
	p2 =	sne.s32 s23, $0x1FC;
	[tilespmem:s22+$0x1020 ss:$0x102] =	vst.msk $0xffff, v1;
	s25 =	smov.u32 s23;
	s23 =	sadd.s32 $0x4, s23  }
.Ltmp3:
0x3d: {  	v1 =	vld [tilespmem:s24+$0xFFFFFFF0];
	[tilespmem:s22+$0x2040 ss:$0x102] =	vst.msk $0xffff, v0;
	(pc) =	sbr.rel @p2 .LBB1_4-.Ltmp3, $4  }
0x3e: {  	v0 =	vld [tilespmem:s24+$0x0];
	[tilespmem:s22+$0x0 ss:$0x102] =	vst.msk $0xffff, v2  }
0x3f: {  	s22 =	sshra.s32 s25, $0x2;
	v2 =	vld [tilespmem:s24+$0xFFFFFFE0]  }
0x40: {  	s22 =	sadd.s32 s22, s21  }
0x41: {  	s24 =	sadd.s32 $0x40, s24;
	[tilespmem:s22+$0x3060 ss:$0x102] =	vst.msk $0xffff, v3  }
.Ltmp4:
0x42: {  	(pc) =	sbr.rel @p1 .LBB1_3-.Ltmp4, $4  }
0x43: {  	_ = 	snop  }
0x44: {  	[tilespmem:s22+$0x1020 ss:$0x102] =	vst.msk $0xffff, v1  }
0x45: {  	[tilespmem:s22+$0x2040 ss:$0x102] =	vst.msk $0xffff, v0  }
0x46: {  	s21 =	simm.s32 $0x1;
	p2 =	por $0x0, $0x0;
	[tilespmem:s22+$0x0 ss:$0x102] =	vst.msk $0xffff, v2  }
0x47: {  	s19 =	sand.u32 $0x78, s11;
	p1 =	sgt.s32 s12, $0x1E;
	s20 =	smov.u32 s12  }
0x48: {  	s21 =	sshra.s32 s12, $0x1F;
	s22 =	sshll.u32 s12, $0xE;
	s23 =	sshll.u32 s11, $0x3  }
0x49: {  	s30 =	sshra.s32 s11, $0x1F;
	s25 =	sshll.u32 s12, $0x7;
	s20 =	simm.s32 @!p1 $0x1E  }
0x4a: {  	s21 =	sand.u32 s21, s12;
	s22 =	sand.u32 $0x60000, s22;
	p1 =	sgt.s32 s11, $0x3F80  }
0x4b: {  	s25 =	sand.u32 $0x380, s25;
	s20 =	ssub.s32 s20, s21;
	s21 =	smov.u32 s11  }
0x4c: {  	s22 =	sadd.s32 s22, s23;
	s24 =	sadd.s32 $0xFFFFFFE2, s20;
	s21 =	simm.s32 @!p1 $0x3F80  }
0x4d: {  	s20 =	ssub.s32 $0x20, s20;
	p1 =	sgt.s32 s24, $0x1;
	s24 =	sand.u32 s30, s11  }
0x4e: {  	s23 =	sand.u32 $0x3C00, s23;
	s20 =	smul.u32 $0x32, s20;
	s21 =	ssub.s32 s21, s24  }
0x4f: {  	s19 =	sor.u32 s25, s19;
	s22 =	sand.u32 $0x7C000, s22;
	s24 =	sadd.s32 $0xFFFFC080, s21  }
0x50: {  	s20 =	simm.s32 @p1 $0x0;
	s21 =	ssub.s32 $0x4000, s21;
	p1 =	sgt.s32 s24, $0x7F  }
.Ltmp5:
0x51: {  	s19 =	sor.u32 s23, s19;
	s21 =	simm.s32 @p1 $0x0;
	(pc) =	sbr.rel .LBB1_7-.Ltmp5, $4  }
0x52: {  	s31 =	sand.u32 $0x7, s11;
	s19 =	sor.u32 s22, s19;
	s20 =	smul.u32 s21, s20  }
0x53: {  	s19 =	sshrl.u32 s19, $0x3;
	s21 =	sshll.u32 s31, $0x12  }
0x54: {  	s19 =	sadd.s32 s2, s19;
	s21 =	sor.u32 $0x100, s21;
	s20 =	sand.u32 $0x3FFFFFFE, s20  }
0x55: {  	[hbm4b:s19+s21] =	stream.strided.scatter [tilespmem:s18], [sflag:$0x2], s20, s10, s21, $0x20;
	[tilespmem:$0x10100] =	vst v63  }
.LBB1_8:
0x56: {  	_ =	sfence.sel $0x180000  }
0x57: {  	s2 =	simm.s32 $0x1;
	[bflag:$0x0] =	sbarrier.arrive $0xFFFF  }
0x58: {  	s31 =	simm.s32 $0x2;
	[sflag:s2] =	ssyncpa.u1 $0x1  }
0x59: {  	[sflag:s31] =	ssyncpa.u1 $0x1  }
0x5a: {  	p0 =	sne.s32 s1, $0x0;
	_ =	strace $0x9000004A  }
0x5b: {  	s0 =	sadd.s32 @!p0 $0x100000, s0;
	[bflag:$0x2] =	sbarrier.arrive $0xFFFF  }
0x5c: {  	[sflag:s0] =	ssyncadd.tile.s32 @!p0 $0x1;
	_ =	shalt  }
.Lfunc_end1:
_tile_overlayer_lowered:
.L_overlay_start_2:
0x5d: {  	(tag) =	ssettag $0x2  }
0x5e: {  	s0 =	rddreg [dreg:$0x0];
	s2 =	stileid.u32  }
0x5f: {  	s1 =	rddreg [dreg:$0x1];
	p0 =	sne.s32 s2, $0x0  }
0x60: {  	s3 =	rddreg [dreg:$0x2];
	[bflag:$0x3] =	sbarrier.arrive $0xFFFF;
	s2 =	simm.s32 @!p0 $0x1C01  }
0x61: {  	[timem:s3], [sflag:s2] =	dma.local @!p0 [hbm:s0], s1  }
0x62: {  	s0 =	simm.s32 @!p0 $0x1  }
0x63: {  	_ =	swait.ge @!p0 [sflag:s0], s1  }
0x64: {  	s1 =	ssub.s32 @!p0 $0x0, s1;
	[sflag:s0] =	ssyncset.done @!p0 $0x0  }
0x65: {  	[sflag:s0] =	ssyncadd.s32 @!p0 s1  }
0x66: {  	[bflag:$0x3] =	sbarrier.arrive $0xFFFF  }
0x67: {  	_ =	shalt  }

</sc_bundles>
